<compile_context>
chip_gen: v7x
topology: tpu7x:2x2x1
jax: 0.10.2.dev20260603
libtpu: 0.0.44.dev20260713+nightly
codegen_flags: <defaults>
</compile_context>

<pallas_src>
import functools

import jax
import jax.numpy as jnp
from jax import lax
from jax.experimental import pallas as pl
from jax.experimental.pallas import tpu as pltpu
from jax.experimental.pallas import tpu_sc as plsc

B = 4096
Q_LEN = 20
D_LEN = 200
EDIM = 32

NC = 2
NS = 16
NW = NC * NS
GB = B // NW
QT = EDIM // 8
DT = D_LEN // 8
NR = 4

_mesh = plsc.VectorSubcoreMesh(core_axis_name="c", subcore_axis_name="s")


@functools.partial(
    pl.kernel,
    mesh=_mesh,
    out_type=[
        jax.ShapeDtypeStruct((Q_LEN, QT, NW, 8, GB), jnp.float32),
        jax.ShapeDtypeStruct((EDIM, DT, NW, 8, GB), jnp.float32),
    ],
    scratch_types=[
        pltpu.VMEM((GB, Q_LEN), jnp.int32),
        pltpu.VMEM((2, GB, 8), jnp.int32),
        pltpu.VMEM((Q_LEN, GB), jnp.int32),
        pltpu.VMEM((D_LEN, GB), jnp.int32),
        pltpu.VMEM((NR, GB, EDIM), jnp.float32),
        pltpu.VMEM((2, QT, 8, GB), jnp.float32),
        pltpu.VMEM((2, EDIM, 8, GB), jnp.float32),
        [pltpu.SemaphoreType.DMA] * NR,
        [pltpu.SemaphoreType.DMA] * 2,
        [pltpu.SemaphoreType.DMA] * 2,
        [pltpu.SemaphoreType.DMA] * 2,
    ],
    compiler_params=pltpu.CompilerParams(
        needs_layout_passes=False, use_tc_tiling_on_sc=False),
)
def _emb_kernel(q_hbm, d_hbm, table_hbm, q_out_hbm, d_out_hbm,
                qraw_v, dchunk_v, qidx_v, didx_v, rows_v, qstage_v, dstage_v,
                gsems, qosems, dosems, csems):
    wid = lax.axis_index("s") * NC + lax.axis_index("c")
    b0 = wid * GB
    ri = lax.iota(jnp.int32, 16)

    pltpu.sync_copy(q_hbm.at[pl.ds(b0, GB)], qraw_v)

    def issue_chunk(t, s):
        pltpu.async_copy(
            d_hbm.at[pl.ds(b0, GB), pl.ds(t * 8, 8)], dchunk_v.at[s],
            csems[s])

    def wait_chunk(s):
        pltpu.make_async_copy(
            d_hbm.at[pl.ds(0, GB), pl.ds(0, 8)], dchunk_v.at[s],
            csems[s]).wait()

    issue_chunk(0, 0)
    issue_chunk(1, 1)

    def tq_body(l, carry):
        lcol = jnp.full((16,), l, jnp.int32)

        def qc_body(c, carry2):
            v = plsc.load_gather(qraw_v, [c * 16 + ri, lcol])
            qidx_v[l, pl.ds(c * 16, 16)] = v
            return carry2

        lax.fori_loop(0, GB // 16, qc_body, 0)
        return carry

    lax.fori_loop(0, Q_LEN, tq_body, 0)

    def td_chunk(t, s):
        wait_chunk(s)

        def dl_body(li, carry):
            lcol = jnp.full((16,), li, jnp.int32)

            def dc_body(c, carry2):
                v = plsc.load_gather(dchunk_v.at[s], [c * 16 + ri, lcol])
                didx_v[t * 8 + li, pl.ds(c * 16, 16)] = v
                return carry2

            lax.fori_loop(0, GB // 16, dc_body, 0)
            return carry

        lax.fori_loop(0, 8, dl_body, 0)

    def td_body(j, carry):
        for s in range(2):
            t = 2 * j + s
            td_chunk(t, s)
            @pl.when(t + 2 < DT)
            def _():
                issue_chunk(t + 2, s)
        return carry

    lax.fori_loop(0, DT // 2, td_body, 0)
    td_chunk(DT - 1, 0)

    def issue_q(l, r):
        pltpu.async_copy(table_hbm.at[qidx_v.at[l]], rows_v.at[r], gsems[r])

    def issue_d(l, r):
        pltpu.async_copy(table_hbm.at[didx_v.at[l]], rows_v.at[r], gsems[r])

    def wait_g(r):
        pltpu.make_async_copy(
            table_hbm.at[qidx_v.at[0]], rows_v.at[r], gsems[r]).wait()

    def transpose_into(r, store_vec):
        def kbody(k, carry):
            dvec = (k + ri) & (EDIM - 1)

            def cbody(c, carry2):
                bidx = c * 16 + ri
                v = plsc.load_gather(rows_v.at[r], [bidx, dvec])
                store_vec(dvec, bidx, v)
                return carry2

            lax.fori_loop(0, GB // 16, cbody, 0)
            return carry

        lax.fori_loop(0, EDIM, kbody, 0)

    issue_q(0, 0)
    issue_q(1, 1)

    def qbody(j, carry):
        for s in range(2):
            l = 2 * j + s
            wait_g(s)

            @pl.when(j > 0)
            def _():
                pltpu.make_async_copy(
                    qstage_v.at[s], q_out_hbm.at[0, :, 0], qosems[s]).wait()

            qstage = qstage_v.at[s]
            transpose_into(
                s, lambda dvec, bidx, v: plsc.store_scatter(
                    qstage, [dvec // 8, dvec % 8, bidx], v))
            issue_q(jnp.minimum(l + 2, Q_LEN - 1), s)
            pltpu.async_copy(
                qstage_v.at[s], q_out_hbm.at[l, :, wid], qosems[s])
        return carry

    lax.fori_loop(0, Q_LEN // 2, qbody, 0)
    for s in range(2):
        wait_g(s)
        pltpu.make_async_copy(
            qstage_v.at[s], q_out_hbm.at[0, :, 0], qosems[s]).wait()

    for r in range(NR):
        issue_d(r, r)

    def wait_do(sd):
        pltpu.make_async_copy(
            dstage_v.at[sd], d_out_hbm.at[:, 0, 0], dosems[sd]).wait()

    def do_tile(lt, sd):
        dstage = dstage_v.at[sd]
        for li in range(8):
            r = li % NR
            l = lt * 8 + li
            livec = jnp.full((16,), li, jnp.int32)
            wait_g(r)
            transpose_into(
                r, lambda dvec, bidx, v: plsc.store_scatter(
                    dstage, [dvec, livec, bidx], v))
            issue_d(jnp.minimum(l + NR, D_LEN - 1), r)
        pltpu.async_copy(
            dstage_v.at[sd], d_out_hbm.at[:, lt, wid], dosems[sd])

    def dbody(j, carry):
        for sd in range(2):
            @pl.when(j > 0)
            def _():
                wait_do(sd)
            do_tile(2 * j + sd, sd)
        return carry

    lax.fori_loop(0, DT // 2, dbody, 0)
    wait_do(0)
    do_tile(DT - 1, 0)

    wait_do(0)
    wait_do(1)
    for r in range(NR):
        wait_g(r)


def kernel(query_input, document_input, table):
    QO, DO = _emb_kernel(query_input, document_input, table)
    q_out = jnp.transpose(QO, (2, 4, 1, 3, 0)).reshape(B, EDIM, Q_LEN)
    d_out = jnp.transpose(DO, (2, 4, 0, 1, 3)).reshape(B, EDIM, D_LEN)
    return (q_out, d_out)

# --- scband reference (transcript-rebuilt; emitter-appended) ---
"""Pipeline reference for scband-word-embedding-layer-80711025426945 (READ-ONLY COPY).

The authoritative reference and input builder live on the scoring server;
editing this copy changes nothing except your own understanding.
"""

import jax, jax.numpy as jnp
import numpy as np

VOCAB = 1000000
EMBED_DIM = 32
BATCH = 4096
Q_LEN = 20
D_LEN = 200


def setup_inputs(seed: int = 0) -> dict:
    key = jax.random.key(seed)
    k1, k2, k3 = jax.random.split(key, 3)
    query_input = jax.random.randint(k1, (BATCH, Q_LEN), 0, VOCAB, dtype=jnp.int64 if jax.config.jax_enable_x64 else jnp.int32).astype(jnp.int32)
    document_input = jax.random.randint(k2, (BATCH, D_LEN), 0, VOCAB, dtype=jnp.int32)
    table = jax.random.normal(k3, (VOCAB, EMBED_DIM), dtype=jnp.float32) * 0.02
    return {"query_input": query_input, "document_input": document_input, "table": table}


def reference(query_input, document_input, table):
    # Embedding lookup for query and document tokens
    # query: (B, Lq) -> (B, Lq, D) -> transpose(1,2) -> (B, D, Lq)
    q_emb = jnp.take(table, query_input, axis=0)
    d_emb = jnp.take(table, document_input, axis=0)
    q_out = jnp.transpose(q_emb, (0, 2, 1))
    d_out = jnp.transpose(d_emb, (0, 2, 1))
    return (q_out, d_out)

if __name__ == "__main__":
    import jax
    _d = setup_inputs()
    print(jax.jit(kernel)(*tuple(_d.values())))

</pallas_src>

<mosaic_0001>
#map = affine_map<(d0, d1) -> (0, 0)>
#map1 = affine_map<(d0, d1) -> (0, 0, 0, 0, 0)>
module attributes {stable_mosaic.version = 14 : i64} {
  func.func @_emb_kernel(%arg0: i32, %arg1: i32, %arg2: memref<4096x20xi32, #tpu.memory_space<hbm>>, %arg3: memref<4096x200xi32, #tpu.memory_space<hbm>>, %arg4: memref<1000000x32xf32, #tpu.memory_space<hbm>>, %arg5: memref<20x4x32x8x128xf32, #tpu.memory_space<hbm>>, %arg6: memref<32x25x32x8x128xf32, #tpu.memory_space<hbm>>, %arg7: memref<128x20xi32, #tpu.memory_space<vmem>>, %arg8: memref<2x128x8xi32, #tpu.memory_space<vmem>>, %arg9: memref<20x128xi32, #tpu.memory_space<vmem>>, %arg10: memref<200x128xi32, #tpu.memory_space<vmem>>, %arg11: memref<4x128x32xf32, #tpu.memory_space<vmem>>, %arg12: memref<2x4x8x128xf32, #tpu.memory_space<vmem>>, %arg13: memref<2x32x8x128xf32, #tpu.memory_space<vmem>>, %arg14: memref<!tpu.dma_semaphore, #tpu.memory_space<semaphore_mem>>, %arg15: memref<!tpu.dma_semaphore, #tpu.memory_space<semaphore_mem>>, %arg16: memref<!tpu.dma_semaphore, #tpu.memory_space<semaphore_mem>>, %arg17: memref<!tpu.dma_semaphore, #tpu.memory_space<semaphore_mem>>, %arg18: memref<!tpu.dma_semaphore, #tpu.memory_space<semaphore_mem>>, %arg19: memref<!tpu.dma_semaphore, #tpu.memory_space<semaphore_mem>>, %arg20: memref<!tpu.dma_semaphore, #tpu.memory_space<semaphore_mem>>, %arg21: memref<!tpu.dma_semaphore, #tpu.memory_space<semaphore_mem>>, %arg22: memref<!tpu.dma_semaphore, #tpu.memory_space<semaphore_mem>>, %arg23: memref<!tpu.dma_semaphore, #tpu.memory_space<semaphore_mem>>) attributes {dimension_semantics = [#tpu.dimension_semantics<core_parallel>, #tpu.dimension_semantics<subcore_parallel>], iteration_bounds = array<i64: 2, 16>, scalar_prefetch = 0 : i64, scratch_operands = 17 : i64, tpu.core_type = #tpu.core_type<sc_vector_subcore>, window_params = [{transform_indices = #map}, {transform_indices = #map}, {transform_indices = #map}, {transform_indices = #map1}, {transform_indices = #map1}]} {
    %mul3A = arith.constant 2 : i32
    %mul3A_0 = arith.muli %arg1, %mul3A : i32
    %add3A = arith.addi %mul3A_0, %arg0 : i32
    %mul3A_1 = arith.constant 128 : i32
    %mul3A_2 = arith.muli %add3A, %mul3A_1 : i32
    %iota3A = tpu.iota {dimensions = array<i32: 0>} : vector<16xi32>
    "tpu.region"() ({
      %run_scoped3A = tpu.sem_alloc : memref<!tpu.dma_semaphore, #tpu.memory_space<semaphore_mem>>
      %dma_start3A_630 = arith.constant 0 : i32
      %dma_start3A_631 = tpu.memref_slice %arg2[%mul3A_2, %dma_start3A_630] : memref<4096x20xi32, #tpu.memory_space<hbm>> -> memref<128x20xi32, #tpu.memory_space<hbm>>
      %dma_start3A_632 = arith.constant 0 : i32
      %dma_start3A_633 = tpu.memref_slice %arg2[%mul3A_2, %dma_start3A_632] : memref<4096x20xi32, #tpu.memory_space<hbm>> -> memref<128x20xi32, #tpu.memory_space<hbm>>
      tpu.enqueue_dma source(%dma_start3A_633 : memref<128x20xi32, #tpu.memory_space<hbm>>) target(%arg7 : memref<128x20xi32, #tpu.memory_space<vmem>>) target_semaphore(%run_scoped3A : memref<!tpu.dma_semaphore, #tpu.memory_space<semaphore_mem>>)
      %dma_wait3A_634 = arith.constant 0 : i32
      %dma_wait3A_635 = tpu.memref_slice %arg2[%mul3A_2, %dma_wait3A_634] : memref<4096x20xi32, #tpu.memory_space<hbm>> -> memref<128x20xi32, #tpu.memory_space<hbm>>
      %dma_wait3A_636 = arith.constant 0 : i32
      %dma_wait3A_637 = tpu.memref_slice %arg2[%mul3A_2, %dma_wait3A_636] : memref<4096x20xi32, #tpu.memory_space<hbm>> -> memref<128x20xi32, #tpu.memory_space<hbm>>
      tpu.wait_dma2 semaphore(%run_scoped3A : memref<!tpu.dma_semaphore, #tpu.memory_space<semaphore_mem>>) src(%dma_wait3A_637 : memref<128x20xi32, #tpu.memory_space<hbm>>) dst(%arg7 : memref<128x20xi32, #tpu.memory_space<vmem>>)
      tpu.yield
    }) : () -> ()
    %dma_start3A = arith.constant 0 : i32
    %dma_start3A_3 = arith.constant 0 : i32
    %dma_start3A_4 = arith.constant 0 : i32
    %dma_start3A_5 = tpu.memref_slice %arg8[%dma_start3A, %dma_start3A_3, %dma_start3A_4] : memref<2x128x8xi32, #tpu.memory_space<vmem>> -> memref<1x128x8xi32, #tpu.memory_space<vmem>>
    %dma_start3A_6 = tpu.memref_squeeze %dma_start3A_5 : memref<1x128x8xi32, #tpu.memory_space<vmem>> -> memref<128x8xi32, #tpu.memory_space<vmem>>
    %dma_start3A_7 = arith.constant 0 : i32
    %dma_start3A_8 = tpu.memref_slice %arg3[%mul3A_2, %dma_start3A_7] : memref<4096x200xi32, #tpu.memory_space<hbm>> -> memref<128x8xi32, #tpu.memory_space<hbm>>
    %dma_start3A_9 = arith.constant 0 : i32
    %dma_start3A_10 = arith.constant 0 : i32
    %dma_start3A_11 = tpu.memref_slice %arg8[%dma_start3A, %dma_start3A_9, %dma_start3A_10] : memref<2x128x8xi32, #tpu.memory_space<vmem>> -> memref<1x128x8xi32, #tpu.memory_space<vmem>>
    %dma_start3A_12 = tpu.memref_squeeze %dma_start3A_11 : memref<1x128x8xi32, #tpu.memory_space<vmem>> -> memref<128x8xi32, #tpu.memory_space<vmem>>
    %dma_start3A_13 = arith.constant 0 : i32
    %dma_start3A_14 = tpu.memref_slice %arg3[%mul3A_2, %dma_start3A_13] : memref<4096x200xi32, #tpu.memory_space<hbm>> -> memref<128x8xi32, #tpu.memory_space<hbm>>
    tpu.enqueue_dma source(%dma_start3A_14 : memref<128x8xi32, #tpu.memory_space<hbm>>) target(%dma_start3A_12 : memref<128x8xi32, #tpu.memory_space<vmem>>) target_semaphore(%arg22 : memref<!tpu.dma_semaphore, #tpu.memory_space<semaphore_mem>>)
    %dma_start3A_15 = arith.constant 1 : i32
    %dma_start3A_16 = arith.constant 0 : i32
    %dma_start3A_17 = arith.constant 0 : i32
    %dma_start3A_18 = tpu.memref_slice %arg8[%dma_start3A_15, %dma_start3A_16, %dma_start3A_17] : memref<2x128x8xi32, #tpu.memory_space<vmem>> -> memref<1x128x8xi32, #tpu.memory_space<vmem>>
    %dma_start3A_19 = tpu.memref_squeeze %dma_start3A_18 : memref<1x128x8xi32, #tpu.memory_space<vmem>> -> memref<128x8xi32, #tpu.memory_space<vmem>>
    %dma_start3A_20 = arith.constant 8 : i32
    %dma_start3A_21 = tpu.memref_slice %arg3[%mul3A_2, %dma_start3A_20] : memref<4096x200xi32, #tpu.memory_space<hbm>> -> memref<128x8xi32, #tpu.memory_space<hbm>>
    %dma_start3A_22 = arith.constant 0 : i32
    %dma_start3A_23 = arith.constant 0 : i32
    %dma_start3A_24 = tpu.memref_slice %arg8[%dma_start3A_15, %dma_start3A_22, %dma_start3A_23] : memref<2x128x8xi32, #tpu.memory_space<vmem>> -> memref<1x128x8xi32, #tpu.memory_space<vmem>>
    %dma_start3A_25 = tpu.memref_squeeze %dma_start3A_24 : memref<1x128x8xi32, #tpu.memory_space<vmem>> -> memref<128x8xi32, #tpu.memory_space<vmem>>
    %dma_start3A_26 = arith.constant 8 : i32
    %dma_start3A_27 = tpu.memref_slice %arg3[%mul3A_2, %dma_start3A_26] : memref<4096x200xi32, #tpu.memory_space<hbm>> -> memref<128x8xi32, #tpu.memory_space<hbm>>
    tpu.enqueue_dma source(%dma_start3A_27 : memref<128x8xi32, #tpu.memory_space<hbm>>) target(%dma_start3A_25 : memref<128x8xi32, #tpu.memory_space<vmem>>) target_semaphore(%arg23 : memref<!tpu.dma_semaphore, #tpu.memory_space<semaphore_mem>>)
    %scan3A = arith.constant 0 : i32
    %scan3A_28 = arith.constant 0 : i32
    %scan3A_29 = arith.constant 20 : i32
    %scan3A_30 = arith.addi %scan3A_28, %scan3A_29 : i32
    %scan3A_31 = arith.constant 1 : i32
    scf.for %scan3A_630 = %scan3A_28 to %scan3A_30 step %scan3A_31  : i32 {
      %broadcast_in_dim3A_631 = vector.broadcast %scan3A_630 : i32 to vector<16xi32>
      %scan3A_632 = arith.constant 0 : i32
      %scan3A_633 = arith.constant 0 : i32
      %scan3A_634 = arith.constant 8 : i32
      %scan3A_635 = arith.addi %scan3A_633, %scan3A_634 : i32
      %scan3A_636 = arith.constant 1 : i32
      scf.for %scan3A_638 = %scan3A_633 to %scan3A_635 step %scan3A_636  : i32 {
        %mul3A_639 = arith.constant 16 : i32
        %mul3A_640 = arith.muli %scan3A_638, %mul3A_639 : i32
        %add3A_641 = vector.broadcast %mul3A_640 : i32 to vector<16xi32>
        %add3A_642 = arith.addi %add3A_641, %iota3A : vector<16xi32>
        %gather3A = tpu.vector_load_idx %arg7[%add3A_642, %broadcast_in_dim3A_631] : memref<128x20xi32, #tpu.memory_space<vmem>>[vector<16xi32>, vector<16xi32>], vector<16xi32>,
        %mul3A_643 = arith.constant 16 : i32
        %mul3A_644 = arith.muli %scan3A_638, %mul3A_643 : i32
        %swap3A = arith.index_cast %scan3A_630 : i32 to index
        %swap3A_645 = arith.index_cast %mul3A_644 : i32 to index
        %swap3A_646 = tpu.vector_load %arg9[%swap3A, %swap3A_645] {strides = array<i32>} : memref<20x128xi32, #tpu.memory_space<vmem>>, vector<16xi32>,
        tpu.vector_store %arg9[%swap3A, %swap3A_645], %gather3A {strides = array<i32>} : memref<20x128xi32, #tpu.memory_space<vmem>>, vector<16xi32>,
      }
      %scan3A_637 = arith.constant 8 : i32
    }
    %scan3A_32 = arith.constant 20 : i32
    %scan3A_33 = arith.constant 0 : i32
    %scan3A_34 = arith.constant 0 : i32
    %scan3A_35 = arith.constant 12 : i32
    %scan3A_36 = arith.addi %scan3A_34, %scan3A_35 : i32
    %scan3A_37 = arith.constant 1 : i32
    scf.for %scan3A_630 = %scan3A_34 to %scan3A_36 step %scan3A_37  : i32 {
      %mul3A_631 = arith.constant 2 : i32
      %mul3A_632 = arith.muli %mul3A_631, %scan3A_630 : i32
      %add3A_633 = arith.constant 0 : i32
      %add3A_634 = arith.addi %mul3A_632, %add3A_633 : i32
      %dma_wait3A_635 = arith.constant 0 : i32
      %dma_wait3A_636 = arith.constant 0 : i32
      %dma_wait3A_637 = arith.constant 0 : i32
      %dma_wait3A_638 = tpu.memref_slice %arg8[%dma_wait3A_635, %dma_wait3A_636, %dma_wait3A_637] : memref<2x128x8xi32, #tpu.memory_space<vmem>> -> memref<1x128x8xi32, #tpu.memory_space<vmem>>
      %dma_wait3A_639 = tpu.memref_squeeze %dma_wait3A_638 : memref<1x128x8xi32, #tpu.memory_space<vmem>> -> memref<128x8xi32, #tpu.memory_space<vmem>>
      %dma_wait3A_640 = arith.constant 0 : i32
      %dma_wait3A_641 = arith.constant 0 : i32
      %dma_wait3A_642 = tpu.memref_slice %arg3[%dma_wait3A_640, %dma_wait3A_641] : memref<4096x200xi32, #tpu.memory_space<hbm>> -> memref<128x8xi32, #tpu.memory_space<hbm>>
      %dma_wait3A_643 = arith.constant 0 : i32
      %dma_wait3A_644 = arith.constant 0 : i32
      %dma_wait3A_645 = tpu.memref_slice %arg8[%dma_wait3A_635, %dma_wait3A_643, %dma_wait3A_644] : memref<2x128x8xi32, #tpu.memory_space<vmem>> -> memref<1x128x8xi32, #tpu.memory_space<vmem>>
      %dma_wait3A_646 = tpu.memref_squeeze %dma_wait3A_645 : memref<1x128x8xi32, #tpu.memory_space<vmem>> -> memref<128x8xi32, #tpu.memory_space<vmem>>
      %dma_wait3A_647 = arith.constant 0 : i32
      %dma_wait3A_648 = arith.constant 0 : i32
      %dma_wait3A_649 = tpu.memref_slice %arg3[%dma_wait3A_647, %dma_wait3A_648] : memref<4096x200xi32, #tpu.memory_space<hbm>> -> memref<128x8xi32, #tpu.memory_space<hbm>>
      tpu.wait_dma2 semaphore(%arg22 : memref<!tpu.dma_semaphore, #tpu.memory_space<semaphore_mem>>) src(%dma_wait3A_649 : memref<128x8xi32, #tpu.memory_space<hbm>>) dst(%dma_wait3A_646 : memref<128x8xi32, #tpu.memory_space<vmem>>)
      %scan3A_650 = arith.constant 0 : i32
      %scan3A_651 = arith.constant 0 : i32
      %scan3A_652 = arith.constant 8 : i32
      %scan3A_653 = arith.addi %scan3A_651, %scan3A_652 : i32
      %scan3A_654 = arith.constant 1 : i32
      scf.for %scan3A_692 = %scan3A_651 to %scan3A_653 step %scan3A_654  : i32 {
        %broadcast_in_dim3A_693 = vector.broadcast %scan3A_692 : i32 to vector<16xi32>
        %scan3A_694 = arith.constant 0 : i32
        %scan3A_695 = arith.constant 0 : i32
        %scan3A_696 = arith.constant 8 : i32
        %scan3A_697 = arith.addi %scan3A_695, %scan3A_696 : i32
        %scan3A_698 = arith.constant 1 : i32
        scf.for %scan3A_700 = %scan3A_695 to %scan3A_697 step %scan3A_698  : i32 {
          %mul3A_701 = arith.constant 16 : i32
          %mul3A_702 = arith.muli %scan3A_700, %mul3A_701 : i32
          %add3A_703 = vector.broadcast %mul3A_702 : i32 to vector<16xi32>
          %add3A_704 = arith.addi %add3A_703, %iota3A : vector<16xi32>
          %gather3A = arith.constant 0 : i32
          %gather3A_705 = arith.constant 0 : i32
          %gather3A_706 = arith.constant 0 : i32
          %gather3A_707 = tpu.memref_slice %arg8[%gather3A, %gather3A_705, %gather3A_706] : memref<2x128x8xi32, #tpu.memory_space<vmem>> -> memref<1x128x8xi32, #tpu.memory_space<vmem>>
          %gather3A_708 = tpu.memref_squeeze %gather3A_707 : memref<1x128x8xi32, #tpu.memory_space<vmem>> -> memref<128x8xi32, #tpu.memory_space<vmem>>
          %gather3A_709 = tpu.vector_load_idx %gather3A_708[%add3A_704, %broadcast_in_dim3A_693] : memref<128x8xi32, #tpu.memory_space<vmem>>[vector<16xi32>, vector<16xi32>], vector<16xi32>,
          %mul3A_710 = arith.constant 8 : i32
          %mul3A_711 = arith.muli %add3A_634, %mul3A_710 : i32
          %add3A_712 = arith.addi %mul3A_711, %scan3A_692 : i32
          %mul3A_713 = arith.constant 16 : i32
          %mul3A_714 = arith.muli %scan3A_700, %mul3A_713 : i32
          %swap3A = arith.index_cast %add3A_712 : i32 to index
          %swap3A_715 = arith.index_cast %mul3A_714 : i32 to index
          %swap3A_716 = tpu.vector_load %arg10[%swap3A, %swap3A_715] {strides = array<i32>} : memref<200x128xi32, #tpu.memory_space<vmem>>, vector<16xi32>,
          tpu.vector_store %arg10[%swap3A, %swap3A_715], %gather3A_709 {strides = array<i32>} : memref<200x128xi32, #tpu.memory_space<vmem>>, vector<16xi32>,
        }
        %scan3A_699 = arith.constant 8 : i32
      }
      %scan3A_655 = arith.constant 8 : i32
      %add3A_656 = arith.constant 2 : i32
      %add3A_657 = arith.addi %add3A_634, %add3A_656 : i32
      %lt3A = arith.constant 25 : i32
      %lt3A_658 = arith.cmpi slt, %add3A_657, %lt3A : i32
      %convert_element_type3A = arith.extui %lt3A_658 : i1 to i32
      %cond3A = arith.constant 0 : i32
      %cond3A_659 = arith.cmpi ne, %convert_element_type3A, %cond3A : i32
      scf.if %cond3A_659 {
        %add3A_692 = arith.constant 2 : i32
        %add3A_693 = arith.addi %add3A_634, %add3A_692 : i32
        %mul3A_694 = arith.constant 8 : i32
        %mul3A_695 = arith.muli %add3A_693, %mul3A_694 : i32
        %dma_start3A_696 = arith.constant 0 : i32
        %dma_start3A_697 = arith.constant 0 : i32
        %dma_start3A_698 = arith.constant 0 : i32
        %dma_start3A_699 = tpu.memref_slice %arg8[%dma_start3A_696, %dma_start3A_697, %dma_start3A_698] : memref<2x128x8xi32, #tpu.memory_space<vmem>> -> memref<1x128x8xi32, #tpu.memory_space<vmem>>
        %dma_start3A_700 = tpu.memref_squeeze %dma_start3A_699 : memref<1x128x8xi32, #tpu.memory_space<vmem>> -> memref<128x8xi32, #tpu.memory_space<vmem>>
        %dma_start3A_701 = tpu.memref_slice %arg3[%mul3A_2, %mul3A_695] : memref<4096x200xi32, #tpu.memory_space<hbm>> -> memref<128x8xi32, #tpu.memory_space<hbm>>
        %dma_start3A_702 = arith.constant 0 : i32
        %dma_start3A_703 = arith.constant 0 : i32
        %dma_start3A_704 = tpu.memref_slice %arg8[%dma_start3A_696, %dma_start3A_702, %dma_start3A_703] : memref<2x128x8xi32, #tpu.memory_space<vmem>> -> memref<1x128x8xi32, #tpu.memory_space<vmem>>
        %dma_start3A_705 = tpu.memref_squeeze %dma_start3A_704 : memref<1x128x8xi32, #tpu.memory_space<vmem>> -> memref<128x8xi32, #tpu.memory_space<vmem>>
        %dma_start3A_706 = tpu.memref_slice %arg3[%mul3A_2, %mul3A_695] : memref<4096x200xi32, #tpu.memory_space<hbm>> -> memref<128x8xi32, #tpu.memory_space<hbm>>
        tpu.enqueue_dma source(%dma_start3A_706 : memref<128x8xi32, #tpu.memory_space<hbm>>) target(%dma_start3A_705 : memref<128x8xi32, #tpu.memory_space<vmem>>) target_semaphore(%arg22 : memref<!tpu.dma_semaphore, #tpu.memory_space<semaphore_mem>>)
      } else {
      }
      %mul3A_660 = arith.constant 2 : i32
      %mul3A_661 = arith.muli %mul3A_660, %scan3A_630 : i32
      %add3A_662 = arith.constant 1 : i32
      %add3A_663 = arith.addi %mul3A_661, %add3A_662 : i32
      %dma_wait3A_664 = arith.constant 1 : i32
      %dma_wait3A_665 = arith.constant 0 : i32
      %dma_wait3A_666 = arith.constant 0 : i32
      %dma_wait3A_667 = tpu.memref_slice %arg8[%dma_wait3A_664, %dma_wait3A_665, %dma_wait3A_666] : memref<2x128x8xi32, #tpu.memory_space<vmem>> -> memref<1x128x8xi32, #tpu.memory_space<vmem>>
      %dma_wait3A_668 = tpu.memref_squeeze %dma_wait3A_667 : memref<1x128x8xi32, #tpu.memory_space<vmem>> -> memref<128x8xi32, #tpu.memory_space<vmem>>
      %dma_wait3A_669 = arith.constant 0 : i32
      %dma_wait3A_670 = arith.constant 0 : i32
      %dma_wait3A_671 = tpu.memref_slice %arg3[%dma_wait3A_669, %dma_wait3A_670] : memref<4096x200xi32, #tpu.memory_space<hbm>> -> memref<128x8xi32, #tpu.memory_space<hbm>>
      %dma_wait3A_672 = arith.constant 0 : i32
      %dma_wait3A_673 = arith.constant 0 : i32
      %dma_wait3A_674 = tpu.memref_slice %arg8[%dma_wait3A_664, %dma_wait3A_672, %dma_wait3A_673] : memref<2x128x8xi32, #tpu.memory_space<vmem>> -> memref<1x128x8xi32, #tpu.memory_space<vmem>>
      %dma_wait3A_675 = tpu.memref_squeeze %dma_wait3A_674 : memref<1x128x8xi32, #tpu.memory_space<vmem>> -> memref<128x8xi32, #tpu.memory_space<vmem>>
      %dma_wait3A_676 = arith.constant 0 : i32
      %dma_wait3A_677 = arith.constant 0 : i32
      %dma_wait3A_678 = tpu.memref_slice %arg3[%dma_wait3A_676, %dma_wait3A_677] : memref<4096x200xi32, #tpu.memory_space<hbm>> -> memref<128x8xi32, #tpu.memory_space<hbm>>
      tpu.wait_dma2 semaphore(%arg23 : memref<!tpu.dma_semaphore, #tpu.memory_space<semaphore_mem>>) src(%dma_wait3A_678 : memref<128x8xi32, #tpu.memory_space<hbm>>) dst(%dma_wait3A_675 : memref<128x8xi32, #tpu.memory_space<vmem>>)
      %scan3A_679 = arith.constant 0 : i32
      %scan3A_680 = arith.constant 0 : i32
      %scan3A_681 = arith.constant 8 : i32
      %scan3A_682 = arith.addi %scan3A_680, %scan3A_681 : i32
      %scan3A_683 = arith.constant 1 : i32
      scf.for %scan3A_692 = %scan3A_680 to %scan3A_682 step %scan3A_683  : i32 {
        %broadcast_in_dim3A_693 = vector.broadcast %scan3A_692 : i32 to vector<16xi32>
        %scan3A_694 = arith.constant 0 : i32
        %scan3A_695 = arith.constant 0 : i32
        %scan3A_696 = arith.constant 8 : i32
        %scan3A_697 = arith.addi %scan3A_695, %scan3A_696 : i32
        %scan3A_698 = arith.constant 1 : i32
        scf.for %scan3A_700 = %scan3A_695 to %scan3A_697 step %scan3A_698  : i32 {
          %mul3A_701 = arith.constant 16 : i32
          %mul3A_702 = arith.muli %scan3A_700, %mul3A_701 : i32
          %add3A_703 = vector.broadcast %mul3A_702 : i32 to vector<16xi32>
          %add3A_704 = arith.addi %add3A_703, %iota3A : vector<16xi32>
          %gather3A = arith.constant 1 : i32
          %gather3A_705 = arith.constant 0 : i32
          %gather3A_706 = arith.constant 0 : i32
          %gather3A_707 = tpu.memref_slice %arg8[%gather3A, %gather3A_705, %gather3A_706] : memref<2x128x8xi32, #tpu.memory_space<vmem>> -> memref<1x128x8xi32, #tpu.memory_space<vmem>>
          %gather3A_708 = tpu.memref_squeeze %gather3A_707 : memref<1x128x8xi32, #tpu.memory_space<vmem>> -> memref<128x8xi32, #tpu.memory_space<vmem>>
          %gather3A_709 = tpu.vector_load_idx %gather3A_708[%add3A_704, %broadcast_in_dim3A_693] : memref<128x8xi32, #tpu.memory_space<vmem>>[vector<16xi32>, vector<16xi32>], vector<16xi32>,
          %mul3A_710 = arith.constant 8 : i32
          %mul3A_711 = arith.muli %add3A_663, %mul3A_710 : i32
          %add3A_712 = arith.addi %mul3A_711, %scan3A_692 : i32
          %mul3A_713 = arith.constant 16 : i32
          %mul3A_714 = arith.muli %scan3A_700, %mul3A_713 : i32
          %swap3A = arith.index_cast %add3A_712 : i32 to index
          %swap3A_715 = arith.index_cast %mul3A_714 : i32 to index
          %swap3A_716 = tpu.vector_load %arg10[%swap3A, %swap3A_715] {strides = array<i32>} : memref<200x128xi32, #tpu.memory_space<vmem>>, vector<16xi32>,
          tpu.vector_store %arg10[%swap3A, %swap3A_715], %gather3A_709 {strides = array<i32>} : memref<200x128xi32, #tpu.memory_space<vmem>>, vector<16xi32>,
        }
        %scan3A_699 = arith.constant 8 : i32
      }
      %scan3A_684 = arith.constant 8 : i32
      %add3A_685 = arith.constant 2 : i32
      %add3A_686 = arith.addi %add3A_663, %add3A_685 : i32
      %lt3A_687 = arith.constant 25 : i32
      %lt3A_688 = arith.cmpi slt, %add3A_686, %lt3A_687 : i32
      %convert_element_type3A_689 = arith.extui %lt3A_688 : i1 to i32
      %cond3A_690 = arith.constant 0 : i32
      %cond3A_691 = arith.cmpi ne, %convert_element_type3A_689, %cond3A_690 : i32
      scf.if %cond3A_691 {
        %add3A_692 = arith.constant 2 : i32
        %add3A_693 = arith.addi %add3A_663, %add3A_692 : i32
        %mul3A_694 = arith.constant 8 : i32
        %mul3A_695 = arith.muli %add3A_693, %mul3A_694 : i32
        %dma_start3A_696 = arith.constant 1 : i32
        %dma_start3A_697 = arith.constant 0 : i32
        %dma_start3A_698 = arith.constant 0 : i32
        %dma_start3A_699 = tpu.memref_slice %arg8[%dma_start3A_696, %dma_start3A_697, %dma_start3A_698] : memref<2x128x8xi32, #tpu.memory_space<vmem>> -> memref<1x128x8xi32, #tpu.memory_space<vmem>>
        %dma_start3A_700 = tpu.memref_squeeze %dma_start3A_699 : memref<1x128x8xi32, #tpu.memory_space<vmem>> -> memref<128x8xi32, #tpu.memory_space<vmem>>
        %dma_start3A_701 = tpu.memref_slice %arg3[%mul3A_2, %mul3A_695] : memref<4096x200xi32, #tpu.memory_space<hbm>> -> memref<128x8xi32, #tpu.memory_space<hbm>>
        %dma_start3A_702 = arith.constant 0 : i32
        %dma_start3A_703 = arith.constant 0 : i32
        %dma_start3A_704 = tpu.memref_slice %arg8[%dma_start3A_696, %dma_start3A_702, %dma_start3A_703] : memref<2x128x8xi32, #tpu.memory_space<vmem>> -> memref<1x128x8xi32, #tpu.memory_space<vmem>>
        %dma_start3A_705 = tpu.memref_squeeze %dma_start3A_704 : memref<1x128x8xi32, #tpu.memory_space<vmem>> -> memref<128x8xi32, #tpu.memory_space<vmem>>
        %dma_start3A_706 = tpu.memref_slice %arg3[%mul3A_2, %mul3A_695] : memref<4096x200xi32, #tpu.memory_space<hbm>> -> memref<128x8xi32, #tpu.memory_space<hbm>>
        tpu.enqueue_dma source(%dma_start3A_706 : memref<128x8xi32, #tpu.memory_space<hbm>>) target(%dma_start3A_705 : memref<128x8xi32, #tpu.memory_space<vmem>>) target_semaphore(%arg23 : memref<!tpu.dma_semaphore, #tpu.memory_space<semaphore_mem>>)
      } else {
      }
    }
    %scan3A_38 = arith.constant 12 : i32
    %dma_wait3A = arith.constant 0 : i32
    %dma_wait3A_39 = arith.constant 0 : i32
    %dma_wait3A_40 = arith.constant 0 : i32
    %dma_wait3A_41 = tpu.memref_slice %arg8[%dma_wait3A, %dma_wait3A_39, %dma_wait3A_40] : memref<2x128x8xi32, #tpu.memory_space<vmem>> -> memref<1x128x8xi32, #tpu.memory_space<vmem>>
    %dma_wait3A_42 = tpu.memref_squeeze %dma_wait3A_41 : memref<1x128x8xi32, #tpu.memory_space<vmem>> -> memref<128x8xi32, #tpu.memory_space<vmem>>
    %dma_wait3A_43 = arith.constant 0 : i32
    %dma_wait3A_44 = arith.constant 0 : i32
    %dma_wait3A_45 = tpu.memref_slice %arg3[%dma_wait3A_43, %dma_wait3A_44] : memref<4096x200xi32, #tpu.memory_space<hbm>> -> memref<128x8xi32, #tpu.memory_space<hbm>>
    %dma_wait3A_46 = arith.constant 0 : i32
    %dma_wait3A_47 = arith.constant 0 : i32
    %dma_wait3A_48 = tpu.memref_slice %arg8[%dma_wait3A, %dma_wait3A_46, %dma_wait3A_47] : memref<2x128x8xi32, #tpu.memory_space<vmem>> -> memref<1x128x8xi32, #tpu.memory_space<vmem>>
    %dma_wait3A_49 = tpu.memref_squeeze %dma_wait3A_48 : memref<1x128x8xi32, #tpu.memory_space<vmem>> -> memref<128x8xi32, #tpu.memory_space<vmem>>
    %dma_wait3A_50 = arith.constant 0 : i32
    %dma_wait3A_51 = arith.constant 0 : i32
    %dma_wait3A_52 = tpu.memref_slice %arg3[%dma_wait3A_50, %dma_wait3A_51] : memref<4096x200xi32, #tpu.memory_space<hbm>> -> memref<128x8xi32, #tpu.memory_space<hbm>>
    tpu.wait_dma2 semaphore(%arg22 : memref<!tpu.dma_semaphore, #tpu.memory_space<semaphore_mem>>) src(%dma_wait3A_52 : memref<128x8xi32, #tpu.memory_space<hbm>>) dst(%dma_wait3A_49 : memref<128x8xi32, #tpu.memory_space<vmem>>)
    %scan3A_53 = arith.constant 0 : i32
    %scan3A_54 = arith.constant 0 : i32
    %scan3A_55 = arith.constant 8 : i32
    %scan3A_56 = arith.addi %scan3A_54, %scan3A_55 : i32
    %scan3A_57 = arith.constant 1 : i32
    scf.for %scan3A_630 = %scan3A_54 to %scan3A_56 step %scan3A_57  : i32 {
      %broadcast_in_dim3A_631 = vector.broadcast %scan3A_630 : i32 to vector<16xi32>
      %scan3A_632 = arith.constant 0 : i32
      %scan3A_633 = arith.constant 0 : i32
      %scan3A_634 = arith.constant 8 : i32
      %scan3A_635 = arith.addi %scan3A_633, %scan3A_634 : i32
      %scan3A_636 = arith.constant 1 : i32
      scf.for %scan3A_638 = %scan3A_633 to %scan3A_635 step %scan3A_636  : i32 {
        %mul3A_639 = arith.constant 16 : i32
        %mul3A_640 = arith.muli %scan3A_638, %mul3A_639 : i32
        %add3A_641 = vector.broadcast %mul3A_640 : i32 to vector<16xi32>
        %add3A_642 = arith.addi %add3A_641, %iota3A : vector<16xi32>
        %gather3A = arith.constant 0 : i32
        %gather3A_643 = arith.constant 0 : i32
        %gather3A_644 = arith.constant 0 : i32
        %gather3A_645 = tpu.memref_slice %arg8[%gather3A, %gather3A_643, %gather3A_644] : memref<2x128x8xi32, #tpu.memory_space<vmem>> -> memref<1x128x8xi32, #tpu.memory_space<vmem>>
        %gather3A_646 = tpu.memref_squeeze %gather3A_645 : memref<1x128x8xi32, #tpu.memory_space<vmem>> -> memref<128x8xi32, #tpu.memory_space<vmem>>
        %gather3A_647 = tpu.vector_load_idx %gather3A_646[%add3A_642, %broadcast_in_dim3A_631] : memref<128x8xi32, #tpu.memory_space<vmem>>[vector<16xi32>, vector<16xi32>], vector<16xi32>,
        %add3A_648 = arith.constant 192 : i32
        %add3A_649 = arith.addi %add3A_648, %scan3A_630 : i32
        %mul3A_650 = arith.constant 16 : i32
        %mul3A_651 = arith.muli %scan3A_638, %mul3A_650 : i32
        %swap3A = arith.index_cast %add3A_649 : i32 to index
        %swap3A_652 = arith.index_cast %mul3A_651 : i32 to index
        %swap3A_653 = tpu.vector_load %arg10[%swap3A, %swap3A_652] {strides = array<i32>} : memref<200x128xi32, #tpu.memory_space<vmem>>, vector<16xi32>,
        tpu.vector_store %arg10[%swap3A, %swap3A_652], %gather3A_647 {strides = array<i32>} : memref<200x128xi32, #tpu.memory_space<vmem>>, vector<16xi32>,
      }
      %scan3A_637 = arith.constant 8 : i32
    }
    %scan3A_58 = arith.constant 8 : i32
    %dma_start3A_59 = arith.constant 0 : i32
    %dma_start3A_60 = arith.constant 0 : i32
    %dma_start3A_61 = arith.constant 0 : i32
    %dma_start3A_62 = arith.constant 0 : i32
    %dma_start3A_63 = tpu.memref_slice %arg11[%dma_start3A_60, %dma_start3A_61, %dma_start3A_62] : memref<4x128x32xf32, #tpu.memory_space<vmem>> -> memref<1x128x32xf32, #tpu.memory_space<vmem>>
    %dma_start3A_64 = tpu.memref_squeeze %dma_start3A_63 : memref<1x128x32xf32, #tpu.memory_space<vmem>> -> memref<128x32xf32, #tpu.memory_space<vmem>>
    %dma_start3A_65 = arith.constant 0 : i32
    %dma_start3A_66 = tpu.memref_slice %arg9[%dma_start3A_59, %dma_start3A_65] : memref<20x128xi32, #tpu.memory_space<vmem>> -> memref<1x128xi32, #tpu.memory_space<vmem>>
    %dma_start3A_67 = tpu.memref_squeeze %dma_start3A_66 : memref<1x128xi32, #tpu.memory_space<vmem>> -> memref<128xi32, #tpu.memory_space<vmem>>
    %dma_start3A_68 = arith.constant 0 : i32
    %dma_start3A_69 = arith.constant 0 : i32
    %dma_start3A_70 = tpu.memref_slice %arg4[%dma_start3A_68, %dma_start3A_69] : memref<1000000x32xf32, #tpu.memory_space<hbm>> -> memref<1000000x32xf32, #tpu.memory_space<hbm>>
    tpu.enqueue_indirect_dma source(%dma_start3A_70 : memref<1000000x32xf32, #tpu.memory_space<hbm>>) target(%dma_start3A_64 : memref<128x32xf32, #tpu.memory_space<vmem>>) offsets(%dma_start3A_67 : memref<128xi32, #tpu.memory_space<vmem>>) semaphore(%arg14 : memref<!tpu.dma_semaphore, #tpu.memory_space<semaphore_mem>>)
    %dma_start3A_71 = arith.constant 1 : i32
    %dma_start3A_72 = arith.constant 1 : i32
    %dma_start3A_73 = arith.constant 0 : i32
    %dma_start3A_74 = arith.constant 0 : i32
    %dma_start3A_75 = tpu.memref_slice %arg11[%dma_start3A_72, %dma_start3A_73, %dma_start3A_74] : memref<4x128x32xf32, #tpu.memory_space<vmem>> -> memref<1x128x32xf32, #tpu.memory_space<vmem>>
    %dma_start3A_76 = tpu.memref_squeeze %dma_start3A_75 : memref<1x128x32xf32, #tpu.memory_space<vmem>> -> memref<128x32xf32, #tpu.memory_space<vmem>>
    %dma_start3A_77 = arith.constant 0 : i32
    %dma_start3A_78 = tpu.memref_slice %arg9[%dma_start3A_71, %dma_start3A_77] : memref<20x128xi32, #tpu.memory_space<vmem>> -> memref<1x128xi32, #tpu.memory_space<vmem>>
    %dma_start3A_79 = tpu.memref_squeeze %dma_start3A_78 : memref<1x128xi32, #tpu.memory_space<vmem>> -> memref<128xi32, #tpu.memory_space<vmem>>
    %dma_start3A_80 = arith.constant 0 : i32
    %dma_start3A_81 = arith.constant 0 : i32
    %dma_start3A_82 = tpu.memref_slice %arg4[%dma_start3A_80, %dma_start3A_81] : memref<1000000x32xf32, #tpu.memory_space<hbm>> -> memref<1000000x32xf32, #tpu.memory_space<hbm>>
    tpu.enqueue_indirect_dma source(%dma_start3A_82 : memref<1000000x32xf32, #tpu.memory_space<hbm>>) target(%dma_start3A_76 : memref<128x32xf32, #tpu.memory_space<vmem>>) offsets(%dma_start3A_79 : memref<128xi32, #tpu.memory_space<vmem>>) semaphore(%arg15 : memref<!tpu.dma_semaphore, #tpu.memory_space<semaphore_mem>>)
    %scan3A_83 = arith.constant 0 : i32
    %scan3A_84 = arith.constant 0 : i32
    %scan3A_85 = arith.constant 10 : i32
    %scan3A_86 = arith.addi %scan3A_84, %scan3A_85 : i32
    %scan3A_87 = arith.constant 1 : i32
    scf.for %scan3A_630 = %scan3A_84 to %scan3A_86 step %scan3A_87  : i32 {
      %mul3A_631 = arith.constant 2 : i32
      %mul3A_632 = arith.muli %mul3A_631, %scan3A_630 : i32
      %add3A_633 = arith.constant 0 : i32
      %add3A_634 = arith.addi %mul3A_632, %add3A_633 : i32
      %dma_wait3A_635 = arith.constant 0 : i32
      %dma_wait3A_636 = arith.constant 0 : i32
      %dma_wait3A_637 = arith.constant 0 : i32
      %dma_wait3A_638 = arith.constant 0 : i32
      %dma_wait3A_639 = tpu.memref_slice %arg11[%dma_wait3A_636, %dma_wait3A_637, %dma_wait3A_638] : memref<4x128x32xf32, #tpu.memory_space<vmem>> -> memref<1x128x32xf32, #tpu.memory_space<vmem>>
      %dma_wait3A_640 = tpu.memref_squeeze %dma_wait3A_639 : memref<1x128x32xf32, #tpu.memory_space<vmem>> -> memref<128x32xf32, #tpu.memory_space<vmem>>
      %dma_wait3A_641 = arith.constant 0 : i32
      %dma_wait3A_642 = tpu.memref_slice %arg9[%dma_wait3A_635, %dma_wait3A_641] : memref<20x128xi32, #tpu.memory_space<vmem>> -> memref<1x128xi32, #tpu.memory_space<vmem>>
      %dma_wait3A_643 = tpu.memref_squeeze %dma_wait3A_642 : memref<1x128xi32, #tpu.memory_space<vmem>> -> memref<128xi32, #tpu.memory_space<vmem>>
      %dma_wait3A_644 = arith.constant 0 : i32
      %dma_wait3A_645 = arith.constant 0 : i32
      %dma_wait3A_646 = tpu.memref_slice %arg4[%dma_wait3A_644, %dma_wait3A_645] : memref<1000000x32xf32, #tpu.memory_space<hbm>> -> memref<1000000x32xf32, #tpu.memory_space<hbm>>
      tpu.wait_indirect_dma semaphore(%arg14 : memref<!tpu.dma_semaphore, #tpu.memory_space<semaphore_mem>>) src(%dma_wait3A_646 : memref<1000000x32xf32, #tpu.memory_space<hbm>>) dst(%dma_wait3A_640 : memref<128x32xf32, #tpu.memory_space<vmem>>)
      %gt3A = arith.constant 0 : i32
      %gt3A_647 = arith.cmpi sgt, %scan3A_630, %gt3A : i32
      %convert_element_type3A = arith.extui %gt3A_647 : i1 to i32
      %cond3A = arith.constant 0 : i32
      %cond3A_648 = arith.cmpi ne, %convert_element_type3A, %cond3A : i32
      scf.if %cond3A_648 {
        %dma_wait3A_756 = arith.constant 0 : i32
        %dma_wait3A_757 = arith.constant 0 : i32
        %dma_wait3A_758 = arith.constant 0 : i32
        %dma_wait3A_759 = arith.constant 0 : i32
        %dma_wait3A_760 = arith.constant 0 : i32
        %dma_wait3A_761 = arith.constant 0 : i32
        %dma_wait3A_762 = tpu.memref_slice %arg12[%dma_wait3A_756, %dma_wait3A_759, %dma_wait3A_760, %dma_wait3A_761] : memref<2x4x8x128xf32, #tpu.memory_space<vmem>> -> memref<1x4x8x128xf32, #tpu.memory_space<vmem>>
        %dma_wait3A_763 = tpu.memref_squeeze %dma_wait3A_762 : memref<1x4x8x128xf32, #tpu.memory_space<vmem>> -> memref<4x8x128xf32, #tpu.memory_space<vmem>>
        %dma_wait3A_764 = arith.constant 0 : i32
        %dma_wait3A_765 = arith.constant 0 : i32
        %dma_wait3A_766 = arith.constant 0 : i32
        %dma_wait3A_767 = tpu.memref_slice %arg5[%dma_wait3A_757, %dma_wait3A_764, %dma_wait3A_758, %dma_wait3A_765, %dma_wait3A_766] : memref<20x4x32x8x128xf32, #tpu.memory_space<hbm>> -> memref<1x4x1x8x128xf32, #tpu.memory_space<hbm>>
        %dma_wait3A_768 = tpu.memref_squeeze %dma_wait3A_767 : memref<1x4x1x8x128xf32, #tpu.memory_space<hbm>> -> memref<4x8x128xf32, #tpu.memory_space<hbm>>
        %dma_wait3A_769 = arith.constant 0 : i32
        %dma_wait3A_770 = arith.constant 0 : i32
        %dma_wait3A_771 = arith.constant 0 : i32
        %dma_wait3A_772 = tpu.memref_slice %arg5[%dma_wait3A_757, %dma_wait3A_769, %dma_wait3A_758, %dma_wait3A_770, %dma_wait3A_771] : memref<20x4x32x8x128xf32, #tpu.memory_space<hbm>> -> memref<1x4x1x8x128xf32, #tpu.memory_space<hbm>>
        %dma_wait3A_773 = tpu.memref_squeeze %dma_wait3A_772 : memref<1x4x1x8x128xf32, #tpu.memory_space<hbm>> -> memref<4x8x128xf32, #tpu.memory_space<hbm>>
        %dma_wait3A_774 = arith.constant 0 : i32
        %dma_wait3A_775 = arith.constant 0 : i32
        %dma_wait3A_776 = arith.constant 0 : i32
        %dma_wait3A_777 = tpu.memref_slice %arg12[%dma_wait3A_756, %dma_wait3A_774, %dma_wait3A_775, %dma_wait3A_776] : memref<2x4x8x128xf32, #tpu.memory_space<vmem>> -> memref<1x4x8x128xf32, #tpu.memory_space<vmem>>
        %dma_wait3A_778 = tpu.memref_squeeze %dma_wait3A_777 : memref<1x4x8x128xf32, #tpu.memory_space<vmem>> -> memref<4x8x128xf32, #tpu.memory_space<vmem>>
        tpu.wait_dma2 semaphore(%arg18 : memref<!tpu.dma_semaphore, #tpu.memory_space<semaphore_mem>>) src(%dma_wait3A_778 : memref<4x8x128xf32, #tpu.memory_space<vmem>>) dst(%dma_wait3A_773 : memref<4x8x128xf32, #tpu.memory_space<hbm>>)
      } else {
      }
      %scan3A_649 = arith.constant 0 : i32
      %scan3A_650 = arith.constant 0 : i32
      %scan3A_651 = arith.constant 0 : i32
      %scan3A_652 = arith.constant 32 : i32
      %scan3A_653 = arith.addi %scan3A_651, %scan3A_652 : i32
      %scan3A_654 = arith.constant 1 : i32
      scf.for %scan3A_756 = %scan3A_651 to %scan3A_653 step %scan3A_654  : i32 {
        %add3A_757 = vector.broadcast %scan3A_756 : i32 to vector<16xi32>
        %add3A_758 = arith.addi %add3A_757, %iota3A : vector<16xi32>
        %and3A = arith.constant 31 : i32
        %and3A_759 = vector.broadcast %and3A : i32 to vector<16xi32>
        %and3A_760 = arith.andi %add3A_758, %and3A_759 : vector<16xi32>
        %scan3A_761 = arith.constant 0 : i32
        %scan3A_762 = arith.constant 0 : i32
        %scan3A_763 = arith.constant 8 : i32
        %scan3A_764 = arith.addi %scan3A_762, %scan3A_763 : i32
        %scan3A_765 = arith.constant 1 : i32
        scf.for %scan3A_767 = %scan3A_762 to %scan3A_764 step %scan3A_765  : i32 {
          %mul3A_768 = arith.constant 16 : i32
          %mul3A_769 = arith.muli %scan3A_767, %mul3A_768 : i32
          %add3A_770 = vector.broadcast %mul3A_769 : i32 to vector<16xi32>
          %add3A_771 = arith.addi %add3A_770, %iota3A : vector<16xi32>
          %gather3A = arith.constant 0 : i32
          %gather3A_772 = arith.constant 0 : i32
          %gather3A_773 = arith.constant 0 : i32
          %gather3A_774 = tpu.memref_slice %arg11[%gather3A, %gather3A_772, %gather3A_773] : memref<4x128x32xf32, #tpu.memory_space<vmem>> -> memref<1x128x32xf32, #tpu.memory_space<vmem>>
          %gather3A_775 = tpu.memref_squeeze %gather3A_774 : memref<1x128x32xf32, #tpu.memory_space<vmem>> -> memref<128x32xf32, #tpu.memory_space<vmem>>
          %gather3A_776 = tpu.vector_load_idx %gather3A_775[%add3A_771, %and3A_760] : memref<128x32xf32, #tpu.memory_space<vmem>>[vector<16xi32>, vector<16xi32>], vector<16xf32>,
          %jit3A = arith.constant 8 : i32
          %div3A = vector.broadcast %jit3A : i32 to vector<16xi32>
          %div3A_777 = arith.divsi %and3A_760, %div3A : vector<16xi32>
          %sign3A = arith.constant 0 : i32
          %sign3A_778 = vector.broadcast %sign3A : i32 to vector<16xi32>
          %sign3A_779 = arith.cmpi sgt, %and3A_760, %sign3A_778 : vector<16xi32>
          %sign3A_780 = arith.extui %sign3A_779 : vector<16xi1> to vector<16xi32>
          %sign3A_781 = arith.constant 0 : i32
          %sign3A_782 = vector.broadcast %sign3A_781 : i32 to vector<16xi32>
          %sign3A_783 = arith.cmpi slt, %and3A_760, %sign3A_782 : vector<16xi32>
          %sign3A_784 = arith.extui %sign3A_783 : vector<16xi1> to vector<16xi32>
          %sign3A_785 = arith.subi %sign3A_780, %sign3A_784 : vector<16xi32>
          %sign3A_786 = arith.constant 0 : i32
          %sign3A_787 = arith.cmpi sgt, %jit3A, %sign3A_786 : i32
          %sign3A_788 = arith.extui %sign3A_787 : i1 to i32
          %sign3A_789 = arith.constant 0 : i32
          %sign3A_790 = arith.cmpi slt, %jit3A, %sign3A_789 : i32
          %sign3A_791 = arith.extui %sign3A_790 : i1 to i32
          %sign3A_792 = arith.subi %sign3A_788, %sign3A_791 : i32
          %ne3A = vector.broadcast %sign3A_792 : i32 to vector<16xi32>
          %ne3A_793 = arith.cmpi ne, %sign3A_785, %ne3A : vector<16xi32>
          %rem3A = vector.broadcast %jit3A : i32 to vector<16xi32>
          %rem3A_794 = arith.remsi %and3A_760, %rem3A : vector<16xi32>
          %ne3A_795 = arith.constant 0 : i32
          %ne3A_796 = vector.broadcast %ne3A_795 : i32 to vector<16xi32>
          %ne3A_797 = arith.cmpi ne, %rem3A_794, %ne3A_796 : vector<16xi32>
          %and3A_798 = arith.andi %ne3A_793, %ne3A_797 : vector<16xi1>
          %sub3A = arith.constant 1 : i32
          %sub3A_799 = vector.broadcast %sub3A : i32 to vector<16xi32>
          %sub3A_800 = arith.subi %div3A_777, %sub3A_799 : vector<16xi32>
          %select_n3A = arith.select %and3A_798, %sub3A_800, %div3A_777 : vector<16xi1>, vector<16xi32>
          %jit3A_801 = arith.constant 8 : i32
          %eq3A = arith.constant 0 : i32
          %eq3A_802 = arith.cmpi eq, %jit3A_801, %eq3A : i32
          %jit3A_803 = arith.constant 1 : i32
          %select_n3A_804 = arith.select %eq3A_802, %jit3A_803, %jit3A_801 : i32
          %rem3A_805 = vector.broadcast %select_n3A_804 : i32 to vector<16xi32>
          %rem3A_806 = arith.remsi %and3A_760, %rem3A_805 : vector<16xi32>
          %ne3A_807 = arith.constant 0 : i32
          %ne3A_808 = vector.broadcast %ne3A_807 : i32 to vector<16xi32>
          %ne3A_809 = arith.cmpi ne, %rem3A_806, %ne3A_808 : vector<16xi32>
          %lt3A = arith.constant 0 : i32
          %lt3A_810 = vector.broadcast %lt3A : i32 to vector<16xi32>
          %lt3A_811 = arith.cmpi slt, %rem3A_806, %lt3A_810 : vector<16xi32>
          %lt3A_812 = arith.constant 0 : i32
          %lt3A_813 = arith.cmpi slt, %select_n3A_804, %lt3A_812 : i32
          %ne3A_814 = vector.broadcast %lt3A_813 : i1 to vector<16xi1>
          %ne3A_815 = vector.broadcast %ne3A_814 : vector<16xi1> to vector<16xi1>
          %ne3A_816 = arith.xori %lt3A_811, %ne3A_815 : vector<16xi1>
          %and3A_817 = arith.andi %ne3A_816, %ne3A_809 : vector<16xi1>
          %add3A_818 = vector.broadcast %select_n3A_804 : i32 to vector<16xi32>
          %add3A_819 = arith.addi %rem3A_806, %add3A_818 : vector<16xi32>
          %select_n3A_820 = arith.select %and3A_817, %add3A_819, %rem3A_806 : vector<16xi1>, vector<16xi32>
          %scatter3A = arith.constant 0 : i32
          %scatter3A_821 = arith.constant 0 : i32
          %scatter3A_822 = arith.constant 0 : i32
          %scatter3A_823 = tpu.memref_slice %arg12[%scan3A_650, %scatter3A, %scatter3A_821, %scatter3A_822] : memref<2x4x8x128xf32, #tpu.memory_space<vmem>> -> memref<1x4x8x128xf32, #tpu.memory_space<vmem>>
          %scatter3A_824 = tpu.memref_squeeze %scatter3A_823 : memref<1x4x8x128xf32, #tpu.memory_space<vmem>> -> memref<4x8x128xf32, #tpu.memory_space<vmem>>
          tpu.vector_store_idx %scatter3A_824[%select_n3A, %select_n3A_820, %add3A_771], %gather3A_776 : memref<4x8x128xf32, #tpu.memory_space<vmem>>[vector<16xi32>, vector<16xi32>, vector<16xi32>], vector<16xf32>,
        }
        %scan3A_766 = arith.constant 8 : i32
      }
      %scan3A_655 = arith.constant 32 : i32
      %add3A_656 = arith.constant 2 : i32
      %add3A_657 = arith.addi %add3A_634, %add3A_656 : i32
      %min3A_658 = arith.constant 19 : i32
      %min3A_659 = arith.minsi %add3A_657, %min3A_658 : i32
      %dma_start3A_660 = arith.constant 0 : i32
      %dma_start3A_661 = arith.constant 0 : i32
      %dma_start3A_662 = arith.constant 0 : i32
      %dma_start3A_663 = tpu.memref_slice %arg11[%dma_start3A_660, %dma_start3A_661, %dma_start3A_662] : memref<4x128x32xf32, #tpu.memory_space<vmem>> -> memref<1x128x32xf32, #tpu.memory_space<vmem>>
      %dma_start3A_664 = tpu.memref_squeeze %dma_start3A_663 : memref<1x128x32xf32, #tpu.memory_space<vmem>> -> memref<128x32xf32, #tpu.memory_space<vmem>>
      %dma_start3A_665 = arith.constant 0 : i32
      %dma_start3A_666 = tpu.memref_slice %arg9[%min3A_659, %dma_start3A_665] : memref<20x128xi32, #tpu.memory_space<vmem>> -> memref<1x128xi32, #tpu.memory_space<vmem>>
      %dma_start3A_667 = tpu.memref_squeeze %dma_start3A_666 : memref<1x128xi32, #tpu.memory_space<vmem>> -> memref<128xi32, #tpu.memory_space<vmem>>
      %dma_start3A_668 = arith.constant 0 : i32
      %dma_start3A_669 = arith.constant 0 : i32
      %dma_start3A_670 = tpu.memref_slice %arg4[%dma_start3A_668, %dma_start3A_669] : memref<1000000x32xf32, #tpu.memory_space<hbm>> -> memref<1000000x32xf32, #tpu.memory_space<hbm>>
      tpu.enqueue_indirect_dma source(%dma_start3A_670 : memref<1000000x32xf32, #tpu.memory_space<hbm>>) target(%dma_start3A_664 : memref<128x32xf32, #tpu.memory_space<vmem>>) offsets(%dma_start3A_667 : memref<128xi32, #tpu.memory_space<vmem>>) semaphore(%arg14 : memref<!tpu.dma_semaphore, #tpu.memory_space<semaphore_mem>>)
      %dma_start3A_671 = arith.constant 0 : i32
      %dma_start3A_672 = arith.constant 0 : i32
      %dma_start3A_673 = arith.constant 0 : i32
      %dma_start3A_674 = arith.constant 0 : i32
      %dma_start3A_675 = tpu.memref_slice %arg12[%dma_start3A_671, %dma_start3A_672, %dma_start3A_673, %dma_start3A_674] : memref<2x4x8x128xf32, #tpu.memory_space<vmem>> -> memref<1x4x8x128xf32, #tpu.memory_space<vmem>>
      %dma_start3A_676 = tpu.memref_squeeze %dma_start3A_675 : memref<1x4x8x128xf32, #tpu.memory_space<vmem>> -> memref<4x8x128xf32, #tpu.memory_space<vmem>>
      %dma_start3A_677 = arith.constant 0 : i32
      %dma_start3A_678 = arith.constant 0 : i32
      %dma_start3A_679 = arith.constant 0 : i32
      %dma_start3A_680 = tpu.memref_slice %arg5[%add3A_634, %dma_start3A_677, %add3A, %dma_start3A_678, %dma_start3A_679] : memref<20x4x32x8x128xf32, #tpu.memory_space<hbm>> -> memref<1x4x1x8x128xf32, #tpu.memory_space<hbm>>
      %dma_start3A_681 = tpu.memref_squeeze %dma_start3A_680 : memref<1x4x1x8x128xf32, #tpu.memory_space<hbm>> -> memref<4x8x128xf32, #tpu.memory_space<hbm>>
      %dma_start3A_682 = arith.constant 0 : i32
      %dma_start3A_683 = arith.constant 0 : i32
      %dma_start3A_684 = arith.constant 0 : i32
      %dma_start3A_685 = tpu.memref_slice %arg5[%add3A_634, %dma_start3A_682, %add3A, %dma_start3A_683, %dma_start3A_684] : memref<20x4x32x8x128xf32, #tpu.memory_space<hbm>> -> memref<1x4x1x8x128xf32, #tpu.memory_space<hbm>>
      %dma_start3A_686 = tpu.memref_squeeze %dma_start3A_685 : memref<1x4x1x8x128xf32, #tpu.memory_space<hbm>> -> memref<4x8x128xf32, #tpu.memory_space<hbm>>
      %dma_start3A_687 = arith.constant 0 : i32
      %dma_start3A_688 = arith.constant 0 : i32
      %dma_start3A_689 = arith.constant 0 : i32
      %dma_start3A_690 = tpu.memref_slice %arg12[%dma_start3A_671, %dma_start3A_687, %dma_start3A_688, %dma_start3A_689] : memref<2x4x8x128xf32, #tpu.memory_space<vmem>> -> memref<1x4x8x128xf32, #tpu.memory_space<vmem>>
      %dma_start3A_691 = tpu.memref_squeeze %dma_start3A_690 : memref<1x4x8x128xf32, #tpu.memory_space<vmem>> -> memref<4x8x128xf32, #tpu.memory_space<vmem>>
      tpu.enqueue_dma source(%dma_start3A_691 : memref<4x8x128xf32, #tpu.memory_space<vmem>>) target(%dma_start3A_686 : memref<4x8x128xf32, #tpu.memory_space<hbm>>) target_semaphore(%arg18 : memref<!tpu.dma_semaphore, #tpu.memory_space<semaphore_mem>>)
      %mul3A_692 = arith.constant 2 : i32
      %mul3A_693 = arith.muli %mul3A_692, %scan3A_630 : i32
      %add3A_694 = arith.constant 1 : i32
      %add3A_695 = arith.addi %mul3A_693, %add3A_694 : i32
      %dma_wait3A_696 = arith.constant 0 : i32
      %dma_wait3A_697 = arith.constant 1 : i32
      %dma_wait3A_698 = arith.constant 0 : i32
      %dma_wait3A_699 = arith.constant 0 : i32
      %dma_wait3A_700 = tpu.memref_slice %arg11[%dma_wait3A_697, %dma_wait3A_698, %dma_wait3A_699] : memref<4x128x32xf32, #tpu.memory_space<vmem>> -> memref<1x128x32xf32, #tpu.memory_space<vmem>>
      %dma_wait3A_701 = tpu.memref_squeeze %dma_wait3A_700 : memref<1x128x32xf32, #tpu.memory_space<vmem>> -> memref<128x32xf32, #tpu.memory_space<vmem>>
      %dma_wait3A_702 = arith.constant 0 : i32
      %dma_wait3A_703 = tpu.memref_slice %arg9[%dma_wait3A_696, %dma_wait3A_702] : memref<20x128xi32, #tpu.memory_space<vmem>> -> memref<1x128xi32, #tpu.memory_space<vmem>>
      %dma_wait3A_704 = tpu.memref_squeeze %dma_wait3A_703 : memref<1x128xi32, #tpu.memory_space<vmem>> -> memref<128xi32, #tpu.memory_space<vmem>>
      %dma_wait3A_705 = arith.constant 0 : i32
      %dma_wait3A_706 = arith.constant 0 : i32
      %dma_wait3A_707 = tpu.memref_slice %arg4[%dma_wait3A_705, %dma_wait3A_706] : memref<1000000x32xf32, #tpu.memory_space<hbm>> -> memref<1000000x32xf32, #tpu.memory_space<hbm>>
      tpu.wait_indirect_dma semaphore(%arg15 : memref<!tpu.dma_semaphore, #tpu.memory_space<semaphore_mem>>) src(%dma_wait3A_707 : memref<1000000x32xf32, #tpu.memory_space<hbm>>) dst(%dma_wait3A_701 : memref<128x32xf32, #tpu.memory_space<vmem>>)
      %gt3A_708 = arith.constant 0 : i32
      %gt3A_709 = arith.cmpi sgt, %scan3A_630, %gt3A_708 : i32
      %convert_element_type3A_710 = arith.extui %gt3A_709 : i1 to i32
      %cond3A_711 = arith.constant 0 : i32
      %cond3A_712 = arith.cmpi ne, %convert_element_type3A_710, %cond3A_711 : i32
      scf.if %cond3A_712 {
        %dma_wait3A_756 = arith.constant 1 : i32
        %dma_wait3A_757 = arith.constant 0 : i32
        %dma_wait3A_758 = arith.constant 0 : i32
        %dma_wait3A_759 = arith.constant 0 : i32
        %dma_wait3A_760 = arith.constant 0 : i32
        %dma_wait3A_761 = arith.constant 0 : i32
        %dma_wait3A_762 = tpu.memref_slice %arg12[%dma_wait3A_756, %dma_wait3A_759, %dma_wait3A_760, %dma_wait3A_761] : memref<2x4x8x128xf32, #tpu.memory_space<vmem>> -> memref<1x4x8x128xf32, #tpu.memory_space<vmem>>
        %dma_wait3A_763 = tpu.memref_squeeze %dma_wait3A_762 : memref<1x4x8x128xf32, #tpu.memory_space<vmem>> -> memref<4x8x128xf32, #tpu.memory_space<vmem>>
        %dma_wait3A_764 = arith.constant 0 : i32
        %dma_wait3A_765 = arith.constant 0 : i32
        %dma_wait3A_766 = arith.constant 0 : i32
        %dma_wait3A_767 = tpu.memref_slice %arg5[%dma_wait3A_757, %dma_wait3A_764, %dma_wait3A_758, %dma_wait3A_765, %dma_wait3A_766] : memref<20x4x32x8x128xf32, #tpu.memory_space<hbm>> -> memref<1x4x1x8x128xf32, #tpu.memory_space<hbm>>
        %dma_wait3A_768 = tpu.memref_squeeze %dma_wait3A_767 : memref<1x4x1x8x128xf32, #tpu.memory_space<hbm>> -> memref<4x8x128xf32, #tpu.memory_space<hbm>>
        %dma_wait3A_769 = arith.constant 0 : i32
        %dma_wait3A_770 = arith.constant 0 : i32
        %dma_wait3A_771 = arith.constant 0 : i32
        %dma_wait3A_772 = tpu.memref_slice %arg5[%dma_wait3A_757, %dma_wait3A_769, %dma_wait3A_758, %dma_wait3A_770, %dma_wait3A_771] : memref<20x4x32x8x128xf32, #tpu.memory_space<hbm>> -> memref<1x4x1x8x128xf32, #tpu.memory_space<hbm>>
        %dma_wait3A_773 = tpu.memref_squeeze %dma_wait3A_772 : memref<1x4x1x8x128xf32, #tpu.memory_space<hbm>> -> memref<4x8x128xf32, #tpu.memory_space<hbm>>
        %dma_wait3A_774 = arith.constant 0 : i32
        %dma_wait3A_775 = arith.constant 0 : i32
        %dma_wait3A_776 = arith.constant 0 : i32
        %dma_wait3A_777 = tpu.memref_slice %arg12[%dma_wait3A_756, %dma_wait3A_774, %dma_wait3A_775, %dma_wait3A_776] : memref<2x4x8x128xf32, #tpu.memory_space<vmem>> -> memref<1x4x8x128xf32, #tpu.memory_space<vmem>>
        %dma_wait3A_778 = tpu.memref_squeeze %dma_wait3A_777 : memref<1x4x8x128xf32, #tpu.memory_space<vmem>> -> memref<4x8x128xf32, #tpu.memory_space<vmem>>
        tpu.wait_dma2 semaphore(%arg19 : memref<!tpu.dma_semaphore, #tpu.memory_space<semaphore_mem>>) src(%dma_wait3A_778 : memref<4x8x128xf32, #tpu.memory_space<vmem>>) dst(%dma_wait3A_773 : memref<4x8x128xf32, #tpu.memory_space<hbm>>)
      } else {
      }
      %scan3A_713 = arith.constant 0 : i32
      %scan3A_714 = arith.constant 1 : i32
      %scan3A_715 = arith.constant 0 : i32
      %scan3A_716 = arith.constant 32 : i32
      %scan3A_717 = arith.addi %scan3A_715, %scan3A_716 : i32
      %scan3A_718 = arith.constant 1 : i32
      scf.for %scan3A_756 = %scan3A_715 to %scan3A_717 step %scan3A_718  : i32 {
        %add3A_757 = vector.broadcast %scan3A_756 : i32 to vector<16xi32>
        %add3A_758 = arith.addi %add3A_757, %iota3A : vector<16xi32>
        %and3A = arith.constant 31 : i32
        %and3A_759 = vector.broadcast %and3A : i32 to vector<16xi32>
        %and3A_760 = arith.andi %add3A_758, %and3A_759 : vector<16xi32>
        %scan3A_761 = arith.constant 0 : i32
        %scan3A_762 = arith.constant 0 : i32
        %scan3A_763 = arith.constant 8 : i32
        %scan3A_764 = arith.addi %scan3A_762, %scan3A_763 : i32
        %scan3A_765 = arith.constant 1 : i32
        scf.for %scan3A_767 = %scan3A_762 to %scan3A_764 step %scan3A_765  : i32 {
          %mul3A_768 = arith.constant 16 : i32
          %mul3A_769 = arith.muli %scan3A_767, %mul3A_768 : i32
          %add3A_770 = vector.broadcast %mul3A_769 : i32 to vector<16xi32>
          %add3A_771 = arith.addi %add3A_770, %iota3A : vector<16xi32>
          %gather3A = arith.constant 1 : i32
          %gather3A_772 = arith.constant 0 : i32
          %gather3A_773 = arith.constant 0 : i32
          %gather3A_774 = tpu.memref_slice %arg11[%gather3A, %gather3A_772, %gather3A_773] : memref<4x128x32xf32, #tpu.memory_space<vmem>> -> memref<1x128x32xf32, #tpu.memory_space<vmem>>
          %gather3A_775 = tpu.memref_squeeze %gather3A_774 : memref<1x128x32xf32, #tpu.memory_space<vmem>> -> memref<128x32xf32, #tpu.memory_space<vmem>>
          %gather3A_776 = tpu.vector_load_idx %gather3A_775[%add3A_771, %and3A_760] : memref<128x32xf32, #tpu.memory_space<vmem>>[vector<16xi32>, vector<16xi32>], vector<16xf32>,
          %jit3A = arith.constant 8 : i32
          %div3A = vector.broadcast %jit3A : i32 to vector<16xi32>
          %div3A_777 = arith.divsi %and3A_760, %div3A : vector<16xi32>
          %sign3A = arith.constant 0 : i32
          %sign3A_778 = vector.broadcast %sign3A : i32 to vector<16xi32>
          %sign3A_779 = arith.cmpi sgt, %and3A_760, %sign3A_778 : vector<16xi32>
          %sign3A_780 = arith.extui %sign3A_779 : vector<16xi1> to vector<16xi32>
          %sign3A_781 = arith.constant 0 : i32
          %sign3A_782 = vector.broadcast %sign3A_781 : i32 to vector<16xi32>
          %sign3A_783 = arith.cmpi slt, %and3A_760, %sign3A_782 : vector<16xi32>
          %sign3A_784 = arith.extui %sign3A_783 : vector<16xi1> to vector<16xi32>
          %sign3A_785 = arith.subi %sign3A_780, %sign3A_784 : vector<16xi32>
          %sign3A_786 = arith.constant 0 : i32
          %sign3A_787 = arith.cmpi sgt, %jit3A, %sign3A_786 : i32
          %sign3A_788 = arith.extui %sign3A_787 : i1 to i32
          %sign3A_789 = arith.constant 0 : i32
          %sign3A_790 = arith.cmpi slt, %jit3A, %sign3A_789 : i32
          %sign3A_791 = arith.extui %sign3A_790 : i1 to i32
          %sign3A_792 = arith.subi %sign3A_788, %sign3A_791 : i32
          %ne3A = vector.broadcast %sign3A_792 : i32 to vector<16xi32>
          %ne3A_793 = arith.cmpi ne, %sign3A_785, %ne3A : vector<16xi32>
          %rem3A = vector.broadcast %jit3A : i32 to vector<16xi32>
          %rem3A_794 = arith.remsi %and3A_760, %rem3A : vector<16xi32>
          %ne3A_795 = arith.constant 0 : i32
          %ne3A_796 = vector.broadcast %ne3A_795 : i32 to vector<16xi32>
          %ne3A_797 = arith.cmpi ne, %rem3A_794, %ne3A_796 : vector<16xi32>
          %and3A_798 = arith.andi %ne3A_793, %ne3A_797 : vector<16xi1>
          %sub3A = arith.constant 1 : i32
          %sub3A_799 = vector.broadcast %sub3A : i32 to vector<16xi32>
          %sub3A_800 = arith.subi %div3A_777, %sub3A_799 : vector<16xi32>
          %select_n3A = arith.select %and3A_798, %sub3A_800, %div3A_777 : vector<16xi1>, vector<16xi32>
          %jit3A_801 = arith.constant 8 : i32
          %eq3A = arith.constant 0 : i32
          %eq3A_802 = arith.cmpi eq, %jit3A_801, %eq3A : i32
          %jit3A_803 = arith.constant 1 : i32
          %select_n3A_804 = arith.select %eq3A_802, %jit3A_803, %jit3A_801 : i32
          %rem3A_805 = vector.broadcast %select_n3A_804 : i32 to vector<16xi32>
          %rem3A_806 = arith.remsi %and3A_760, %rem3A_805 : vector<16xi32>
          %ne3A_807 = arith.constant 0 : i32
          %ne3A_808 = vector.broadcast %ne3A_807 : i32 to vector<16xi32>
          %ne3A_809 = arith.cmpi ne, %rem3A_806, %ne3A_808 : vector<16xi32>
          %lt3A = arith.constant 0 : i32
          %lt3A_810 = vector.broadcast %lt3A : i32 to vector<16xi32>
          %lt3A_811 = arith.cmpi slt, %rem3A_806, %lt3A_810 : vector<16xi32>
          %lt3A_812 = arith.constant 0 : i32
          %lt3A_813 = arith.cmpi slt, %select_n3A_804, %lt3A_812 : i32
          %ne3A_814 = vector.broadcast %lt3A_813 : i1 to vector<16xi1>
          %ne3A_815 = vector.broadcast %ne3A_814 : vector<16xi1> to vector<16xi1>
          %ne3A_816 = arith.xori %lt3A_811, %ne3A_815 : vector<16xi1>
          %and3A_817 = arith.andi %ne3A_816, %ne3A_809 : vector<16xi1>
          %add3A_818 = vector.broadcast %select_n3A_804 : i32 to vector<16xi32>
          %add3A_819 = arith.addi %rem3A_806, %add3A_818 : vector<16xi32>
          %select_n3A_820 = arith.select %and3A_817, %add3A_819, %rem3A_806 : vector<16xi1>, vector<16xi32>
          %scatter3A = arith.constant 0 : i32
          %scatter3A_821 = arith.constant 0 : i32
          %scatter3A_822 = arith.constant 0 : i32
          %scatter3A_823 = tpu.memref_slice %arg12[%scan3A_714, %scatter3A, %scatter3A_821, %scatter3A_822] : memref<2x4x8x128xf32, #tpu.memory_space<vmem>> -> memref<1x4x8x128xf32, #tpu.memory_space<vmem>>
          %scatter3A_824 = tpu.memref_squeeze %scatter3A_823 : memref<1x4x8x128xf32, #tpu.memory_space<vmem>> -> memref<4x8x128xf32, #tpu.memory_space<vmem>>
          tpu.vector_store_idx %scatter3A_824[%select_n3A, %select_n3A_820, %add3A_771], %gather3A_776 : memref<4x8x128xf32, #tpu.memory_space<vmem>>[vector<16xi32>, vector<16xi32>, vector<16xi32>], vector<16xf32>,
        }
        %scan3A_766 = arith.constant 8 : i32
      }
      %scan3A_719 = arith.constant 32 : i32
      %add3A_720 = arith.constant 2 : i32
      %add3A_721 = arith.addi %add3A_695, %add3A_720 : i32
      %min3A_722 = arith.constant 19 : i32
      %min3A_723 = arith.minsi %add3A_721, %min3A_722 : i32
      %dma_start3A_724 = arith.constant 1 : i32
      %dma_start3A_725 = arith.constant 0 : i32
      %dma_start3A_726 = arith.constant 0 : i32
      %dma_start3A_727 = tpu.memref_slice %arg11[%dma_start3A_724, %dma_start3A_725, %dma_start3A_726] : memref<4x128x32xf32, #tpu.memory_space<vmem>> -> memref<1x128x32xf32, #tpu.memory_space<vmem>>
      %dma_start3A_728 = tpu.memref_squeeze %dma_start3A_727 : memref<1x128x32xf32, #tpu.memory_space<vmem>> -> memref<128x32xf32, #tpu.memory_space<vmem>>
      %dma_start3A_729 = arith.constant 0 : i32
      %dma_start3A_730 = tpu.memref_slice %arg9[%min3A_723, %dma_start3A_729] : memref<20x128xi32, #tpu.memory_space<vmem>> -> memref<1x128xi32, #tpu.memory_space<vmem>>
      %dma_start3A_731 = tpu.memref_squeeze %dma_start3A_730 : memref<1x128xi32, #tpu.memory_space<vmem>> -> memref<128xi32, #tpu.memory_space<vmem>>
      %dma_start3A_732 = arith.constant 0 : i32
      %dma_start3A_733 = arith.constant 0 : i32
      %dma_start3A_734 = tpu.memref_slice %arg4[%dma_start3A_732, %dma_start3A_733] : memref<1000000x32xf32, #tpu.memory_space<hbm>> -> memref<1000000x32xf32, #tpu.memory_space<hbm>>
      tpu.enqueue_indirect_dma source(%dma_start3A_734 : memref<1000000x32xf32, #tpu.memory_space<hbm>>) target(%dma_start3A_728 : memref<128x32xf32, #tpu.memory_space<vmem>>) offsets(%dma_start3A_731 : memref<128xi32, #tpu.memory_space<vmem>>) semaphore(%arg15 : memref<!tpu.dma_semaphore, #tpu.memory_space<semaphore_mem>>)
      %dma_start3A_735 = arith.constant 1 : i32
      %dma_start3A_736 = arith.constant 0 : i32
      %dma_start3A_737 = arith.constant 0 : i32
      %dma_start3A_738 = arith.constant 0 : i32
      %dma_start3A_739 = tpu.memref_slice %arg12[%dma_start3A_735, %dma_start3A_736, %dma_start3A_737, %dma_start3A_738] : memref<2x4x8x128xf32, #tpu.memory_space<vmem>> -> memref<1x4x8x128xf32, #tpu.memory_space<vmem>>
      %dma_start3A_740 = tpu.memref_squeeze %dma_start3A_739 : memref<1x4x8x128xf32, #tpu.memory_space<vmem>> -> memref<4x8x128xf32, #tpu.memory_space<vmem>>
      %dma_start3A_741 = arith.constant 0 : i32
      %dma_start3A_742 = arith.constant 0 : i32
      %dma_start3A_743 = arith.constant 0 : i32
      %dma_start3A_744 = tpu.memref_slice %arg5[%add3A_695, %dma_start3A_741, %add3A, %dma_start3A_742, %dma_start3A_743] : memref<20x4x32x8x128xf32, #tpu.memory_space<hbm>> -> memref<1x4x1x8x128xf32, #tpu.memory_space<hbm>>
      %dma_start3A_745 = tpu.memref_squeeze %dma_start3A_744 : memref<1x4x1x8x128xf32, #tpu.memory_space<hbm>> -> memref<4x8x128xf32, #tpu.memory_space<hbm>>
      %dma_start3A_746 = arith.constant 0 : i32
      %dma_start3A_747 = arith.constant 0 : i32
      %dma_start3A_748 = arith.constant 0 : i32
      %dma_start3A_749 = tpu.memref_slice %arg5[%add3A_695, %dma_start3A_746, %add3A, %dma_start3A_747, %dma_start3A_748] : memref<20x4x32x8x128xf32, #tpu.memory_space<hbm>> -> memref<1x4x1x8x128xf32, #tpu.memory_space<hbm>>
      %dma_start3A_750 = tpu.memref_squeeze %dma_start3A_749 : memref<1x4x1x8x128xf32, #tpu.memory_space<hbm>> -> memref<4x8x128xf32, #tpu.memory_space<hbm>>
      %dma_start3A_751 = arith.constant 0 : i32
      %dma_start3A_752 = arith.constant 0 : i32
      %dma_start3A_753 = arith.constant 0 : i32
      %dma_start3A_754 = tpu.memref_slice %arg12[%dma_start3A_735, %dma_start3A_751, %dma_start3A_752, %dma_start3A_753] : memref<2x4x8x128xf32, #tpu.memory_space<vmem>> -> memref<1x4x8x128xf32, #tpu.memory_space<vmem>>
      %dma_start3A_755 = tpu.memref_squeeze %dma_start3A_754 : memref<1x4x8x128xf32, #tpu.memory_space<vmem>> -> memref<4x8x128xf32, #tpu.memory_space<vmem>>
      tpu.enqueue_dma source(%dma_start3A_755 : memref<4x8x128xf32, #tpu.memory_space<vmem>>) target(%dma_start3A_750 : memref<4x8x128xf32, #tpu.memory_space<hbm>>) target_semaphore(%arg19 : memref<!tpu.dma_semaphore, #tpu.memory_space<semaphore_mem>>)
    }
    %scan3A_88 = arith.constant 10 : i32
    %dma_wait3A_89 = arith.constant 0 : i32
    %dma_wait3A_90 = arith.constant 0 : i32
    %dma_wait3A_91 = arith.constant 0 : i32
    %dma_wait3A_92 = arith.constant 0 : i32
    %dma_wait3A_93 = tpu.memref_slice %arg11[%dma_wait3A_90, %dma_wait3A_91, %dma_wait3A_92] : memref<4x128x32xf32, #tpu.memory_space<vmem>> -> memref<1x128x32xf32, #tpu.memory_space<vmem>>
    %dma_wait3A_94 = tpu.memref_squeeze %dma_wait3A_93 : memref<1x128x32xf32, #tpu.memory_space<vmem>> -> memref<128x32xf32, #tpu.memory_space<vmem>>
    %dma_wait3A_95 = arith.constant 0 : i32
    %dma_wait3A_96 = tpu.memref_slice %arg9[%dma_wait3A_89, %dma_wait3A_95] : memref<20x128xi32, #tpu.memory_space<vmem>> -> memref<1x128xi32, #tpu.memory_space<vmem>>
    %dma_wait3A_97 = tpu.memref_squeeze %dma_wait3A_96 : memref<1x128xi32, #tpu.memory_space<vmem>> -> memref<128xi32, #tpu.memory_space<vmem>>
    %dma_wait3A_98 = arith.constant 0 : i32
    %dma_wait3A_99 = arith.constant 0 : i32
    %dma_wait3A_100 = tpu.memref_slice %arg4[%dma_wait3A_98, %dma_wait3A_99] : memref<1000000x32xf32, #tpu.memory_space<hbm>> -> memref<1000000x32xf32, #tpu.memory_space<hbm>>
    tpu.wait_indirect_dma semaphore(%arg14 : memref<!tpu.dma_semaphore, #tpu.memory_space<semaphore_mem>>) src(%dma_wait3A_100 : memref<1000000x32xf32, #tpu.memory_space<hbm>>) dst(%dma_wait3A_94 : memref<128x32xf32, #tpu.memory_space<vmem>>)
    %dma_wait3A_101 = arith.constant 0 : i32
    %dma_wait3A_102 = arith.constant 0 : i32
    %dma_wait3A_103 = arith.constant 0 : i32
    %dma_wait3A_104 = arith.constant 0 : i32
    %dma_wait3A_105 = arith.constant 0 : i32
    %dma_wait3A_106 = arith.constant 0 : i32
    %dma_wait3A_107 = tpu.memref_slice %arg12[%dma_wait3A_101, %dma_wait3A_104, %dma_wait3A_105, %dma_wait3A_106] : memref<2x4x8x128xf32, #tpu.memory_space<vmem>> -> memref<1x4x8x128xf32, #tpu.memory_space<vmem>>
    %dma_wait3A_108 = tpu.memref_squeeze %dma_wait3A_107 : memref<1x4x8x128xf32, #tpu.memory_space<vmem>> -> memref<4x8x128xf32, #tpu.memory_space<vmem>>
    %dma_wait3A_109 = arith.constant 0 : i32
    %dma_wait3A_110 = arith.constant 0 : i32
    %dma_wait3A_111 = arith.constant 0 : i32
    %dma_wait3A_112 = tpu.memref_slice %arg5[%dma_wait3A_102, %dma_wait3A_109, %dma_wait3A_103, %dma_wait3A_110, %dma_wait3A_111] : memref<20x4x32x8x128xf32, #tpu.memory_space<hbm>> -> memref<1x4x1x8x128xf32, #tpu.memory_space<hbm>>
    %dma_wait3A_113 = tpu.memref_squeeze %dma_wait3A_112 : memref<1x4x1x8x128xf32, #tpu.memory_space<hbm>> -> memref<4x8x128xf32, #tpu.memory_space<hbm>>
    %dma_wait3A_114 = arith.constant 0 : i32
    %dma_wait3A_115 = arith.constant 0 : i32
    %dma_wait3A_116 = arith.constant 0 : i32
    %dma_wait3A_117 = tpu.memref_slice %arg5[%dma_wait3A_102, %dma_wait3A_114, %dma_wait3A_103, %dma_wait3A_115, %dma_wait3A_116] : memref<20x4x32x8x128xf32, #tpu.memory_space<hbm>> -> memref<1x4x1x8x128xf32, #tpu.memory_space<hbm>>
    %dma_wait3A_118 = tpu.memref_squeeze %dma_wait3A_117 : memref<1x4x1x8x128xf32, #tpu.memory_space<hbm>> -> memref<4x8x128xf32, #tpu.memory_space<hbm>>
    %dma_wait3A_119 = arith.constant 0 : i32
    %dma_wait3A_120 = arith.constant 0 : i32
    %dma_wait3A_121 = arith.constant 0 : i32
    %dma_wait3A_122 = tpu.memref_slice %arg12[%dma_wait3A_101, %dma_wait3A_119, %dma_wait3A_120, %dma_wait3A_121] : memref<2x4x8x128xf32, #tpu.memory_space<vmem>> -> memref<1x4x8x128xf32, #tpu.memory_space<vmem>>
    %dma_wait3A_123 = tpu.memref_squeeze %dma_wait3A_122 : memref<1x4x8x128xf32, #tpu.memory_space<vmem>> -> memref<4x8x128xf32, #tpu.memory_space<vmem>>
    tpu.wait_dma2 semaphore(%arg18 : memref<!tpu.dma_semaphore, #tpu.memory_space<semaphore_mem>>) src(%dma_wait3A_123 : memref<4x8x128xf32, #tpu.memory_space<vmem>>) dst(%dma_wait3A_118 : memref<4x8x128xf32, #tpu.memory_space<hbm>>)
    %dma_wait3A_124 = arith.constant 0 : i32
    %dma_wait3A_125 = arith.constant 1 : i32
    %dma_wait3A_126 = arith.constant 0 : i32
    %dma_wait3A_127 = arith.constant 0 : i32
    %dma_wait3A_128 = tpu.memref_slice %arg11[%dma_wait3A_125, %dma_wait3A_126, %dma_wait3A_127] : memref<4x128x32xf32, #tpu.memory_space<vmem>> -> memref<1x128x32xf32, #tpu.memory_space<vmem>>
    %dma_wait3A_129 = tpu.memref_squeeze %dma_wait3A_128 : memref<1x128x32xf32, #tpu.memory_space<vmem>> -> memref<128x32xf32, #tpu.memory_space<vmem>>
    %dma_wait3A_130 = arith.constant 0 : i32
    %dma_wait3A_131 = tpu.memref_slice %arg9[%dma_wait3A_124, %dma_wait3A_130] : memref<20x128xi32, #tpu.memory_space<vmem>> -> memref<1x128xi32, #tpu.memory_space<vmem>>
    %dma_wait3A_132 = tpu.memref_squeeze %dma_wait3A_131 : memref<1x128xi32, #tpu.memory_space<vmem>> -> memref<128xi32, #tpu.memory_space<vmem>>
    %dma_wait3A_133 = arith.constant 0 : i32
    %dma_wait3A_134 = arith.constant 0 : i32
    %dma_wait3A_135 = tpu.memref_slice %arg4[%dma_wait3A_133, %dma_wait3A_134] : memref<1000000x32xf32, #tpu.memory_space<hbm>> -> memref<1000000x32xf32, #tpu.memory_space<hbm>>
    tpu.wait_indirect_dma semaphore(%arg15 : memref<!tpu.dma_semaphore, #tpu.memory_space<semaphore_mem>>) src(%dma_wait3A_135 : memref<1000000x32xf32, #tpu.memory_space<hbm>>) dst(%dma_wait3A_129 : memref<128x32xf32, #tpu.memory_space<vmem>>)
    %dma_wait3A_136 = arith.constant 1 : i32
    %dma_wait3A_137 = arith.constant 0 : i32
    %dma_wait3A_138 = arith.constant 0 : i32
    %dma_wait3A_139 = arith.constant 0 : i32
    %dma_wait3A_140 = arith.constant 0 : i32
    %dma_wait3A_141 = arith.constant 0 : i32
    %dma_wait3A_142 = tpu.memref_slice %arg12[%dma_wait3A_136, %dma_wait3A_139, %dma_wait3A_140, %dma_wait3A_141] : memref<2x4x8x128xf32, #tpu.memory_space<vmem>> -> memref<1x4x8x128xf32, #tpu.memory_space<vmem>>
    %dma_wait3A_143 = tpu.memref_squeeze %dma_wait3A_142 : memref<1x4x8x128xf32, #tpu.memory_space<vmem>> -> memref<4x8x128xf32, #tpu.memory_space<vmem>>
    %dma_wait3A_144 = arith.constant 0 : i32
    %dma_wait3A_145 = arith.constant 0 : i32
    %dma_wait3A_146 = arith.constant 0 : i32
    %dma_wait3A_147 = tpu.memref_slice %arg5[%dma_wait3A_137, %dma_wait3A_144, %dma_wait3A_138, %dma_wait3A_145, %dma_wait3A_146] : memref<20x4x32x8x128xf32, #tpu.memory_space<hbm>> -> memref<1x4x1x8x128xf32, #tpu.memory_space<hbm>>
    %dma_wait3A_148 = tpu.memref_squeeze %dma_wait3A_147 : memref<1x4x1x8x128xf32, #tpu.memory_space<hbm>> -> memref<4x8x128xf32, #tpu.memory_space<hbm>>
    %dma_wait3A_149 = arith.constant 0 : i32
    %dma_wait3A_150 = arith.constant 0 : i32
    %dma_wait3A_151 = arith.constant 0 : i32
    %dma_wait3A_152 = tpu.memref_slice %arg5[%dma_wait3A_137, %dma_wait3A_149, %dma_wait3A_138, %dma_wait3A_150, %dma_wait3A_151] : memref<20x4x32x8x128xf32, #tpu.memory_space<hbm>> -> memref<1x4x1x8x128xf32, #tpu.memory_space<hbm>>
    %dma_wait3A_153 = tpu.memref_squeeze %dma_wait3A_152 : memref<1x4x1x8x128xf32, #tpu.memory_space<hbm>> -> memref<4x8x128xf32, #tpu.memory_space<hbm>>
    %dma_wait3A_154 = arith.constant 0 : i32
    %dma_wait3A_155 = arith.constant 0 : i32
    %dma_wait3A_156 = arith.constant 0 : i32
    %dma_wait3A_157 = tpu.memref_slice %arg12[%dma_wait3A_136, %dma_wait3A_154, %dma_wait3A_155, %dma_wait3A_156] : memref<2x4x8x128xf32, #tpu.memory_space<vmem>> -> memref<1x4x8x128xf32, #tpu.memory_space<vmem>>
    %dma_wait3A_158 = tpu.memref_squeeze %dma_wait3A_157 : memref<1x4x8x128xf32, #tpu.memory_space<vmem>> -> memref<4x8x128xf32, #tpu.memory_space<vmem>>
    tpu.wait_dma2 semaphore(%arg19 : memref<!tpu.dma_semaphore, #tpu.memory_space<semaphore_mem>>) src(%dma_wait3A_158 : memref<4x8x128xf32, #tpu.memory_space<vmem>>) dst(%dma_wait3A_153 : memref<4x8x128xf32, #tpu.memory_space<hbm>>)
    %dma_start3A_159 = arith.constant 0 : i32
    %dma_start3A_160 = arith.constant 0 : i32
    %dma_start3A_161 = arith.constant 0 : i32
    %dma_start3A_162 = arith.constant 0 : i32
    %dma_start3A_163 = tpu.memref_slice %arg11[%dma_start3A_160, %dma_start3A_161, %dma_start3A_162] : memref<4x128x32xf32, #tpu.memory_space<vmem>> -> memref<1x128x32xf32, #tpu.memory_space<vmem>>
    %dma_start3A_164 = tpu.memref_squeeze %dma_start3A_163 : memref<1x128x32xf32, #tpu.memory_space<vmem>> -> memref<128x32xf32, #tpu.memory_space<vmem>>
    %dma_start3A_165 = arith.constant 0 : i32
    %dma_start3A_166 = tpu.memref_slice %arg10[%dma_start3A_159, %dma_start3A_165] : memref<200x128xi32, #tpu.memory_space<vmem>> -> memref<1x128xi32, #tpu.memory_space<vmem>>
    %dma_start3A_167 = tpu.memref_squeeze %dma_start3A_166 : memref<1x128xi32, #tpu.memory_space<vmem>> -> memref<128xi32, #tpu.memory_space<vmem>>
    %dma_start3A_168 = arith.constant 0 : i32
    %dma_start3A_169 = arith.constant 0 : i32
    %dma_start3A_170 = tpu.memref_slice %arg4[%dma_start3A_168, %dma_start3A_169] : memref<1000000x32xf32, #tpu.memory_space<hbm>> -> memref<1000000x32xf32, #tpu.memory_space<hbm>>
    tpu.enqueue_indirect_dma source(%dma_start3A_170 : memref<1000000x32xf32, #tpu.memory_space<hbm>>) target(%dma_start3A_164 : memref<128x32xf32, #tpu.memory_space<vmem>>) offsets(%dma_start3A_167 : memref<128xi32, #tpu.memory_space<vmem>>) semaphore(%arg14 : memref<!tpu.dma_semaphore, #tpu.memory_space<semaphore_mem>>)
    %dma_start3A_171 = arith.constant 1 : i32
    %dma_start3A_172 = arith.constant 1 : i32
    %dma_start3A_173 = arith.constant 0 : i32
    %dma_start3A_174 = arith.constant 0 : i32
    %dma_start3A_175 = tpu.memref_slice %arg11[%dma_start3A_172, %dma_start3A_173, %dma_start3A_174] : memref<4x128x32xf32, #tpu.memory_space<vmem>> -> memref<1x128x32xf32, #tpu.memory_space<vmem>>
    %dma_start3A_176 = tpu.memref_squeeze %dma_start3A_175 : memref<1x128x32xf32, #tpu.memory_space<vmem>> -> memref<128x32xf32, #tpu.memory_space<vmem>>
    %dma_start3A_177 = arith.constant 0 : i32
    %dma_start3A_178 = tpu.memref_slice %arg10[%dma_start3A_171, %dma_start3A_177] : memref<200x128xi32, #tpu.memory_space<vmem>> -> memref<1x128xi32, #tpu.memory_space<vmem>>
    %dma_start3A_179 = tpu.memref_squeeze %dma_start3A_178 : memref<1x128xi32, #tpu.memory_space<vmem>> -> memref<128xi32, #tpu.memory_space<vmem>>
    %dma_start3A_180 = arith.constant 0 : i32
    %dma_start3A_181 = arith.constant 0 : i32
    %dma_start3A_182 = tpu.memref_slice %arg4[%dma_start3A_180, %dma_start3A_181] : memref<1000000x32xf32, #tpu.memory_space<hbm>> -> memref<1000000x32xf32, #tpu.memory_space<hbm>>
    tpu.enqueue_indirect_dma source(%dma_start3A_182 : memref<1000000x32xf32, #tpu.memory_space<hbm>>) target(%dma_start3A_176 : memref<128x32xf32, #tpu.memory_space<vmem>>) offsets(%dma_start3A_179 : memref<128xi32, #tpu.memory_space<vmem>>) semaphore(%arg15 : memref<!tpu.dma_semaphore, #tpu.memory_space<semaphore_mem>>)
    %dma_start3A_183 = arith.constant 2 : i32
    %dma_start3A_184 = arith.constant 2 : i32
    %dma_start3A_185 = arith.constant 0 : i32
    %dma_start3A_186 = arith.constant 0 : i32
    %dma_start3A_187 = tpu.memref_slice %arg11[%dma_start3A_184, %dma_start3A_185, %dma_start3A_186] : memref<4x128x32xf32, #tpu.memory_space<vmem>> -> memref<1x128x32xf32, #tpu.memory_space<vmem>>
    %dma_start3A_188 = tpu.memref_squeeze %dma_start3A_187 : memref<1x128x32xf32, #tpu.memory_space<vmem>> -> memref<128x32xf32, #tpu.memory_space<vmem>>
    %dma_start3A_189 = arith.constant 0 : i32
    %dma_start3A_190 = tpu.memref_slice %arg10[%dma_start3A_183, %dma_start3A_189] : memref<200x128xi32, #tpu.memory_space<vmem>> -> memref<1x128xi32, #tpu.memory_space<vmem>>
    %dma_start3A_191 = tpu.memref_squeeze %dma_start3A_190 : memref<1x128xi32, #tpu.memory_space<vmem>> -> memref<128xi32, #tpu.memory_space<vmem>>
    %dma_start3A_192 = arith.constant 0 : i32
    %dma_start3A_193 = arith.constant 0 : i32
    %dma_start3A_194 = tpu.memref_slice %arg4[%dma_start3A_192, %dma_start3A_193] : memref<1000000x32xf32, #tpu.memory_space<hbm>> -> memref<1000000x32xf32, #tpu.memory_space<hbm>>
    tpu.enqueue_indirect_dma source(%dma_start3A_194 : memref<1000000x32xf32, #tpu.memory_space<hbm>>) target(%dma_start3A_188 : memref<128x32xf32, #tpu.memory_space<vmem>>) offsets(%dma_start3A_191 : memref<128xi32, #tpu.memory_space<vmem>>) semaphore(%arg16 : memref<!tpu.dma_semaphore, #tpu.memory_space<semaphore_mem>>)
    %dma_start3A_195 = arith.constant 3 : i32
    %dma_start3A_196 = arith.constant 3 : i32
    %dma_start3A_197 = arith.constant 0 : i32
    %dma_start3A_198 = arith.constant 0 : i32
    %dma_start3A_199 = tpu.memref_slice %arg11[%dma_start3A_196, %dma_start3A_197, %dma_start3A_198] : memref<4x128x32xf32, #tpu.memory_space<vmem>> -> memref<1x128x32xf32, #tpu.memory_space<vmem>>
    %dma_start3A_200 = tpu.memref_squeeze %dma_start3A_199 : memref<1x128x32xf32, #tpu.memory_space<vmem>> -> memref<128x32xf32, #tpu.memory_space<vmem>>
    %dma_start3A_201 = arith.constant 0 : i32
    %dma_start3A_202 = tpu.memref_slice %arg10[%dma_start3A_195, %dma_start3A_201] : memref<200x128xi32, #tpu.memory_space<vmem>> -> memref<1x128xi32, #tpu.memory_space<vmem>>
    %dma_start3A_203 = tpu.memref_squeeze %dma_start3A_202 : memref<1x128xi32, #tpu.memory_space<vmem>> -> memref<128xi32, #tpu.memory_space<vmem>>
    %dma_start3A_204 = arith.constant 0 : i32
    %dma_start3A_205 = arith.constant 0 : i32
    %dma_start3A_206 = tpu.memref_slice %arg4[%dma_start3A_204, %dma_start3A_205] : memref<1000000x32xf32, #tpu.memory_space<hbm>> -> memref<1000000x32xf32, #tpu.memory_space<hbm>>
    tpu.enqueue_indirect_dma source(%dma_start3A_206 : memref<1000000x32xf32, #tpu.memory_space<hbm>>) target(%dma_start3A_200 : memref<128x32xf32, #tpu.memory_space<vmem>>) offsets(%dma_start3A_203 : memref<128xi32, #tpu.memory_space<vmem>>) semaphore(%arg17 : memref<!tpu.dma_semaphore, #tpu.memory_space<semaphore_mem>>)
    %scan3A_207 = arith.constant 0 : i32
    %scan3A_208 = arith.constant 0 : i32
    %scan3A_209 = arith.constant 12 : i32
    %scan3A_210 = arith.addi %scan3A_208, %scan3A_209 : i32
    %scan3A_211 = arith.constant 1 : i32
    scf.for %scan3A_630 = %scan3A_208 to %scan3A_210 step %scan3A_211  : i32 {
      %gt3A = arith.constant 0 : i32
      %gt3A_631 = arith.cmpi sgt, %scan3A_630, %gt3A : i32
      %convert_element_type3A = arith.extui %gt3A_631 : i1 to i32
      %cond3A = arith.constant 0 : i32
      %cond3A_632 = arith.cmpi ne, %convert_element_type3A, %cond3A : i32
      scf.if %cond3A_632 {
        %dma_wait3A_1328 = arith.constant 0 : i32
        %dma_wait3A_1329 = arith.constant 0 : i32
        %dma_wait3A_1330 = arith.constant 0 : i32
        %dma_wait3A_1331 = arith.constant 0 : i32
        %dma_wait3A_1332 = arith.constant 0 : i32
        %dma_wait3A_1333 = arith.constant 0 : i32
        %dma_wait3A_1334 = tpu.memref_slice %arg13[%dma_wait3A_1328, %dma_wait3A_1331, %dma_wait3A_1332, %dma_wait3A_1333] : memref<2x32x8x128xf32, #tpu.memory_space<vmem>> -> memref<1x32x8x128xf32, #tpu.memory_space<vmem>>
        %dma_wait3A_1335 = tpu.memref_squeeze %dma_wait3A_1334 : memref<1x32x8x128xf32, #tpu.memory_space<vmem>> -> memref<32x8x128xf32, #tpu.memory_space<vmem>>
        %dma_wait3A_1336 = arith.constant 0 : i32
        %dma_wait3A_1337 = arith.constant 0 : i32
        %dma_wait3A_1338 = arith.constant 0 : i32
        %dma_wait3A_1339 = tpu.memref_slice %arg6[%dma_wait3A_1336, %dma_wait3A_1329, %dma_wait3A_1330, %dma_wait3A_1337, %dma_wait3A_1338] : memref<32x25x32x8x128xf32, #tpu.memory_space<hbm>> -> memref<32x1x1x8x128xf32, #tpu.memory_space<hbm>>
        %dma_wait3A_1340 = tpu.memref_squeeze %dma_wait3A_1339 : memref<32x1x1x8x128xf32, #tpu.memory_space<hbm>> -> memref<32x8x128xf32, #tpu.memory_space<hbm>>
        %dma_wait3A_1341 = arith.constant 0 : i32
        %dma_wait3A_1342 = arith.constant 0 : i32
        %dma_wait3A_1343 = arith.constant 0 : i32
        %dma_wait3A_1344 = tpu.memref_slice %arg6[%dma_wait3A_1341, %dma_wait3A_1329, %dma_wait3A_1330, %dma_wait3A_1342, %dma_wait3A_1343] : memref<32x25x32x8x128xf32, #tpu.memory_space<hbm>> -> memref<32x1x1x8x128xf32, #tpu.memory_space<hbm>>
        %dma_wait3A_1345 = tpu.memref_squeeze %dma_wait3A_1344 : memref<32x1x1x8x128xf32, #tpu.memory_space<hbm>> -> memref<32x8x128xf32, #tpu.memory_space<hbm>>
        %dma_wait3A_1346 = arith.constant 0 : i32
        %dma_wait3A_1347 = arith.constant 0 : i32
        %dma_wait3A_1348 = arith.constant 0 : i32
        %dma_wait3A_1349 = tpu.memref_slice %arg13[%dma_wait3A_1328, %dma_wait3A_1346, %dma_wait3A_1347, %dma_wait3A_1348] : memref<2x32x8x128xf32, #tpu.memory_space<vmem>> -> memref<1x32x8x128xf32, #tpu.memory_space<vmem>>
        %dma_wait3A_1350 = tpu.memref_squeeze %dma_wait3A_1349 : memref<1x32x8x128xf32, #tpu.memory_space<vmem>> -> memref<32x8x128xf32, #tpu.memory_space<vmem>>
        tpu.wait_dma2 semaphore(%arg20 : memref<!tpu.dma_semaphore, #tpu.memory_space<semaphore_mem>>) src(%dma_wait3A_1350 : memref<32x8x128xf32, #tpu.memory_space<vmem>>) dst(%dma_wait3A_1345 : memref<32x8x128xf32, #tpu.memory_space<hbm>>)
      } else {
      }
      %mul3A_633 = arith.constant 2 : i32
      %mul3A_634 = arith.muli %mul3A_633, %scan3A_630 : i32
      %add3A_635 = arith.constant 0 : i32
      %add3A_636 = arith.addi %mul3A_634, %add3A_635 : i32
      %mul3A_637 = arith.constant 8 : i32
      %mul3A_638 = arith.muli %add3A_636, %mul3A_637 : i32
      %add3A_639 = arith.constant 0 : i32
      %add3A_640 = arith.addi %mul3A_638, %add3A_639 : i32
      %broadcast_in_dim3A_641 = arith.constant 0 : i32
      %broadcast_in_dim3A_642 = vector.broadcast %broadcast_in_dim3A_641 : i32 to vector<16xi32>
      %dma_wait3A_643 = arith.constant 0 : i32
      %dma_wait3A_644 = arith.constant 0 : i32
      %dma_wait3A_645 = arith.constant 0 : i32
      %dma_wait3A_646 = arith.constant 0 : i32
      %dma_wait3A_647 = tpu.memref_slice %arg11[%dma_wait3A_644, %dma_wait3A_645, %dma_wait3A_646] : memref<4x128x32xf32, #tpu.memory_space<vmem>> -> memref<1x128x32xf32, #tpu.memory_space<vmem>>
      %dma_wait3A_648 = tpu.memref_squeeze %dma_wait3A_647 : memref<1x128x32xf32, #tpu.memory_space<vmem>> -> memref<128x32xf32, #tpu.memory_space<vmem>>
      %dma_wait3A_649 = arith.constant 0 : i32
      %dma_wait3A_650 = tpu.memref_slice %arg9[%dma_wait3A_643, %dma_wait3A_649] : memref<20x128xi32, #tpu.memory_space<vmem>> -> memref<1x128xi32, #tpu.memory_space<vmem>>
      %dma_wait3A_651 = tpu.memref_squeeze %dma_wait3A_650 : memref<1x128xi32, #tpu.memory_space<vmem>> -> memref<128xi32, #tpu.memory_space<vmem>>
      %dma_wait3A_652 = arith.constant 0 : i32
      %dma_wait3A_653 = arith.constant 0 : i32
      %dma_wait3A_654 = tpu.memref_slice %arg4[%dma_wait3A_652, %dma_wait3A_653] : memref<1000000x32xf32, #tpu.memory_space<hbm>> -> memref<1000000x32xf32, #tpu.memory_space<hbm>>
      tpu.wait_indirect_dma semaphore(%arg14 : memref<!tpu.dma_semaphore, #tpu.memory_space<semaphore_mem>>) src(%dma_wait3A_654 : memref<1000000x32xf32, #tpu.memory_space<hbm>>) dst(%dma_wait3A_648 : memref<128x32xf32, #tpu.memory_space<vmem>>)
      %scan3A_655 = arith.constant 0 : i32
      %scan3A_656 = arith.constant 0 : i32
      %scan3A_657 = arith.constant 0 : i32
      %scan3A_658 = arith.constant 32 : i32
      %scan3A_659 = arith.addi %scan3A_657, %scan3A_658 : i32
      %scan3A_660 = arith.constant 1 : i32
      scf.for %scan3A_1328 = %scan3A_657 to %scan3A_659 step %scan3A_660  : i32 {
        %add3A_1329 = vector.broadcast %scan3A_1328 : i32 to vector<16xi32>
        %add3A_1330 = arith.addi %add3A_1329, %iota3A : vector<16xi32>
        %and3A = arith.constant 31 : i32
        %and3A_1331 = vector.broadcast %and3A : i32 to vector<16xi32>
        %and3A_1332 = arith.andi %add3A_1330, %and3A_1331 : vector<16xi32>
        %scan3A_1333 = arith.constant 0 : i32
        %scan3A_1334 = arith.constant 0 : i32
        %scan3A_1335 = arith.constant 8 : i32
        %scan3A_1336 = arith.addi %scan3A_1334, %scan3A_1335 : i32
        %scan3A_1337 = arith.constant 1 : i32
        scf.for %scan3A_1339 = %scan3A_1334 to %scan3A_1336 step %scan3A_1337  : i32 {
          %mul3A_1340 = arith.constant 16 : i32
          %mul3A_1341 = arith.muli %scan3A_1339, %mul3A_1340 : i32
          %add3A_1342 = vector.broadcast %mul3A_1341 : i32 to vector<16xi32>
          %add3A_1343 = arith.addi %add3A_1342, %iota3A : vector<16xi32>
          %gather3A = arith.constant 0 : i32
          %gather3A_1344 = arith.constant 0 : i32
          %gather3A_1345 = arith.constant 0 : i32
          %gather3A_1346 = tpu.memref_slice %arg11[%gather3A, %gather3A_1344, %gather3A_1345] : memref<4x128x32xf32, #tpu.memory_space<vmem>> -> memref<1x128x32xf32, #tpu.memory_space<vmem>>
          %gather3A_1347 = tpu.memref_squeeze %gather3A_1346 : memref<1x128x32xf32, #tpu.memory_space<vmem>> -> memref<128x32xf32, #tpu.memory_space<vmem>>
          %gather3A_1348 = tpu.vector_load_idx %gather3A_1347[%add3A_1343, %and3A_1332] : memref<128x32xf32, #tpu.memory_space<vmem>>[vector<16xi32>, vector<16xi32>], vector<16xf32>,
          %scatter3A = arith.constant 0 : i32
          %scatter3A_1349 = arith.constant 0 : i32
          %scatter3A_1350 = arith.constant 0 : i32
          %scatter3A_1351 = tpu.memref_slice %arg13[%scan3A_656, %scatter3A, %scatter3A_1349, %scatter3A_1350] : memref<2x32x8x128xf32, #tpu.memory_space<vmem>> -> memref<1x32x8x128xf32, #tpu.memory_space<vmem>>
          %scatter3A_1352 = tpu.memref_squeeze %scatter3A_1351 : memref<1x32x8x128xf32, #tpu.memory_space<vmem>> -> memref<32x8x128xf32, #tpu.memory_space<vmem>>
          tpu.vector_store_idx %scatter3A_1352[%and3A_1332, %broadcast_in_dim3A_642, %add3A_1343], %gather3A_1348 : memref<32x8x128xf32, #tpu.memory_space<vmem>>[vector<16xi32>, vector<16xi32>, vector<16xi32>], vector<16xf32>,
        }
        %scan3A_1338 = arith.constant 8 : i32
      }
      %scan3A_661 = arith.constant 32 : i32
      %add3A_662 = arith.constant 4 : i32
      %add3A_663 = arith.addi %add3A_640, %add3A_662 : i32
      %min3A_664 = arith.constant 199 : i32
      %min3A_665 = arith.minsi %add3A_663, %min3A_664 : i32
      %dma_start3A_666 = arith.constant 0 : i32
      %dma_start3A_667 = arith.constant 0 : i32
      %dma_start3A_668 = arith.constant 0 : i32
      %dma_start3A_669 = tpu.memref_slice %arg11[%dma_start3A_666, %dma_start3A_667, %dma_start3A_668] : memref<4x128x32xf32, #tpu.memory_space<vmem>> -> memref<1x128x32xf32, #tpu.memory_space<vmem>>
      %dma_start3A_670 = tpu.memref_squeeze %dma_start3A_669 : memref<1x128x32xf32, #tpu.memory_space<vmem>> -> memref<128x32xf32, #tpu.memory_space<vmem>>
      %dma_start3A_671 = arith.constant 0 : i32
      %dma_start3A_672 = tpu.memref_slice %arg10[%min3A_665, %dma_start3A_671] : memref<200x128xi32, #tpu.memory_space<vmem>> -> memref<1x128xi32, #tpu.memory_space<vmem>>
      %dma_start3A_673 = tpu.memref_squeeze %dma_start3A_672 : memref<1x128xi32, #tpu.memory_space<vmem>> -> memref<128xi32, #tpu.memory_space<vmem>>
      %dma_start3A_674 = arith.constant 0 : i32
      %dma_start3A_675 = arith.constant 0 : i32
      %dma_start3A_676 = tpu.memref_slice %arg4[%dma_start3A_674, %dma_start3A_675] : memref<1000000x32xf32, #tpu.memory_space<hbm>> -> memref<1000000x32xf32, #tpu.memory_space<hbm>>
      tpu.enqueue_indirect_dma source(%dma_start3A_676 : memref<1000000x32xf32, #tpu.memory_space<hbm>>) target(%dma_start3A_670 : memref<128x32xf32, #tpu.memory_space<vmem>>) offsets(%dma_start3A_673 : memref<128xi32, #tpu.memory_space<vmem>>) semaphore(%arg14 : memref<!tpu.dma_semaphore, #tpu.memory_space<semaphore_mem>>)
      %mul3A_677 = arith.constant 8 : i32
      %mul3A_678 = arith.muli %add3A_636, %mul3A_677 : i32
      %add3A_679 = arith.constant 1 : i32
      %add3A_680 = arith.addi %mul3A_678, %add3A_679 : i32
      %broadcast_in_dim3A_681 = arith.constant 1 : i32
      %broadcast_in_dim3A_682 = vector.broadcast %broadcast_in_dim3A_681 : i32 to vector<16xi32>
      %dma_wait3A_683 = arith.constant 0 : i32
      %dma_wait3A_684 = arith.constant 1 : i32
      %dma_wait3A_685 = arith.constant 0 : i32
      %dma_wait3A_686 = arith.constant 0 : i32
      %dma_wait3A_687 = tpu.memref_slice %arg11[%dma_wait3A_684, %dma_wait3A_685, %dma_wait3A_686] : memref<4x128x32xf32, #tpu.memory_space<vmem>> -> memref<1x128x32xf32, #tpu.memory_space<vmem>>
      %dma_wait3A_688 = tpu.memref_squeeze %dma_wait3A_687 : memref<1x128x32xf32, #tpu.memory_space<vmem>> -> memref<128x32xf32, #tpu.memory_space<vmem>>
      %dma_wait3A_689 = arith.constant 0 : i32
      %dma_wait3A_690 = tpu.memref_slice %arg9[%dma_wait3A_683, %dma_wait3A_689] : memref<20x128xi32, #tpu.memory_space<vmem>> -> memref<1x128xi32, #tpu.memory_space<vmem>>
      %dma_wait3A_691 = tpu.memref_squeeze %dma_wait3A_690 : memref<1x128xi32, #tpu.memory_space<vmem>> -> memref<128xi32, #tpu.memory_space<vmem>>
      %dma_wait3A_692 = arith.constant 0 : i32
      %dma_wait3A_693 = arith.constant 0 : i32
      %dma_wait3A_694 = tpu.memref_slice %arg4[%dma_wait3A_692, %dma_wait3A_693] : memref<1000000x32xf32, #tpu.memory_space<hbm>> -> memref<1000000x32xf32, #tpu.memory_space<hbm>>
      tpu.wait_indirect_dma semaphore(%arg15 : memref<!tpu.dma_semaphore, #tpu.memory_space<semaphore_mem>>) src(%dma_wait3A_694 : memref<1000000x32xf32, #tpu.memory_space<hbm>>) dst(%dma_wait3A_688 : memref<128x32xf32, #tpu.memory_space<vmem>>)
      %scan3A_695 = arith.constant 0 : i32
      %scan3A_696 = arith.constant 0 : i32
      %scan3A_697 = arith.constant 0 : i32
      %scan3A_698 = arith.constant 32 : i32
      %scan3A_699 = arith.addi %scan3A_697, %scan3A_698 : i32
      %scan3A_700 = arith.constant 1 : i32
      scf.for %scan3A_1328 = %scan3A_697 to %scan3A_699 step %scan3A_700  : i32 {
        %add3A_1329 = vector.broadcast %scan3A_1328 : i32 to vector<16xi32>
        %add3A_1330 = arith.addi %add3A_1329, %iota3A : vector<16xi32>
        %and3A = arith.constant 31 : i32
        %and3A_1331 = vector.broadcast %and3A : i32 to vector<16xi32>
        %and3A_1332 = arith.andi %add3A_1330, %and3A_1331 : vector<16xi32>
        %scan3A_1333 = arith.constant 0 : i32
        %scan3A_1334 = arith.constant 0 : i32
        %scan3A_1335 = arith.constant 8 : i32
        %scan3A_1336 = arith.addi %scan3A_1334, %scan3A_1335 : i32
        %scan3A_1337 = arith.constant 1 : i32
        scf.for %scan3A_1339 = %scan3A_1334 to %scan3A_1336 step %scan3A_1337  : i32 {
          %mul3A_1340 = arith.constant 16 : i32
          %mul3A_1341 = arith.muli %scan3A_1339, %mul3A_1340 : i32
          %add3A_1342 = vector.broadcast %mul3A_1341 : i32 to vector<16xi32>
          %add3A_1343 = arith.addi %add3A_1342, %iota3A : vector<16xi32>
          %gather3A = arith.constant 1 : i32
          %gather3A_1344 = arith.constant 0 : i32
          %gather3A_1345 = arith.constant 0 : i32
          %gather3A_1346 = tpu.memref_slice %arg11[%gather3A, %gather3A_1344, %gather3A_1345] : memref<4x128x32xf32, #tpu.memory_space<vmem>> -> memref<1x128x32xf32, #tpu.memory_space<vmem>>
          %gather3A_1347 = tpu.memref_squeeze %gather3A_1346 : memref<1x128x32xf32, #tpu.memory_space<vmem>> -> memref<128x32xf32, #tpu.memory_space<vmem>>
          %gather3A_1348 = tpu.vector_load_idx %gather3A_1347[%add3A_1343, %and3A_1332] : memref<128x32xf32, #tpu.memory_space<vmem>>[vector<16xi32>, vector<16xi32>], vector<16xf32>,
          %scatter3A = arith.constant 0 : i32
          %scatter3A_1349 = arith.constant 0 : i32
          %scatter3A_1350 = arith.constant 0 : i32
          %scatter3A_1351 = tpu.memref_slice %arg13[%scan3A_696, %scatter3A, %scatter3A_1349, %scatter3A_1350] : memref<2x32x8x128xf32, #tpu.memory_space<vmem>> -> memref<1x32x8x128xf32, #tpu.memory_space<vmem>>
          %scatter3A_1352 = tpu.memref_squeeze %scatter3A_1351 : memref<1x32x8x128xf32, #tpu.memory_space<vmem>> -> memref<32x8x128xf32, #tpu.memory_space<vmem>>
          tpu.vector_store_idx %scatter3A_1352[%and3A_1332, %broadcast_in_dim3A_682, %add3A_1343], %gather3A_1348 : memref<32x8x128xf32, #tpu.memory_space<vmem>>[vector<16xi32>, vector<16xi32>, vector<16xi32>], vector<16xf32>,
        }
        %scan3A_1338 = arith.constant 8 : i32
      }
      %scan3A_701 = arith.constant 32 : i32
      %add3A_702 = arith.constant 4 : i32
      %add3A_703 = arith.addi %add3A_680, %add3A_702 : i32
      %min3A_704 = arith.constant 199 : i32
      %min3A_705 = arith.minsi %add3A_703, %min3A_704 : i32
      %dma_start3A_706 = arith.constant 1 : i32
      %dma_start3A_707 = arith.constant 0 : i32
      %dma_start3A_708 = arith.constant 0 : i32
      %dma_start3A_709 = tpu.memref_slice %arg11[%dma_start3A_706, %dma_start3A_707, %dma_start3A_708] : memref<4x128x32xf32, #tpu.memory_space<vmem>> -> memref<1x128x32xf32, #tpu.memory_space<vmem>>
      %dma_start3A_710 = tpu.memref_squeeze %dma_start3A_709 : memref<1x128x32xf32, #tpu.memory_space<vmem>> -> memref<128x32xf32, #tpu.memory_space<vmem>>
      %dma_start3A_711 = arith.constant 0 : i32
      %dma_start3A_712 = tpu.memref_slice %arg10[%min3A_705, %dma_start3A_711] : memref<200x128xi32, #tpu.memory_space<vmem>> -> memref<1x128xi32, #tpu.memory_space<vmem>>
      %dma_start3A_713 = tpu.memref_squeeze %dma_start3A_712 : memref<1x128xi32, #tpu.memory_space<vmem>> -> memref<128xi32, #tpu.memory_space<vmem>>
      %dma_start3A_714 = arith.constant 0 : i32
      %dma_start3A_715 = arith.constant 0 : i32
      %dma_start3A_716 = tpu.memref_slice %arg4[%dma_start3A_714, %dma_start3A_715] : memref<1000000x32xf32, #tpu.memory_space<hbm>> -> memref<1000000x32xf32, #tpu.memory_space<hbm>>
      tpu.enqueue_indirect_dma source(%dma_start3A_716 : memref<1000000x32xf32, #tpu.memory_space<hbm>>) target(%dma_start3A_710 : memref<128x32xf32, #tpu.memory_space<vmem>>) offsets(%dma_start3A_713 : memref<128xi32, #tpu.memory_space<vmem>>) semaphore(%arg15 : memref<!tpu.dma_semaphore, #tpu.memory_space<semaphore_mem>>)
      %mul3A_717 = arith.constant 8 : i32
      %mul3A_718 = arith.muli %add3A_636, %mul3A_717 : i32
      %add3A_719 = arith.constant 2 : i32
      %add3A_720 = arith.addi %mul3A_718, %add3A_719 : i32
      %broadcast_in_dim3A_721 = arith.constant 2 : i32
      %broadcast_in_dim3A_722 = vector.broadcast %broadcast_in_dim3A_721 : i32 to vector<16xi32>
      %dma_wait3A_723 = arith.constant 0 : i32
      %dma_wait3A_724 = arith.constant 2 : i32
      %dma_wait3A_725 = arith.constant 0 : i32
      %dma_wait3A_726 = arith.constant 0 : i32
      %dma_wait3A_727 = tpu.memref_slice %arg11[%dma_wait3A_724, %dma_wait3A_725, %dma_wait3A_726] : memref<4x128x32xf32, #tpu.memory_space<vmem>> -> memref<1x128x32xf32, #tpu.memory_space<vmem>>
      %dma_wait3A_728 = tpu.memref_squeeze %dma_wait3A_727 : memref<1x128x32xf32, #tpu.memory_space<vmem>> -> memref<128x32xf32, #tpu.memory_space<vmem>>
      %dma_wait3A_729 = arith.constant 0 : i32
      %dma_wait3A_730 = tpu.memref_slice %arg9[%dma_wait3A_723, %dma_wait3A_729] : memref<20x128xi32, #tpu.memory_space<vmem>> -> memref<1x128xi32, #tpu.memory_space<vmem>>
      %dma_wait3A_731 = tpu.memref_squeeze %dma_wait3A_730 : memref<1x128xi32, #tpu.memory_space<vmem>> -> memref<128xi32, #tpu.memory_space<vmem>>
      %dma_wait3A_732 = arith.constant 0 : i32
      %dma_wait3A_733 = arith.constant 0 : i32
      %dma_wait3A_734 = tpu.memref_slice %arg4[%dma_wait3A_732, %dma_wait3A_733] : memref<1000000x32xf32, #tpu.memory_space<hbm>> -> memref<1000000x32xf32, #tpu.memory_space<hbm>>
      tpu.wait_indirect_dma semaphore(%arg16 : memref<!tpu.dma_semaphore, #tpu.memory_space<semaphore_mem>>) src(%dma_wait3A_734 : memref<1000000x32xf32, #tpu.memory_space<hbm>>) dst(%dma_wait3A_728 : memref<128x32xf32, #tpu.memory_space<vmem>>)
      %scan3A_735 = arith.constant 0 : i32
      %scan3A_736 = arith.constant 0 : i32
      %scan3A_737 = arith.constant 0 : i32
      %scan3A_738 = arith.constant 32 : i32
      %scan3A_739 = arith.addi %scan3A_737, %scan3A_738 : i32
      %scan3A_740 = arith.constant 1 : i32
      scf.for %scan3A_1328 = %scan3A_737 to %scan3A_739 step %scan3A_740  : i32 {
        %add3A_1329 = vector.broadcast %scan3A_1328 : i32 to vector<16xi32>
        %add3A_1330 = arith.addi %add3A_1329, %iota3A : vector<16xi32>
        %and3A = arith.constant 31 : i32
        %and3A_1331 = vector.broadcast %and3A : i32 to vector<16xi32>
        %and3A_1332 = arith.andi %add3A_1330, %and3A_1331 : vector<16xi32>
        %scan3A_1333 = arith.constant 0 : i32
        %scan3A_1334 = arith.constant 0 : i32
        %scan3A_1335 = arith.constant 8 : i32
        %scan3A_1336 = arith.addi %scan3A_1334, %scan3A_1335 : i32
        %scan3A_1337 = arith.constant 1 : i32
        scf.for %scan3A_1339 = %scan3A_1334 to %scan3A_1336 step %scan3A_1337  : i32 {
          %mul3A_1340 = arith.constant 16 : i32
          %mul3A_1341 = arith.muli %scan3A_1339, %mul3A_1340 : i32
          %add3A_1342 = vector.broadcast %mul3A_1341 : i32 to vector<16xi32>
          %add3A_1343 = arith.addi %add3A_1342, %iota3A : vector<16xi32>
          %gather3A = arith.constant 2 : i32
          %gather3A_1344 = arith.constant 0 : i32
          %gather3A_1345 = arith.constant 0 : i32
          %gather3A_1346 = tpu.memref_slice %arg11[%gather3A, %gather3A_1344, %gather3A_1345] : memref<4x128x32xf32, #tpu.memory_space<vmem>> -> memref<1x128x32xf32, #tpu.memory_space<vmem>>
          %gather3A_1347 = tpu.memref_squeeze %gather3A_1346 : memref<1x128x32xf32, #tpu.memory_space<vmem>> -> memref<128x32xf32, #tpu.memory_space<vmem>>
          %gather3A_1348 = tpu.vector_load_idx %gather3A_1347[%add3A_1343, %and3A_1332] : memref<128x32xf32, #tpu.memory_space<vmem>>[vector<16xi32>, vector<16xi32>], vector<16xf32>,
          %scatter3A = arith.constant 0 : i32
          %scatter3A_1349 = arith.constant 0 : i32
          %scatter3A_1350 = arith.constant 0 : i32
          %scatter3A_1351 = tpu.memref_slice %arg13[%scan3A_736, %scatter3A, %scatter3A_1349, %scatter3A_1350] : memref<2x32x8x128xf32, #tpu.memory_space<vmem>> -> memref<1x32x8x128xf32, #tpu.memory_space<vmem>>
          %scatter3A_1352 = tpu.memref_squeeze %scatter3A_1351 : memref<1x32x8x128xf32, #tpu.memory_space<vmem>> -> memref<32x8x128xf32, #tpu.memory_space<vmem>>
          tpu.vector_store_idx %scatter3A_1352[%and3A_1332, %broadcast_in_dim3A_722, %add3A_1343], %gather3A_1348 : memref<32x8x128xf32, #tpu.memory_space<vmem>>[vector<16xi32>, vector<16xi32>, vector<16xi32>], vector<16xf32>,
        }
        %scan3A_1338 = arith.constant 8 : i32
      }
      %scan3A_741 = arith.constant 32 : i32
      %add3A_742 = arith.constant 4 : i32
      %add3A_743 = arith.addi %add3A_720, %add3A_742 : i32
      %min3A_744 = arith.constant 199 : i32
      %min3A_745 = arith.minsi %add3A_743, %min3A_744 : i32
      %dma_start3A_746 = arith.constant 2 : i32
      %dma_start3A_747 = arith.constant 0 : i32
      %dma_start3A_748 = arith.constant 0 : i32
      %dma_start3A_749 = tpu.memref_slice %arg11[%dma_start3A_746, %dma_start3A_747, %dma_start3A_748] : memref<4x128x32xf32, #tpu.memory_space<vmem>> -> memref<1x128x32xf32, #tpu.memory_space<vmem>>
      %dma_start3A_750 = tpu.memref_squeeze %dma_start3A_749 : memref<1x128x32xf32, #tpu.memory_space<vmem>> -> memref<128x32xf32, #tpu.memory_space<vmem>>
      %dma_start3A_751 = arith.constant 0 : i32
      %dma_start3A_752 = tpu.memref_slice %arg10[%min3A_745, %dma_start3A_751] : memref<200x128xi32, #tpu.memory_space<vmem>> -> memref<1x128xi32, #tpu.memory_space<vmem>>
      %dma_start3A_753 = tpu.memref_squeeze %dma_start3A_752 : memref<1x128xi32, #tpu.memory_space<vmem>> -> memref<128xi32, #tpu.memory_space<vmem>>
      %dma_start3A_754 = arith.constant 0 : i32
      %dma_start3A_755 = arith.constant 0 : i32
      %dma_start3A_756 = tpu.memref_slice %arg4[%dma_start3A_754, %dma_start3A_755] : memref<1000000x32xf32, #tpu.memory_space<hbm>> -> memref<1000000x32xf32, #tpu.memory_space<hbm>>
      tpu.enqueue_indirect_dma source(%dma_start3A_756 : memref<1000000x32xf32, #tpu.memory_space<hbm>>) target(%dma_start3A_750 : memref<128x32xf32, #tpu.memory_space<vmem>>) offsets(%dma_start3A_753 : memref<128xi32, #tpu.memory_space<vmem>>) semaphore(%arg16 : memref<!tpu.dma_semaphore, #tpu.memory_space<semaphore_mem>>)
      %mul3A_757 = arith.constant 8 : i32
      %mul3A_758 = arith.muli %add3A_636, %mul3A_757 : i32
      %add3A_759 = arith.constant 3 : i32
      %add3A_760 = arith.addi %mul3A_758, %add3A_759 : i32
      %broadcast_in_dim3A_761 = arith.constant 3 : i32
      %broadcast_in_dim3A_762 = vector.broadcast %broadcast_in_dim3A_761 : i32 to vector<16xi32>
      %dma_wait3A_763 = arith.constant 0 : i32
      %dma_wait3A_764 = arith.constant 3 : i32
      %dma_wait3A_765 = arith.constant 0 : i32
      %dma_wait3A_766 = arith.constant 0 : i32
      %dma_wait3A_767 = tpu.memref_slice %arg11[%dma_wait3A_764, %dma_wait3A_765, %dma_wait3A_766] : memref<4x128x32xf32, #tpu.memory_space<vmem>> -> memref<1x128x32xf32, #tpu.memory_space<vmem>>
      %dma_wait3A_768 = tpu.memref_squeeze %dma_wait3A_767 : memref<1x128x32xf32, #tpu.memory_space<vmem>> -> memref<128x32xf32, #tpu.memory_space<vmem>>
      %dma_wait3A_769 = arith.constant 0 : i32
      %dma_wait3A_770 = tpu.memref_slice %arg9[%dma_wait3A_763, %dma_wait3A_769] : memref<20x128xi32, #tpu.memory_space<vmem>> -> memref<1x128xi32, #tpu.memory_space<vmem>>
      %dma_wait3A_771 = tpu.memref_squeeze %dma_wait3A_770 : memref<1x128xi32, #tpu.memory_space<vmem>> -> memref<128xi32, #tpu.memory_space<vmem>>
      %dma_wait3A_772 = arith.constant 0 : i32
      %dma_wait3A_773 = arith.constant 0 : i32
      %dma_wait3A_774 = tpu.memref_slice %arg4[%dma_wait3A_772, %dma_wait3A_773] : memref<1000000x32xf32, #tpu.memory_space<hbm>> -> memref<1000000x32xf32, #tpu.memory_space<hbm>>
      tpu.wait_indirect_dma semaphore(%arg17 : memref<!tpu.dma_semaphore, #tpu.memory_space<semaphore_mem>>) src(%dma_wait3A_774 : memref<1000000x32xf32, #tpu.memory_space<hbm>>) dst(%dma_wait3A_768 : memref<128x32xf32, #tpu.memory_space<vmem>>)
      %scan3A_775 = arith.constant 0 : i32
      %scan3A_776 = arith.constant 0 : i32
      %scan3A_777 = arith.constant 0 : i32
      %scan3A_778 = arith.constant 32 : i32
      %scan3A_779 = arith.addi %scan3A_777, %scan3A_778 : i32
      %scan3A_780 = arith.constant 1 : i32
      scf.for %scan3A_1328 = %scan3A_777 to %scan3A_779 step %scan3A_780  : i32 {
        %add3A_1329 = vector.broadcast %scan3A_1328 : i32 to vector<16xi32>
        %add3A_1330 = arith.addi %add3A_1329, %iota3A : vector<16xi32>
        %and3A = arith.constant 31 : i32
        %and3A_1331 = vector.broadcast %and3A : i32 to vector<16xi32>
        %and3A_1332 = arith.andi %add3A_1330, %and3A_1331 : vector<16xi32>
        %scan3A_1333 = arith.constant 0 : i32
        %scan3A_1334 = arith.constant 0 : i32
        %scan3A_1335 = arith.constant 8 : i32
        %scan3A_1336 = arith.addi %scan3A_1334, %scan3A_1335 : i32
        %scan3A_1337 = arith.constant 1 : i32
        scf.for %scan3A_1339 = %scan3A_1334 to %scan3A_1336 step %scan3A_1337  : i32 {
          %mul3A_1340 = arith.constant 16 : i32
          %mul3A_1341 = arith.muli %scan3A_1339, %mul3A_1340 : i32
          %add3A_1342 = vector.broadcast %mul3A_1341 : i32 to vector<16xi32>
          %add3A_1343 = arith.addi %add3A_1342, %iota3A : vector<16xi32>
          %gather3A = arith.constant 3 : i32
          %gather3A_1344 = arith.constant 0 : i32
          %gather3A_1345 = arith.constant 0 : i32
          %gather3A_1346 = tpu.memref_slice %arg11[%gather3A, %gather3A_1344, %gather3A_1345] : memref<4x128x32xf32, #tpu.memory_space<vmem>> -> memref<1x128x32xf32, #tpu.memory_space<vmem>>
          %gather3A_1347 = tpu.memref_squeeze %gather3A_1346 : memref<1x128x32xf32, #tpu.memory_space<vmem>> -> memref<128x32xf32, #tpu.memory_space<vmem>>
          %gather3A_1348 = tpu.vector_load_idx %gather3A_1347[%add3A_1343, %and3A_1332] : memref<128x32xf32, #tpu.memory_space<vmem>>[vector<16xi32>, vector<16xi32>], vector<16xf32>,
          %scatter3A = arith.constant 0 : i32
          %scatter3A_1349 = arith.constant 0 : i32
          %scatter3A_1350 = arith.constant 0 : i32
          %scatter3A_1351 = tpu.memref_slice %arg13[%scan3A_776, %scatter3A, %scatter3A_1349, %scatter3A_1350] : memref<2x32x8x128xf32, #tpu.memory_space<vmem>> -> memref<1x32x8x128xf32, #tpu.memory_space<vmem>>
          %scatter3A_1352 = tpu.memref_squeeze %scatter3A_1351 : memref<1x32x8x128xf32, #tpu.memory_space<vmem>> -> memref<32x8x128xf32, #tpu.memory_space<vmem>>
          tpu.vector_store_idx %scatter3A_1352[%and3A_1332, %broadcast_in_dim3A_762, %add3A_1343], %gather3A_1348 : memref<32x8x128xf32, #tpu.memory_space<vmem>>[vector<16xi32>, vector<16xi32>, vector<16xi32>], vector<16xf32>,
        }
        %scan3A_1338 = arith.constant 8 : i32
      }
      %scan3A_781 = arith.constant 32 : i32
      %add3A_782 = arith.constant 4 : i32
      %add3A_783 = arith.addi %add3A_760, %add3A_782 : i32
      %min3A_784 = arith.constant 199 : i32
      %min3A_785 = arith.minsi %add3A_783, %min3A_784 : i32
      %dma_start3A_786 = arith.constant 3 : i32
      %dma_start3A_787 = arith.constant 0 : i32
      %dma_start3A_788 = arith.constant 0 : i32
      %dma_start3A_789 = tpu.memref_slice %arg11[%dma_start3A_786, %dma_start3A_787, %dma_start3A_788] : memref<4x128x32xf32, #tpu.memory_space<vmem>> -> memref<1x128x32xf32, #tpu.memory_space<vmem>>
      %dma_start3A_790 = tpu.memref_squeeze %dma_start3A_789 : memref<1x128x32xf32, #tpu.memory_space<vmem>> -> memref<128x32xf32, #tpu.memory_space<vmem>>
      %dma_start3A_791 = arith.constant 0 : i32
      %dma_start3A_792 = tpu.memref_slice %arg10[%min3A_785, %dma_start3A_791] : memref<200x128xi32, #tpu.memory_space<vmem>> -> memref<1x128xi32, #tpu.memory_space<vmem>>
      %dma_start3A_793 = tpu.memref_squeeze %dma_start3A_792 : memref<1x128xi32, #tpu.memory_space<vmem>> -> memref<128xi32, #tpu.memory_space<vmem>>
      %dma_start3A_794 = arith.constant 0 : i32
      %dma_start3A_795 = arith.constant 0 : i32
      %dma_start3A_796 = tpu.memref_slice %arg4[%dma_start3A_794, %dma_start3A_795] : memref<1000000x32xf32, #tpu.memory_space<hbm>> -> memref<1000000x32xf32, #tpu.memory_space<hbm>>
      tpu.enqueue_indirect_dma source(%dma_start3A_796 : memref<1000000x32xf32, #tpu.memory_space<hbm>>) target(%dma_start3A_790 : memref<128x32xf32, #tpu.memory_space<vmem>>) offsets(%dma_start3A_793 : memref<128xi32, #tpu.memory_space<vmem>>) semaphore(%arg17 : memref<!tpu.dma_semaphore, #tpu.memory_space<semaphore_mem>>)
      %mul3A_797 = arith.constant 8 : i32
      %mul3A_798 = arith.muli %add3A_636, %mul3A_797 : i32
      %add3A_799 = arith.constant 4 : i32
      %add3A_800 = arith.addi %mul3A_798, %add3A_799 : i32
      %broadcast_in_dim3A_801 = arith.constant 4 : i32
      %broadcast_in_dim3A_802 = vector.broadcast %broadcast_in_dim3A_801 : i32 to vector<16xi32>
      %dma_wait3A_803 = arith.constant 0 : i32
      %dma_wait3A_804 = arith.constant 0 : i32
      %dma_wait3A_805 = arith.constant 0 : i32
      %dma_wait3A_806 = arith.constant 0 : i32
      %dma_wait3A_807 = tpu.memref_slice %arg11[%dma_wait3A_804, %dma_wait3A_805, %dma_wait3A_806] : memref<4x128x32xf32, #tpu.memory_space<vmem>> -> memref<1x128x32xf32, #tpu.memory_space<vmem>>
      %dma_wait3A_808 = tpu.memref_squeeze %dma_wait3A_807 : memref<1x128x32xf32, #tpu.memory_space<vmem>> -> memref<128x32xf32, #tpu.memory_space<vmem>>
      %dma_wait3A_809 = arith.constant 0 : i32
      %dma_wait3A_810 = tpu.memref_slice %arg9[%dma_wait3A_803, %dma_wait3A_809] : memref<20x128xi32, #tpu.memory_space<vmem>> -> memref<1x128xi32, #tpu.memory_space<vmem>>
      %dma_wait3A_811 = tpu.memref_squeeze %dma_wait3A_810 : memref<1x128xi32, #tpu.memory_space<vmem>> -> memref<128xi32, #tpu.memory_space<vmem>>
      %dma_wait3A_812 = arith.constant 0 : i32
      %dma_wait3A_813 = arith.constant 0 : i32
      %dma_wait3A_814 = tpu.memref_slice %arg4[%dma_wait3A_812, %dma_wait3A_813] : memref<1000000x32xf32, #tpu.memory_space<hbm>> -> memref<1000000x32xf32, #tpu.memory_space<hbm>>
      tpu.wait_indirect_dma semaphore(%arg14 : memref<!tpu.dma_semaphore, #tpu.memory_space<semaphore_mem>>) src(%dma_wait3A_814 : memref<1000000x32xf32, #tpu.memory_space<hbm>>) dst(%dma_wait3A_808 : memref<128x32xf32, #tpu.memory_space<vmem>>)
      %scan3A_815 = arith.constant 0 : i32
      %scan3A_816 = arith.constant 0 : i32
      %scan3A_817 = arith.constant 0 : i32
      %scan3A_818 = arith.constant 32 : i32
      %scan3A_819 = arith.addi %scan3A_817, %scan3A_818 : i32
      %scan3A_820 = arith.constant 1 : i32
      scf.for %scan3A_1328 = %scan3A_817 to %scan3A_819 step %scan3A_820  : i32 {
        %add3A_1329 = vector.broadcast %scan3A_1328 : i32 to vector<16xi32>
        %add3A_1330 = arith.addi %add3A_1329, %iota3A : vector<16xi32>
        %and3A = arith.constant 31 : i32
        %and3A_1331 = vector.broadcast %and3A : i32 to vector<16xi32>
        %and3A_1332 = arith.andi %add3A_1330, %and3A_1331 : vector<16xi32>
        %scan3A_1333 = arith.constant 0 : i32
        %scan3A_1334 = arith.constant 0 : i32
        %scan3A_1335 = arith.constant 8 : i32
        %scan3A_1336 = arith.addi %scan3A_1334, %scan3A_1335 : i32
        %scan3A_1337 = arith.constant 1 : i32
        scf.for %scan3A_1339 = %scan3A_1334 to %scan3A_1336 step %scan3A_1337  : i32 {
          %mul3A_1340 = arith.constant 16 : i32
          %mul3A_1341 = arith.muli %scan3A_1339, %mul3A_1340 : i32
          %add3A_1342 = vector.broadcast %mul3A_1341 : i32 to vector<16xi32>
          %add3A_1343 = arith.addi %add3A_1342, %iota3A : vector<16xi32>
          %gather3A = arith.constant 0 : i32
          %gather3A_1344 = arith.constant 0 : i32
          %gather3A_1345 = arith.constant 0 : i32
          %gather3A_1346 = tpu.memref_slice %arg11[%gather3A, %gather3A_1344, %gather3A_1345] : memref<4x128x32xf32, #tpu.memory_space<vmem>> -> memref<1x128x32xf32, #tpu.memory_space<vmem>>
          %gather3A_1347 = tpu.memref_squeeze %gather3A_1346 : memref<1x128x32xf32, #tpu.memory_space<vmem>> -> memref<128x32xf32, #tpu.memory_space<vmem>>
          %gather3A_1348 = tpu.vector_load_idx %gather3A_1347[%add3A_1343, %and3A_1332] : memref<128x32xf32, #tpu.memory_space<vmem>>[vector<16xi32>, vector<16xi32>], vector<16xf32>,
          %scatter3A = arith.constant 0 : i32
          %scatter3A_1349 = arith.constant 0 : i32
          %scatter3A_1350 = arith.constant 0 : i32
          %scatter3A_1351 = tpu.memref_slice %arg13[%scan3A_816, %scatter3A, %scatter3A_1349, %scatter3A_1350] : memref<2x32x8x128xf32, #tpu.memory_space<vmem>> -> memref<1x32x8x128xf32, #tpu.memory_space<vmem>>
          %scatter3A_1352 = tpu.memref_squeeze %scatter3A_1351 : memref<1x32x8x128xf32, #tpu.memory_space<vmem>> -> memref<32x8x128xf32, #tpu.memory_space<vmem>>
          tpu.vector_store_idx %scatter3A_1352[%and3A_1332, %broadcast_in_dim3A_802, %add3A_1343], %gather3A_1348 : memref<32x8x128xf32, #tpu.memory_space<vmem>>[vector<16xi32>, vector<16xi32>, vector<16xi32>], vector<16xf32>,
        }
        %scan3A_1338 = arith.constant 8 : i32
      }
      %scan3A_821 = arith.constant 32 : i32
      %add3A_822 = arith.constant 4 : i32
      %add3A_823 = arith.addi %add3A_800, %add3A_822 : i32
      %min3A_824 = arith.constant 199 : i32
      %min3A_825 = arith.minsi %add3A_823, %min3A_824 : i32
      %dma_start3A_826 = arith.constant 0 : i32
      %dma_start3A_827 = arith.constant 0 : i32
      %dma_start3A_828 = arith.constant 0 : i32
      %dma_start3A_829 = tpu.memref_slice %arg11[%dma_start3A_826, %dma_start3A_827, %dma_start3A_828] : memref<4x128x32xf32, #tpu.memory_space<vmem>> -> memref<1x128x32xf32, #tpu.memory_space<vmem>>
      %dma_start3A_830 = tpu.memref_squeeze %dma_start3A_829 : memref<1x128x32xf32, #tpu.memory_space<vmem>> -> memref<128x32xf32, #tpu.memory_space<vmem>>
      %dma_start3A_831 = arith.constant 0 : i32
      %dma_start3A_832 = tpu.memref_slice %arg10[%min3A_825, %dma_start3A_831] : memref<200x128xi32, #tpu.memory_space<vmem>> -> memref<1x128xi32, #tpu.memory_space<vmem>>
      %dma_start3A_833 = tpu.memref_squeeze %dma_start3A_832 : memref<1x128xi32, #tpu.memory_space<vmem>> -> memref<128xi32, #tpu.memory_space<vmem>>
      %dma_start3A_834 = arith.constant 0 : i32
      %dma_start3A_835 = arith.constant 0 : i32
      %dma_start3A_836 = tpu.memref_slice %arg4[%dma_start3A_834, %dma_start3A_835] : memref<1000000x32xf32, #tpu.memory_space<hbm>> -> memref<1000000x32xf32, #tpu.memory_space<hbm>>
      tpu.enqueue_indirect_dma source(%dma_start3A_836 : memref<1000000x32xf32, #tpu.memory_space<hbm>>) target(%dma_start3A_830 : memref<128x32xf32, #tpu.memory_space<vmem>>) offsets(%dma_start3A_833 : memref<128xi32, #tpu.memory_space<vmem>>) semaphore(%arg14 : memref<!tpu.dma_semaphore, #tpu.memory_space<semaphore_mem>>)
      %mul3A_837 = arith.constant 8 : i32
      %mul3A_838 = arith.muli %add3A_636, %mul3A_837 : i32
      %add3A_839 = arith.constant 5 : i32
      %add3A_840 = arith.addi %mul3A_838, %add3A_839 : i32
      %broadcast_in_dim3A_841 = arith.constant 5 : i32
      %broadcast_in_dim3A_842 = vector.broadcast %broadcast_in_dim3A_841 : i32 to vector<16xi32>
      %dma_wait3A_843 = arith.constant 0 : i32
      %dma_wait3A_844 = arith.constant 1 : i32
      %dma_wait3A_845 = arith.constant 0 : i32
      %dma_wait3A_846 = arith.constant 0 : i32
      %dma_wait3A_847 = tpu.memref_slice %arg11[%dma_wait3A_844, %dma_wait3A_845, %dma_wait3A_846] : memref<4x128x32xf32, #tpu.memory_space<vmem>> -> memref<1x128x32xf32, #tpu.memory_space<vmem>>
      %dma_wait3A_848 = tpu.memref_squeeze %dma_wait3A_847 : memref<1x128x32xf32, #tpu.memory_space<vmem>> -> memref<128x32xf32, #tpu.memory_space<vmem>>
      %dma_wait3A_849 = arith.constant 0 : i32
      %dma_wait3A_850 = tpu.memref_slice %arg9[%dma_wait3A_843, %dma_wait3A_849] : memref<20x128xi32, #tpu.memory_space<vmem>> -> memref<1x128xi32, #tpu.memory_space<vmem>>
      %dma_wait3A_851 = tpu.memref_squeeze %dma_wait3A_850 : memref<1x128xi32, #tpu.memory_space<vmem>> -> memref<128xi32, #tpu.memory_space<vmem>>
      %dma_wait3A_852 = arith.constant 0 : i32
      %dma_wait3A_853 = arith.constant 0 : i32
      %dma_wait3A_854 = tpu.memref_slice %arg4[%dma_wait3A_852, %dma_wait3A_853] : memref<1000000x32xf32, #tpu.memory_space<hbm>> -> memref<1000000x32xf32, #tpu.memory_space<hbm>>
      tpu.wait_indirect_dma semaphore(%arg15 : memref<!tpu.dma_semaphore, #tpu.memory_space<semaphore_mem>>) src(%dma_wait3A_854 : memref<1000000x32xf32, #tpu.memory_space<hbm>>) dst(%dma_wait3A_848 : memref<128x32xf32, #tpu.memory_space<vmem>>)
      %scan3A_855 = arith.constant 0 : i32
      %scan3A_856 = arith.constant 0 : i32
      %scan3A_857 = arith.constant 0 : i32
      %scan3A_858 = arith.constant 32 : i32
      %scan3A_859 = arith.addi %scan3A_857, %scan3A_858 : i32
      %scan3A_860 = arith.constant 1 : i32
      scf.for %scan3A_1328 = %scan3A_857 to %scan3A_859 step %scan3A_860  : i32 {
        %add3A_1329 = vector.broadcast %scan3A_1328 : i32 to vector<16xi32>
        %add3A_1330 = arith.addi %add3A_1329, %iota3A : vector<16xi32>
        %and3A = arith.constant 31 : i32
        %and3A_1331 = vector.broadcast %and3A : i32 to vector<16xi32>
        %and3A_1332 = arith.andi %add3A_1330, %and3A_1331 : vector<16xi32>
        %scan3A_1333 = arith.constant 0 : i32
        %scan3A_1334 = arith.constant 0 : i32
        %scan3A_1335 = arith.constant 8 : i32
        %scan3A_1336 = arith.addi %scan3A_1334, %scan3A_1335 : i32
        %scan3A_1337 = arith.constant 1 : i32
        scf.for %scan3A_1339 = %scan3A_1334 to %scan3A_1336 step %scan3A_1337  : i32 {
          %mul3A_1340 = arith.constant 16 : i32
          %mul3A_1341 = arith.muli %scan3A_1339, %mul3A_1340 : i32
          %add3A_1342 = vector.broadcast %mul3A_1341 : i32 to vector<16xi32>
          %add3A_1343 = arith.addi %add3A_1342, %iota3A : vector<16xi32>
          %gather3A = arith.constant 1 : i32
          %gather3A_1344 = arith.constant 0 : i32
          %gather3A_1345 = arith.constant 0 : i32
          %gather3A_1346 = tpu.memref_slice %arg11[%gather3A, %gather3A_1344, %gather3A_1345] : memref<4x128x32xf32, #tpu.memory_space<vmem>> -> memref<1x128x32xf32, #tpu.memory_space<vmem>>
          %gather3A_1347 = tpu.memref_squeeze %gather3A_1346 : memref<1x128x32xf32, #tpu.memory_space<vmem>> -> memref<128x32xf32, #tpu.memory_space<vmem>>
          %gather3A_1348 = tpu.vector_load_idx %gather3A_1347[%add3A_1343, %and3A_1332] : memref<128x32xf32, #tpu.memory_space<vmem>>[vector<16xi32>, vector<16xi32>], vector<16xf32>,
          %scatter3A = arith.constant 0 : i32
          %scatter3A_1349 = arith.constant 0 : i32
          %scatter3A_1350 = arith.constant 0 : i32
          %scatter3A_1351 = tpu.memref_slice %arg13[%scan3A_856, %scatter3A, %scatter3A_1349, %scatter3A_1350] : memref<2x32x8x128xf32, #tpu.memory_space<vmem>> -> memref<1x32x8x128xf32, #tpu.memory_space<vmem>>
          %scatter3A_1352 = tpu.memref_squeeze %scatter3A_1351 : memref<1x32x8x128xf32, #tpu.memory_space<vmem>> -> memref<32x8x128xf32, #tpu.memory_space<vmem>>
          tpu.vector_store_idx %scatter3A_1352[%and3A_1332, %broadcast_in_dim3A_842, %add3A_1343], %gather3A_1348 : memref<32x8x128xf32, #tpu.memory_space<vmem>>[vector<16xi32>, vector<16xi32>, vector<16xi32>], vector<16xf32>,
        }
        %scan3A_1338 = arith.constant 8 : i32
      }
      %scan3A_861 = arith.constant 32 : i32
      %add3A_862 = arith.constant 4 : i32
      %add3A_863 = arith.addi %add3A_840, %add3A_862 : i32
      %min3A_864 = arith.constant 199 : i32
      %min3A_865 = arith.minsi %add3A_863, %min3A_864 : i32
      %dma_start3A_866 = arith.constant 1 : i32
      %dma_start3A_867 = arith.constant 0 : i32
      %dma_start3A_868 = arith.constant 0 : i32
      %dma_start3A_869 = tpu.memref_slice %arg11[%dma_start3A_866, %dma_start3A_867, %dma_start3A_868] : memref<4x128x32xf32, #tpu.memory_space<vmem>> -> memref<1x128x32xf32, #tpu.memory_space<vmem>>
      %dma_start3A_870 = tpu.memref_squeeze %dma_start3A_869 : memref<1x128x32xf32, #tpu.memory_space<vmem>> -> memref<128x32xf32, #tpu.memory_space<vmem>>
      %dma_start3A_871 = arith.constant 0 : i32
      %dma_start3A_872 = tpu.memref_slice %arg10[%min3A_865, %dma_start3A_871] : memref<200x128xi32, #tpu.memory_space<vmem>> -> memref<1x128xi32, #tpu.memory_space<vmem>>
      %dma_start3A_873 = tpu.memref_squeeze %dma_start3A_872 : memref<1x128xi32, #tpu.memory_space<vmem>> -> memref<128xi32, #tpu.memory_space<vmem>>
      %dma_start3A_874 = arith.constant 0 : i32
      %dma_start3A_875 = arith.constant 0 : i32
      %dma_start3A_876 = tpu.memref_slice %arg4[%dma_start3A_874, %dma_start3A_875] : memref<1000000x32xf32, #tpu.memory_space<hbm>> -> memref<1000000x32xf32, #tpu.memory_space<hbm>>
      tpu.enqueue_indirect_dma source(%dma_start3A_876 : memref<1000000x32xf32, #tpu.memory_space<hbm>>) target(%dma_start3A_870 : memref<128x32xf32, #tpu.memory_space<vmem>>) offsets(%dma_start3A_873 : memref<128xi32, #tpu.memory_space<vmem>>) semaphore(%arg15 : memref<!tpu.dma_semaphore, #tpu.memory_space<semaphore_mem>>)
      %mul3A_877 = arith.constant 8 : i32
      %mul3A_878 = arith.muli %add3A_636, %mul3A_877 : i32
      %add3A_879 = arith.constant 6 : i32
      %add3A_880 = arith.addi %mul3A_878, %add3A_879 : i32
      %broadcast_in_dim3A_881 = arith.constant 6 : i32
      %broadcast_in_dim3A_882 = vector.broadcast %broadcast_in_dim3A_881 : i32 to vector<16xi32>
      %dma_wait3A_883 = arith.constant 0 : i32
      %dma_wait3A_884 = arith.constant 2 : i32
      %dma_wait3A_885 = arith.constant 0 : i32
      %dma_wait3A_886 = arith.constant 0 : i32
      %dma_wait3A_887 = tpu.memref_slice %arg11[%dma_wait3A_884, %dma_wait3A_885, %dma_wait3A_886] : memref<4x128x32xf32, #tpu.memory_space<vmem>> -> memref<1x128x32xf32, #tpu.memory_space<vmem>>
      %dma_wait3A_888 = tpu.memref_squeeze %dma_wait3A_887 : memref<1x128x32xf32, #tpu.memory_space<vmem>> -> memref<128x32xf32, #tpu.memory_space<vmem>>
      %dma_wait3A_889 = arith.constant 0 : i32
      %dma_wait3A_890 = tpu.memref_slice %arg9[%dma_wait3A_883, %dma_wait3A_889] : memref<20x128xi32, #tpu.memory_space<vmem>> -> memref<1x128xi32, #tpu.memory_space<vmem>>
      %dma_wait3A_891 = tpu.memref_squeeze %dma_wait3A_890 : memref<1x128xi32, #tpu.memory_space<vmem>> -> memref<128xi32, #tpu.memory_space<vmem>>
      %dma_wait3A_892 = arith.constant 0 : i32
      %dma_wait3A_893 = arith.constant 0 : i32
      %dma_wait3A_894 = tpu.memref_slice %arg4[%dma_wait3A_892, %dma_wait3A_893] : memref<1000000x32xf32, #tpu.memory_space<hbm>> -> memref<1000000x32xf32, #tpu.memory_space<hbm>>
      tpu.wait_indirect_dma semaphore(%arg16 : memref<!tpu.dma_semaphore, #tpu.memory_space<semaphore_mem>>) src(%dma_wait3A_894 : memref<1000000x32xf32, #tpu.memory_space<hbm>>) dst(%dma_wait3A_888 : memref<128x32xf32, #tpu.memory_space<vmem>>)
      %scan3A_895 = arith.constant 0 : i32
      %scan3A_896 = arith.constant 0 : i32
      %scan3A_897 = arith.constant 0 : i32
      %scan3A_898 = arith.constant 32 : i32
      %scan3A_899 = arith.addi %scan3A_897, %scan3A_898 : i32
      %scan3A_900 = arith.constant 1 : i32
      scf.for %scan3A_1328 = %scan3A_897 to %scan3A_899 step %scan3A_900  : i32 {
        %add3A_1329 = vector.broadcast %scan3A_1328 : i32 to vector<16xi32>
        %add3A_1330 = arith.addi %add3A_1329, %iota3A : vector<16xi32>
        %and3A = arith.constant 31 : i32
        %and3A_1331 = vector.broadcast %and3A : i32 to vector<16xi32>
        %and3A_1332 = arith.andi %add3A_1330, %and3A_1331 : vector<16xi32>
        %scan3A_1333 = arith.constant 0 : i32
        %scan3A_1334 = arith.constant 0 : i32
        %scan3A_1335 = arith.constant 8 : i32
        %scan3A_1336 = arith.addi %scan3A_1334, %scan3A_1335 : i32
        %scan3A_1337 = arith.constant 1 : i32
        scf.for %scan3A_1339 = %scan3A_1334 to %scan3A_1336 step %scan3A_1337  : i32 {
          %mul3A_1340 = arith.constant 16 : i32
          %mul3A_1341 = arith.muli %scan3A_1339, %mul3A_1340 : i32
          %add3A_1342 = vector.broadcast %mul3A_1341 : i32 to vector<16xi32>
          %add3A_1343 = arith.addi %add3A_1342, %iota3A : vector<16xi32>
          %gather3A = arith.constant 2 : i32
          %gather3A_1344 = arith.constant 0 : i32
          %gather3A_1345 = arith.constant 0 : i32
          %gather3A_1346 = tpu.memref_slice %arg11[%gather3A, %gather3A_1344, %gather3A_1345] : memref<4x128x32xf32, #tpu.memory_space<vmem>> -> memref<1x128x32xf32, #tpu.memory_space<vmem>>
          %gather3A_1347 = tpu.memref_squeeze %gather3A_1346 : memref<1x128x32xf32, #tpu.memory_space<vmem>> -> memref<128x32xf32, #tpu.memory_space<vmem>>
          %gather3A_1348 = tpu.vector_load_idx %gather3A_1347[%add3A_1343, %and3A_1332] : memref<128x32xf32, #tpu.memory_space<vmem>>[vector<16xi32>, vector<16xi32>], vector<16xf32>,
          %scatter3A = arith.constant 0 : i32
          %scatter3A_1349 = arith.constant 0 : i32
          %scatter3A_1350 = arith.constant 0 : i32
          %scatter3A_1351 = tpu.memref_slice %arg13[%scan3A_896, %scatter3A, %scatter3A_1349, %scatter3A_1350] : memref<2x32x8x128xf32, #tpu.memory_space<vmem>> -> memref<1x32x8x128xf32, #tpu.memory_space<vmem>>
          %scatter3A_1352 = tpu.memref_squeeze %scatter3A_1351 : memref<1x32x8x128xf32, #tpu.memory_space<vmem>> -> memref<32x8x128xf32, #tpu.memory_space<vmem>>
          tpu.vector_store_idx %scatter3A_1352[%and3A_1332, %broadcast_in_dim3A_882, %add3A_1343], %gather3A_1348 : memref<32x8x128xf32, #tpu.memory_space<vmem>>[vector<16xi32>, vector<16xi32>, vector<16xi32>], vector<16xf32>,
        }
        %scan3A_1338 = arith.constant 8 : i32
      }
      %scan3A_901 = arith.constant 32 : i32
      %add3A_902 = arith.constant 4 : i32
      %add3A_903 = arith.addi %add3A_880, %add3A_902 : i32
      %min3A_904 = arith.constant 199 : i32
      %min3A_905 = arith.minsi %add3A_903, %min3A_904 : i32
      %dma_start3A_906 = arith.constant 2 : i32
      %dma_start3A_907 = arith.constant 0 : i32
      %dma_start3A_908 = arith.constant 0 : i32
      %dma_start3A_909 = tpu.memref_slice %arg11[%dma_start3A_906, %dma_start3A_907, %dma_start3A_908] : memref<4x128x32xf32, #tpu.memory_space<vmem>> -> memref<1x128x32xf32, #tpu.memory_space<vmem>>
      %dma_start3A_910 = tpu.memref_squeeze %dma_start3A_909 : memref<1x128x32xf32, #tpu.memory_space<vmem>> -> memref<128x32xf32, #tpu.memory_space<vmem>>
      %dma_start3A_911 = arith.constant 0 : i32
      %dma_start3A_912 = tpu.memref_slice %arg10[%min3A_905, %dma_start3A_911] : memref<200x128xi32, #tpu.memory_space<vmem>> -> memref<1x128xi32, #tpu.memory_space<vmem>>
      %dma_start3A_913 = tpu.memref_squeeze %dma_start3A_912 : memref<1x128xi32, #tpu.memory_space<vmem>> -> memref<128xi32, #tpu.memory_space<vmem>>
      %dma_start3A_914 = arith.constant 0 : i32
      %dma_start3A_915 = arith.constant 0 : i32
      %dma_start3A_916 = tpu.memref_slice %arg4[%dma_start3A_914, %dma_start3A_915] : memref<1000000x32xf32, #tpu.memory_space<hbm>> -> memref<1000000x32xf32, #tpu.memory_space<hbm>>
      tpu.enqueue_indirect_dma source(%dma_start3A_916 : memref<1000000x32xf32, #tpu.memory_space<hbm>>) target(%dma_start3A_910 : memref<128x32xf32, #tpu.memory_space<vmem>>) offsets(%dma_start3A_913 : memref<128xi32, #tpu.memory_space<vmem>>) semaphore(%arg16 : memref<!tpu.dma_semaphore, #tpu.memory_space<semaphore_mem>>)
      %mul3A_917 = arith.constant 8 : i32
      %mul3A_918 = arith.muli %add3A_636, %mul3A_917 : i32
      %add3A_919 = arith.constant 7 : i32
      %add3A_920 = arith.addi %mul3A_918, %add3A_919 : i32
      %broadcast_in_dim3A_921 = arith.constant 7 : i32
      %broadcast_in_dim3A_922 = vector.broadcast %broadcast_in_dim3A_921 : i32 to vector<16xi32>
      %dma_wait3A_923 = arith.constant 0 : i32
      %dma_wait3A_924 = arith.constant 3 : i32
      %dma_wait3A_925 = arith.constant 0 : i32
      %dma_wait3A_926 = arith.constant 0 : i32
      %dma_wait3A_927 = tpu.memref_slice %arg11[%dma_wait3A_924, %dma_wait3A_925, %dma_wait3A_926] : memref<4x128x32xf32, #tpu.memory_space<vmem>> -> memref<1x128x32xf32, #tpu.memory_space<vmem>>
      %dma_wait3A_928 = tpu.memref_squeeze %dma_wait3A_927 : memref<1x128x32xf32, #tpu.memory_space<vmem>> -> memref<128x32xf32, #tpu.memory_space<vmem>>
      %dma_wait3A_929 = arith.constant 0 : i32
      %dma_wait3A_930 = tpu.memref_slice %arg9[%dma_wait3A_923, %dma_wait3A_929] : memref<20x128xi32, #tpu.memory_space<vmem>> -> memref<1x128xi32, #tpu.memory_space<vmem>>
      %dma_wait3A_931 = tpu.memref_squeeze %dma_wait3A_930 : memref<1x128xi32, #tpu.memory_space<vmem>> -> memref<128xi32, #tpu.memory_space<vmem>>
      %dma_wait3A_932 = arith.constant 0 : i32
      %dma_wait3A_933 = arith.constant 0 : i32
      %dma_wait3A_934 = tpu.memref_slice %arg4[%dma_wait3A_932, %dma_wait3A_933] : memref<1000000x32xf32, #tpu.memory_space<hbm>> -> memref<1000000x32xf32, #tpu.memory_space<hbm>>
      tpu.wait_indirect_dma semaphore(%arg17 : memref<!tpu.dma_semaphore, #tpu.memory_space<semaphore_mem>>) src(%dma_wait3A_934 : memref<1000000x32xf32, #tpu.memory_space<hbm>>) dst(%dma_wait3A_928 : memref<128x32xf32, #tpu.memory_space<vmem>>)
      %scan3A_935 = arith.constant 0 : i32
      %scan3A_936 = arith.constant 0 : i32
      %scan3A_937 = arith.constant 0 : i32
      %scan3A_938 = arith.constant 32 : i32
      %scan3A_939 = arith.addi %scan3A_937, %scan3A_938 : i32
      %scan3A_940 = arith.constant 1 : i32
      scf.for %scan3A_1328 = %scan3A_937 to %scan3A_939 step %scan3A_940  : i32 {
        %add3A_1329 = vector.broadcast %scan3A_1328 : i32 to vector<16xi32>
        %add3A_1330 = arith.addi %add3A_1329, %iota3A : vector<16xi32>
        %and3A = arith.constant 31 : i32
        %and3A_1331 = vector.broadcast %and3A : i32 to vector<16xi32>
        %and3A_1332 = arith.andi %add3A_1330, %and3A_1331 : vector<16xi32>
        %scan3A_1333 = arith.constant 0 : i32
        %scan3A_1334 = arith.constant 0 : i32
        %scan3A_1335 = arith.constant 8 : i32
        %scan3A_1336 = arith.addi %scan3A_1334, %scan3A_1335 : i32
        %scan3A_1337 = arith.constant 1 : i32
        scf.for %scan3A_1339 = %scan3A_1334 to %scan3A_1336 step %scan3A_1337  : i32 {
          %mul3A_1340 = arith.constant 16 : i32
          %mul3A_1341 = arith.muli %scan3A_1339, %mul3A_1340 : i32
          %add3A_1342 = vector.broadcast %mul3A_1341 : i32 to vector<16xi32>
          %add3A_1343 = arith.addi %add3A_1342, %iota3A : vector<16xi32>
          %gather3A = arith.constant 3 : i32
          %gather3A_1344 = arith.constant 0 : i32
          %gather3A_1345 = arith.constant 0 : i32
          %gather3A_1346 = tpu.memref_slice %arg11[%gather3A, %gather3A_1344, %gather3A_1345] : memref<4x128x32xf32, #tpu.memory_space<vmem>> -> memref<1x128x32xf32, #tpu.memory_space<vmem>>
          %gather3A_1347 = tpu.memref_squeeze %gather3A_1346 : memref<1x128x32xf32, #tpu.memory_space<vmem>> -> memref<128x32xf32, #tpu.memory_space<vmem>>
          %gather3A_1348 = tpu.vector_load_idx %gather3A_1347[%add3A_1343, %and3A_1332] : memref<128x32xf32, #tpu.memory_space<vmem>>[vector<16xi32>, vector<16xi32>], vector<16xf32>,
          %scatter3A = arith.constant 0 : i32
          %scatter3A_1349 = arith.constant 0 : i32
          %scatter3A_1350 = arith.constant 0 : i32
          %scatter3A_1351 = tpu.memref_slice %arg13[%scan3A_936, %scatter3A, %scatter3A_1349, %scatter3A_1350] : memref<2x32x8x128xf32, #tpu.memory_space<vmem>> -> memref<1x32x8x128xf32, #tpu.memory_space<vmem>>
          %scatter3A_1352 = tpu.memref_squeeze %scatter3A_1351 : memref<1x32x8x128xf32, #tpu.memory_space<vmem>> -> memref<32x8x128xf32, #tpu.memory_space<vmem>>
          tpu.vector_store_idx %scatter3A_1352[%and3A_1332, %broadcast_in_dim3A_922, %add3A_1343], %gather3A_1348 : memref<32x8x128xf32, #tpu.memory_space<vmem>>[vector<16xi32>, vector<16xi32>, vector<16xi32>], vector<16xf32>,
        }
        %scan3A_1338 = arith.constant 8 : i32
      }
      %scan3A_941 = arith.constant 32 : i32
      %add3A_942 = arith.constant 4 : i32
      %add3A_943 = arith.addi %add3A_920, %add3A_942 : i32
      %min3A_944 = arith.constant 199 : i32
      %min3A_945 = arith.minsi %add3A_943, %min3A_944 : i32
      %dma_start3A_946 = arith.constant 3 : i32
      %dma_start3A_947 = arith.constant 0 : i32
      %dma_start3A_948 = arith.constant 0 : i32
      %dma_start3A_949 = tpu.memref_slice %arg11[%dma_start3A_946, %dma_start3A_947, %dma_start3A_948] : memref<4x128x32xf32, #tpu.memory_space<vmem>> -> memref<1x128x32xf32, #tpu.memory_space<vmem>>
      %dma_start3A_950 = tpu.memref_squeeze %dma_start3A_949 : memref<1x128x32xf32, #tpu.memory_space<vmem>> -> memref<128x32xf32, #tpu.memory_space<vmem>>
      %dma_start3A_951 = arith.constant 0 : i32
      %dma_start3A_952 = tpu.memref_slice %arg10[%min3A_945, %dma_start3A_951] : memref<200x128xi32, #tpu.memory_space<vmem>> -> memref<1x128xi32, #tpu.memory_space<vmem>>
      %dma_start3A_953 = tpu.memref_squeeze %dma_start3A_952 : memref<1x128xi32, #tpu.memory_space<vmem>> -> memref<128xi32, #tpu.memory_space<vmem>>
      %dma_start3A_954 = arith.constant 0 : i32
      %dma_start3A_955 = arith.constant 0 : i32
      %dma_start3A_956 = tpu.memref_slice %arg4[%dma_start3A_954, %dma_start3A_955] : memref<1000000x32xf32, #tpu.memory_space<hbm>> -> memref<1000000x32xf32, #tpu.memory_space<hbm>>
      tpu.enqueue_indirect_dma source(%dma_start3A_956 : memref<1000000x32xf32, #tpu.memory_space<hbm>>) target(%dma_start3A_950 : memref<128x32xf32, #tpu.memory_space<vmem>>) offsets(%dma_start3A_953 : memref<128xi32, #tpu.memory_space<vmem>>) semaphore(%arg17 : memref<!tpu.dma_semaphore, #tpu.memory_space<semaphore_mem>>)
      %dma_start3A_957 = arith.constant 0 : i32
      %dma_start3A_958 = arith.constant 0 : i32
      %dma_start3A_959 = arith.constant 0 : i32
      %dma_start3A_960 = arith.constant 0 : i32
      %dma_start3A_961 = tpu.memref_slice %arg13[%dma_start3A_957, %dma_start3A_958, %dma_start3A_959, %dma_start3A_960] : memref<2x32x8x128xf32, #tpu.memory_space<vmem>> -> memref<1x32x8x128xf32, #tpu.memory_space<vmem>>
      %dma_start3A_962 = tpu.memref_squeeze %dma_start3A_961 : memref<1x32x8x128xf32, #tpu.memory_space<vmem>> -> memref<32x8x128xf32, #tpu.memory_space<vmem>>
      %dma_start3A_963 = arith.constant 0 : i32
      %dma_start3A_964 = arith.constant 0 : i32
      %dma_start3A_965 = arith.constant 0 : i32
      %dma_start3A_966 = tpu.memref_slice %arg6[%dma_start3A_963, %add3A_636, %add3A, %dma_start3A_964, %dma_start3A_965] : memref<32x25x32x8x128xf32, #tpu.memory_space<hbm>> -> memref<32x1x1x8x128xf32, #tpu.memory_space<hbm>>
      %dma_start3A_967 = tpu.memref_squeeze %dma_start3A_966 : memref<32x1x1x8x128xf32, #tpu.memory_space<hbm>> -> memref<32x8x128xf32, #tpu.memory_space<hbm>>
      %dma_start3A_968 = arith.constant 0 : i32
      %dma_start3A_969 = arith.constant 0 : i32
      %dma_start3A_970 = arith.constant 0 : i32
      %dma_start3A_971 = tpu.memref_slice %arg6[%dma_start3A_968, %add3A_636, %add3A, %dma_start3A_969, %dma_start3A_970] : memref<32x25x32x8x128xf32, #tpu.memory_space<hbm>> -> memref<32x1x1x8x128xf32, #tpu.memory_space<hbm>>
      %dma_start3A_972 = tpu.memref_squeeze %dma_start3A_971 : memref<32x1x1x8x128xf32, #tpu.memory_space<hbm>> -> memref<32x8x128xf32, #tpu.memory_space<hbm>>
      %dma_start3A_973 = arith.constant 0 : i32
      %dma_start3A_974 = arith.constant 0 : i32
      %dma_start3A_975 = arith.constant 0 : i32
      %dma_start3A_976 = tpu.memref_slice %arg13[%dma_start3A_957, %dma_start3A_973, %dma_start3A_974, %dma_start3A_975] : memref<2x32x8x128xf32, #tpu.memory_space<vmem>> -> memref<1x32x8x128xf32, #tpu.memory_space<vmem>>
      %dma_start3A_977 = tpu.memref_squeeze %dma_start3A_976 : memref<1x32x8x128xf32, #tpu.memory_space<vmem>> -> memref<32x8x128xf32, #tpu.memory_space<vmem>>
      tpu.enqueue_dma source(%dma_start3A_977 : memref<32x8x128xf32, #tpu.memory_space<vmem>>) target(%dma_start3A_972 : memref<32x8x128xf32, #tpu.memory_space<hbm>>) target_semaphore(%arg20 : memref<!tpu.dma_semaphore, #tpu.memory_space<semaphore_mem>>)
      %gt3A_978 = arith.constant 0 : i32
      %gt3A_979 = arith.cmpi sgt, %scan3A_630, %gt3A_978 : i32
      %convert_element_type3A_980 = arith.extui %gt3A_979 : i1 to i32
      %cond3A_981 = arith.constant 0 : i32
      %cond3A_982 = arith.cmpi ne, %convert_element_type3A_980, %cond3A_981 : i32
      scf.if %cond3A_982 {
        %dma_wait3A_1328 = arith.constant 1 : i32
        %dma_wait3A_1329 = arith.constant 0 : i32
        %dma_wait3A_1330 = arith.constant 0 : i32
        %dma_wait3A_1331 = arith.constant 0 : i32
        %dma_wait3A_1332 = arith.constant 0 : i32
        %dma_wait3A_1333 = arith.constant 0 : i32
        %dma_wait3A_1334 = tpu.memref_slice %arg13[%dma_wait3A_1328, %dma_wait3A_1331, %dma_wait3A_1332, %dma_wait3A_1333] : memref<2x32x8x128xf32, #tpu.memory_space<vmem>> -> memref<1x32x8x128xf32, #tpu.memory_space<vmem>>
        %dma_wait3A_1335 = tpu.memref_squeeze %dma_wait3A_1334 : memref<1x32x8x128xf32, #tpu.memory_space<vmem>> -> memref<32x8x128xf32, #tpu.memory_space<vmem>>
        %dma_wait3A_1336 = arith.constant 0 : i32
        %dma_wait3A_1337 = arith.constant 0 : i32
        %dma_wait3A_1338 = arith.constant 0 : i32
        %dma_wait3A_1339 = tpu.memref_slice %arg6[%dma_wait3A_1336, %dma_wait3A_1329, %dma_wait3A_1330, %dma_wait3A_1337, %dma_wait3A_1338] : memref<32x25x32x8x128xf32, #tpu.memory_space<hbm>> -> memref<32x1x1x8x128xf32, #tpu.memory_space<hbm>>
        %dma_wait3A_1340 = tpu.memref_squeeze %dma_wait3A_1339 : memref<32x1x1x8x128xf32, #tpu.memory_space<hbm>> -> memref<32x8x128xf32, #tpu.memory_space<hbm>>
        %dma_wait3A_1341 = arith.constant 0 : i32
        %dma_wait3A_1342 = arith.constant 0 : i32
        %dma_wait3A_1343 = arith.constant 0 : i32
        %dma_wait3A_1344 = tpu.memref_slice %arg6[%dma_wait3A_1341, %dma_wait3A_1329, %dma_wait3A_1330, %dma_wait3A_1342, %dma_wait3A_1343] : memref<32x25x32x8x128xf32, #tpu.memory_space<hbm>> -> memref<32x1x1x8x128xf32, #tpu.memory_space<hbm>>
        %dma_wait3A_1345 = tpu.memref_squeeze %dma_wait3A_1344 : memref<32x1x1x8x128xf32, #tpu.memory_space<hbm>> -> memref<32x8x128xf32, #tpu.memory_space<hbm>>
        %dma_wait3A_1346 = arith.constant 0 : i32
        %dma_wait3A_1347 = arith.constant 0 : i32
        %dma_wait3A_1348 = arith.constant 0 : i32
        %dma_wait3A_1349 = tpu.memref_slice %arg13[%dma_wait3A_1328, %dma_wait3A_1346, %dma_wait3A_1347, %dma_wait3A_1348] : memref<2x32x8x128xf32, #tpu.memory_space<vmem>> -> memref<1x32x8x128xf32, #tpu.memory_space<vmem>>
        %dma_wait3A_1350 = tpu.memref_squeeze %dma_wait3A_1349 : memref<1x32x8x128xf32, #tpu.memory_space<vmem>> -> memref<32x8x128xf32, #tpu.memory_space<vmem>>
        tpu.wait_dma2 semaphore(%arg21 : memref<!tpu.dma_semaphore, #tpu.memory_space<semaphore_mem>>) src(%dma_wait3A_1350 : memref<32x8x128xf32, #tpu.memory_space<vmem>>) dst(%dma_wait3A_1345 : memref<32x8x128xf32, #tpu.memory_space<hbm>>)
      } else {
      }
      %mul3A_983 = arith.constant 2 : i32
      %mul3A_984 = arith.muli %mul3A_983, %scan3A_630 : i32
      %add3A_985 = arith.constant 1 : i32
      %add3A_986 = arith.addi %mul3A_984, %add3A_985 : i32
      %mul3A_987 = arith.constant 8 : i32
      %mul3A_988 = arith.muli %add3A_986, %mul3A_987 : i32
      %add3A_989 = arith.constant 0 : i32
      %add3A_990 = arith.addi %mul3A_988, %add3A_989 : i32
      %broadcast_in_dim3A_991 = arith.constant 0 : i32
      %broadcast_in_dim3A_992 = vector.broadcast %broadcast_in_dim3A_991 : i32 to vector<16xi32>
      %dma_wait3A_993 = arith.constant 0 : i32
      %dma_wait3A_994 = arith.constant 0 : i32
      %dma_wait3A_995 = arith.constant 0 : i32
      %dma_wait3A_996 = arith.constant 0 : i32
      %dma_wait3A_997 = tpu.memref_slice %arg11[%dma_wait3A_994, %dma_wait3A_995, %dma_wait3A_996] : memref<4x128x32xf32, #tpu.memory_space<vmem>> -> memref<1x128x32xf32, #tpu.memory_space<vmem>>
      %dma_wait3A_998 = tpu.memref_squeeze %dma_wait3A_997 : memref<1x128x32xf32, #tpu.memory_space<vmem>> -> memref<128x32xf32, #tpu.memory_space<vmem>>
      %dma_wait3A_999 = arith.constant 0 : i32
      %dma_wait3A_1000 = tpu.memref_slice %arg9[%dma_wait3A_993, %dma_wait3A_999] : memref<20x128xi32, #tpu.memory_space<vmem>> -> memref<1x128xi32, #tpu.memory_space<vmem>>
      %dma_wait3A_1001 = tpu.memref_squeeze %dma_wait3A_1000 : memref<1x128xi32, #tpu.memory_space<vmem>> -> memref<128xi32, #tpu.memory_space<vmem>>
      %dma_wait3A_1002 = arith.constant 0 : i32
      %dma_wait3A_1003 = arith.constant 0 : i32
      %dma_wait3A_1004 = tpu.memref_slice %arg4[%dma_wait3A_1002, %dma_wait3A_1003] : memref<1000000x32xf32, #tpu.memory_space<hbm>> -> memref<1000000x32xf32, #tpu.memory_space<hbm>>
      tpu.wait_indirect_dma semaphore(%arg14 : memref<!tpu.dma_semaphore, #tpu.memory_space<semaphore_mem>>) src(%dma_wait3A_1004 : memref<1000000x32xf32, #tpu.memory_space<hbm>>) dst(%dma_wait3A_998 : memref<128x32xf32, #tpu.memory_space<vmem>>)
      %scan3A_1005 = arith.constant 0 : i32
      %scan3A_1006 = arith.constant 1 : i32
      %scan3A_1007 = arith.constant 0 : i32
      %scan3A_1008 = arith.constant 32 : i32
      %scan3A_1009 = arith.addi %scan3A_1007, %scan3A_1008 : i32
      %scan3A_1010 = arith.constant 1 : i32
      scf.for %scan3A_1328 = %scan3A_1007 to %scan3A_1009 step %scan3A_1010  : i32 {
        %add3A_1329 = vector.broadcast %scan3A_1328 : i32 to vector<16xi32>
        %add3A_1330 = arith.addi %add3A_1329, %iota3A : vector<16xi32>
        %and3A = arith.constant 31 : i32
        %and3A_1331 = vector.broadcast %and3A : i32 to vector<16xi32>
        %and3A_1332 = arith.andi %add3A_1330, %and3A_1331 : vector<16xi32>
        %scan3A_1333 = arith.constant 0 : i32
        %scan3A_1334 = arith.constant 0 : i32
        %scan3A_1335 = arith.constant 8 : i32
        %scan3A_1336 = arith.addi %scan3A_1334, %scan3A_1335 : i32
        %scan3A_1337 = arith.constant 1 : i32
        scf.for %scan3A_1339 = %scan3A_1334 to %scan3A_1336 step %scan3A_1337  : i32 {
          %mul3A_1340 = arith.constant 16 : i32
          %mul3A_1341 = arith.muli %scan3A_1339, %mul3A_1340 : i32
          %add3A_1342 = vector.broadcast %mul3A_1341 : i32 to vector<16xi32>
          %add3A_1343 = arith.addi %add3A_1342, %iota3A : vector<16xi32>
          %gather3A = arith.constant 0 : i32
          %gather3A_1344 = arith.constant 0 : i32
          %gather3A_1345 = arith.constant 0 : i32
          %gather3A_1346 = tpu.memref_slice %arg11[%gather3A, %gather3A_1344, %gather3A_1345] : memref<4x128x32xf32, #tpu.memory_space<vmem>> -> memref<1x128x32xf32, #tpu.memory_space<vmem>>
          %gather3A_1347 = tpu.memref_squeeze %gather3A_1346 : memref<1x128x32xf32, #tpu.memory_space<vmem>> -> memref<128x32xf32, #tpu.memory_space<vmem>>
          %gather3A_1348 = tpu.vector_load_idx %gather3A_1347[%add3A_1343, %and3A_1332] : memref<128x32xf32, #tpu.memory_space<vmem>>[vector<16xi32>, vector<16xi32>], vector<16xf32>,
          %scatter3A = arith.constant 0 : i32
          %scatter3A_1349 = arith.constant 0 : i32
          %scatter3A_1350 = arith.constant 0 : i32
          %scatter3A_1351 = tpu.memref_slice %arg13[%scan3A_1006, %scatter3A, %scatter3A_1349, %scatter3A_1350] : memref<2x32x8x128xf32, #tpu.memory_space<vmem>> -> memref<1x32x8x128xf32, #tpu.memory_space<vmem>>
          %scatter3A_1352 = tpu.memref_squeeze %scatter3A_1351 : memref<1x32x8x128xf32, #tpu.memory_space<vmem>> -> memref<32x8x128xf32, #tpu.memory_space<vmem>>
          tpu.vector_store_idx %scatter3A_1352[%and3A_1332, %broadcast_in_dim3A_992, %add3A_1343], %gather3A_1348 : memref<32x8x128xf32, #tpu.memory_space<vmem>>[vector<16xi32>, vector<16xi32>, vector<16xi32>], vector<16xf32>,
        }
        %scan3A_1338 = arith.constant 8 : i32
      }
      %scan3A_1011 = arith.constant 32 : i32
      %add3A_1012 = arith.constant 4 : i32
      %add3A_1013 = arith.addi %add3A_990, %add3A_1012 : i32
      %min3A_1014 = arith.constant 199 : i32
      %min3A_1015 = arith.minsi %add3A_1013, %min3A_1014 : i32
      %dma_start3A_1016 = arith.constant 0 : i32
      %dma_start3A_1017 = arith.constant 0 : i32
      %dma_start3A_1018 = arith.constant 0 : i32
      %dma_start3A_1019 = tpu.memref_slice %arg11[%dma_start3A_1016, %dma_start3A_1017, %dma_start3A_1018] : memref<4x128x32xf32, #tpu.memory_space<vmem>> -> memref<1x128x32xf32, #tpu.memory_space<vmem>>
      %dma_start3A_1020 = tpu.memref_squeeze %dma_start3A_1019 : memref<1x128x32xf32, #tpu.memory_space<vmem>> -> memref<128x32xf32, #tpu.memory_space<vmem>>
      %dma_start3A_1021 = arith.constant 0 : i32
      %dma_start3A_1022 = tpu.memref_slice %arg10[%min3A_1015, %dma_start3A_1021] : memref<200x128xi32, #tpu.memory_space<vmem>> -> memref<1x128xi32, #tpu.memory_space<vmem>>
      %dma_start3A_1023 = tpu.memref_squeeze %dma_start3A_1022 : memref<1x128xi32, #tpu.memory_space<vmem>> -> memref<128xi32, #tpu.memory_space<vmem>>
      %dma_start3A_1024 = arith.constant 0 : i32
      %dma_start3A_1025 = arith.constant 0 : i32
      %dma_start3A_1026 = tpu.memref_slice %arg4[%dma_start3A_1024, %dma_start3A_1025] : memref<1000000x32xf32, #tpu.memory_space<hbm>> -> memref<1000000x32xf32, #tpu.memory_space<hbm>>
      tpu.enqueue_indirect_dma source(%dma_start3A_1026 : memref<1000000x32xf32, #tpu.memory_space<hbm>>) target(%dma_start3A_1020 : memref<128x32xf32, #tpu.memory_space<vmem>>) offsets(%dma_start3A_1023 : memref<128xi32, #tpu.memory_space<vmem>>) semaphore(%arg14 : memref<!tpu.dma_semaphore, #tpu.memory_space<semaphore_mem>>)
      %mul3A_1027 = arith.constant 8 : i32
      %mul3A_1028 = arith.muli %add3A_986, %mul3A_1027 : i32
      %add3A_1029 = arith.constant 1 : i32
      %add3A_1030 = arith.addi %mul3A_1028, %add3A_1029 : i32
      %broadcast_in_dim3A_1031 = arith.constant 1 : i32
      %broadcast_in_dim3A_1032 = vector.broadcast %broadcast_in_dim3A_1031 : i32 to vector<16xi32>
      %dma_wait3A_1033 = arith.constant 0 : i32
      %dma_wait3A_1034 = arith.constant 1 : i32
      %dma_wait3A_1035 = arith.constant 0 : i32
      %dma_wait3A_1036 = arith.constant 0 : i32
      %dma_wait3A_1037 = tpu.memref_slice %arg11[%dma_wait3A_1034, %dma_wait3A_1035, %dma_wait3A_1036] : memref<4x128x32xf32, #tpu.memory_space<vmem>> -> memref<1x128x32xf32, #tpu.memory_space<vmem>>
      %dma_wait3A_1038 = tpu.memref_squeeze %dma_wait3A_1037 : memref<1x128x32xf32, #tpu.memory_space<vmem>> -> memref<128x32xf32, #tpu.memory_space<vmem>>
      %dma_wait3A_1039 = arith.constant 0 : i32
      %dma_wait3A_1040 = tpu.memref_slice %arg9[%dma_wait3A_1033, %dma_wait3A_1039] : memref<20x128xi32, #tpu.memory_space<vmem>> -> memref<1x128xi32, #tpu.memory_space<vmem>>
      %dma_wait3A_1041 = tpu.memref_squeeze %dma_wait3A_1040 : memref<1x128xi32, #tpu.memory_space<vmem>> -> memref<128xi32, #tpu.memory_space<vmem>>
      %dma_wait3A_1042 = arith.constant 0 : i32
      %dma_wait3A_1043 = arith.constant 0 : i32
      %dma_wait3A_1044 = tpu.memref_slice %arg4[%dma_wait3A_1042, %dma_wait3A_1043] : memref<1000000x32xf32, #tpu.memory_space<hbm>> -> memref<1000000x32xf32, #tpu.memory_space<hbm>>
      tpu.wait_indirect_dma semaphore(%arg15 : memref<!tpu.dma_semaphore, #tpu.memory_space<semaphore_mem>>) src(%dma_wait3A_1044 : memref<1000000x32xf32, #tpu.memory_space<hbm>>) dst(%dma_wait3A_1038 : memref<128x32xf32, #tpu.memory_space<vmem>>)
      %scan3A_1045 = arith.constant 0 : i32
      %scan3A_1046 = arith.constant 1 : i32
      %scan3A_1047 = arith.constant 0 : i32
      %scan3A_1048 = arith.constant 32 : i32
      %scan3A_1049 = arith.addi %scan3A_1047, %scan3A_1048 : i32
      %scan3A_1050 = arith.constant 1 : i32
      scf.for %scan3A_1328 = %scan3A_1047 to %scan3A_1049 step %scan3A_1050  : i32 {
        %add3A_1329 = vector.broadcast %scan3A_1328 : i32 to vector<16xi32>
        %add3A_1330 = arith.addi %add3A_1329, %iota3A : vector<16xi32>
        %and3A = arith.constant 31 : i32
        %and3A_1331 = vector.broadcast %and3A : i32 to vector<16xi32>
        %and3A_1332 = arith.andi %add3A_1330, %and3A_1331 : vector<16xi32>
        %scan3A_1333 = arith.constant 0 : i32
        %scan3A_1334 = arith.constant 0 : i32
        %scan3A_1335 = arith.constant 8 : i32
        %scan3A_1336 = arith.addi %scan3A_1334, %scan3A_1335 : i32
        %scan3A_1337 = arith.constant 1 : i32
        scf.for %scan3A_1339 = %scan3A_1334 to %scan3A_1336 step %scan3A_1337  : i32 {
          %mul3A_1340 = arith.constant 16 : i32
          %mul3A_1341 = arith.muli %scan3A_1339, %mul3A_1340 : i32
          %add3A_1342 = vector.broadcast %mul3A_1341 : i32 to vector<16xi32>
          %add3A_1343 = arith.addi %add3A_1342, %iota3A : vector<16xi32>
          %gather3A = arith.constant 1 : i32
          %gather3A_1344 = arith.constant 0 : i32
          %gather3A_1345 = arith.constant 0 : i32
          %gather3A_1346 = tpu.memref_slice %arg11[%gather3A, %gather3A_1344, %gather3A_1345] : memref<4x128x32xf32, #tpu.memory_space<vmem>> -> memref<1x128x32xf32, #tpu.memory_space<vmem>>
          %gather3A_1347 = tpu.memref_squeeze %gather3A_1346 : memref<1x128x32xf32, #tpu.memory_space<vmem>> -> memref<128x32xf32, #tpu.memory_space<vmem>>
          %gather3A_1348 = tpu.vector_load_idx %gather3A_1347[%add3A_1343, %and3A_1332] : memref<128x32xf32, #tpu.memory_space<vmem>>[vector<16xi32>, vector<16xi32>], vector<16xf32>,
          %scatter3A = arith.constant 0 : i32
          %scatter3A_1349 = arith.constant 0 : i32
          %scatter3A_1350 = arith.constant 0 : i32
          %scatter3A_1351 = tpu.memref_slice %arg13[%scan3A_1046, %scatter3A, %scatter3A_1349, %scatter3A_1350] : memref<2x32x8x128xf32, #tpu.memory_space<vmem>> -> memref<1x32x8x128xf32, #tpu.memory_space<vmem>>
          %scatter3A_1352 = tpu.memref_squeeze %scatter3A_1351 : memref<1x32x8x128xf32, #tpu.memory_space<vmem>> -> memref<32x8x128xf32, #tpu.memory_space<vmem>>
          tpu.vector_store_idx %scatter3A_1352[%and3A_1332, %broadcast_in_dim3A_1032, %add3A_1343], %gather3A_1348 : memref<32x8x128xf32, #tpu.memory_space<vmem>>[vector<16xi32>, vector<16xi32>, vector<16xi32>], vector<16xf32>,
        }
        %scan3A_1338 = arith.constant 8 : i32
      }
      %scan3A_1051 = arith.constant 32 : i32
      %add3A_1052 = arith.constant 4 : i32
      %add3A_1053 = arith.addi %add3A_1030, %add3A_1052 : i32
      %min3A_1054 = arith.constant 199 : i32
      %min3A_1055 = arith.minsi %add3A_1053, %min3A_1054 : i32
      %dma_start3A_1056 = arith.constant 1 : i32
      %dma_start3A_1057 = arith.constant 0 : i32
      %dma_start3A_1058 = arith.constant 0 : i32
      %dma_start3A_1059 = tpu.memref_slice %arg11[%dma_start3A_1056, %dma_start3A_1057, %dma_start3A_1058] : memref<4x128x32xf32, #tpu.memory_space<vmem>> -> memref<1x128x32xf32, #tpu.memory_space<vmem>>
      %dma_start3A_1060 = tpu.memref_squeeze %dma_start3A_1059 : memref<1x128x32xf32, #tpu.memory_space<vmem>> -> memref<128x32xf32, #tpu.memory_space<vmem>>
      %dma_start3A_1061 = arith.constant 0 : i32
      %dma_start3A_1062 = tpu.memref_slice %arg10[%min3A_1055, %dma_start3A_1061] : memref<200x128xi32, #tpu.memory_space<vmem>> -> memref<1x128xi32, #tpu.memory_space<vmem>>
      %dma_start3A_1063 = tpu.memref_squeeze %dma_start3A_1062 : memref<1x128xi32, #tpu.memory_space<vmem>> -> memref<128xi32, #tpu.memory_space<vmem>>
      %dma_start3A_1064 = arith.constant 0 : i32
      %dma_start3A_1065 = arith.constant 0 : i32
      %dma_start3A_1066 = tpu.memref_slice %arg4[%dma_start3A_1064, %dma_start3A_1065] : memref<1000000x32xf32, #tpu.memory_space<hbm>> -> memref<1000000x32xf32, #tpu.memory_space<hbm>>
      tpu.enqueue_indirect_dma source(%dma_start3A_1066 : memref<1000000x32xf32, #tpu.memory_space<hbm>>) target(%dma_start3A_1060 : memref<128x32xf32, #tpu.memory_space<vmem>>) offsets(%dma_start3A_1063 : memref<128xi32, #tpu.memory_space<vmem>>) semaphore(%arg15 : memref<!tpu.dma_semaphore, #tpu.memory_space<semaphore_mem>>)
      %mul3A_1067 = arith.constant 8 : i32
      %mul3A_1068 = arith.muli %add3A_986, %mul3A_1067 : i32
      %add3A_1069 = arith.constant 2 : i32
      %add3A_1070 = arith.addi %mul3A_1068, %add3A_1069 : i32
      %broadcast_in_dim3A_1071 = arith.constant 2 : i32
      %broadcast_in_dim3A_1072 = vector.broadcast %broadcast_in_dim3A_1071 : i32 to vector<16xi32>
      %dma_wait3A_1073 = arith.constant 0 : i32
      %dma_wait3A_1074 = arith.constant 2 : i32
      %dma_wait3A_1075 = arith.constant 0 : i32
      %dma_wait3A_1076 = arith.constant 0 : i32
      %dma_wait3A_1077 = tpu.memref_slice %arg11[%dma_wait3A_1074, %dma_wait3A_1075, %dma_wait3A_1076] : memref<4x128x32xf32, #tpu.memory_space<vmem>> -> memref<1x128x32xf32, #tpu.memory_space<vmem>>
      %dma_wait3A_1078 = tpu.memref_squeeze %dma_wait3A_1077 : memref<1x128x32xf32, #tpu.memory_space<vmem>> -> memref<128x32xf32, #tpu.memory_space<vmem>>
      %dma_wait3A_1079 = arith.constant 0 : i32
      %dma_wait3A_1080 = tpu.memref_slice %arg9[%dma_wait3A_1073, %dma_wait3A_1079] : memref<20x128xi32, #tpu.memory_space<vmem>> -> memref<1x128xi32, #tpu.memory_space<vmem>>
      %dma_wait3A_1081 = tpu.memref_squeeze %dma_wait3A_1080 : memref<1x128xi32, #tpu.memory_space<vmem>> -> memref<128xi32, #tpu.memory_space<vmem>>
      %dma_wait3A_1082 = arith.constant 0 : i32
      %dma_wait3A_1083 = arith.constant 0 : i32
      %dma_wait3A_1084 = tpu.memref_slice %arg4[%dma_wait3A_1082, %dma_wait3A_1083] : memref<1000000x32xf32, #tpu.memory_space<hbm>> -> memref<1000000x32xf32, #tpu.memory_space<hbm>>
      tpu.wait_indirect_dma semaphore(%arg16 : memref<!tpu.dma_semaphore, #tpu.memory_space<semaphore_mem>>) src(%dma_wait3A_1084 : memref<1000000x32xf32, #tpu.memory_space<hbm>>) dst(%dma_wait3A_1078 : memref<128x32xf32, #tpu.memory_space<vmem>>)
      %scan3A_1085 = arith.constant 0 : i32
      %scan3A_1086 = arith.constant 1 : i32
      %scan3A_1087 = arith.constant 0 : i32
      %scan3A_1088 = arith.constant 32 : i32
      %scan3A_1089 = arith.addi %scan3A_1087, %scan3A_1088 : i32
      %scan3A_1090 = arith.constant 1 : i32
      scf.for %scan3A_1328 = %scan3A_1087 to %scan3A_1089 step %scan3A_1090  : i32 {
        %add3A_1329 = vector.broadcast %scan3A_1328 : i32 to vector<16xi32>
        %add3A_1330 = arith.addi %add3A_1329, %iota3A : vector<16xi32>
        %and3A = arith.constant 31 : i32
        %and3A_1331 = vector.broadcast %and3A : i32 to vector<16xi32>
        %and3A_1332 = arith.andi %add3A_1330, %and3A_1331 : vector<16xi32>
        %scan3A_1333 = arith.constant 0 : i32
        %scan3A_1334 = arith.constant 0 : i32
        %scan3A_1335 = arith.constant 8 : i32
        %scan3A_1336 = arith.addi %scan3A_1334, %scan3A_1335 : i32
        %scan3A_1337 = arith.constant 1 : i32
        scf.for %scan3A_1339 = %scan3A_1334 to %scan3A_1336 step %scan3A_1337  : i32 {
          %mul3A_1340 = arith.constant 16 : i32
          %mul3A_1341 = arith.muli %scan3A_1339, %mul3A_1340 : i32
          %add3A_1342 = vector.broadcast %mul3A_1341 : i32 to vector<16xi32>
          %add3A_1343 = arith.addi %add3A_1342, %iota3A : vector<16xi32>
          %gather3A = arith.constant 2 : i32
          %gather3A_1344 = arith.constant 0 : i32
          %gather3A_1345 = arith.constant 0 : i32
          %gather3A_1346 = tpu.memref_slice %arg11[%gather3A, %gather3A_1344, %gather3A_1345] : memref<4x128x32xf32, #tpu.memory_space<vmem>> -> memref<1x128x32xf32, #tpu.memory_space<vmem>>
          %gather3A_1347 = tpu.memref_squeeze %gather3A_1346 : memref<1x128x32xf32, #tpu.memory_space<vmem>> -> memref<128x32xf32, #tpu.memory_space<vmem>>
          %gather3A_1348 = tpu.vector_load_idx %gather3A_1347[%add3A_1343, %and3A_1332] : memref<128x32xf32, #tpu.memory_space<vmem>>[vector<16xi32>, vector<16xi32>], vector<16xf32>,
          %scatter3A = arith.constant 0 : i32
          %scatter3A_1349 = arith.constant 0 : i32
          %scatter3A_1350 = arith.constant 0 : i32
          %scatter3A_1351 = tpu.memref_slice %arg13[%scan3A_1086, %scatter3A, %scatter3A_1349, %scatter3A_1350] : memref<2x32x8x128xf32, #tpu.memory_space<vmem>> -> memref<1x32x8x128xf32, #tpu.memory_space<vmem>>
          %scatter3A_1352 = tpu.memref_squeeze %scatter3A_1351 : memref<1x32x8x128xf32, #tpu.memory_space<vmem>> -> memref<32x8x128xf32, #tpu.memory_space<vmem>>
          tpu.vector_store_idx %scatter3A_1352[%and3A_1332, %broadcast_in_dim3A_1072, %add3A_1343], %gather3A_1348 : memref<32x8x128xf32, #tpu.memory_space<vmem>>[vector<16xi32>, vector<16xi32>, vector<16xi32>], vector<16xf32>,
        }
        %scan3A_1338 = arith.constant 8 : i32
      }
      %scan3A_1091 = arith.constant 32 : i32
      %add3A_1092 = arith.constant 4 : i32
      %add3A_1093 = arith.addi %add3A_1070, %add3A_1092 : i32
      %min3A_1094 = arith.constant 199 : i32
      %min3A_1095 = arith.minsi %add3A_1093, %min3A_1094 : i32
      %dma_start3A_1096 = arith.constant 2 : i32
      %dma_start3A_1097 = arith.constant 0 : i32
      %dma_start3A_1098 = arith.constant 0 : i32
      %dma_start3A_1099 = tpu.memref_slice %arg11[%dma_start3A_1096, %dma_start3A_1097, %dma_start3A_1098] : memref<4x128x32xf32, #tpu.memory_space<vmem>> -> memref<1x128x32xf32, #tpu.memory_space<vmem>>
      %dma_start3A_1100 = tpu.memref_squeeze %dma_start3A_1099 : memref<1x128x32xf32, #tpu.memory_space<vmem>> -> memref<128x32xf32, #tpu.memory_space<vmem>>
      %dma_start3A_1101 = arith.constant 0 : i32
      %dma_start3A_1102 = tpu.memref_slice %arg10[%min3A_1095, %dma_start3A_1101] : memref<200x128xi32, #tpu.memory_space<vmem>> -> memref<1x128xi32, #tpu.memory_space<vmem>>
      %dma_start3A_1103 = tpu.memref_squeeze %dma_start3A_1102 : memref<1x128xi32, #tpu.memory_space<vmem>> -> memref<128xi32, #tpu.memory_space<vmem>>
      %dma_start3A_1104 = arith.constant 0 : i32
      %dma_start3A_1105 = arith.constant 0 : i32
      %dma_start3A_1106 = tpu.memref_slice %arg4[%dma_start3A_1104, %dma_start3A_1105] : memref<1000000x32xf32, #tpu.memory_space<hbm>> -> memref<1000000x32xf32, #tpu.memory_space<hbm>>
      tpu.enqueue_indirect_dma source(%dma_start3A_1106 : memref<1000000x32xf32, #tpu.memory_space<hbm>>) target(%dma_start3A_1100 : memref<128x32xf32, #tpu.memory_space<vmem>>) offsets(%dma_start3A_1103 : memref<128xi32, #tpu.memory_space<vmem>>) semaphore(%arg16 : memref<!tpu.dma_semaphore, #tpu.memory_space<semaphore_mem>>)
      %mul3A_1107 = arith.constant 8 : i32
      %mul3A_1108 = arith.muli %add3A_986, %mul3A_1107 : i32
      %add3A_1109 = arith.constant 3 : i32
      %add3A_1110 = arith.addi %mul3A_1108, %add3A_1109 : i32
      %broadcast_in_dim3A_1111 = arith.constant 3 : i32
      %broadcast_in_dim3A_1112 = vector.broadcast %broadcast_in_dim3A_1111 : i32 to vector<16xi32>
      %dma_wait3A_1113 = arith.constant 0 : i32
      %dma_wait3A_1114 = arith.constant 3 : i32
      %dma_wait3A_1115 = arith.constant 0 : i32
      %dma_wait3A_1116 = arith.constant 0 : i32
      %dma_wait3A_1117 = tpu.memref_slice %arg11[%dma_wait3A_1114, %dma_wait3A_1115, %dma_wait3A_1116] : memref<4x128x32xf32, #tpu.memory_space<vmem>> -> memref<1x128x32xf32, #tpu.memory_space<vmem>>
      %dma_wait3A_1118 = tpu.memref_squeeze %dma_wait3A_1117 : memref<1x128x32xf32, #tpu.memory_space<vmem>> -> memref<128x32xf32, #tpu.memory_space<vmem>>
      %dma_wait3A_1119 = arith.constant 0 : i32
      %dma_wait3A_1120 = tpu.memref_slice %arg9[%dma_wait3A_1113, %dma_wait3A_1119] : memref<20x128xi32, #tpu.memory_space<vmem>> -> memref<1x128xi32, #tpu.memory_space<vmem>>
      %dma_wait3A_1121 = tpu.memref_squeeze %dma_wait3A_1120 : memref<1x128xi32, #tpu.memory_space<vmem>> -> memref<128xi32, #tpu.memory_space<vmem>>
      %dma_wait3A_1122 = arith.constant 0 : i32
      %dma_wait3A_1123 = arith.constant 0 : i32
      %dma_wait3A_1124 = tpu.memref_slice %arg4[%dma_wait3A_1122, %dma_wait3A_1123] : memref<1000000x32xf32, #tpu.memory_space<hbm>> -> memref<1000000x32xf32, #tpu.memory_space<hbm>>
      tpu.wait_indirect_dma semaphore(%arg17 : memref<!tpu.dma_semaphore, #tpu.memory_space<semaphore_mem>>) src(%dma_wait3A_1124 : memref<1000000x32xf32, #tpu.memory_space<hbm>>) dst(%dma_wait3A_1118 : memref<128x32xf32, #tpu.memory_space<vmem>>)
      %scan3A_1125 = arith.constant 0 : i32
      %scan3A_1126 = arith.constant 1 : i32
      %scan3A_1127 = arith.constant 0 : i32
      %scan3A_1128 = arith.constant 32 : i32
      %scan3A_1129 = arith.addi %scan3A_1127, %scan3A_1128 : i32
      %scan3A_1130 = arith.constant 1 : i32
      scf.for %scan3A_1328 = %scan3A_1127 to %scan3A_1129 step %scan3A_1130  : i32 {
        %add3A_1329 = vector.broadcast %scan3A_1328 : i32 to vector<16xi32>
        %add3A_1330 = arith.addi %add3A_1329, %iota3A : vector<16xi32>
        %and3A = arith.constant 31 : i32
        %and3A_1331 = vector.broadcast %and3A : i32 to vector<16xi32>
        %and3A_1332 = arith.andi %add3A_1330, %and3A_1331 : vector<16xi32>
        %scan3A_1333 = arith.constant 0 : i32
        %scan3A_1334 = arith.constant 0 : i32
        %scan3A_1335 = arith.constant 8 : i32
        %scan3A_1336 = arith.addi %scan3A_1334, %scan3A_1335 : i32
        %scan3A_1337 = arith.constant 1 : i32
        scf.for %scan3A_1339 = %scan3A_1334 to %scan3A_1336 step %scan3A_1337  : i32 {
          %mul3A_1340 = arith.constant 16 : i32
          %mul3A_1341 = arith.muli %scan3A_1339, %mul3A_1340 : i32
          %add3A_1342 = vector.broadcast %mul3A_1341 : i32 to vector<16xi32>
          %add3A_1343 = arith.addi %add3A_1342, %iota3A : vector<16xi32>
          %gather3A = arith.constant 3 : i32
          %gather3A_1344 = arith.constant 0 : i32
          %gather3A_1345 = arith.constant 0 : i32
          %gather3A_1346 = tpu.memref_slice %arg11[%gather3A, %gather3A_1344, %gather3A_1345] : memref<4x128x32xf32, #tpu.memory_space<vmem>> -> memref<1x128x32xf32, #tpu.memory_space<vmem>>
          %gather3A_1347 = tpu.memref_squeeze %gather3A_1346 : memref<1x128x32xf32, #tpu.memory_space<vmem>> -> memref<128x32xf32, #tpu.memory_space<vmem>>
          %gather3A_1348 = tpu.vector_load_idx %gather3A_1347[%add3A_1343, %and3A_1332] : memref<128x32xf32, #tpu.memory_space<vmem>>[vector<16xi32>, vector<16xi32>], vector<16xf32>,
          %scatter3A = arith.constant 0 : i32
          %scatter3A_1349 = arith.constant 0 : i32
          %scatter3A_1350 = arith.constant 0 : i32
          %scatter3A_1351 = tpu.memref_slice %arg13[%scan3A_1126, %scatter3A, %scatter3A_1349, %scatter3A_1350] : memref<2x32x8x128xf32, #tpu.memory_space<vmem>> -> memref<1x32x8x128xf32, #tpu.memory_space<vmem>>
          %scatter3A_1352 = tpu.memref_squeeze %scatter3A_1351 : memref<1x32x8x128xf32, #tpu.memory_space<vmem>> -> memref<32x8x128xf32, #tpu.memory_space<vmem>>
          tpu.vector_store_idx %scatter3A_1352[%and3A_1332, %broadcast_in_dim3A_1112, %add3A_1343], %gather3A_1348 : memref<32x8x128xf32, #tpu.memory_space<vmem>>[vector<16xi32>, vector<16xi32>, vector<16xi32>], vector<16xf32>,
        }
        %scan3A_1338 = arith.constant 8 : i32
      }
      %scan3A_1131 = arith.constant 32 : i32
      %add3A_1132 = arith.constant 4 : i32
      %add3A_1133 = arith.addi %add3A_1110, %add3A_1132 : i32
      %min3A_1134 = arith.constant 199 : i32
      %min3A_1135 = arith.minsi %add3A_1133, %min3A_1134 : i32
      %dma_start3A_1136 = arith.constant 3 : i32
      %dma_start3A_1137 = arith.constant 0 : i32
      %dma_start3A_1138 = arith.constant 0 : i32
      %dma_start3A_1139 = tpu.memref_slice %arg11[%dma_start3A_1136, %dma_start3A_1137, %dma_start3A_1138] : memref<4x128x32xf32, #tpu.memory_space<vmem>> -> memref<1x128x32xf32, #tpu.memory_space<vmem>>
      %dma_start3A_1140 = tpu.memref_squeeze %dma_start3A_1139 : memref<1x128x32xf32, #tpu.memory_space<vmem>> -> memref<128x32xf32, #tpu.memory_space<vmem>>
      %dma_start3A_1141 = arith.constant 0 : i32
      %dma_start3A_1142 = tpu.memref_slice %arg10[%min3A_1135, %dma_start3A_1141] : memref<200x128xi32, #tpu.memory_space<vmem>> -> memref<1x128xi32, #tpu.memory_space<vmem>>
      %dma_start3A_1143 = tpu.memref_squeeze %dma_start3A_1142 : memref<1x128xi32, #tpu.memory_space<vmem>> -> memref<128xi32, #tpu.memory_space<vmem>>
      %dma_start3A_1144 = arith.constant 0 : i32
      %dma_start3A_1145 = arith.constant 0 : i32
      %dma_start3A_1146 = tpu.memref_slice %arg4[%dma_start3A_1144, %dma_start3A_1145] : memref<1000000x32xf32, #tpu.memory_space<hbm>> -> memref<1000000x32xf32, #tpu.memory_space<hbm>>
      tpu.enqueue_indirect_dma source(%dma_start3A_1146 : memref<1000000x32xf32, #tpu.memory_space<hbm>>) target(%dma_start3A_1140 : memref<128x32xf32, #tpu.memory_space<vmem>>) offsets(%dma_start3A_1143 : memref<128xi32, #tpu.memory_space<vmem>>) semaphore(%arg17 : memref<!tpu.dma_semaphore, #tpu.memory_space<semaphore_mem>>)
      %mul3A_1147 = arith.constant 8 : i32
      %mul3A_1148 = arith.muli %add3A_986, %mul3A_1147 : i32
      %add3A_1149 = arith.constant 4 : i32
      %add3A_1150 = arith.addi %mul3A_1148, %add3A_1149 : i32
      %broadcast_in_dim3A_1151 = arith.constant 4 : i32
      %broadcast_in_dim3A_1152 = vector.broadcast %broadcast_in_dim3A_1151 : i32 to vector<16xi32>
      %dma_wait3A_1153 = arith.constant 0 : i32
      %dma_wait3A_1154 = arith.constant 0 : i32
      %dma_wait3A_1155 = arith.constant 0 : i32
      %dma_wait3A_1156 = arith.constant 0 : i32
      %dma_wait3A_1157 = tpu.memref_slice %arg11[%dma_wait3A_1154, %dma_wait3A_1155, %dma_wait3A_1156] : memref<4x128x32xf32, #tpu.memory_space<vmem>> -> memref<1x128x32xf32, #tpu.memory_space<vmem>>
      %dma_wait3A_1158 = tpu.memref_squeeze %dma_wait3A_1157 : memref<1x128x32xf32, #tpu.memory_space<vmem>> -> memref<128x32xf32, #tpu.memory_space<vmem>>
      %dma_wait3A_1159 = arith.constant 0 : i32
      %dma_wait3A_1160 = tpu.memref_slice %arg9[%dma_wait3A_1153, %dma_wait3A_1159] : memref<20x128xi32, #tpu.memory_space<vmem>> -> memref<1x128xi32, #tpu.memory_space<vmem>>
      %dma_wait3A_1161 = tpu.memref_squeeze %dma_wait3A_1160 : memref<1x128xi32, #tpu.memory_space<vmem>> -> memref<128xi32, #tpu.memory_space<vmem>>
      %dma_wait3A_1162 = arith.constant 0 : i32
      %dma_wait3A_1163 = arith.constant 0 : i32
      %dma_wait3A_1164 = tpu.memref_slice %arg4[%dma_wait3A_1162, %dma_wait3A_1163] : memref<1000000x32xf32, #tpu.memory_space<hbm>> -> memref<1000000x32xf32, #tpu.memory_space<hbm>>
      tpu.wait_indirect_dma semaphore(%arg14 : memref<!tpu.dma_semaphore, #tpu.memory_space<semaphore_mem>>) src(%dma_wait3A_1164 : memref<1000000x32xf32, #tpu.memory_space<hbm>>) dst(%dma_wait3A_1158 : memref<128x32xf32, #tpu.memory_space<vmem>>)
      %scan3A_1165 = arith.constant 0 : i32
      %scan3A_1166 = arith.constant 1 : i32
      %scan3A_1167 = arith.constant 0 : i32
      %scan3A_1168 = arith.constant 32 : i32
      %scan3A_1169 = arith.addi %scan3A_1167, %scan3A_1168 : i32
      %scan3A_1170 = arith.constant 1 : i32
      scf.for %scan3A_1328 = %scan3A_1167 to %scan3A_1169 step %scan3A_1170  : i32 {
        %add3A_1329 = vector.broadcast %scan3A_1328 : i32 to vector<16xi32>
        %add3A_1330 = arith.addi %add3A_1329, %iota3A : vector<16xi32>
        %and3A = arith.constant 31 : i32
        %and3A_1331 = vector.broadcast %and3A : i32 to vector<16xi32>
        %and3A_1332 = arith.andi %add3A_1330, %and3A_1331 : vector<16xi32>
        %scan3A_1333 = arith.constant 0 : i32
        %scan3A_1334 = arith.constant 0 : i32
        %scan3A_1335 = arith.constant 8 : i32
        %scan3A_1336 = arith.addi %scan3A_1334, %scan3A_1335 : i32
        %scan3A_1337 = arith.constant 1 : i32
        scf.for %scan3A_1339 = %scan3A_1334 to %scan3A_1336 step %scan3A_1337  : i32 {
          %mul3A_1340 = arith.constant 16 : i32
          %mul3A_1341 = arith.muli %scan3A_1339, %mul3A_1340 : i32
          %add3A_1342 = vector.broadcast %mul3A_1341 : i32 to vector<16xi32>
          %add3A_1343 = arith.addi %add3A_1342, %iota3A : vector<16xi32>
          %gather3A = arith.constant 0 : i32
          %gather3A_1344 = arith.constant 0 : i32
          %gather3A_1345 = arith.constant 0 : i32
          %gather3A_1346 = tpu.memref_slice %arg11[%gather3A, %gather3A_1344, %gather3A_1345] : memref<4x128x32xf32, #tpu.memory_space<vmem>> -> memref<1x128x32xf32, #tpu.memory_space<vmem>>
          %gather3A_1347 = tpu.memref_squeeze %gather3A_1346 : memref<1x128x32xf32, #tpu.memory_space<vmem>> -> memref<128x32xf32, #tpu.memory_space<vmem>>
          %gather3A_1348 = tpu.vector_load_idx %gather3A_1347[%add3A_1343, %and3A_1332] : memref<128x32xf32, #tpu.memory_space<vmem>>[vector<16xi32>, vector<16xi32>], vector<16xf32>,
          %scatter3A = arith.constant 0 : i32
          %scatter3A_1349 = arith.constant 0 : i32
          %scatter3A_1350 = arith.constant 0 : i32
          %scatter3A_1351 = tpu.memref_slice %arg13[%scan3A_1166, %scatter3A, %scatter3A_1349, %scatter3A_1350] : memref<2x32x8x128xf32, #tpu.memory_space<vmem>> -> memref<1x32x8x128xf32, #tpu.memory_space<vmem>>
          %scatter3A_1352 = tpu.memref_squeeze %scatter3A_1351 : memref<1x32x8x128xf32, #tpu.memory_space<vmem>> -> memref<32x8x128xf32, #tpu.memory_space<vmem>>
          tpu.vector_store_idx %scatter3A_1352[%and3A_1332, %broadcast_in_dim3A_1152, %add3A_1343], %gather3A_1348 : memref<32x8x128xf32, #tpu.memory_space<vmem>>[vector<16xi32>, vector<16xi32>, vector<16xi32>], vector<16xf32>,
        }
        %scan3A_1338 = arith.constant 8 : i32
      }
      %scan3A_1171 = arith.constant 32 : i32
      %add3A_1172 = arith.constant 4 : i32
      %add3A_1173 = arith.addi %add3A_1150, %add3A_1172 : i32
      %min3A_1174 = arith.constant 199 : i32
      %min3A_1175 = arith.minsi %add3A_1173, %min3A_1174 : i32
      %dma_start3A_1176 = arith.constant 0 : i32
      %dma_start3A_1177 = arith.constant 0 : i32
      %dma_start3A_1178 = arith.constant 0 : i32
      %dma_start3A_1179 = tpu.memref_slice %arg11[%dma_start3A_1176, %dma_start3A_1177, %dma_start3A_1178] : memref<4x128x32xf32, #tpu.memory_space<vmem>> -> memref<1x128x32xf32, #tpu.memory_space<vmem>>
      %dma_start3A_1180 = tpu.memref_squeeze %dma_start3A_1179 : memref<1x128x32xf32, #tpu.memory_space<vmem>> -> memref<128x32xf32, #tpu.memory_space<vmem>>
      %dma_start3A_1181 = arith.constant 0 : i32
      %dma_start3A_1182 = tpu.memref_slice %arg10[%min3A_1175, %dma_start3A_1181] : memref<200x128xi32, #tpu.memory_space<vmem>> -> memref<1x128xi32, #tpu.memory_space<vmem>>
      %dma_start3A_1183 = tpu.memref_squeeze %dma_start3A_1182 : memref<1x128xi32, #tpu.memory_space<vmem>> -> memref<128xi32, #tpu.memory_space<vmem>>
      %dma_start3A_1184 = arith.constant 0 : i32
      %dma_start3A_1185 = arith.constant 0 : i32
      %dma_start3A_1186 = tpu.memref_slice %arg4[%dma_start3A_1184, %dma_start3A_1185] : memref<1000000x32xf32, #tpu.memory_space<hbm>> -> memref<1000000x32xf32, #tpu.memory_space<hbm>>
      tpu.enqueue_indirect_dma source(%dma_start3A_1186 : memref<1000000x32xf32, #tpu.memory_space<hbm>>) target(%dma_start3A_1180 : memref<128x32xf32, #tpu.memory_space<vmem>>) offsets(%dma_start3A_1183 : memref<128xi32, #tpu.memory_space<vmem>>) semaphore(%arg14 : memref<!tpu.dma_semaphore, #tpu.memory_space<semaphore_mem>>)
      %mul3A_1187 = arith.constant 8 : i32
      %mul3A_1188 = arith.muli %add3A_986, %mul3A_1187 : i32
      %add3A_1189 = arith.constant 5 : i32
      %add3A_1190 = arith.addi %mul3A_1188, %add3A_1189 : i32
      %broadcast_in_dim3A_1191 = arith.constant 5 : i32
      %broadcast_in_dim3A_1192 = vector.broadcast %broadcast_in_dim3A_1191 : i32 to vector<16xi32>
      %dma_wait3A_1193 = arith.constant 0 : i32
      %dma_wait3A_1194 = arith.constant 1 : i32
      %dma_wait3A_1195 = arith.constant 0 : i32
      %dma_wait3A_1196 = arith.constant 0 : i32
      %dma_wait3A_1197 = tpu.memref_slice %arg11[%dma_wait3A_1194, %dma_wait3A_1195, %dma_wait3A_1196] : memref<4x128x32xf32, #tpu.memory_space<vmem>> -> memref<1x128x32xf32, #tpu.memory_space<vmem>>
      %dma_wait3A_1198 = tpu.memref_squeeze %dma_wait3A_1197 : memref<1x128x32xf32, #tpu.memory_space<vmem>> -> memref<128x32xf32, #tpu.memory_space<vmem>>
      %dma_wait3A_1199 = arith.constant 0 : i32
      %dma_wait3A_1200 = tpu.memref_slice %arg9[%dma_wait3A_1193, %dma_wait3A_1199] : memref<20x128xi32, #tpu.memory_space<vmem>> -> memref<1x128xi32, #tpu.memory_space<vmem>>
      %dma_wait3A_1201 = tpu.memref_squeeze %dma_wait3A_1200 : memref<1x128xi32, #tpu.memory_space<vmem>> -> memref<128xi32, #tpu.memory_space<vmem>>
      %dma_wait3A_1202 = arith.constant 0 : i32
      %dma_wait3A_1203 = arith.constant 0 : i32
      %dma_wait3A_1204 = tpu.memref_slice %arg4[%dma_wait3A_1202, %dma_wait3A_1203] : memref<1000000x32xf32, #tpu.memory_space<hbm>> -> memref<1000000x32xf32, #tpu.memory_space<hbm>>
      tpu.wait_indirect_dma semaphore(%arg15 : memref<!tpu.dma_semaphore, #tpu.memory_space<semaphore_mem>>) src(%dma_wait3A_1204 : memref<1000000x32xf32, #tpu.memory_space<hbm>>) dst(%dma_wait3A_1198 : memref<128x32xf32, #tpu.memory_space<vmem>>)
      %scan3A_1205 = arith.constant 0 : i32
      %scan3A_1206 = arith.constant 1 : i32
      %scan3A_1207 = arith.constant 0 : i32
      %scan3A_1208 = arith.constant 32 : i32
      %scan3A_1209 = arith.addi %scan3A_1207, %scan3A_1208 : i32
      %scan3A_1210 = arith.constant 1 : i32
      scf.for %scan3A_1328 = %scan3A_1207 to %scan3A_1209 step %scan3A_1210  : i32 {
        %add3A_1329 = vector.broadcast %scan3A_1328 : i32 to vector<16xi32>
        %add3A_1330 = arith.addi %add3A_1329, %iota3A : vector<16xi32>
        %and3A = arith.constant 31 : i32
        %and3A_1331 = vector.broadcast %and3A : i32 to vector<16xi32>
        %and3A_1332 = arith.andi %add3A_1330, %and3A_1331 : vector<16xi32>
        %scan3A_1333 = arith.constant 0 : i32
        %scan3A_1334 = arith.constant 0 : i32
        %scan3A_1335 = arith.constant 8 : i32
        %scan3A_1336 = arith.addi %scan3A_1334, %scan3A_1335 : i32
        %scan3A_1337 = arith.constant 1 : i32
        scf.for %scan3A_1339 = %scan3A_1334 to %scan3A_1336 step %scan3A_1337  : i32 {
          %mul3A_1340 = arith.constant 16 : i32
          %mul3A_1341 = arith.muli %scan3A_1339, %mul3A_1340 : i32
          %add3A_1342 = vector.broadcast %mul3A_1341 : i32 to vector<16xi32>
          %add3A_1343 = arith.addi %add3A_1342, %iota3A : vector<16xi32>
          %gather3A = arith.constant 1 : i32
          %gather3A_1344 = arith.constant 0 : i32
          %gather3A_1345 = arith.constant 0 : i32
          %gather3A_1346 = tpu.memref_slice %arg11[%gather3A, %gather3A_1344, %gather3A_1345] : memref<4x128x32xf32, #tpu.memory_space<vmem>> -> memref<1x128x32xf32, #tpu.memory_space<vmem>>
          %gather3A_1347 = tpu.memref_squeeze %gather3A_1346 : memref<1x128x32xf32, #tpu.memory_space<vmem>> -> memref<128x32xf32, #tpu.memory_space<vmem>>
          %gather3A_1348 = tpu.vector_load_idx %gather3A_1347[%add3A_1343, %and3A_1332] : memref<128x32xf32, #tpu.memory_space<vmem>>[vector<16xi32>, vector<16xi32>], vector<16xf32>,
          %scatter3A = arith.constant 0 : i32
          %scatter3A_1349 = arith.constant 0 : i32
          %scatter3A_1350 = arith.constant 0 : i32
          %scatter3A_1351 = tpu.memref_slice %arg13[%scan3A_1206, %scatter3A, %scatter3A_1349, %scatter3A_1350] : memref<2x32x8x128xf32, #tpu.memory_space<vmem>> -> memref<1x32x8x128xf32, #tpu.memory_space<vmem>>
          %scatter3A_1352 = tpu.memref_squeeze %scatter3A_1351 : memref<1x32x8x128xf32, #tpu.memory_space<vmem>> -> memref<32x8x128xf32, #tpu.memory_space<vmem>>
          tpu.vector_store_idx %scatter3A_1352[%and3A_1332, %broadcast_in_dim3A_1192, %add3A_1343], %gather3A_1348 : memref<32x8x128xf32, #tpu.memory_space<vmem>>[vector<16xi32>, vector<16xi32>, vector<16xi32>], vector<16xf32>,
        }
        %scan3A_1338 = arith.constant 8 : i32
      }
      %scan3A_1211 = arith.constant 32 : i32
      %add3A_1212 = arith.constant 4 : i32
      %add3A_1213 = arith.addi %add3A_1190, %add3A_1212 : i32
      %min3A_1214 = arith.constant 199 : i32
      %min3A_1215 = arith.minsi %add3A_1213, %min3A_1214 : i32
      %dma_start3A_1216 = arith.constant 1 : i32
      %dma_start3A_1217 = arith.constant 0 : i32
      %dma_start3A_1218 = arith.constant 0 : i32
      %dma_start3A_1219 = tpu.memref_slice %arg11[%dma_start3A_1216, %dma_start3A_1217, %dma_start3A_1218] : memref<4x128x32xf32, #tpu.memory_space<vmem>> -> memref<1x128x32xf32, #tpu.memory_space<vmem>>
      %dma_start3A_1220 = tpu.memref_squeeze %dma_start3A_1219 : memref<1x128x32xf32, #tpu.memory_space<vmem>> -> memref<128x32xf32, #tpu.memory_space<vmem>>
      %dma_start3A_1221 = arith.constant 0 : i32
      %dma_start3A_1222 = tpu.memref_slice %arg10[%min3A_1215, %dma_start3A_1221] : memref<200x128xi32, #tpu.memory_space<vmem>> -> memref<1x128xi32, #tpu.memory_space<vmem>>
      %dma_start3A_1223 = tpu.memref_squeeze %dma_start3A_1222 : memref<1x128xi32, #tpu.memory_space<vmem>> -> memref<128xi32, #tpu.memory_space<vmem>>
      %dma_start3A_1224 = arith.constant 0 : i32
      %dma_start3A_1225 = arith.constant 0 : i32
      %dma_start3A_1226 = tpu.memref_slice %arg4[%dma_start3A_1224, %dma_start3A_1225] : memref<1000000x32xf32, #tpu.memory_space<hbm>> -> memref<1000000x32xf32, #tpu.memory_space<hbm>>
      tpu.enqueue_indirect_dma source(%dma_start3A_1226 : memref<1000000x32xf32, #tpu.memory_space<hbm>>) target(%dma_start3A_1220 : memref<128x32xf32, #tpu.memory_space<vmem>>) offsets(%dma_start3A_1223 : memref<128xi32, #tpu.memory_space<vmem>>) semaphore(%arg15 : memref<!tpu.dma_semaphore, #tpu.memory_space<semaphore_mem>>)
      %mul3A_1227 = arith.constant 8 : i32
      %mul3A_1228 = arith.muli %add3A_986, %mul3A_1227 : i32
      %add3A_1229 = arith.constant 6 : i32
      %add3A_1230 = arith.addi %mul3A_1228, %add3A_1229 : i32
      %broadcast_in_dim3A_1231 = arith.constant 6 : i32
      %broadcast_in_dim3A_1232 = vector.broadcast %broadcast_in_dim3A_1231 : i32 to vector<16xi32>
      %dma_wait3A_1233 = arith.constant 0 : i32
      %dma_wait3A_1234 = arith.constant 2 : i32
      %dma_wait3A_1235 = arith.constant 0 : i32
      %dma_wait3A_1236 = arith.constant 0 : i32
      %dma_wait3A_1237 = tpu.memref_slice %arg11[%dma_wait3A_1234, %dma_wait3A_1235, %dma_wait3A_1236] : memref<4x128x32xf32, #tpu.memory_space<vmem>> -> memref<1x128x32xf32, #tpu.memory_space<vmem>>
      %dma_wait3A_1238 = tpu.memref_squeeze %dma_wait3A_1237 : memref<1x128x32xf32, #tpu.memory_space<vmem>> -> memref<128x32xf32, #tpu.memory_space<vmem>>
      %dma_wait3A_1239 = arith.constant 0 : i32
      %dma_wait3A_1240 = tpu.memref_slice %arg9[%dma_wait3A_1233, %dma_wait3A_1239] : memref<20x128xi32, #tpu.memory_space<vmem>> -> memref<1x128xi32, #tpu.memory_space<vmem>>
      %dma_wait3A_1241 = tpu.memref_squeeze %dma_wait3A_1240 : memref<1x128xi32, #tpu.memory_space<vmem>> -> memref<128xi32, #tpu.memory_space<vmem>>
      %dma_wait3A_1242 = arith.constant 0 : i32
      %dma_wait3A_1243 = arith.constant 0 : i32
      %dma_wait3A_1244 = tpu.memref_slice %arg4[%dma_wait3A_1242, %dma_wait3A_1243] : memref<1000000x32xf32, #tpu.memory_space<hbm>> -> memref<1000000x32xf32, #tpu.memory_space<hbm>>
      tpu.wait_indirect_dma semaphore(%arg16 : memref<!tpu.dma_semaphore, #tpu.memory_space<semaphore_mem>>) src(%dma_wait3A_1244 : memref<1000000x32xf32, #tpu.memory_space<hbm>>) dst(%dma_wait3A_1238 : memref<128x32xf32, #tpu.memory_space<vmem>>)
      %scan3A_1245 = arith.constant 0 : i32
      %scan3A_1246 = arith.constant 1 : i32
      %scan3A_1247 = arith.constant 0 : i32
      %scan3A_1248 = arith.constant 32 : i32
      %scan3A_1249 = arith.addi %scan3A_1247, %scan3A_1248 : i32
      %scan3A_1250 = arith.constant 1 : i32
      scf.for %scan3A_1328 = %scan3A_1247 to %scan3A_1249 step %scan3A_1250  : i32 {
        %add3A_1329 = vector.broadcast %scan3A_1328 : i32 to vector<16xi32>
        %add3A_1330 = arith.addi %add3A_1329, %iota3A : vector<16xi32>
        %and3A = arith.constant 31 : i32
        %and3A_1331 = vector.broadcast %and3A : i32 to vector<16xi32>
        %and3A_1332 = arith.andi %add3A_1330, %and3A_1331 : vector<16xi32>
        %scan3A_1333 = arith.constant 0 : i32
        %scan3A_1334 = arith.constant 0 : i32
        %scan3A_1335 = arith.constant 8 : i32
        %scan3A_1336 = arith.addi %scan3A_1334, %scan3A_1335 : i32
        %scan3A_1337 = arith.constant 1 : i32
        scf.for %scan3A_1339 = %scan3A_1334 to %scan3A_1336 step %scan3A_1337  : i32 {
          %mul3A_1340 = arith.constant 16 : i32
          %mul3A_1341 = arith.muli %scan3A_1339, %mul3A_1340 : i32
          %add3A_1342 = vector.broadcast %mul3A_1341 : i32 to vector<16xi32>
          %add3A_1343 = arith.addi %add3A_1342, %iota3A : vector<16xi32>
          %gather3A = arith.constant 2 : i32
          %gather3A_1344 = arith.constant 0 : i32
          %gather3A_1345 = arith.constant 0 : i32
          %gather3A_1346 = tpu.memref_slice %arg11[%gather3A, %gather3A_1344, %gather3A_1345] : memref<4x128x32xf32, #tpu.memory_space<vmem>> -> memref<1x128x32xf32, #tpu.memory_space<vmem>>
          %gather3A_1347 = tpu.memref_squeeze %gather3A_1346 : memref<1x128x32xf32, #tpu.memory_space<vmem>> -> memref<128x32xf32, #tpu.memory_space<vmem>>
          %gather3A_1348 = tpu.vector_load_idx %gather3A_1347[%add3A_1343, %and3A_1332] : memref<128x32xf32, #tpu.memory_space<vmem>>[vector<16xi32>, vector<16xi32>], vector<16xf32>,
          %scatter3A = arith.constant 0 : i32
          %scatter3A_1349 = arith.constant 0 : i32
          %scatter3A_1350 = arith.constant 0 : i32
          %scatter3A_1351 = tpu.memref_slice %arg13[%scan3A_1246, %scatter3A, %scatter3A_1349, %scatter3A_1350] : memref<2x32x8x128xf32, #tpu.memory_space<vmem>> -> memref<1x32x8x128xf32, #tpu.memory_space<vmem>>
          %scatter3A_1352 = tpu.memref_squeeze %scatter3A_1351 : memref<1x32x8x128xf32, #tpu.memory_space<vmem>> -> memref<32x8x128xf32, #tpu.memory_space<vmem>>
          tpu.vector_store_idx %scatter3A_1352[%and3A_1332, %broadcast_in_dim3A_1232, %add3A_1343], %gather3A_1348 : memref<32x8x128xf32, #tpu.memory_space<vmem>>[vector<16xi32>, vector<16xi32>, vector<16xi32>], vector<16xf32>,
        }
        %scan3A_1338 = arith.constant 8 : i32
      }
      %scan3A_1251 = arith.constant 32 : i32
      %add3A_1252 = arith.constant 4 : i32
      %add3A_1253 = arith.addi %add3A_1230, %add3A_1252 : i32
      %min3A_1254 = arith.constant 199 : i32
      %min3A_1255 = arith.minsi %add3A_1253, %min3A_1254 : i32
      %dma_start3A_1256 = arith.constant 2 : i32
      %dma_start3A_1257 = arith.constant 0 : i32
      %dma_start3A_1258 = arith.constant 0 : i32
      %dma_start3A_1259 = tpu.memref_slice %arg11[%dma_start3A_1256, %dma_start3A_1257, %dma_start3A_1258] : memref<4x128x32xf32, #tpu.memory_space<vmem>> -> memref<1x128x32xf32, #tpu.memory_space<vmem>>
      %dma_start3A_1260 = tpu.memref_squeeze %dma_start3A_1259 : memref<1x128x32xf32, #tpu.memory_space<vmem>> -> memref<128x32xf32, #tpu.memory_space<vmem>>
      %dma_start3A_1261 = arith.constant 0 : i32
      %dma_start3A_1262 = tpu.memref_slice %arg10[%min3A_1255, %dma_start3A_1261] : memref<200x128xi32, #tpu.memory_space<vmem>> -> memref<1x128xi32, #tpu.memory_space<vmem>>
      %dma_start3A_1263 = tpu.memref_squeeze %dma_start3A_1262 : memref<1x128xi32, #tpu.memory_space<vmem>> -> memref<128xi32, #tpu.memory_space<vmem>>
      %dma_start3A_1264 = arith.constant 0 : i32
      %dma_start3A_1265 = arith.constant 0 : i32
      %dma_start3A_1266 = tpu.memref_slice %arg4[%dma_start3A_1264, %dma_start3A_1265] : memref<1000000x32xf32, #tpu.memory_space<hbm>> -> memref<1000000x32xf32, #tpu.memory_space<hbm>>
      tpu.enqueue_indirect_dma source(%dma_start3A_1266 : memref<1000000x32xf32, #tpu.memory_space<hbm>>) target(%dma_start3A_1260 : memref<128x32xf32, #tpu.memory_space<vmem>>) offsets(%dma_start3A_1263 : memref<128xi32, #tpu.memory_space<vmem>>) semaphore(%arg16 : memref<!tpu.dma_semaphore, #tpu.memory_space<semaphore_mem>>)
      %mul3A_1267 = arith.constant 8 : i32
      %mul3A_1268 = arith.muli %add3A_986, %mul3A_1267 : i32
      %add3A_1269 = arith.constant 7 : i32
      %add3A_1270 = arith.addi %mul3A_1268, %add3A_1269 : i32
      %broadcast_in_dim3A_1271 = arith.constant 7 : i32
      %broadcast_in_dim3A_1272 = vector.broadcast %broadcast_in_dim3A_1271 : i32 to vector<16xi32>
      %dma_wait3A_1273 = arith.constant 0 : i32
      %dma_wait3A_1274 = arith.constant 3 : i32
      %dma_wait3A_1275 = arith.constant 0 : i32
      %dma_wait3A_1276 = arith.constant 0 : i32
      %dma_wait3A_1277 = tpu.memref_slice %arg11[%dma_wait3A_1274, %dma_wait3A_1275, %dma_wait3A_1276] : memref<4x128x32xf32, #tpu.memory_space<vmem>> -> memref<1x128x32xf32, #tpu.memory_space<vmem>>
      %dma_wait3A_1278 = tpu.memref_squeeze %dma_wait3A_1277 : memref<1x128x32xf32, #tpu.memory_space<vmem>> -> memref<128x32xf32, #tpu.memory_space<vmem>>
      %dma_wait3A_1279 = arith.constant 0 : i32
      %dma_wait3A_1280 = tpu.memref_slice %arg9[%dma_wait3A_1273, %dma_wait3A_1279] : memref<20x128xi32, #tpu.memory_space<vmem>> -> memref<1x128xi32, #tpu.memory_space<vmem>>
      %dma_wait3A_1281 = tpu.memref_squeeze %dma_wait3A_1280 : memref<1x128xi32, #tpu.memory_space<vmem>> -> memref<128xi32, #tpu.memory_space<vmem>>
      %dma_wait3A_1282 = arith.constant 0 : i32
      %dma_wait3A_1283 = arith.constant 0 : i32
      %dma_wait3A_1284 = tpu.memref_slice %arg4[%dma_wait3A_1282, %dma_wait3A_1283] : memref<1000000x32xf32, #tpu.memory_space<hbm>> -> memref<1000000x32xf32, #tpu.memory_space<hbm>>
      tpu.wait_indirect_dma semaphore(%arg17 : memref<!tpu.dma_semaphore, #tpu.memory_space<semaphore_mem>>) src(%dma_wait3A_1284 : memref<1000000x32xf32, #tpu.memory_space<hbm>>) dst(%dma_wait3A_1278 : memref<128x32xf32, #tpu.memory_space<vmem>>)
      %scan3A_1285 = arith.constant 0 : i32
      %scan3A_1286 = arith.constant 1 : i32
      %scan3A_1287 = arith.constant 0 : i32
      %scan3A_1288 = arith.constant 32 : i32
      %scan3A_1289 = arith.addi %scan3A_1287, %scan3A_1288 : i32
      %scan3A_1290 = arith.constant 1 : i32
      scf.for %scan3A_1328 = %scan3A_1287 to %scan3A_1289 step %scan3A_1290  : i32 {
        %add3A_1329 = vector.broadcast %scan3A_1328 : i32 to vector<16xi32>
        %add3A_1330 = arith.addi %add3A_1329, %iota3A : vector<16xi32>
        %and3A = arith.constant 31 : i32
        %and3A_1331 = vector.broadcast %and3A : i32 to vector<16xi32>
        %and3A_1332 = arith.andi %add3A_1330, %and3A_1331 : vector<16xi32>
        %scan3A_1333 = arith.constant 0 : i32
        %scan3A_1334 = arith.constant 0 : i32
        %scan3A_1335 = arith.constant 8 : i32
        %scan3A_1336 = arith.addi %scan3A_1334, %scan3A_1335 : i32
        %scan3A_1337 = arith.constant 1 : i32
        scf.for %scan3A_1339 = %scan3A_1334 to %scan3A_1336 step %scan3A_1337  : i32 {
          %mul3A_1340 = arith.constant 16 : i32
          %mul3A_1341 = arith.muli %scan3A_1339, %mul3A_1340 : i32
          %add3A_1342 = vector.broadcast %mul3A_1341 : i32 to vector<16xi32>
          %add3A_1343 = arith.addi %add3A_1342, %iota3A : vector<16xi32>
          %gather3A = arith.constant 3 : i32
          %gather3A_1344 = arith.constant 0 : i32
          %gather3A_1345 = arith.constant 0 : i32
          %gather3A_1346 = tpu.memref_slice %arg11[%gather3A, %gather3A_1344, %gather3A_1345] : memref<4x128x32xf32, #tpu.memory_space<vmem>> -> memref<1x128x32xf32, #tpu.memory_space<vmem>>
          %gather3A_1347 = tpu.memref_squeeze %gather3A_1346 : memref<1x128x32xf32, #tpu.memory_space<vmem>> -> memref<128x32xf32, #tpu.memory_space<vmem>>
          %gather3A_1348 = tpu.vector_load_idx %gather3A_1347[%add3A_1343, %and3A_1332] : memref<128x32xf32, #tpu.memory_space<vmem>>[vector<16xi32>, vector<16xi32>], vector<16xf32>,
          %scatter3A = arith.constant 0 : i32
          %scatter3A_1349 = arith.constant 0 : i32
          %scatter3A_1350 = arith.constant 0 : i32
          %scatter3A_1351 = tpu.memref_slice %arg13[%scan3A_1286, %scatter3A, %scatter3A_1349, %scatter3A_1350] : memref<2x32x8x128xf32, #tpu.memory_space<vmem>> -> memref<1x32x8x128xf32, #tpu.memory_space<vmem>>
          %scatter3A_1352 = tpu.memref_squeeze %scatter3A_1351 : memref<1x32x8x128xf32, #tpu.memory_space<vmem>> -> memref<32x8x128xf32, #tpu.memory_space<vmem>>
          tpu.vector_store_idx %scatter3A_1352[%and3A_1332, %broadcast_in_dim3A_1272, %add3A_1343], %gather3A_1348 : memref<32x8x128xf32, #tpu.memory_space<vmem>>[vector<16xi32>, vector<16xi32>, vector<16xi32>], vector<16xf32>,
        }
        %scan3A_1338 = arith.constant 8 : i32
      }
      %scan3A_1291 = arith.constant 32 : i32
      %add3A_1292 = arith.constant 4 : i32
      %add3A_1293 = arith.addi %add3A_1270, %add3A_1292 : i32
      %min3A_1294 = arith.constant 199 : i32
      %min3A_1295 = arith.minsi %add3A_1293, %min3A_1294 : i32
      %dma_start3A_1296 = arith.constant 3 : i32
      %dma_start3A_1297 = arith.constant 0 : i32
      %dma_start3A_1298 = arith.constant 0 : i32
      %dma_start3A_1299 = tpu.memref_slice %arg11[%dma_start3A_1296, %dma_start3A_1297, %dma_start3A_1298] : memref<4x128x32xf32, #tpu.memory_space<vmem>> -> memref<1x128x32xf32, #tpu.memory_space<vmem>>
      %dma_start3A_1300 = tpu.memref_squeeze %dma_start3A_1299 : memref<1x128x32xf32, #tpu.memory_space<vmem>> -> memref<128x32xf32, #tpu.memory_space<vmem>>
      %dma_start3A_1301 = arith.constant 0 : i32
      %dma_start3A_1302 = tpu.memref_slice %arg10[%min3A_1295, %dma_start3A_1301] : memref<200x128xi32, #tpu.memory_space<vmem>> -> memref<1x128xi32, #tpu.memory_space<vmem>>
      %dma_start3A_1303 = tpu.memref_squeeze %dma_start3A_1302 : memref<1x128xi32, #tpu.memory_space<vmem>> -> memref<128xi32, #tpu.memory_space<vmem>>
      %dma_start3A_1304 = arith.constant 0 : i32
      %dma_start3A_1305 = arith.constant 0 : i32
      %dma_start3A_1306 = tpu.memref_slice %arg4[%dma_start3A_1304, %dma_start3A_1305] : memref<1000000x32xf32, #tpu.memory_space<hbm>> -> memref<1000000x32xf32, #tpu.memory_space<hbm>>
      tpu.enqueue_indirect_dma source(%dma_start3A_1306 : memref<1000000x32xf32, #tpu.memory_space<hbm>>) target(%dma_start3A_1300 : memref<128x32xf32, #tpu.memory_space<vmem>>) offsets(%dma_start3A_1303 : memref<128xi32, #tpu.memory_space<vmem>>) semaphore(%arg17 : memref<!tpu.dma_semaphore, #tpu.memory_space<semaphore_mem>>)
      %dma_start3A_1307 = arith.constant 1 : i32
      %dma_start3A_1308 = arith.constant 0 : i32
      %dma_start3A_1309 = arith.constant 0 : i32
      %dma_start3A_1310 = arith.constant 0 : i32
      %dma_start3A_1311 = tpu.memref_slice %arg13[%dma_start3A_1307, %dma_start3A_1308, %dma_start3A_1309, %dma_start3A_1310] : memref<2x32x8x128xf32, #tpu.memory_space<vmem>> -> memref<1x32x8x128xf32, #tpu.memory_space<vmem>>
      %dma_start3A_1312 = tpu.memref_squeeze %dma_start3A_1311 : memref<1x32x8x128xf32, #tpu.memory_space<vmem>> -> memref<32x8x128xf32, #tpu.memory_space<vmem>>
      %dma_start3A_1313 = arith.constant 0 : i32
      %dma_start3A_1314 = arith.constant 0 : i32
      %dma_start3A_1315 = arith.constant 0 : i32
      %dma_start3A_1316 = tpu.memref_slice %arg6[%dma_start3A_1313, %add3A_986, %add3A, %dma_start3A_1314, %dma_start3A_1315] : memref<32x25x32x8x128xf32, #tpu.memory_space<hbm>> -> memref<32x1x1x8x128xf32, #tpu.memory_space<hbm>>
      %dma_start3A_1317 = tpu.memref_squeeze %dma_start3A_1316 : memref<32x1x1x8x128xf32, #tpu.memory_space<hbm>> -> memref<32x8x128xf32, #tpu.memory_space<hbm>>
      %dma_start3A_1318 = arith.constant 0 : i32
      %dma_start3A_1319 = arith.constant 0 : i32
      %dma_start3A_1320 = arith.constant 0 : i32
      %dma_start3A_1321 = tpu.memref_slice %arg6[%dma_start3A_1318, %add3A_986, %add3A, %dma_start3A_1319, %dma_start3A_1320] : memref<32x25x32x8x128xf32, #tpu.memory_space<hbm>> -> memref<32x1x1x8x128xf32, #tpu.memory_space<hbm>>
      %dma_start3A_1322 = tpu.memref_squeeze %dma_start3A_1321 : memref<32x1x1x8x128xf32, #tpu.memory_space<hbm>> -> memref<32x8x128xf32, #tpu.memory_space<hbm>>
      %dma_start3A_1323 = arith.constant 0 : i32
      %dma_start3A_1324 = arith.constant 0 : i32
      %dma_start3A_1325 = arith.constant 0 : i32
      %dma_start3A_1326 = tpu.memref_slice %arg13[%dma_start3A_1307, %dma_start3A_1323, %dma_start3A_1324, %dma_start3A_1325] : memref<2x32x8x128xf32, #tpu.memory_space<vmem>> -> memref<1x32x8x128xf32, #tpu.memory_space<vmem>>
      %dma_start3A_1327 = tpu.memref_squeeze %dma_start3A_1326 : memref<1x32x8x128xf32, #tpu.memory_space<vmem>> -> memref<32x8x128xf32, #tpu.memory_space<vmem>>
      tpu.enqueue_dma source(%dma_start3A_1327 : memref<32x8x128xf32, #tpu.memory_space<vmem>>) target(%dma_start3A_1322 : memref<32x8x128xf32, #tpu.memory_space<hbm>>) target_semaphore(%arg21 : memref<!tpu.dma_semaphore, #tpu.memory_space<semaphore_mem>>)
    }
    %scan3A_212 = arith.constant 12 : i32
    %dma_wait3A_213 = arith.constant 0 : i32
    %dma_wait3A_214 = arith.constant 0 : i32
    %dma_wait3A_215 = arith.constant 0 : i32
    %dma_wait3A_216 = arith.constant 0 : i32
    %dma_wait3A_217 = arith.constant 0 : i32
    %dma_wait3A_218 = arith.constant 0 : i32
    %dma_wait3A_219 = tpu.memref_slice %arg13[%dma_wait3A_213, %dma_wait3A_216, %dma_wait3A_217, %dma_wait3A_218] : memref<2x32x8x128xf32, #tpu.memory_space<vmem>> -> memref<1x32x8x128xf32, #tpu.memory_space<vmem>>
    %dma_wait3A_220 = tpu.memref_squeeze %dma_wait3A_219 : memref<1x32x8x128xf32, #tpu.memory_space<vmem>> -> memref<32x8x128xf32, #tpu.memory_space<vmem>>
    %dma_wait3A_221 = arith.constant 0 : i32
    %dma_wait3A_222 = arith.constant 0 : i32
    %dma_wait3A_223 = arith.constant 0 : i32
    %dma_wait3A_224 = tpu.memref_slice %arg6[%dma_wait3A_221, %dma_wait3A_214, %dma_wait3A_215, %dma_wait3A_222, %dma_wait3A_223] : memref<32x25x32x8x128xf32, #tpu.memory_space<hbm>> -> memref<32x1x1x8x128xf32, #tpu.memory_space<hbm>>
    %dma_wait3A_225 = tpu.memref_squeeze %dma_wait3A_224 : memref<32x1x1x8x128xf32, #tpu.memory_space<hbm>> -> memref<32x8x128xf32, #tpu.memory_space<hbm>>
    %dma_wait3A_226 = arith.constant 0 : i32
    %dma_wait3A_227 = arith.constant 0 : i32
    %dma_wait3A_228 = arith.constant 0 : i32
    %dma_wait3A_229 = tpu.memref_slice %arg6[%dma_wait3A_226, %dma_wait3A_214, %dma_wait3A_215, %dma_wait3A_227, %dma_wait3A_228] : memref<32x25x32x8x128xf32, #tpu.memory_space<hbm>> -> memref<32x1x1x8x128xf32, #tpu.memory_space<hbm>>
    %dma_wait3A_230 = tpu.memref_squeeze %dma_wait3A_229 : memref<32x1x1x8x128xf32, #tpu.memory_space<hbm>> -> memref<32x8x128xf32, #tpu.memory_space<hbm>>
    %dma_wait3A_231 = arith.constant 0 : i32
    %dma_wait3A_232 = arith.constant 0 : i32
    %dma_wait3A_233 = arith.constant 0 : i32
    %dma_wait3A_234 = tpu.memref_slice %arg13[%dma_wait3A_213, %dma_wait3A_231, %dma_wait3A_232, %dma_wait3A_233] : memref<2x32x8x128xf32, #tpu.memory_space<vmem>> -> memref<1x32x8x128xf32, #tpu.memory_space<vmem>>
    %dma_wait3A_235 = tpu.memref_squeeze %dma_wait3A_234 : memref<1x32x8x128xf32, #tpu.memory_space<vmem>> -> memref<32x8x128xf32, #tpu.memory_space<vmem>>
    tpu.wait_dma2 semaphore(%arg20 : memref<!tpu.dma_semaphore, #tpu.memory_space<semaphore_mem>>) src(%dma_wait3A_235 : memref<32x8x128xf32, #tpu.memory_space<vmem>>) dst(%dma_wait3A_230 : memref<32x8x128xf32, #tpu.memory_space<hbm>>)
    %broadcast_in_dim3A = arith.constant 0 : i32
    %broadcast_in_dim3A_236 = vector.broadcast %broadcast_in_dim3A : i32 to vector<16xi32>
    %dma_wait3A_237 = arith.constant 0 : i32
    %dma_wait3A_238 = arith.constant 0 : i32
    %dma_wait3A_239 = arith.constant 0 : i32
    %dma_wait3A_240 = arith.constant 0 : i32
    %dma_wait3A_241 = tpu.memref_slice %arg11[%dma_wait3A_238, %dma_wait3A_239, %dma_wait3A_240] : memref<4x128x32xf32, #tpu.memory_space<vmem>> -> memref<1x128x32xf32, #tpu.memory_space<vmem>>
    %dma_wait3A_242 = tpu.memref_squeeze %dma_wait3A_241 : memref<1x128x32xf32, #tpu.memory_space<vmem>> -> memref<128x32xf32, #tpu.memory_space<vmem>>
    %dma_wait3A_243 = arith.constant 0 : i32
    %dma_wait3A_244 = tpu.memref_slice %arg9[%dma_wait3A_237, %dma_wait3A_243] : memref<20x128xi32, #tpu.memory_space<vmem>> -> memref<1x128xi32, #tpu.memory_space<vmem>>
    %dma_wait3A_245 = tpu.memref_squeeze %dma_wait3A_244 : memref<1x128xi32, #tpu.memory_space<vmem>> -> memref<128xi32, #tpu.memory_space<vmem>>
    %dma_wait3A_246 = arith.constant 0 : i32
    %dma_wait3A_247 = arith.constant 0 : i32
    %dma_wait3A_248 = tpu.memref_slice %arg4[%dma_wait3A_246, %dma_wait3A_247] : memref<1000000x32xf32, #tpu.memory_space<hbm>> -> memref<1000000x32xf32, #tpu.memory_space<hbm>>
    tpu.wait_indirect_dma semaphore(%arg14 : memref<!tpu.dma_semaphore, #tpu.memory_space<semaphore_mem>>) src(%dma_wait3A_248 : memref<1000000x32xf32, #tpu.memory_space<hbm>>) dst(%dma_wait3A_242 : memref<128x32xf32, #tpu.memory_space<vmem>>)
    %scan3A_249 = arith.constant 0 : i32
    %scan3A_250 = arith.constant 0 : i32
    %scan3A_251 = arith.constant 0 : i32
    %scan3A_252 = arith.constant 32 : i32
    %scan3A_253 = arith.addi %scan3A_251, %scan3A_252 : i32
    %scan3A_254 = arith.constant 1 : i32
    scf.for %scan3A_630 = %scan3A_251 to %scan3A_253 step %scan3A_254  : i32 {
      %add3A_631 = vector.broadcast %scan3A_630 : i32 to vector<16xi32>
      %add3A_632 = arith.addi %add3A_631, %iota3A : vector<16xi32>
      %and3A = arith.constant 31 : i32
      %and3A_633 = vector.broadcast %and3A : i32 to vector<16xi32>
      %and3A_634 = arith.andi %add3A_632, %and3A_633 : vector<16xi32>
      %scan3A_635 = arith.constant 0 : i32
      %scan3A_636 = arith.constant 0 : i32
      %scan3A_637 = arith.constant 8 : i32
      %scan3A_638 = arith.addi %scan3A_636, %scan3A_637 : i32
      %scan3A_639 = arith.constant 1 : i32
      scf.for %scan3A_641 = %scan3A_636 to %scan3A_638 step %scan3A_639  : i32 {
        %mul3A_642 = arith.constant 16 : i32
        %mul3A_643 = arith.muli %scan3A_641, %mul3A_642 : i32
        %add3A_644 = vector.broadcast %mul3A_643 : i32 to vector<16xi32>
        %add3A_645 = arith.addi %add3A_644, %iota3A : vector<16xi32>
        %gather3A = arith.constant 0 : i32
        %gather3A_646 = arith.constant 0 : i32
        %gather3A_647 = arith.constant 0 : i32
        %gather3A_648 = tpu.memref_slice %arg11[%gather3A, %gather3A_646, %gather3A_647] : memref<4x128x32xf32, #tpu.memory_space<vmem>> -> memref<1x128x32xf32, #tpu.memory_space<vmem>>
        %gather3A_649 = tpu.memref_squeeze %gather3A_648 : memref<1x128x32xf32, #tpu.memory_space<vmem>> -> memref<128x32xf32, #tpu.memory_space<vmem>>
        %gather3A_650 = tpu.vector_load_idx %gather3A_649[%add3A_645, %and3A_634] : memref<128x32xf32, #tpu.memory_space<vmem>>[vector<16xi32>, vector<16xi32>], vector<16xf32>,
        %scatter3A = arith.constant 0 : i32
        %scatter3A_651 = arith.constant 0 : i32
        %scatter3A_652 = arith.constant 0 : i32
        %scatter3A_653 = tpu.memref_slice %arg13[%scan3A_250, %scatter3A, %scatter3A_651, %scatter3A_652] : memref<2x32x8x128xf32, #tpu.memory_space<vmem>> -> memref<1x32x8x128xf32, #tpu.memory_space<vmem>>
        %scatter3A_654 = tpu.memref_squeeze %scatter3A_653 : memref<1x32x8x128xf32, #tpu.memory_space<vmem>> -> memref<32x8x128xf32, #tpu.memory_space<vmem>>
        tpu.vector_store_idx %scatter3A_654[%and3A_634, %broadcast_in_dim3A_236, %add3A_645], %gather3A_650 : memref<32x8x128xf32, #tpu.memory_space<vmem>>[vector<16xi32>, vector<16xi32>, vector<16xi32>], vector<16xf32>,
      }
      %scan3A_640 = arith.constant 8 : i32
    }
    %scan3A_255 = arith.constant 32 : i32
    %min3A = arith.constant 196 : i32
    %min3A_256 = arith.constant 199 : i32
    %min3A_257 = arith.minsi %min3A, %min3A_256 : i32
    %dma_start3A_258 = arith.constant 0 : i32
    %dma_start3A_259 = arith.constant 0 : i32
    %dma_start3A_260 = arith.constant 0 : i32
    %dma_start3A_261 = tpu.memref_slice %arg11[%dma_start3A_258, %dma_start3A_259, %dma_start3A_260] : memref<4x128x32xf32, #tpu.memory_space<vmem>> -> memref<1x128x32xf32, #tpu.memory_space<vmem>>
    %dma_start3A_262 = tpu.memref_squeeze %dma_start3A_261 : memref<1x128x32xf32, #tpu.memory_space<vmem>> -> memref<128x32xf32, #tpu.memory_space<vmem>>
    %dma_start3A_263 = arith.constant 0 : i32
    %dma_start3A_264 = tpu.memref_slice %arg10[%min3A_257, %dma_start3A_263] : memref<200x128xi32, #tpu.memory_space<vmem>> -> memref<1x128xi32, #tpu.memory_space<vmem>>
    %dma_start3A_265 = tpu.memref_squeeze %dma_start3A_264 : memref<1x128xi32, #tpu.memory_space<vmem>> -> memref<128xi32, #tpu.memory_space<vmem>>
    %dma_start3A_266 = arith.constant 0 : i32
    %dma_start3A_267 = arith.constant 0 : i32
    %dma_start3A_268 = tpu.memref_slice %arg4[%dma_start3A_266, %dma_start3A_267] : memref<1000000x32xf32, #tpu.memory_space<hbm>> -> memref<1000000x32xf32, #tpu.memory_space<hbm>>
    tpu.enqueue_indirect_dma source(%dma_start3A_268 : memref<1000000x32xf32, #tpu.memory_space<hbm>>) target(%dma_start3A_262 : memref<128x32xf32, #tpu.memory_space<vmem>>) offsets(%dma_start3A_265 : memref<128xi32, #tpu.memory_space<vmem>>) semaphore(%arg14 : memref<!tpu.dma_semaphore, #tpu.memory_space<semaphore_mem>>)
    %broadcast_in_dim3A_269 = arith.constant 1 : i32
    %broadcast_in_dim3A_270 = vector.broadcast %broadcast_in_dim3A_269 : i32 to vector<16xi32>
    %dma_wait3A_271 = arith.constant 0 : i32
    %dma_wait3A_272 = arith.constant 1 : i32
    %dma_wait3A_273 = arith.constant 0 : i32
    %dma_wait3A_274 = arith.constant 0 : i32
    %dma_wait3A_275 = tpu.memref_slice %arg11[%dma_wait3A_272, %dma_wait3A_273, %dma_wait3A_274] : memref<4x128x32xf32, #tpu.memory_space<vmem>> -> memref<1x128x32xf32, #tpu.memory_space<vmem>>
    %dma_wait3A_276 = tpu.memref_squeeze %dma_wait3A_275 : memref<1x128x32xf32, #tpu.memory_space<vmem>> -> memref<128x32xf32, #tpu.memory_space<vmem>>
    %dma_wait3A_277 = arith.constant 0 : i32
    %dma_wait3A_278 = tpu.memref_slice %arg9[%dma_wait3A_271, %dma_wait3A_277] : memref<20x128xi32, #tpu.memory_space<vmem>> -> memref<1x128xi32, #tpu.memory_space<vmem>>
    %dma_wait3A_279 = tpu.memref_squeeze %dma_wait3A_278 : memref<1x128xi32, #tpu.memory_space<vmem>> -> memref<128xi32, #tpu.memory_space<vmem>>
    %dma_wait3A_280 = arith.constant 0 : i32
    %dma_wait3A_281 = arith.constant 0 : i32
    %dma_wait3A_282 = tpu.memref_slice %arg4[%dma_wait3A_280, %dma_wait3A_281] : memref<1000000x32xf32, #tpu.memory_space<hbm>> -> memref<1000000x32xf32, #tpu.memory_space<hbm>>
    tpu.wait_indirect_dma semaphore(%arg15 : memref<!tpu.dma_semaphore, #tpu.memory_space<semaphore_mem>>) src(%dma_wait3A_282 : memref<1000000x32xf32, #tpu.memory_space<hbm>>) dst(%dma_wait3A_276 : memref<128x32xf32, #tpu.memory_space<vmem>>)
    %scan3A_283 = arith.constant 0 : i32
    %scan3A_284 = arith.constant 0 : i32
    %scan3A_285 = arith.constant 0 : i32
    %scan3A_286 = arith.constant 32 : i32
    %scan3A_287 = arith.addi %scan3A_285, %scan3A_286 : i32
    %scan3A_288 = arith.constant 1 : i32
    scf.for %scan3A_630 = %scan3A_285 to %scan3A_287 step %scan3A_288  : i32 {
      %add3A_631 = vector.broadcast %scan3A_630 : i32 to vector<16xi32>
      %add3A_632 = arith.addi %add3A_631, %iota3A : vector<16xi32>
      %and3A = arith.constant 31 : i32
      %and3A_633 = vector.broadcast %and3A : i32 to vector<16xi32>
      %and3A_634 = arith.andi %add3A_632, %and3A_633 : vector<16xi32>
      %scan3A_635 = arith.constant 0 : i32
      %scan3A_636 = arith.constant 0 : i32
      %scan3A_637 = arith.constant 8 : i32
      %scan3A_638 = arith.addi %scan3A_636, %scan3A_637 : i32
      %scan3A_639 = arith.constant 1 : i32
      scf.for %scan3A_641 = %scan3A_636 to %scan3A_638 step %scan3A_639  : i32 {
        %mul3A_642 = arith.constant 16 : i32
        %mul3A_643 = arith.muli %scan3A_641, %mul3A_642 : i32
        %add3A_644 = vector.broadcast %mul3A_643 : i32 to vector<16xi32>
        %add3A_645 = arith.addi %add3A_644, %iota3A : vector<16xi32>
        %gather3A = arith.constant 1 : i32
        %gather3A_646 = arith.constant 0 : i32
        %gather3A_647 = arith.constant 0 : i32
        %gather3A_648 = tpu.memref_slice %arg11[%gather3A, %gather3A_646, %gather3A_647] : memref<4x128x32xf32, #tpu.memory_space<vmem>> -> memref<1x128x32xf32, #tpu.memory_space<vmem>>
        %gather3A_649 = tpu.memref_squeeze %gather3A_648 : memref<1x128x32xf32, #tpu.memory_space<vmem>> -> memref<128x32xf32, #tpu.memory_space<vmem>>
        %gather3A_650 = tpu.vector_load_idx %gather3A_649[%add3A_645, %and3A_634] : memref<128x32xf32, #tpu.memory_space<vmem>>[vector<16xi32>, vector<16xi32>], vector<16xf32>,
        %scatter3A = arith.constant 0 : i32
        %scatter3A_651 = arith.constant 0 : i32
        %scatter3A_652 = arith.constant 0 : i32
        %scatter3A_653 = tpu.memref_slice %arg13[%scan3A_284, %scatter3A, %scatter3A_651, %scatter3A_652] : memref<2x32x8x128xf32, #tpu.memory_space<vmem>> -> memref<1x32x8x128xf32, #tpu.memory_space<vmem>>
        %scatter3A_654 = tpu.memref_squeeze %scatter3A_653 : memref<1x32x8x128xf32, #tpu.memory_space<vmem>> -> memref<32x8x128xf32, #tpu.memory_space<vmem>>
        tpu.vector_store_idx %scatter3A_654[%and3A_634, %broadcast_in_dim3A_270, %add3A_645], %gather3A_650 : memref<32x8x128xf32, #tpu.memory_space<vmem>>[vector<16xi32>, vector<16xi32>, vector<16xi32>], vector<16xf32>,
      }
      %scan3A_640 = arith.constant 8 : i32
    }
    %scan3A_289 = arith.constant 32 : i32
    %min3A_290 = arith.constant 197 : i32
    %min3A_291 = arith.constant 199 : i32
    %min3A_292 = arith.minsi %min3A_290, %min3A_291 : i32
    %dma_start3A_293 = arith.constant 1 : i32
    %dma_start3A_294 = arith.constant 0 : i32
    %dma_start3A_295 = arith.constant 0 : i32
    %dma_start3A_296 = tpu.memref_slice %arg11[%dma_start3A_293, %dma_start3A_294, %dma_start3A_295] : memref<4x128x32xf32, #tpu.memory_space<vmem>> -> memref<1x128x32xf32, #tpu.memory_space<vmem>>
    %dma_start3A_297 = tpu.memref_squeeze %dma_start3A_296 : memref<1x128x32xf32, #tpu.memory_space<vmem>> -> memref<128x32xf32, #tpu.memory_space<vmem>>
    %dma_start3A_298 = arith.constant 0 : i32
    %dma_start3A_299 = tpu.memref_slice %arg10[%min3A_292, %dma_start3A_298] : memref<200x128xi32, #tpu.memory_space<vmem>> -> memref<1x128xi32, #tpu.memory_space<vmem>>
    %dma_start3A_300 = tpu.memref_squeeze %dma_start3A_299 : memref<1x128xi32, #tpu.memory_space<vmem>> -> memref<128xi32, #tpu.memory_space<vmem>>
    %dma_start3A_301 = arith.constant 0 : i32
    %dma_start3A_302 = arith.constant 0 : i32
    %dma_start3A_303 = tpu.memref_slice %arg4[%dma_start3A_301, %dma_start3A_302] : memref<1000000x32xf32, #tpu.memory_space<hbm>> -> memref<1000000x32xf32, #tpu.memory_space<hbm>>
    tpu.enqueue_indirect_dma source(%dma_start3A_303 : memref<1000000x32xf32, #tpu.memory_space<hbm>>) target(%dma_start3A_297 : memref<128x32xf32, #tpu.memory_space<vmem>>) offsets(%dma_start3A_300 : memref<128xi32, #tpu.memory_space<vmem>>) semaphore(%arg15 : memref<!tpu.dma_semaphore, #tpu.memory_space<semaphore_mem>>)
    %broadcast_in_dim3A_304 = arith.constant 2 : i32
    %broadcast_in_dim3A_305 = vector.broadcast %broadcast_in_dim3A_304 : i32 to vector<16xi32>
    %dma_wait3A_306 = arith.constant 0 : i32
    %dma_wait3A_307 = arith.constant 2 : i32
    %dma_wait3A_308 = arith.constant 0 : i32
    %dma_wait3A_309 = arith.constant 0 : i32
    %dma_wait3A_310 = tpu.memref_slice %arg11[%dma_wait3A_307, %dma_wait3A_308, %dma_wait3A_309] : memref<4x128x32xf32, #tpu.memory_space<vmem>> -> memref<1x128x32xf32, #tpu.memory_space<vmem>>
    %dma_wait3A_311 = tpu.memref_squeeze %dma_wait3A_310 : memref<1x128x32xf32, #tpu.memory_space<vmem>> -> memref<128x32xf32, #tpu.memory_space<vmem>>
    %dma_wait3A_312 = arith.constant 0 : i32
    %dma_wait3A_313 = tpu.memref_slice %arg9[%dma_wait3A_306, %dma_wait3A_312] : memref<20x128xi32, #tpu.memory_space<vmem>> -> memref<1x128xi32, #tpu.memory_space<vmem>>
    %dma_wait3A_314 = tpu.memref_squeeze %dma_wait3A_313 : memref<1x128xi32, #tpu.memory_space<vmem>> -> memref<128xi32, #tpu.memory_space<vmem>>
    %dma_wait3A_315 = arith.constant 0 : i32
    %dma_wait3A_316 = arith.constant 0 : i32
    %dma_wait3A_317 = tpu.memref_slice %arg4[%dma_wait3A_315, %dma_wait3A_316] : memref<1000000x32xf32, #tpu.memory_space<hbm>> -> memref<1000000x32xf32, #tpu.memory_space<hbm>>
    tpu.wait_indirect_dma semaphore(%arg16 : memref<!tpu.dma_semaphore, #tpu.memory_space<semaphore_mem>>) src(%dma_wait3A_317 : memref<1000000x32xf32, #tpu.memory_space<hbm>>) dst(%dma_wait3A_311 : memref<128x32xf32, #tpu.memory_space<vmem>>)
    %scan3A_318 = arith.constant 0 : i32
    %scan3A_319 = arith.constant 0 : i32
    %scan3A_320 = arith.constant 0 : i32
    %scan3A_321 = arith.constant 32 : i32
    %scan3A_322 = arith.addi %scan3A_320, %scan3A_321 : i32
    %scan3A_323 = arith.constant 1 : i32
    scf.for %scan3A_630 = %scan3A_320 to %scan3A_322 step %scan3A_323  : i32 {
      %add3A_631 = vector.broadcast %scan3A_630 : i32 to vector<16xi32>
      %add3A_632 = arith.addi %add3A_631, %iota3A : vector<16xi32>
      %and3A = arith.constant 31 : i32
      %and3A_633 = vector.broadcast %and3A : i32 to vector<16xi32>
      %and3A_634 = arith.andi %add3A_632, %and3A_633 : vector<16xi32>
      %scan3A_635 = arith.constant 0 : i32
      %scan3A_636 = arith.constant 0 : i32
      %scan3A_637 = arith.constant 8 : i32
      %scan3A_638 = arith.addi %scan3A_636, %scan3A_637 : i32
      %scan3A_639 = arith.constant 1 : i32
      scf.for %scan3A_641 = %scan3A_636 to %scan3A_638 step %scan3A_639  : i32 {
        %mul3A_642 = arith.constant 16 : i32
        %mul3A_643 = arith.muli %scan3A_641, %mul3A_642 : i32
        %add3A_644 = vector.broadcast %mul3A_643 : i32 to vector<16xi32>
        %add3A_645 = arith.addi %add3A_644, %iota3A : vector<16xi32>
        %gather3A = arith.constant 2 : i32
        %gather3A_646 = arith.constant 0 : i32
        %gather3A_647 = arith.constant 0 : i32
        %gather3A_648 = tpu.memref_slice %arg11[%gather3A, %gather3A_646, %gather3A_647] : memref<4x128x32xf32, #tpu.memory_space<vmem>> -> memref<1x128x32xf32, #tpu.memory_space<vmem>>
        %gather3A_649 = tpu.memref_squeeze %gather3A_648 : memref<1x128x32xf32, #tpu.memory_space<vmem>> -> memref<128x32xf32, #tpu.memory_space<vmem>>
        %gather3A_650 = tpu.vector_load_idx %gather3A_649[%add3A_645, %and3A_634] : memref<128x32xf32, #tpu.memory_space<vmem>>[vector<16xi32>, vector<16xi32>], vector<16xf32>,
        %scatter3A = arith.constant 0 : i32
        %scatter3A_651 = arith.constant 0 : i32
        %scatter3A_652 = arith.constant 0 : i32
        %scatter3A_653 = tpu.memref_slice %arg13[%scan3A_319, %scatter3A, %scatter3A_651, %scatter3A_652] : memref<2x32x8x128xf32, #tpu.memory_space<vmem>> -> memref<1x32x8x128xf32, #tpu.memory_space<vmem>>
        %scatter3A_654 = tpu.memref_squeeze %scatter3A_653 : memref<1x32x8x128xf32, #tpu.memory_space<vmem>> -> memref<32x8x128xf32, #tpu.memory_space<vmem>>
        tpu.vector_store_idx %scatter3A_654[%and3A_634, %broadcast_in_dim3A_305, %add3A_645], %gather3A_650 : memref<32x8x128xf32, #tpu.memory_space<vmem>>[vector<16xi32>, vector<16xi32>, vector<16xi32>], vector<16xf32>,
      }
      %scan3A_640 = arith.constant 8 : i32
    }
    %scan3A_324 = arith.constant 32 : i32
    %min3A_325 = arith.constant 198 : i32
    %min3A_326 = arith.constant 199 : i32
    %min3A_327 = arith.minsi %min3A_325, %min3A_326 : i32
    %dma_start3A_328 = arith.constant 2 : i32
    %dma_start3A_329 = arith.constant 0 : i32
    %dma_start3A_330 = arith.constant 0 : i32
    %dma_start3A_331 = tpu.memref_slice %arg11[%dma_start3A_328, %dma_start3A_329, %dma_start3A_330] : memref<4x128x32xf32, #tpu.memory_space<vmem>> -> memref<1x128x32xf32, #tpu.memory_space<vmem>>
    %dma_start3A_332 = tpu.memref_squeeze %dma_start3A_331 : memref<1x128x32xf32, #tpu.memory_space<vmem>> -> memref<128x32xf32, #tpu.memory_space<vmem>>
    %dma_start3A_333 = arith.constant 0 : i32
    %dma_start3A_334 = tpu.memref_slice %arg10[%min3A_327, %dma_start3A_333] : memref<200x128xi32, #tpu.memory_space<vmem>> -> memref<1x128xi32, #tpu.memory_space<vmem>>
    %dma_start3A_335 = tpu.memref_squeeze %dma_start3A_334 : memref<1x128xi32, #tpu.memory_space<vmem>> -> memref<128xi32, #tpu.memory_space<vmem>>
    %dma_start3A_336 = arith.constant 0 : i32
    %dma_start3A_337 = arith.constant 0 : i32
    %dma_start3A_338 = tpu.memref_slice %arg4[%dma_start3A_336, %dma_start3A_337] : memref<1000000x32xf32, #tpu.memory_space<hbm>> -> memref<1000000x32xf32, #tpu.memory_space<hbm>>
    tpu.enqueue_indirect_dma source(%dma_start3A_338 : memref<1000000x32xf32, #tpu.memory_space<hbm>>) target(%dma_start3A_332 : memref<128x32xf32, #tpu.memory_space<vmem>>) offsets(%dma_start3A_335 : memref<128xi32, #tpu.memory_space<vmem>>) semaphore(%arg16 : memref<!tpu.dma_semaphore, #tpu.memory_space<semaphore_mem>>)
    %broadcast_in_dim3A_339 = arith.constant 3 : i32
    %broadcast_in_dim3A_340 = vector.broadcast %broadcast_in_dim3A_339 : i32 to vector<16xi32>
    %dma_wait3A_341 = arith.constant 0 : i32
    %dma_wait3A_342 = arith.constant 3 : i32
    %dma_wait3A_343 = arith.constant 0 : i32
    %dma_wait3A_344 = arith.constant 0 : i32
    %dma_wait3A_345 = tpu.memref_slice %arg11[%dma_wait3A_342, %dma_wait3A_343, %dma_wait3A_344] : memref<4x128x32xf32, #tpu.memory_space<vmem>> -> memref<1x128x32xf32, #tpu.memory_space<vmem>>
    %dma_wait3A_346 = tpu.memref_squeeze %dma_wait3A_345 : memref<1x128x32xf32, #tpu.memory_space<vmem>> -> memref<128x32xf32, #tpu.memory_space<vmem>>
    %dma_wait3A_347 = arith.constant 0 : i32
    %dma_wait3A_348 = tpu.memref_slice %arg9[%dma_wait3A_341, %dma_wait3A_347] : memref<20x128xi32, #tpu.memory_space<vmem>> -> memref<1x128xi32, #tpu.memory_space<vmem>>
    %dma_wait3A_349 = tpu.memref_squeeze %dma_wait3A_348 : memref<1x128xi32, #tpu.memory_space<vmem>> -> memref<128xi32, #tpu.memory_space<vmem>>
    %dma_wait3A_350 = arith.constant 0 : i32
    %dma_wait3A_351 = arith.constant 0 : i32
    %dma_wait3A_352 = tpu.memref_slice %arg4[%dma_wait3A_350, %dma_wait3A_351] : memref<1000000x32xf32, #tpu.memory_space<hbm>> -> memref<1000000x32xf32, #tpu.memory_space<hbm>>
    tpu.wait_indirect_dma semaphore(%arg17 : memref<!tpu.dma_semaphore, #tpu.memory_space<semaphore_mem>>) src(%dma_wait3A_352 : memref<1000000x32xf32, #tpu.memory_space<hbm>>) dst(%dma_wait3A_346 : memref<128x32xf32, #tpu.memory_space<vmem>>)
    %scan3A_353 = arith.constant 0 : i32
    %scan3A_354 = arith.constant 0 : i32
    %scan3A_355 = arith.constant 0 : i32
    %scan3A_356 = arith.constant 32 : i32
    %scan3A_357 = arith.addi %scan3A_355, %scan3A_356 : i32
    %scan3A_358 = arith.constant 1 : i32
    scf.for %scan3A_630 = %scan3A_355 to %scan3A_357 step %scan3A_358  : i32 {
      %add3A_631 = vector.broadcast %scan3A_630 : i32 to vector<16xi32>
      %add3A_632 = arith.addi %add3A_631, %iota3A : vector<16xi32>
      %and3A = arith.constant 31 : i32
      %and3A_633 = vector.broadcast %and3A : i32 to vector<16xi32>
      %and3A_634 = arith.andi %add3A_632, %and3A_633 : vector<16xi32>
      %scan3A_635 = arith.constant 0 : i32
      %scan3A_636 = arith.constant 0 : i32
      %scan3A_637 = arith.constant 8 : i32
      %scan3A_638 = arith.addi %scan3A_636, %scan3A_637 : i32
      %scan3A_639 = arith.constant 1 : i32
      scf.for %scan3A_641 = %scan3A_636 to %scan3A_638 step %scan3A_639  : i32 {
        %mul3A_642 = arith.constant 16 : i32
        %mul3A_643 = arith.muli %scan3A_641, %mul3A_642 : i32
        %add3A_644 = vector.broadcast %mul3A_643 : i32 to vector<16xi32>
        %add3A_645 = arith.addi %add3A_644, %iota3A : vector<16xi32>
        %gather3A = arith.constant 3 : i32
        %gather3A_646 = arith.constant 0 : i32
        %gather3A_647 = arith.constant 0 : i32
        %gather3A_648 = tpu.memref_slice %arg11[%gather3A, %gather3A_646, %gather3A_647] : memref<4x128x32xf32, #tpu.memory_space<vmem>> -> memref<1x128x32xf32, #tpu.memory_space<vmem>>
        %gather3A_649 = tpu.memref_squeeze %gather3A_648 : memref<1x128x32xf32, #tpu.memory_space<vmem>> -> memref<128x32xf32, #tpu.memory_space<vmem>>
        %gather3A_650 = tpu.vector_load_idx %gather3A_649[%add3A_645, %and3A_634] : memref<128x32xf32, #tpu.memory_space<vmem>>[vector<16xi32>, vector<16xi32>], vector<16xf32>,
        %scatter3A = arith.constant 0 : i32
        %scatter3A_651 = arith.constant 0 : i32
        %scatter3A_652 = arith.constant 0 : i32
        %scatter3A_653 = tpu.memref_slice %arg13[%scan3A_354, %scatter3A, %scatter3A_651, %scatter3A_652] : memref<2x32x8x128xf32, #tpu.memory_space<vmem>> -> memref<1x32x8x128xf32, #tpu.memory_space<vmem>>
        %scatter3A_654 = tpu.memref_squeeze %scatter3A_653 : memref<1x32x8x128xf32, #tpu.memory_space<vmem>> -> memref<32x8x128xf32, #tpu.memory_space<vmem>>
        tpu.vector_store_idx %scatter3A_654[%and3A_634, %broadcast_in_dim3A_340, %add3A_645], %gather3A_650 : memref<32x8x128xf32, #tpu.memory_space<vmem>>[vector<16xi32>, vector<16xi32>, vector<16xi32>], vector<16xf32>,
      }
      %scan3A_640 = arith.constant 8 : i32
    }
    %scan3A_359 = arith.constant 32 : i32
    %min3A_360 = arith.constant 199 : i32
    %min3A_361 = arith.constant 199 : i32
    %min3A_362 = arith.minsi %min3A_360, %min3A_361 : i32
    %dma_start3A_363 = arith.constant 3 : i32
    %dma_start3A_364 = arith.constant 0 : i32
    %dma_start3A_365 = arith.constant 0 : i32
    %dma_start3A_366 = tpu.memref_slice %arg11[%dma_start3A_363, %dma_start3A_364, %dma_start3A_365] : memref<4x128x32xf32, #tpu.memory_space<vmem>> -> memref<1x128x32xf32, #tpu.memory_space<vmem>>
    %dma_start3A_367 = tpu.memref_squeeze %dma_start3A_366 : memref<1x128x32xf32, #tpu.memory_space<vmem>> -> memref<128x32xf32, #tpu.memory_space<vmem>>
    %dma_start3A_368 = arith.constant 0 : i32
    %dma_start3A_369 = tpu.memref_slice %arg10[%min3A_362, %dma_start3A_368] : memref<200x128xi32, #tpu.memory_space<vmem>> -> memref<1x128xi32, #tpu.memory_space<vmem>>
    %dma_start3A_370 = tpu.memref_squeeze %dma_start3A_369 : memref<1x128xi32, #tpu.memory_space<vmem>> -> memref<128xi32, #tpu.memory_space<vmem>>
    %dma_start3A_371 = arith.constant 0 : i32
    %dma_start3A_372 = arith.constant 0 : i32
    %dma_start3A_373 = tpu.memref_slice %arg4[%dma_start3A_371, %dma_start3A_372] : memref<1000000x32xf32, #tpu.memory_space<hbm>> -> memref<1000000x32xf32, #tpu.memory_space<hbm>>
    tpu.enqueue_indirect_dma source(%dma_start3A_373 : memref<1000000x32xf32, #tpu.memory_space<hbm>>) target(%dma_start3A_367 : memref<128x32xf32, #tpu.memory_space<vmem>>) offsets(%dma_start3A_370 : memref<128xi32, #tpu.memory_space<vmem>>) semaphore(%arg17 : memref<!tpu.dma_semaphore, #tpu.memory_space<semaphore_mem>>)
    %broadcast_in_dim3A_374 = arith.constant 4 : i32
    %broadcast_in_dim3A_375 = vector.broadcast %broadcast_in_dim3A_374 : i32 to vector<16xi32>
    %dma_wait3A_376 = arith.constant 0 : i32
    %dma_wait3A_377 = arith.constant 0 : i32
    %dma_wait3A_378 = arith.constant 0 : i32
    %dma_wait3A_379 = arith.constant 0 : i32
    %dma_wait3A_380 = tpu.memref_slice %arg11[%dma_wait3A_377, %dma_wait3A_378, %dma_wait3A_379] : memref<4x128x32xf32, #tpu.memory_space<vmem>> -> memref<1x128x32xf32, #tpu.memory_space<vmem>>
    %dma_wait3A_381 = tpu.memref_squeeze %dma_wait3A_380 : memref<1x128x32xf32, #tpu.memory_space<vmem>> -> memref<128x32xf32, #tpu.memory_space<vmem>>
    %dma_wait3A_382 = arith.constant 0 : i32
    %dma_wait3A_383 = tpu.memref_slice %arg9[%dma_wait3A_376, %dma_wait3A_382] : memref<20x128xi32, #tpu.memory_space<vmem>> -> memref<1x128xi32, #tpu.memory_space<vmem>>
    %dma_wait3A_384 = tpu.memref_squeeze %dma_wait3A_383 : memref<1x128xi32, #tpu.memory_space<vmem>> -> memref<128xi32, #tpu.memory_space<vmem>>
    %dma_wait3A_385 = arith.constant 0 : i32
    %dma_wait3A_386 = arith.constant 0 : i32
    %dma_wait3A_387 = tpu.memref_slice %arg4[%dma_wait3A_385, %dma_wait3A_386] : memref<1000000x32xf32, #tpu.memory_space<hbm>> -> memref<1000000x32xf32, #tpu.memory_space<hbm>>
    tpu.wait_indirect_dma semaphore(%arg14 : memref<!tpu.dma_semaphore, #tpu.memory_space<semaphore_mem>>) src(%dma_wait3A_387 : memref<1000000x32xf32, #tpu.memory_space<hbm>>) dst(%dma_wait3A_381 : memref<128x32xf32, #tpu.memory_space<vmem>>)
    %scan3A_388 = arith.constant 0 : i32
    %scan3A_389 = arith.constant 0 : i32
    %scan3A_390 = arith.constant 0 : i32
    %scan3A_391 = arith.constant 32 : i32
    %scan3A_392 = arith.addi %scan3A_390, %scan3A_391 : i32
    %scan3A_393 = arith.constant 1 : i32
    scf.for %scan3A_630 = %scan3A_390 to %scan3A_392 step %scan3A_393  : i32 {
      %add3A_631 = vector.broadcast %scan3A_630 : i32 to vector<16xi32>
      %add3A_632 = arith.addi %add3A_631, %iota3A : vector<16xi32>
      %and3A = arith.constant 31 : i32
      %and3A_633 = vector.broadcast %and3A : i32 to vector<16xi32>
      %and3A_634 = arith.andi %add3A_632, %and3A_633 : vector<16xi32>
      %scan3A_635 = arith.constant 0 : i32
      %scan3A_636 = arith.constant 0 : i32
      %scan3A_637 = arith.constant 8 : i32
      %scan3A_638 = arith.addi %scan3A_636, %scan3A_637 : i32
      %scan3A_639 = arith.constant 1 : i32
      scf.for %scan3A_641 = %scan3A_636 to %scan3A_638 step %scan3A_639  : i32 {
        %mul3A_642 = arith.constant 16 : i32
        %mul3A_643 = arith.muli %scan3A_641, %mul3A_642 : i32
        %add3A_644 = vector.broadcast %mul3A_643 : i32 to vector<16xi32>
        %add3A_645 = arith.addi %add3A_644, %iota3A : vector<16xi32>
        %gather3A = arith.constant 0 : i32
        %gather3A_646 = arith.constant 0 : i32
        %gather3A_647 = arith.constant 0 : i32
        %gather3A_648 = tpu.memref_slice %arg11[%gather3A, %gather3A_646, %gather3A_647] : memref<4x128x32xf32, #tpu.memory_space<vmem>> -> memref<1x128x32xf32, #tpu.memory_space<vmem>>
        %gather3A_649 = tpu.memref_squeeze %gather3A_648 : memref<1x128x32xf32, #tpu.memory_space<vmem>> -> memref<128x32xf32, #tpu.memory_space<vmem>>
        %gather3A_650 = tpu.vector_load_idx %gather3A_649[%add3A_645, %and3A_634] : memref<128x32xf32, #tpu.memory_space<vmem>>[vector<16xi32>, vector<16xi32>], vector<16xf32>,
        %scatter3A = arith.constant 0 : i32
        %scatter3A_651 = arith.constant 0 : i32
        %scatter3A_652 = arith.constant 0 : i32
        %scatter3A_653 = tpu.memref_slice %arg13[%scan3A_389, %scatter3A, %scatter3A_651, %scatter3A_652] : memref<2x32x8x128xf32, #tpu.memory_space<vmem>> -> memref<1x32x8x128xf32, #tpu.memory_space<vmem>>
        %scatter3A_654 = tpu.memref_squeeze %scatter3A_653 : memref<1x32x8x128xf32, #tpu.memory_space<vmem>> -> memref<32x8x128xf32, #tpu.memory_space<vmem>>
        tpu.vector_store_idx %scatter3A_654[%and3A_634, %broadcast_in_dim3A_375, %add3A_645], %gather3A_650 : memref<32x8x128xf32, #tpu.memory_space<vmem>>[vector<16xi32>, vector<16xi32>, vector<16xi32>], vector<16xf32>,
      }
      %scan3A_640 = arith.constant 8 : i32
    }
    %scan3A_394 = arith.constant 32 : i32
    %min3A_395 = arith.constant 200 : i32
    %min3A_396 = arith.constant 199 : i32
    %min3A_397 = arith.minsi %min3A_395, %min3A_396 : i32
    %dma_start3A_398 = arith.constant 0 : i32
    %dma_start3A_399 = arith.constant 0 : i32
    %dma_start3A_400 = arith.constant 0 : i32
    %dma_start3A_401 = tpu.memref_slice %arg11[%dma_start3A_398, %dma_start3A_399, %dma_start3A_400] : memref<4x128x32xf32, #tpu.memory_space<vmem>> -> memref<1x128x32xf32, #tpu.memory_space<vmem>>
    %dma_start3A_402 = tpu.memref_squeeze %dma_start3A_401 : memref<1x128x32xf32, #tpu.memory_space<vmem>> -> memref<128x32xf32, #tpu.memory_space<vmem>>
    %dma_start3A_403 = arith.constant 0 : i32
    %dma_start3A_404 = tpu.memref_slice %arg10[%min3A_397, %dma_start3A_403] : memref<200x128xi32, #tpu.memory_space<vmem>> -> memref<1x128xi32, #tpu.memory_space<vmem>>
    %dma_start3A_405 = tpu.memref_squeeze %dma_start3A_404 : memref<1x128xi32, #tpu.memory_space<vmem>> -> memref<128xi32, #tpu.memory_space<vmem>>
    %dma_start3A_406 = arith.constant 0 : i32
    %dma_start3A_407 = arith.constant 0 : i32
    %dma_start3A_408 = tpu.memref_slice %arg4[%dma_start3A_406, %dma_start3A_407] : memref<1000000x32xf32, #tpu.memory_space<hbm>> -> memref<1000000x32xf32, #tpu.memory_space<hbm>>
    tpu.enqueue_indirect_dma source(%dma_start3A_408 : memref<1000000x32xf32, #tpu.memory_space<hbm>>) target(%dma_start3A_402 : memref<128x32xf32, #tpu.memory_space<vmem>>) offsets(%dma_start3A_405 : memref<128xi32, #tpu.memory_space<vmem>>) semaphore(%arg14 : memref<!tpu.dma_semaphore, #tpu.memory_space<semaphore_mem>>)
    %broadcast_in_dim3A_409 = arith.constant 5 : i32
    %broadcast_in_dim3A_410 = vector.broadcast %broadcast_in_dim3A_409 : i32 to vector<16xi32>
    %dma_wait3A_411 = arith.constant 0 : i32
    %dma_wait3A_412 = arith.constant 1 : i32
    %dma_wait3A_413 = arith.constant 0 : i32
    %dma_wait3A_414 = arith.constant 0 : i32
    %dma_wait3A_415 = tpu.memref_slice %arg11[%dma_wait3A_412, %dma_wait3A_413, %dma_wait3A_414] : memref<4x128x32xf32, #tpu.memory_space<vmem>> -> memref<1x128x32xf32, #tpu.memory_space<vmem>>
    %dma_wait3A_416 = tpu.memref_squeeze %dma_wait3A_415 : memref<1x128x32xf32, #tpu.memory_space<vmem>> -> memref<128x32xf32, #tpu.memory_space<vmem>>
    %dma_wait3A_417 = arith.constant 0 : i32
    %dma_wait3A_418 = tpu.memref_slice %arg9[%dma_wait3A_411, %dma_wait3A_417] : memref<20x128xi32, #tpu.memory_space<vmem>> -> memref<1x128xi32, #tpu.memory_space<vmem>>
    %dma_wait3A_419 = tpu.memref_squeeze %dma_wait3A_418 : memref<1x128xi32, #tpu.memory_space<vmem>> -> memref<128xi32, #tpu.memory_space<vmem>>
    %dma_wait3A_420 = arith.constant 0 : i32
    %dma_wait3A_421 = arith.constant 0 : i32
    %dma_wait3A_422 = tpu.memref_slice %arg4[%dma_wait3A_420, %dma_wait3A_421] : memref<1000000x32xf32, #tpu.memory_space<hbm>> -> memref<1000000x32xf32, #tpu.memory_space<hbm>>
    tpu.wait_indirect_dma semaphore(%arg15 : memref<!tpu.dma_semaphore, #tpu.memory_space<semaphore_mem>>) src(%dma_wait3A_422 : memref<1000000x32xf32, #tpu.memory_space<hbm>>) dst(%dma_wait3A_416 : memref<128x32xf32, #tpu.memory_space<vmem>>)
    %scan3A_423 = arith.constant 0 : i32
    %scan3A_424 = arith.constant 0 : i32
    %scan3A_425 = arith.constant 0 : i32
    %scan3A_426 = arith.constant 32 : i32
    %scan3A_427 = arith.addi %scan3A_425, %scan3A_426 : i32
    %scan3A_428 = arith.constant 1 : i32
    scf.for %scan3A_630 = %scan3A_425 to %scan3A_427 step %scan3A_428  : i32 {
      %add3A_631 = vector.broadcast %scan3A_630 : i32 to vector<16xi32>
      %add3A_632 = arith.addi %add3A_631, %iota3A : vector<16xi32>
      %and3A = arith.constant 31 : i32
      %and3A_633 = vector.broadcast %and3A : i32 to vector<16xi32>
      %and3A_634 = arith.andi %add3A_632, %and3A_633 : vector<16xi32>
      %scan3A_635 = arith.constant 0 : i32
      %scan3A_636 = arith.constant 0 : i32
      %scan3A_637 = arith.constant 8 : i32
      %scan3A_638 = arith.addi %scan3A_636, %scan3A_637 : i32
      %scan3A_639 = arith.constant 1 : i32
      scf.for %scan3A_641 = %scan3A_636 to %scan3A_638 step %scan3A_639  : i32 {
        %mul3A_642 = arith.constant 16 : i32
        %mul3A_643 = arith.muli %scan3A_641, %mul3A_642 : i32
        %add3A_644 = vector.broadcast %mul3A_643 : i32 to vector<16xi32>
        %add3A_645 = arith.addi %add3A_644, %iota3A : vector<16xi32>
        %gather3A = arith.constant 1 : i32
        %gather3A_646 = arith.constant 0 : i32
        %gather3A_647 = arith.constant 0 : i32
        %gather3A_648 = tpu.memref_slice %arg11[%gather3A, %gather3A_646, %gather3A_647] : memref<4x128x32xf32, #tpu.memory_space<vmem>> -> memref<1x128x32xf32, #tpu.memory_space<vmem>>
        %gather3A_649 = tpu.memref_squeeze %gather3A_648 : memref<1x128x32xf32, #tpu.memory_space<vmem>> -> memref<128x32xf32, #tpu.memory_space<vmem>>
        %gather3A_650 = tpu.vector_load_idx %gather3A_649[%add3A_645, %and3A_634] : memref<128x32xf32, #tpu.memory_space<vmem>>[vector<16xi32>, vector<16xi32>], vector<16xf32>,
        %scatter3A = arith.constant 0 : i32
        %scatter3A_651 = arith.constant 0 : i32
        %scatter3A_652 = arith.constant 0 : i32
        %scatter3A_653 = tpu.memref_slice %arg13[%scan3A_424, %scatter3A, %scatter3A_651, %scatter3A_652] : memref<2x32x8x128xf32, #tpu.memory_space<vmem>> -> memref<1x32x8x128xf32, #tpu.memory_space<vmem>>
        %scatter3A_654 = tpu.memref_squeeze %scatter3A_653 : memref<1x32x8x128xf32, #tpu.memory_space<vmem>> -> memref<32x8x128xf32, #tpu.memory_space<vmem>>
        tpu.vector_store_idx %scatter3A_654[%and3A_634, %broadcast_in_dim3A_410, %add3A_645], %gather3A_650 : memref<32x8x128xf32, #tpu.memory_space<vmem>>[vector<16xi32>, vector<16xi32>, vector<16xi32>], vector<16xf32>,
      }
      %scan3A_640 = arith.constant 8 : i32
    }
    %scan3A_429 = arith.constant 32 : i32
    %min3A_430 = arith.constant 201 : i32
    %min3A_431 = arith.constant 199 : i32
    %min3A_432 = arith.minsi %min3A_430, %min3A_431 : i32
    %dma_start3A_433 = arith.constant 1 : i32
    %dma_start3A_434 = arith.constant 0 : i32
    %dma_start3A_435 = arith.constant 0 : i32
    %dma_start3A_436 = tpu.memref_slice %arg11[%dma_start3A_433, %dma_start3A_434, %dma_start3A_435] : memref<4x128x32xf32, #tpu.memory_space<vmem>> -> memref<1x128x32xf32, #tpu.memory_space<vmem>>
    %dma_start3A_437 = tpu.memref_squeeze %dma_start3A_436 : memref<1x128x32xf32, #tpu.memory_space<vmem>> -> memref<128x32xf32, #tpu.memory_space<vmem>>
    %dma_start3A_438 = arith.constant 0 : i32
    %dma_start3A_439 = tpu.memref_slice %arg10[%min3A_432, %dma_start3A_438] : memref<200x128xi32, #tpu.memory_space<vmem>> -> memref<1x128xi32, #tpu.memory_space<vmem>>
    %dma_start3A_440 = tpu.memref_squeeze %dma_start3A_439 : memref<1x128xi32, #tpu.memory_space<vmem>> -> memref<128xi32, #tpu.memory_space<vmem>>
    %dma_start3A_441 = arith.constant 0 : i32
    %dma_start3A_442 = arith.constant 0 : i32
    %dma_start3A_443 = tpu.memref_slice %arg4[%dma_start3A_441, %dma_start3A_442] : memref<1000000x32xf32, #tpu.memory_space<hbm>> -> memref<1000000x32xf32, #tpu.memory_space<hbm>>
    tpu.enqueue_indirect_dma source(%dma_start3A_443 : memref<1000000x32xf32, #tpu.memory_space<hbm>>) target(%dma_start3A_437 : memref<128x32xf32, #tpu.memory_space<vmem>>) offsets(%dma_start3A_440 : memref<128xi32, #tpu.memory_space<vmem>>) semaphore(%arg15 : memref<!tpu.dma_semaphore, #tpu.memory_space<semaphore_mem>>)
    %broadcast_in_dim3A_444 = arith.constant 6 : i32
    %broadcast_in_dim3A_445 = vector.broadcast %broadcast_in_dim3A_444 : i32 to vector<16xi32>
    %dma_wait3A_446 = arith.constant 0 : i32
    %dma_wait3A_447 = arith.constant 2 : i32
    %dma_wait3A_448 = arith.constant 0 : i32
    %dma_wait3A_449 = arith.constant 0 : i32
    %dma_wait3A_450 = tpu.memref_slice %arg11[%dma_wait3A_447, %dma_wait3A_448, %dma_wait3A_449] : memref<4x128x32xf32, #tpu.memory_space<vmem>> -> memref<1x128x32xf32, #tpu.memory_space<vmem>>
    %dma_wait3A_451 = tpu.memref_squeeze %dma_wait3A_450 : memref<1x128x32xf32, #tpu.memory_space<vmem>> -> memref<128x32xf32, #tpu.memory_space<vmem>>
    %dma_wait3A_452 = arith.constant 0 : i32
    %dma_wait3A_453 = tpu.memref_slice %arg9[%dma_wait3A_446, %dma_wait3A_452] : memref<20x128xi32, #tpu.memory_space<vmem>> -> memref<1x128xi32, #tpu.memory_space<vmem>>
    %dma_wait3A_454 = tpu.memref_squeeze %dma_wait3A_453 : memref<1x128xi32, #tpu.memory_space<vmem>> -> memref<128xi32, #tpu.memory_space<vmem>>
    %dma_wait3A_455 = arith.constant 0 : i32
    %dma_wait3A_456 = arith.constant 0 : i32
    %dma_wait3A_457 = tpu.memref_slice %arg4[%dma_wait3A_455, %dma_wait3A_456] : memref<1000000x32xf32, #tpu.memory_space<hbm>> -> memref<1000000x32xf32, #tpu.memory_space<hbm>>
    tpu.wait_indirect_dma semaphore(%arg16 : memref<!tpu.dma_semaphore, #tpu.memory_space<semaphore_mem>>) src(%dma_wait3A_457 : memref<1000000x32xf32, #tpu.memory_space<hbm>>) dst(%dma_wait3A_451 : memref<128x32xf32, #tpu.memory_space<vmem>>)
    %scan3A_458 = arith.constant 0 : i32
    %scan3A_459 = arith.constant 0 : i32
    %scan3A_460 = arith.constant 0 : i32
    %scan3A_461 = arith.constant 32 : i32
    %scan3A_462 = arith.addi %scan3A_460, %scan3A_461 : i32
    %scan3A_463 = arith.constant 1 : i32
    scf.for %scan3A_630 = %scan3A_460 to %scan3A_462 step %scan3A_463  : i32 {
      %add3A_631 = vector.broadcast %scan3A_630 : i32 to vector<16xi32>
      %add3A_632 = arith.addi %add3A_631, %iota3A : vector<16xi32>
      %and3A = arith.constant 31 : i32
      %and3A_633 = vector.broadcast %and3A : i32 to vector<16xi32>
      %and3A_634 = arith.andi %add3A_632, %and3A_633 : vector<16xi32>
      %scan3A_635 = arith.constant 0 : i32
      %scan3A_636 = arith.constant 0 : i32
      %scan3A_637 = arith.constant 8 : i32
      %scan3A_638 = arith.addi %scan3A_636, %scan3A_637 : i32
      %scan3A_639 = arith.constant 1 : i32
      scf.for %scan3A_641 = %scan3A_636 to %scan3A_638 step %scan3A_639  : i32 {
        %mul3A_642 = arith.constant 16 : i32
        %mul3A_643 = arith.muli %scan3A_641, %mul3A_642 : i32
        %add3A_644 = vector.broadcast %mul3A_643 : i32 to vector<16xi32>
        %add3A_645 = arith.addi %add3A_644, %iota3A : vector<16xi32>
        %gather3A = arith.constant 2 : i32
        %gather3A_646 = arith.constant 0 : i32
        %gather3A_647 = arith.constant 0 : i32
        %gather3A_648 = tpu.memref_slice %arg11[%gather3A, %gather3A_646, %gather3A_647] : memref<4x128x32xf32, #tpu.memory_space<vmem>> -> memref<1x128x32xf32, #tpu.memory_space<vmem>>
        %gather3A_649 = tpu.memref_squeeze %gather3A_648 : memref<1x128x32xf32, #tpu.memory_space<vmem>> -> memref<128x32xf32, #tpu.memory_space<vmem>>
        %gather3A_650 = tpu.vector_load_idx %gather3A_649[%add3A_645, %and3A_634] : memref<128x32xf32, #tpu.memory_space<vmem>>[vector<16xi32>, vector<16xi32>], vector<16xf32>,
        %scatter3A = arith.constant 0 : i32
        %scatter3A_651 = arith.constant 0 : i32
        %scatter3A_652 = arith.constant 0 : i32
        %scatter3A_653 = tpu.memref_slice %arg13[%scan3A_459, %scatter3A, %scatter3A_651, %scatter3A_652] : memref<2x32x8x128xf32, #tpu.memory_space<vmem>> -> memref<1x32x8x128xf32, #tpu.memory_space<vmem>>
        %scatter3A_654 = tpu.memref_squeeze %scatter3A_653 : memref<1x32x8x128xf32, #tpu.memory_space<vmem>> -> memref<32x8x128xf32, #tpu.memory_space<vmem>>
        tpu.vector_store_idx %scatter3A_654[%and3A_634, %broadcast_in_dim3A_445, %add3A_645], %gather3A_650 : memref<32x8x128xf32, #tpu.memory_space<vmem>>[vector<16xi32>, vector<16xi32>, vector<16xi32>], vector<16xf32>,
      }
      %scan3A_640 = arith.constant 8 : i32
    }
    %scan3A_464 = arith.constant 32 : i32
    %min3A_465 = arith.constant 202 : i32
    %min3A_466 = arith.constant 199 : i32
    %min3A_467 = arith.minsi %min3A_465, %min3A_466 : i32
    %dma_start3A_468 = arith.constant 2 : i32
    %dma_start3A_469 = arith.constant 0 : i32
    %dma_start3A_470 = arith.constant 0 : i32
    %dma_start3A_471 = tpu.memref_slice %arg11[%dma_start3A_468, %dma_start3A_469, %dma_start3A_470] : memref<4x128x32xf32, #tpu.memory_space<vmem>> -> memref<1x128x32xf32, #tpu.memory_space<vmem>>
    %dma_start3A_472 = tpu.memref_squeeze %dma_start3A_471 : memref<1x128x32xf32, #tpu.memory_space<vmem>> -> memref<128x32xf32, #tpu.memory_space<vmem>>
    %dma_start3A_473 = arith.constant 0 : i32
    %dma_start3A_474 = tpu.memref_slice %arg10[%min3A_467, %dma_start3A_473] : memref<200x128xi32, #tpu.memory_space<vmem>> -> memref<1x128xi32, #tpu.memory_space<vmem>>
    %dma_start3A_475 = tpu.memref_squeeze %dma_start3A_474 : memref<1x128xi32, #tpu.memory_space<vmem>> -> memref<128xi32, #tpu.memory_space<vmem>>
    %dma_start3A_476 = arith.constant 0 : i32
    %dma_start3A_477 = arith.constant 0 : i32
    %dma_start3A_478 = tpu.memref_slice %arg4[%dma_start3A_476, %dma_start3A_477] : memref<1000000x32xf32, #tpu.memory_space<hbm>> -> memref<1000000x32xf32, #tpu.memory_space<hbm>>
    tpu.enqueue_indirect_dma source(%dma_start3A_478 : memref<1000000x32xf32, #tpu.memory_space<hbm>>) target(%dma_start3A_472 : memref<128x32xf32, #tpu.memory_space<vmem>>) offsets(%dma_start3A_475 : memref<128xi32, #tpu.memory_space<vmem>>) semaphore(%arg16 : memref<!tpu.dma_semaphore, #tpu.memory_space<semaphore_mem>>)
    %broadcast_in_dim3A_479 = arith.constant 7 : i32
    %broadcast_in_dim3A_480 = vector.broadcast %broadcast_in_dim3A_479 : i32 to vector<16xi32>
    %dma_wait3A_481 = arith.constant 0 : i32
    %dma_wait3A_482 = arith.constant 3 : i32
    %dma_wait3A_483 = arith.constant 0 : i32
    %dma_wait3A_484 = arith.constant 0 : i32
    %dma_wait3A_485 = tpu.memref_slice %arg11[%dma_wait3A_482, %dma_wait3A_483, %dma_wait3A_484] : memref<4x128x32xf32, #tpu.memory_space<vmem>> -> memref<1x128x32xf32, #tpu.memory_space<vmem>>
    %dma_wait3A_486 = tpu.memref_squeeze %dma_wait3A_485 : memref<1x128x32xf32, #tpu.memory_space<vmem>> -> memref<128x32xf32, #tpu.memory_space<vmem>>
    %dma_wait3A_487 = arith.constant 0 : i32
    %dma_wait3A_488 = tpu.memref_slice %arg9[%dma_wait3A_481, %dma_wait3A_487] : memref<20x128xi32, #tpu.memory_space<vmem>> -> memref<1x128xi32, #tpu.memory_space<vmem>>
    %dma_wait3A_489 = tpu.memref_squeeze %dma_wait3A_488 : memref<1x128xi32, #tpu.memory_space<vmem>> -> memref<128xi32, #tpu.memory_space<vmem>>
    %dma_wait3A_490 = arith.constant 0 : i32
    %dma_wait3A_491 = arith.constant 0 : i32
    %dma_wait3A_492 = tpu.memref_slice %arg4[%dma_wait3A_490, %dma_wait3A_491] : memref<1000000x32xf32, #tpu.memory_space<hbm>> -> memref<1000000x32xf32, #tpu.memory_space<hbm>>
    tpu.wait_indirect_dma semaphore(%arg17 : memref<!tpu.dma_semaphore, #tpu.memory_space<semaphore_mem>>) src(%dma_wait3A_492 : memref<1000000x32xf32, #tpu.memory_space<hbm>>) dst(%dma_wait3A_486 : memref<128x32xf32, #tpu.memory_space<vmem>>)
    %scan3A_493 = arith.constant 0 : i32
    %scan3A_494 = arith.constant 0 : i32
    %scan3A_495 = arith.constant 0 : i32
    %scan3A_496 = arith.constant 32 : i32
    %scan3A_497 = arith.addi %scan3A_495, %scan3A_496 : i32
    %scan3A_498 = arith.constant 1 : i32
    scf.for %scan3A_630 = %scan3A_495 to %scan3A_497 step %scan3A_498  : i32 {
      %add3A_631 = vector.broadcast %scan3A_630 : i32 to vector<16xi32>
      %add3A_632 = arith.addi %add3A_631, %iota3A : vector<16xi32>
      %and3A = arith.constant 31 : i32
      %and3A_633 = vector.broadcast %and3A : i32 to vector<16xi32>
      %and3A_634 = arith.andi %add3A_632, %and3A_633 : vector<16xi32>
      %scan3A_635 = arith.constant 0 : i32
      %scan3A_636 = arith.constant 0 : i32
      %scan3A_637 = arith.constant 8 : i32
      %scan3A_638 = arith.addi %scan3A_636, %scan3A_637 : i32
      %scan3A_639 = arith.constant 1 : i32
      scf.for %scan3A_641 = %scan3A_636 to %scan3A_638 step %scan3A_639  : i32 {
        %mul3A_642 = arith.constant 16 : i32
        %mul3A_643 = arith.muli %scan3A_641, %mul3A_642 : i32
        %add3A_644 = vector.broadcast %mul3A_643 : i32 to vector<16xi32>
        %add3A_645 = arith.addi %add3A_644, %iota3A : vector<16xi32>
        %gather3A = arith.constant 3 : i32
        %gather3A_646 = arith.constant 0 : i32
        %gather3A_647 = arith.constant 0 : i32
        %gather3A_648 = tpu.memref_slice %arg11[%gather3A, %gather3A_646, %gather3A_647] : memref<4x128x32xf32, #tpu.memory_space<vmem>> -> memref<1x128x32xf32, #tpu.memory_space<vmem>>
        %gather3A_649 = tpu.memref_squeeze %gather3A_648 : memref<1x128x32xf32, #tpu.memory_space<vmem>> -> memref<128x32xf32, #tpu.memory_space<vmem>>
        %gather3A_650 = tpu.vector_load_idx %gather3A_649[%add3A_645, %and3A_634] : memref<128x32xf32, #tpu.memory_space<vmem>>[vector<16xi32>, vector<16xi32>], vector<16xf32>,
        %scatter3A = arith.constant 0 : i32
        %scatter3A_651 = arith.constant 0 : i32
        %scatter3A_652 = arith.constant 0 : i32
        %scatter3A_653 = tpu.memref_slice %arg13[%scan3A_494, %scatter3A, %scatter3A_651, %scatter3A_652] : memref<2x32x8x128xf32, #tpu.memory_space<vmem>> -> memref<1x32x8x128xf32, #tpu.memory_space<vmem>>
        %scatter3A_654 = tpu.memref_squeeze %scatter3A_653 : memref<1x32x8x128xf32, #tpu.memory_space<vmem>> -> memref<32x8x128xf32, #tpu.memory_space<vmem>>
        tpu.vector_store_idx %scatter3A_654[%and3A_634, %broadcast_in_dim3A_480, %add3A_645], %gather3A_650 : memref<32x8x128xf32, #tpu.memory_space<vmem>>[vector<16xi32>, vector<16xi32>, vector<16xi32>], vector<16xf32>,
      }
      %scan3A_640 = arith.constant 8 : i32
    }
    %scan3A_499 = arith.constant 32 : i32
    %min3A_500 = arith.constant 203 : i32
    %min3A_501 = arith.constant 199 : i32
    %min3A_502 = arith.minsi %min3A_500, %min3A_501 : i32
    %dma_start3A_503 = arith.constant 3 : i32
    %dma_start3A_504 = arith.constant 0 : i32
    %dma_start3A_505 = arith.constant 0 : i32
    %dma_start3A_506 = tpu.memref_slice %arg11[%dma_start3A_503, %dma_start3A_504, %dma_start3A_505] : memref<4x128x32xf32, #tpu.memory_space<vmem>> -> memref<1x128x32xf32, #tpu.memory_space<vmem>>
    %dma_start3A_507 = tpu.memref_squeeze %dma_start3A_506 : memref<1x128x32xf32, #tpu.memory_space<vmem>> -> memref<128x32xf32, #tpu.memory_space<vmem>>
    %dma_start3A_508 = arith.constant 0 : i32
    %dma_start3A_509 = tpu.memref_slice %arg10[%min3A_502, %dma_start3A_508] : memref<200x128xi32, #tpu.memory_space<vmem>> -> memref<1x128xi32, #tpu.memory_space<vmem>>
    %dma_start3A_510 = tpu.memref_squeeze %dma_start3A_509 : memref<1x128xi32, #tpu.memory_space<vmem>> -> memref<128xi32, #tpu.memory_space<vmem>>
    %dma_start3A_511 = arith.constant 0 : i32
    %dma_start3A_512 = arith.constant 0 : i32
    %dma_start3A_513 = tpu.memref_slice %arg4[%dma_start3A_511, %dma_start3A_512] : memref<1000000x32xf32, #tpu.memory_space<hbm>> -> memref<1000000x32xf32, #tpu.memory_space<hbm>>
    tpu.enqueue_indirect_dma source(%dma_start3A_513 : memref<1000000x32xf32, #tpu.memory_space<hbm>>) target(%dma_start3A_507 : memref<128x32xf32, #tpu.memory_space<vmem>>) offsets(%dma_start3A_510 : memref<128xi32, #tpu.memory_space<vmem>>) semaphore(%arg17 : memref<!tpu.dma_semaphore, #tpu.memory_space<semaphore_mem>>)
    %dma_start3A_514 = arith.constant 0 : i32
    %dma_start3A_515 = arith.constant 24 : i32
    %dma_start3A_516 = arith.constant 0 : i32
    %dma_start3A_517 = arith.constant 0 : i32
    %dma_start3A_518 = arith.constant 0 : i32
    %dma_start3A_519 = tpu.memref_slice %arg13[%dma_start3A_514, %dma_start3A_516, %dma_start3A_517, %dma_start3A_518] : memref<2x32x8x128xf32, #tpu.memory_space<vmem>> -> memref<1x32x8x128xf32, #tpu.memory_space<vmem>>
    %dma_start3A_520 = tpu.memref_squeeze %dma_start3A_519 : memref<1x32x8x128xf32, #tpu.memory_space<vmem>> -> memref<32x8x128xf32, #tpu.memory_space<vmem>>
    %dma_start3A_521 = arith.constant 0 : i32
    %dma_start3A_522 = arith.constant 0 : i32
    %dma_start3A_523 = arith.constant 0 : i32
    %dma_start3A_524 = tpu.memref_slice %arg6[%dma_start3A_521, %dma_start3A_515, %add3A, %dma_start3A_522, %dma_start3A_523] : memref<32x25x32x8x128xf32, #tpu.memory_space<hbm>> -> memref<32x1x1x8x128xf32, #tpu.memory_space<hbm>>
    %dma_start3A_525 = tpu.memref_squeeze %dma_start3A_524 : memref<32x1x1x8x128xf32, #tpu.memory_space<hbm>> -> memref<32x8x128xf32, #tpu.memory_space<hbm>>
    %dma_start3A_526 = arith.constant 0 : i32
    %dma_start3A_527 = arith.constant 0 : i32
    %dma_start3A_528 = arith.constant 0 : i32
    %dma_start3A_529 = tpu.memref_slice %arg6[%dma_start3A_526, %dma_start3A_515, %add3A, %dma_start3A_527, %dma_start3A_528] : memref<32x25x32x8x128xf32, #tpu.memory_space<hbm>> -> memref<32x1x1x8x128xf32, #tpu.memory_space<hbm>>
    %dma_start3A_530 = tpu.memref_squeeze %dma_start3A_529 : memref<32x1x1x8x128xf32, #tpu.memory_space<hbm>> -> memref<32x8x128xf32, #tpu.memory_space<hbm>>
    %dma_start3A_531 = arith.constant 0 : i32
    %dma_start3A_532 = arith.constant 0 : i32
    %dma_start3A_533 = arith.constant 0 : i32
    %dma_start3A_534 = tpu.memref_slice %arg13[%dma_start3A_514, %dma_start3A_531, %dma_start3A_532, %dma_start3A_533] : memref<2x32x8x128xf32, #tpu.memory_space<vmem>> -> memref<1x32x8x128xf32, #tpu.memory_space<vmem>>
    %dma_start3A_535 = tpu.memref_squeeze %dma_start3A_534 : memref<1x32x8x128xf32, #tpu.memory_space<vmem>> -> memref<32x8x128xf32, #tpu.memory_space<vmem>>
    tpu.enqueue_dma source(%dma_start3A_535 : memref<32x8x128xf32, #tpu.memory_space<vmem>>) target(%dma_start3A_530 : memref<32x8x128xf32, #tpu.memory_space<hbm>>) target_semaphore(%arg20 : memref<!tpu.dma_semaphore, #tpu.memory_space<semaphore_mem>>)
    %dma_wait3A_536 = arith.constant 0 : i32
    %dma_wait3A_537 = arith.constant 0 : i32
    %dma_wait3A_538 = arith.constant 0 : i32
    %dma_wait3A_539 = arith.constant 0 : i32
    %dma_wait3A_540 = arith.constant 0 : i32
    %dma_wait3A_541 = arith.constant 0 : i32
    %dma_wait3A_542 = tpu.memref_slice %arg13[%dma_wait3A_536, %dma_wait3A_539, %dma_wait3A_540, %dma_wait3A_541] : memref<2x32x8x128xf32, #tpu.memory_space<vmem>> -> memref<1x32x8x128xf32, #tpu.memory_space<vmem>>
    %dma_wait3A_543 = tpu.memref_squeeze %dma_wait3A_542 : memref<1x32x8x128xf32, #tpu.memory_space<vmem>> -> memref<32x8x128xf32, #tpu.memory_space<vmem>>
    %dma_wait3A_544 = arith.constant 0 : i32
    %dma_wait3A_545 = arith.constant 0 : i32
    %dma_wait3A_546 = arith.constant 0 : i32
    %dma_wait3A_547 = tpu.memref_slice %arg6[%dma_wait3A_544, %dma_wait3A_537, %dma_wait3A_538, %dma_wait3A_545, %dma_wait3A_546] : memref<32x25x32x8x128xf32, #tpu.memory_space<hbm>> -> memref<32x1x1x8x128xf32, #tpu.memory_space<hbm>>
    %dma_wait3A_548 = tpu.memref_squeeze %dma_wait3A_547 : memref<32x1x1x8x128xf32, #tpu.memory_space<hbm>> -> memref<32x8x128xf32, #tpu.memory_space<hbm>>
    %dma_wait3A_549 = arith.constant 0 : i32
    %dma_wait3A_550 = arith.constant 0 : i32
    %dma_wait3A_551 = arith.constant 0 : i32
    %dma_wait3A_552 = tpu.memref_slice %arg6[%dma_wait3A_549, %dma_wait3A_537, %dma_wait3A_538, %dma_wait3A_550, %dma_wait3A_551] : memref<32x25x32x8x128xf32, #tpu.memory_space<hbm>> -> memref<32x1x1x8x128xf32, #tpu.memory_space<hbm>>
    %dma_wait3A_553 = tpu.memref_squeeze %dma_wait3A_552 : memref<32x1x1x8x128xf32, #tpu.memory_space<hbm>> -> memref<32x8x128xf32, #tpu.memory_space<hbm>>
    %dma_wait3A_554 = arith.constant 0 : i32
    %dma_wait3A_555 = arith.constant 0 : i32
    %dma_wait3A_556 = arith.constant 0 : i32
    %dma_wait3A_557 = tpu.memref_slice %arg13[%dma_wait3A_536, %dma_wait3A_554, %dma_wait3A_555, %dma_wait3A_556] : memref<2x32x8x128xf32, #tpu.memory_space<vmem>> -> memref<1x32x8x128xf32, #tpu.memory_space<vmem>>
    %dma_wait3A_558 = tpu.memref_squeeze %dma_wait3A_557 : memref<1x32x8x128xf32, #tpu.memory_space<vmem>> -> memref<32x8x128xf32, #tpu.memory_space<vmem>>
    tpu.wait_dma2 semaphore(%arg20 : memref<!tpu.dma_semaphore, #tpu.memory_space<semaphore_mem>>) src(%dma_wait3A_558 : memref<32x8x128xf32, #tpu.memory_space<vmem>>) dst(%dma_wait3A_553 : memref<32x8x128xf32, #tpu.memory_space<hbm>>)
    %dma_wait3A_559 = arith.constant 1 : i32
    %dma_wait3A_560 = arith.constant 0 : i32
    %dma_wait3A_561 = arith.constant 0 : i32
    %dma_wait3A_562 = arith.constant 0 : i32
    %dma_wait3A_563 = arith.constant 0 : i32
    %dma_wait3A_564 = arith.constant 0 : i32
    %dma_wait3A_565 = tpu.memref_slice %arg13[%dma_wait3A_559, %dma_wait3A_562, %dma_wait3A_563, %dma_wait3A_564] : memref<2x32x8x128xf32, #tpu.memory_space<vmem>> -> memref<1x32x8x128xf32, #tpu.memory_space<vmem>>
    %dma_wait3A_566 = tpu.memref_squeeze %dma_wait3A_565 : memref<1x32x8x128xf32, #tpu.memory_space<vmem>> -> memref<32x8x128xf32, #tpu.memory_space<vmem>>
    %dma_wait3A_567 = arith.constant 0 : i32
    %dma_wait3A_568 = arith.constant 0 : i32
    %dma_wait3A_569 = arith.constant 0 : i32
    %dma_wait3A_570 = tpu.memref_slice %arg6[%dma_wait3A_567, %dma_wait3A_560, %dma_wait3A_561, %dma_wait3A_568, %dma_wait3A_569] : memref<32x25x32x8x128xf32, #tpu.memory_space<hbm>> -> memref<32x1x1x8x128xf32, #tpu.memory_space<hbm>>
    %dma_wait3A_571 = tpu.memref_squeeze %dma_wait3A_570 : memref<32x1x1x8x128xf32, #tpu.memory_space<hbm>> -> memref<32x8x128xf32, #tpu.memory_space<hbm>>
    %dma_wait3A_572 = arith.constant 0 : i32
    %dma_wait3A_573 = arith.constant 0 : i32
    %dma_wait3A_574 = arith.constant 0 : i32
    %dma_wait3A_575 = tpu.memref_slice %arg6[%dma_wait3A_572, %dma_wait3A_560, %dma_wait3A_561, %dma_wait3A_573, %dma_wait3A_574] : memref<32x25x32x8x128xf32, #tpu.memory_space<hbm>> -> memref<32x1x1x8x128xf32, #tpu.memory_space<hbm>>
    %dma_wait3A_576 = tpu.memref_squeeze %dma_wait3A_575 : memref<32x1x1x8x128xf32, #tpu.memory_space<hbm>> -> memref<32x8x128xf32, #tpu.memory_space<hbm>>
    %dma_wait3A_577 = arith.constant 0 : i32
    %dma_wait3A_578 = arith.constant 0 : i32
    %dma_wait3A_579 = arith.constant 0 : i32
    %dma_wait3A_580 = tpu.memref_slice %arg13[%dma_wait3A_559, %dma_wait3A_577, %dma_wait3A_578, %dma_wait3A_579] : memref<2x32x8x128xf32, #tpu.memory_space<vmem>> -> memref<1x32x8x128xf32, #tpu.memory_space<vmem>>
    %dma_wait3A_581 = tpu.memref_squeeze %dma_wait3A_580 : memref<1x32x8x128xf32, #tpu.memory_space<vmem>> -> memref<32x8x128xf32, #tpu.memory_space<vmem>>
    tpu.wait_dma2 semaphore(%arg21 : memref<!tpu.dma_semaphore, #tpu.memory_space<semaphore_mem>>) src(%dma_wait3A_581 : memref<32x8x128xf32, #tpu.memory_space<vmem>>) dst(%dma_wait3A_576 : memref<32x8x128xf32, #tpu.memory_space<hbm>>)
    %dma_wait3A_582 = arith.constant 0 : i32
    %dma_wait3A_583 = arith.constant 0 : i32
    %dma_wait3A_584 = arith.constant 0 : i32
    %dma_wait3A_585 = arith.constant 0 : i32
    %dma_wait3A_586 = tpu.memref_slice %arg11[%dma_wait3A_583, %dma_wait3A_584, %dma_wait3A_585] : memref<4x128x32xf32, #tpu.memory_space<vmem>> -> memref<1x128x32xf32, #tpu.memory_space<vmem>>
    %dma_wait3A_587 = tpu.memref_squeeze %dma_wait3A_586 : memref<1x128x32xf32, #tpu.memory_space<vmem>> -> memref<128x32xf32, #tpu.memory_space<vmem>>
    %dma_wait3A_588 = arith.constant 0 : i32
    %dma_wait3A_589 = tpu.memref_slice %arg9[%dma_wait3A_582, %dma_wait3A_588] : memref<20x128xi32, #tpu.memory_space<vmem>> -> memref<1x128xi32, #tpu.memory_space<vmem>>
    %dma_wait3A_590 = tpu.memref_squeeze %dma_wait3A_589 : memref<1x128xi32, #tpu.memory_space<vmem>> -> memref<128xi32, #tpu.memory_space<vmem>>
    %dma_wait3A_591 = arith.constant 0 : i32
    %dma_wait3A_592 = arith.constant 0 : i32
    %dma_wait3A_593 = tpu.memref_slice %arg4[%dma_wait3A_591, %dma_wait3A_592] : memref<1000000x32xf32, #tpu.memory_space<hbm>> -> memref<1000000x32xf32, #tpu.memory_space<hbm>>
    tpu.wait_indirect_dma semaphore(%arg14 : memref<!tpu.dma_semaphore, #tpu.memory_space<semaphore_mem>>) src(%dma_wait3A_593 : memref<1000000x32xf32, #tpu.memory_space<hbm>>) dst(%dma_wait3A_587 : memref<128x32xf32, #tpu.memory_space<vmem>>)
    %dma_wait3A_594 = arith.constant 0 : i32
    %dma_wait3A_595 = arith.constant 1 : i32
    %dma_wait3A_596 = arith.constant 0 : i32
    %dma_wait3A_597 = arith.constant 0 : i32
    %dma_wait3A_598 = tpu.memref_slice %arg11[%dma_wait3A_595, %dma_wait3A_596, %dma_wait3A_597] : memref<4x128x32xf32, #tpu.memory_space<vmem>> -> memref<1x128x32xf32, #tpu.memory_space<vmem>>
    %dma_wait3A_599 = tpu.memref_squeeze %dma_wait3A_598 : memref<1x128x32xf32, #tpu.memory_space<vmem>> -> memref<128x32xf32, #tpu.memory_space<vmem>>
    %dma_wait3A_600 = arith.constant 0 : i32
    %dma_wait3A_601 = tpu.memref_slice %arg9[%dma_wait3A_594, %dma_wait3A_600] : memref<20x128xi32, #tpu.memory_space<vmem>> -> memref<1x128xi32, #tpu.memory_space<vmem>>
    %dma_wait3A_602 = tpu.memref_squeeze %dma_wait3A_601 : memref<1x128xi32, #tpu.memory_space<vmem>> -> memref<128xi32, #tpu.memory_space<vmem>>
    %dma_wait3A_603 = arith.constant 0 : i32
    %dma_wait3A_604 = arith.constant 0 : i32
    %dma_wait3A_605 = tpu.memref_slice %arg4[%dma_wait3A_603, %dma_wait3A_604] : memref<1000000x32xf32, #tpu.memory_space<hbm>> -> memref<1000000x32xf32, #tpu.memory_space<hbm>>
    tpu.wait_indirect_dma semaphore(%arg15 : memref<!tpu.dma_semaphore, #tpu.memory_space<semaphore_mem>>) src(%dma_wait3A_605 : memref<1000000x32xf32, #tpu.memory_space<hbm>>) dst(%dma_wait3A_599 : memref<128x32xf32, #tpu.memory_space<vmem>>)
    %dma_wait3A_606 = arith.constant 0 : i32
    %dma_wait3A_607 = arith.constant 2 : i32
    %dma_wait3A_608 = arith.constant 0 : i32
    %dma_wait3A_609 = arith.constant 0 : i32
    %dma_wait3A_610 = tpu.memref_slice %arg11[%dma_wait3A_607, %dma_wait3A_608, %dma_wait3A_609] : memref<4x128x32xf32, #tpu.memory_space<vmem>> -> memref<1x128x32xf32, #tpu.memory_space<vmem>>
    %dma_wait3A_611 = tpu.memref_squeeze %dma_wait3A_610 : memref<1x128x32xf32, #tpu.memory_space<vmem>> -> memref<128x32xf32, #tpu.memory_space<vmem>>
    %dma_wait3A_612 = arith.constant 0 : i32
    %dma_wait3A_613 = tpu.memref_slice %arg9[%dma_wait3A_606, %dma_wait3A_612] : memref<20x128xi32, #tpu.memory_space<vmem>> -> memref<1x128xi32, #tpu.memory_space<vmem>>
    %dma_wait3A_614 = tpu.memref_squeeze %dma_wait3A_613 : memref<1x128xi32, #tpu.memory_space<vmem>> -> memref<128xi32, #tpu.memory_space<vmem>>
    %dma_wait3A_615 = arith.constant 0 : i32
    %dma_wait3A_616 = arith.constant 0 : i32
    %dma_wait3A_617 = tpu.memref_slice %arg4[%dma_wait3A_615, %dma_wait3A_616] : memref<1000000x32xf32, #tpu.memory_space<hbm>> -> memref<1000000x32xf32, #tpu.memory_space<hbm>>
    tpu.wait_indirect_dma semaphore(%arg16 : memref<!tpu.dma_semaphore, #tpu.memory_space<semaphore_mem>>) src(%dma_wait3A_617 : memref<1000000x32xf32, #tpu.memory_space<hbm>>) dst(%dma_wait3A_611 : memref<128x32xf32, #tpu.memory_space<vmem>>)
    %dma_wait3A_618 = arith.constant 0 : i32
    %dma_wait3A_619 = arith.constant 3 : i32
    %dma_wait3A_620 = arith.constant 0 : i32
    %dma_wait3A_621 = arith.constant 0 : i32
    %dma_wait3A_622 = tpu.memref_slice %arg11[%dma_wait3A_619, %dma_wait3A_620, %dma_wait3A_621] : memref<4x128x32xf32, #tpu.memory_space<vmem>> -> memref<1x128x32xf32, #tpu.memory_space<vmem>>
    %dma_wait3A_623 = tpu.memref_squeeze %dma_wait3A_622 : memref<1x128x32xf32, #tpu.memory_space<vmem>> -> memref<128x32xf32, #tpu.memory_space<vmem>>
    %dma_wait3A_624 = arith.constant 0 : i32
    %dma_wait3A_625 = tpu.memref_slice %arg9[%dma_wait3A_618, %dma_wait3A_624] : memref<20x128xi32, #tpu.memory_space<vmem>> -> memref<1x128xi32, #tpu.memory_space<vmem>>
    %dma_wait3A_626 = tpu.memref_squeeze %dma_wait3A_625 : memref<1x128xi32, #tpu.memory_space<vmem>> -> memref<128xi32, #tpu.memory_space<vmem>>
    %dma_wait3A_627 = arith.constant 0 : i32
    %dma_wait3A_628 = arith.constant 0 : i32
    %dma_wait3A_629 = tpu.memref_slice %arg4[%dma_wait3A_627, %dma_wait3A_628] : memref<1000000x32xf32, #tpu.memory_space<hbm>> -> memref<1000000x32xf32, #tpu.memory_space<hbm>>
    tpu.wait_indirect_dma semaphore(%arg17 : memref<!tpu.dma_semaphore, #tpu.memory_space<semaphore_mem>>) src(%dma_wait3A_629 : memref<1000000x32xf32, #tpu.memory_space<hbm>>) dst(%dma_wait3A_623 : memref<128x32xf32, #tpu.memory_space<vmem>>)
    return
  }
}

</mosaic_0001>

<sc_bundles>
// kernel: kernel.3.cloned.1.call-start
scs
__scs_entry_jumppad:
0x0: {  	(pc) =	sbr.rel $0x88, $3  }
0x1: {  	(tag) =	ssettag $0x0;
	lr =	simm.s32 $0x1  }
0x2: {  	[smem:$0x3F9E] =	sst lr;
	_ =	strace $0xD0000000  }
0x3: {  	_ = 	snop  }
0x4: {  	_ = 	snop  }
0x5: {  	_ = 	snop  }
0x6: {  	_ = 	snop  }
0x7: {  	_ = 	snop  }
__scs_overlays_trampoline_lowered:
0x8: {  	[smem:$0x3FAD] =	sst s0  }
0x9: {  	[smem:$0x3FAE] =	sst s1  }
0xa: {  	[smem:$0x3FAF] =	sst s2  }
0xb: {  	[smem:$0x3FB0] =	sst s3  }
0xc: {  	[smem:$0x3FB1] =	sst s4  }
0xd: {  	[smem:$0x3FB2] =	sst s5  }
0xe: {  	[smem:$0x3FB3] =	sst s6  }
0xf: {  	[smem:$0x3FB4] =	sst s7  }
0x10: {  	[smem:$0x3FB5] =	sst s8  }
0x11: {  	[smem:$0x3FB6] =	sst s9;
	s0 =	simm.s32 @!p0 $0x0  }
0x12: {  	s1 =	sld [smem:$0x3F9C];
	s0 =	simm.s32 @p0 $0x1  }
0x13: {  	[smem:$0x3FB7] =	sst s0;
	s0 =	simm.s32 @!p1 $0x0  }
0x14: {  	s2 =	sld [smem:$0x3F9B];
	s0 =	simm.s32 @p1 $0x1  }
0x15: {  	[smem:$0x3FB8] =	sst s0;
	s0 =	simm.s32 @!p2 $0x0  }
0x16: {  	s3 =	sld [smem:$0x3FDB];
	s0 =	simm.s32 @p2 $0x1  }
0x17: {  	s4 =	simm.s32 $0x1BF5;
	[smem:$0x3FBA] =	sst s0  }
0x18: {  	s0 =	sld [smem:$0x3F9D];
	_ =	swait.ge [sflag:s4], $0x0  }
0x19: {  	s7 =	sld [smem:$0x3F9E]  }
0x1a: {  	s8 =	sadd.s32 $0xFFFFE003, lr  }
0x1b: {  	s9 =	sadd.s32 $0xFFFFFEF7, lr;
	s5 =	simm.s32 $0xFFFFFFFF;
	p2 =	slt.u32 s8, $0xFFFFF086  }
0x1c: {  	p1 =	slt.u32 s9, $0xF7A;
	s5 =	simm.s32 @!p2 $0x0  }
0x1d: {  	s5 =	simm.s32 @p1 $0x1;
	p0 =	seq.s32 s7, s2  }
0x1e: {  	s7 =	smul.u32 @!p0 $0xF7A, s2;
	p2 =	seq.s32 @!p0 s5, $0x0  }
0x1f: {  	s9 =	smul.u32 $0xF7A, s1;
	s8 =	simm.s32 @!p0 $0x1BF5;
	p2 =	por !p2, p0  }
0x20: {  	[sflag:s8] =	ssyncset.s32 @!p0 $0xFFFFF086;
	s6 =	sadd.s32 @!p0 s3, s7;
	s7 =	simm.s32 @!p0 $0x108  }
0x21: {  	s3 =	sadd.s32 s3, s9;
	s6 =	sadd.s32 @!p0 $0x88, s6;
	s7 =	simm.s32 @p2 $0x1082  }
0x22: {  	[simem:s7], [sflag:s8] =	dma.local @!p0 [hbm:s6], $0xF7A  }
0x23: {  	s9 =	sor.u32 $0xD0000000, s2;
	s6 =	simm.s32 $0x108;
	_ =	swait.ge @!p0 [sflag:s8], $0x0  }
0x24: {  	s3 =	sadd.s32 $0x88, s3;
	s6 =	simm.s32 @!p1 $0x1082;
	[sflag:s4] =	ssyncset.s32 $0xFFFFF086  }
0x25: {  	[simem:s6], [sflag:s4] =	dma.local [hbm:s3], $0xF7A  }
0x26: {  	[smem:$0x3F9E] =	sst s1;
	(tag) =	ssettag s2;
	_ =	strace s9  }
0x27: {  	s1 =	sld [smem:$0x3FAE]  }
0x28: {  	s2 =	sld [smem:$0x3FAF]  }
0x29: {  	s4 =	sld [smem:$0x3FB1]  }
0x2a: {  	p0 =	seq.s32 s5, $0x0;
	s5 =	sld [smem:$0x3FB2]  }
0x2b: {  	s6 =	sld [smem:$0x3FB3]  }
0x2c: {  	s7 =	sld [smem:$0x3FB4]  }
0x2d: {  	s3 =	simm.s32 $0x108;
	s8 =	sld [smem:$0x3FB5]  }
0x2e: {  	s3 =	simm.s32 @!p0 $0x1082;
	s9 =	sld [smem:$0x3FB6]  }
0x2f: {  	lr =	sadd.s32 s0, s3;
	s0 =	sld [smem:$0x3FAD]  }
0x30: {  	s3 =	sld [smem:$0x3FB0]  }
0x31: {  	[smem:$0x3FB9] =	sst s10  }
0x32: {  	s10 =	sld [smem:$0x3FB7];
	_ =	sdelay $0x3  }
0x33: {  	p0 =	seq.s32 s10, $0x1;
	s10 =	sld [smem:$0x3FB9];
	_ =	sdelay $0x3  }
0x34: {  	[smem:$0x3FB9] =	sst s10  }
0x35: {  	s10 =	sld [smem:$0x3FB8];
	_ =	sdelay $0x3  }
0x36: {  	p1 =	seq.s32 s10, $0x1;
	s10 =	sld [smem:$0x3FB9];
	_ =	sdelay $0x3  }
0x37: {  	[smem:$0x3FB9] =	sst s10  }
0x38: {  	s10 =	sld [smem:$0x3FBA]  }
0x39: {  	_ = 	snop;
	(pc) =	sbr.ind lr, $3  }
0x3a: {  	_ = 	snop  }
0x3b: {  	_ = 	snop  }
0x3c: {  	p2 =	seq.s32 s10, $0x1;
	s10 =	sld [smem:$0x3FB9]  }
0x3d: {  	_ =	shalt  }
0x3e: {  	_ =	shalt  }
0x3f: {  	_ =	shalt  }
0x40: {  	_ =	shalt  }
0x41: {  	_ =	shalt  }
0x42: {  	_ =	shalt  }
0x43: {  	_ =	shalt  }
0x44: {  	_ =	shalt  }
0x45: {  	_ =	shalt  }
0x46: {  	_ =	shalt  }
0x47: {  	_ =	shalt  }
0x48: {  	_ =	shalt  }
0x49: {  	_ =	shalt  }
0x4a: {  	_ =	shalt  }
0x4b: {  	_ =	shalt  }
0x4c: {  	_ =	shalt  }
0x4d: {  	_ =	shalt  }
0x4e: {  	_ =	shalt  }
0x4f: {  	_ =	shalt  }
0x50: {  	_ =	shalt  }
0x51: {  	_ =	shalt  }
0x52: {  	_ =	shalt  }
0x53: {  	_ =	shalt  }
0x54: {  	_ =	shalt  }
0x55: {  	_ =	shalt  }
0x56: {  	_ =	shalt  }
0x57: {  	_ =	shalt  }
0x58: {  	_ =	shalt  }
0x59: {  	_ =	shalt  }
0x5a: {  	_ =	shalt  }
0x5b: {  	_ =	shalt  }
0x5c: {  	_ =	shalt  }
0x5d: {  	_ =	shalt  }
0x5e: {  	_ =	shalt  }
0x5f: {  	_ =	shalt  }
0x60: {  	_ =	shalt  }
0x61: {  	_ =	shalt  }
0x62: {  	_ =	shalt  }
0x63: {  	_ =	shalt  }
0x64: {  	_ =	shalt  }
0x65: {  	_ =	shalt  }
0x66: {  	_ =	shalt  }
0x67: {  	_ =	shalt  }
0x68: {  	_ =	shalt  }
0x69: {  	_ =	shalt  }
0x6a: {  	_ =	shalt  }
0x6b: {  	_ =	shalt  }
0x6c: {  	_ =	shalt  }
0x6d: {  	_ =	shalt  }
0x6e: {  	_ =	shalt  }
0x6f: {  	_ =	shalt  }
0x70: {  	_ =	shalt  }
0x71: {  	_ =	shalt  }
0x72: {  	_ =	shalt  }
0x73: {  	_ =	shalt  }
0x74: {  	_ =	shalt  }
0x75: {  	_ =	shalt  }
0x76: {  	_ =	shalt  }
0x77: {  	_ =	shalt  }
0x78: {  	_ =	shalt  }
0x79: {  	_ =	shalt  }
0x7a: {  	_ =	shalt  }
0x7b: {  	_ =	shalt  }
0x7c: {  	_ =	shalt  }
0x7d: {  	_ =	shalt  }
0x7e: {  	_ =	shalt  }
0x7f: {  	_ =	shalt  }
0x80: {  	_ =	shalt  }
0x81: {  	_ =	shalt  }
0x82: {  	_ =	shalt  }
0x83: {  	_ =	shalt  }
0x84: {  	_ =	shalt  }
0x85: {  	_ =	shalt  }
0x86: {  	_ =	shalt  }
0x87: {  	_ =	shalt  }
.Lfunc_end0:
.L_simem_size_0:
called_computation_lowered:
.L_overlay_start_0:
0x88: {  	s2 =	sld [smem:$0x3FD9]  }
0x89: {  	s3 =	sld [smem:$0x3FFE];
	_ =	sdelay $0x1  }
0x8a: {  	s1 =	srdreg.scid  }
0x8b: {  	s0 =	sand.u32 $0x1, s1  }
0x8c: {  	s14 =	sshll.u32 s0, $0xA;
	s2 =	sadd.s32 s3, s2  }
0x8d: {  	s2 =	sadd.s32 s2, s14  }
0x8e: {  	[smem:$0x3FC5] =	sst s2  }
0x8f: {  	_ = 	snop  }
0x90: {  	s2 =	sld [smem:$0x3FD0];
	_ =	sdelay $0x2  }
0x91: {  	s15 =	simm.s32 $0xA;
	s4 =	simm.s32 $0x10  }
0x92: {  	[smem:s4], [sflag:s15] =	dma.local [hbm:s2], $0x1  }
0x93: {  	_ =	swait.eq [sflag:s15], $0x1  }
0x94: {  	[sflag:s15] =	ssyncset.done $0x0  }
0x95: {  	s16 =	sld [smem:$0x10];
	[sflag:s15] =	ssyncadd.s32 $0xFFFFFFFF  }
0x96: {  	s17 =	sld [smem:$0x11];
	(tm) =	ssettm $0x1  }
0x97: {  	s18 =	sld [smem:$0x3FFB];
	_ =	sdelay $0x3  }
0x98: {  	_ =	strace s18  }
0x99: {  	s4 =	sld [smem:$0x3FFC];
	_ =	sdelay $0x3  }
0x9a: {  	_ =	strace s4  }
0x9b: {  	s4 =	sld [smem:$0x3FFD];
	_ =	sdelay $0x3  }
0x9c: {  	_ =	strace s4  }
0x9d: {  	_ =	strace $0x8FFFFFFF  }
0x9e: {  	s19 =	sld [smem:$0x3FDB];
	_ =	sdelay $0x1  }
0x9f: {  	s5 =	simm.s32 $_scs_section_size  }
0xa0: {  	s6 =	simm.s32 $_size__tile_overlayer_lowered;
	s7 =	simm.s32 $_tile_overlayer_lowered  }
0xa1: {  	s22 =	simm.s32 $0x1BFF;
	s21 =	sshll.u32 s7, $0x1;
	s4 =	sadd.s32 s5, s19  }
0xa2: {  	s8 =	simm.s32 $0x0;
	s20 =	sshll.u32 s6, $0x1;
	s6 =	sadd.s32 s21, s4  }
0xa3: {  	[timem:s8], [sflag:s22] =	dma.local [hbm:s6], s20  }
0xa4: {  	_ =	swait.ge [sflag:s22], s20  }
0xa5: {  	s5 =	ssub.s32 $0x0, s20;
	[sflag:s22] =	ssyncset.done $0x0  }
0xa6: {  	[sflag:s22] =	ssyncadd.s32 s5;
	_ =	sdelay $0x1  }
0xa7: {  	s23 =	simm.s32 $0x1B8B  }
0xa8: {  	_ =	swait.ge [sflag:s23], $0x1  }
0xa9: {  	[sflag:s23] =	ssyncset.done $0x0  }
0xaa: {  	s25 =	simm.s32 $0x1B8E;
	s24 =	sld [smem:$0x3FFE];
	[sflag:s23] =	ssyncadd.s32 $0xFFFFFFFF  }
0xab: {  	s26 =	simm.s32 $execute0_lowered;
	[smem:$0x3FD2] =	sst s25  }
0xac: {  	s6 =	sshll.u32 s26, $0x1;
	_ =	strace $0x80000046;
	[dreg:$0x1] =	wrdreg $0xFFFFFFFF  }
0xad: {  	s28 =	simm.s32 $_size_execute0_lowered;
	s4 =	sadd.s32 s4, s6;
	[dreg:$0x0] =	wrdreg $0x0  }
0xae: {  	s6 =	sshll.u32 s28, $0x1;
	[dreg:$0x2] =	wrdreg s4  }
0xaf: {  	[dreg:$0x3] =	wrdreg s6  }
0xb0: {  	[dreg:$0x4] =	wrdreg $0xC0  }
0xb1: {  	_ =	task [dreg:s8], $0x5FFFF  }
0xb2: {  	[dreg:$0x1] =	wrdreg $0xFFFFFFFF  }
0xb3: {  	[dreg:$0x0] =	wrdreg $0x60  }
0xb4: {  	[dreg:$0x2] =	wrdreg s24  }
0xb5: {  	[dreg:$0x3] =	wrdreg s16  }
0xb6: {  	[dreg:$0x4] =	wrdreg s17  }
0xb7: {  	[dreg:$0x5] =	wrdreg $0x9  }
0xb8: {  	_ =	task.clear_ibuf [dreg:s8], $0x6FFFF;
	_ =	strace $0x90000046  }
0xb9: {  	s29 =	simm.s32 $0x9;
	_ =	strace $0x80000048  }
0xba: {  	_ =	swait.ge [sflag:s29], $0x1  }
0xbb: {  	[sflag:s29] =	ssyncadd.s32 $0xFFFFFFFF  }
0xbc: {  	_ =	strace $0x90000048  }
0xbd: {  	_ =	sfence  }
0xbe: {  	s30 =	sld [smem:$0x0];
	_ =	sdelay $0x2  }
0xbf: {  	s31 =	sshll.u32 s1, $0xD;
	s1 =	sshrl.u32 s1, $0x2  }
0xc0: {  	s3 =	sand.u32 $0x4000, s31;
	s1 =	sadd.s32 s1, s30  }
0xc1: {  	s0 =	sor.u32 s3, s0;
	s1 =	sshll.u32 s1, $0x11  }
0xc2: {  	s0 =	sor.u32 s1, s0  }
0xc3: {  	s0 =	sadd.s32 $0x8F2B, s0  }
0xc4: {  	[sflag:s0] =	ssyncadd.remote.s32 $0x1  }
0xc5: {  	_ =	sfence.sel $0xFFFF  }
0xc6: {  	[dreg:$0x0] =	wrdreg $0xFFFFFFFF;
	(pc) =	sbr.abs _section_cstart, $3  }
0xc7: {  	[dreg:$0x1] =	wrdreg $0xFFFFFFFF  }
0xc8: {  	_ =	task.clear_ibuf [dreg:s8], $0x2FFFF;
	_ =	strace $0x9FFFFFFF  }
0xc9: {  	(tm) =	ssettm $0x7FFFFFFF  }
tec
execute0_lowered:
.L_overlay_start_1:
0x0: {  	(tag) =	ssettag $0x1  }
0x1: {  	s0 =	rddreg [dreg:$0x0];
	s1 =	srdreg.scid  }
0x2: {  	s2 =	stileid.u32;
	s6 =	rddreg [dreg:$0x1]  }
0x3: {  	s7 =	rddreg [dreg:$0x2];
	s4 =	simm.s32 $0x0;
	s17 =	simm.s32 $0x8  }
0x4: {  	s12 =	simm.s32 $0xC8;
	s28 =	simm.s32 $0x9200;
	s29 =	simm.s32 $0x1  }
0x5: {  	s30 =	simm.s32 $0xC200;
	s31 =	simm.s32 $0x400;
	s8 =	simm.s32 $0xB200  }
0x6: {  	s14 =	simm.s32 $0xE200;
	s15 =	simm.s32 $0x3;
	s16 =	simm.s32 $0x4  }
0x7: {  	s1 =	sand.u32 $0x1, s1;
	s2 =	sshll.u32 s2, $0x1;
	[smem:$0x7FF] =	sst s4  }
0x8: {  	s5 =	sadd.s32 $0xF43000, s0;
	s25 =	sadd.s32 $0x4000, s6;
	s2 =	sor.u32 s1, s2  }
0x9: {  	s6 =	simm.s32 $0x16200;
	_ =	strace $0x80000047;
	s3 =	smul.u32 $0x180, s2  }
0xa: {  	s1 =	ssub.s32 $0x2, s1;
	[dreg:$0xa] =	wrdreg s25;
	s18 =	smul.u32 $0xC80, s2  }
0xb: {  	s25 =	simm.s32 $0x8200;
	s19 =	sshrl.u32 s1, $0x1;
	s13 =	sshll.u32 s2, $0xA  }
0xc: {  	s3 =	sadd.s32 s3, s0;
	s4 =	sadd.s32 s18, s0;
	s18 =	sshll.u32 s2, $0x7  }
0xd: {  	s0 =	ssub.s32 s1, s19;
	s20 =	sadd.s32 $0x19C00, s3;
	[dreg:$0x8] =	wrdreg s18  }
0xe: {  	s19 =	simm.s32 $0xC00;
	s21 =	sadd.s32 $0xC00, s4;
	[dreg:$0x4] =	wrdreg s20  }
0xf: {  	s2 =	simm.s32 $0x0;
	s22 =	sadd.s32 $0xC01, s4;
	[dreg:$0x5] =	wrdreg s21  }
0x10: {  	s23 =	sadd.s32 $0xC02, s4;
	s24 =	sadd.s32 $0xC03, s4;
	[dreg:$0x6] =	wrdreg s22  }
0x11: {  	v0 =	vlaneseq.u32;
	s26 =	sadd.s32 s18, s7;
	s0 =	smax.u32 s0, $0x1;
	[dreg:$0x7] =	wrdreg s23  }
0x12: {  	v1 =	vand.u32 $0x7, v0;
	s7 =	simm.s32 $0xA200;
	[dreg:$0x9] =	wrdreg s24;
	s1 =	sadd.s32 $0x18000, s26  }
0x13: {  	v2 =	vmul.u32 $0x18, v0;
	v3 =	vmul.u32 $0x8, v0;
	v4 =	vor.u32 $0x80, v1;
	[dreg:$0xc] =	wrdreg s0;
	s20 =	simm.s32 $0x1000;
	s21 =	simm.s32 $0x9  }
0x14: {  	v5 =	vor.u32 $0x100, v1;
	v6 =	vor.u32 $0x180, v1;
	v7 =	vor.u32 $0x200, v1;
	s22 =	simm.s32 $0xA;
	s23 =	simm.s32 $0x80;
	s0 =	simm.s32 $0x2  }
0x15: {  	v8 =	vor.u32 $0x280, v1;
	v9 =	vor.u32 $0x300, v1;
	v10 =	vor.u32 $0x380, v1;
	s24 =	simm.s32 $0xD200;
	s26 =	simm.s32 $0xC8000;
	[dreg:$0xb] =	wrdreg s1  }
.LBB2_1:
0x16: {  	[dreg:$0xd] =	wrdreg s2  }
0x17: {  	s3 =	simm.s32 $0x0;
	s1 =	rddreg [dreg:$0x4];
	s9 =	simm.s32 $0xB  }
0x18: {  	[tilespmem:s3], [sflag:$0xB] =	stream.linear.gather [hbm4b:s1+s3], $0xC00, $0x38;
	v11 =	vmov s3;
	[tilespmem:$0x1E200] =	vst v63  }
0x19: {  	_ =	swait.ge [sflag:s9], $0xC00;
	v11 =	vand.u32 $0x1F, v11  }
0x1a: {  	[sflag:s9] =	ssyncset.done $0x0;
	v11 =	vadd.s32 v2, v11  }
0x1b: {  	s10 =	rddreg [dreg:$0x5];
	[sflag:s9] =	ssyncadd.s32 $0xFFFFF400  }
0x1c: {  	[tilespmem:s19], [sflag:$0x9] =	stream.strided.gather [hbm4b:s10+s17], $0x400, s12, s17, $0x38;
	[tilespmem:$0x1E200] =	vst v63  }
0x1d: {  	s11 =	rddreg [dreg:$0x6]  }
0x1e: {  	[tilespmem:s20], [sflag:$0xA] =	stream.strided.gather [hbm4b:s11+s17], $0x400, s12, s17, $0x38;
	[tilespmem:$0x1E200] =	vst v63  }
0x1f: {  	v12 =	vld.idx.msk [tilespmem:v11+s3+$0x0], $0xffff  }
0x20: {  	v13 =	vadd.s32 $0x180, v11;
	_ =	sdelay $0x2  }
0x21: {  	s4 =	simm.s32 $0x1440  }
0x22: {  	[tilespmem:s4+$0xFFFFFFC0] =	vst v12  }
0x23: {  	v12 =	vld.idx.msk [tilespmem:v13+s3+$0x0], $0xffff  }
0x24: {  	v13 =	vadd.s32 $0x300, v11;
	_ =	sdelay $0x3  }
0x25: {  	[tilespmem:s4+$0xFFFFFFD0] =	vst v12  }
0x26: {  	v12 =	vld.idx.msk [tilespmem:v13+s3+$0x0], $0xffff  }
0x27: {  	v13 =	vadd.s32 $0x480, v11;
	_ =	sdelay $0x3  }
0x28: {  	[tilespmem:s4+$0xFFFFFFE0] =	vst v12  }
0x29: {  	v12 =	vld.idx.msk [tilespmem:v13+s3+$0x0], $0xffff  }
0x2a: {  	v13 =	vadd.s32 $0x600, v11;
	_ =	sdelay $0x3  }
0x2b: {  	[tilespmem:s4+$0xFFFFFFF0] =	vst v12  }
0x2c: {  	v12 =	vld.idx.msk [tilespmem:v13+s3+$0x0], $0xffff  }
0x2d: {  	v13 =	vadd.s32 $0x780, v11;
	_ =	sdelay $0x3  }
0x2e: {  	[tilespmem:s4+$0x0] =	vst v12  }
0x2f: {  	v12 =	vld.idx.msk [tilespmem:v13+s3+$0x0], $0xffff  }
0x30: {  	v13 =	vadd.s32 $0x900, v11;
	_ =	sdelay $0x3  }
0x31: {  	[tilespmem:s4+$0x10] =	vst v12  }
0x32: {  	v12 =	vld.idx.msk [tilespmem:v13+s3+$0x0], $0xffff  }
0x33: {  	v11 =	vadd.s32 $0xA80, v11;
	_ =	sdelay $0x3  }
0x34: {  	s18 =	simm.s32 $0x1;
	[tilespmem:s4+$0x20] =	vst v12  }
0x35: {  	s11 =	simm.s32 $0x2;
	v12 =	vmov s18;
	v11 =	vld.idx.msk [tilespmem:v11+s3+$0x0], $0xffff  }
.LBB2_2:
0x36: {  	p0 =	sne.s32 s11, $0x13;
	v12 =	vand.u32 $0x1F, v12  }
0x37: {  	v12 =	vadd.s32 v2, v12;
	_ =	sdelay $0x3  }
0x38: {  	s2 =	simm.s32 $0x0;
	[tilespmem:s4+$0x30] =	vst v11  }
0x39: {  	v11 =	vld.idx.msk [tilespmem:v12+s2+$0x0], $0xffff;
	_ =	sdelay $0x1  }
0x3a: {  	v13 =	vadd.s32 $0x180, v12;
	_ =	sdelay $0x2  }
0x3b: {  	s4 =	sadd.s32 $0x80, s4  }
0x3c: {  	[tilespmem:s4+$0xFFFFFFC0] =	vst v11  }
0x3d: {  	v11 =	vld.idx.msk [tilespmem:v13+s2+$0x0], $0xffff;
	_ =	sdelay $0x1  }
0x3e: {  	v13 =	vadd.s32 $0x300, v12;
	_ =	sdelay $0x3  }
0x3f: {  	[tilespmem:s4+$0xFFFFFFD0] =	vst v11  }
0x40: {  	v11 =	vld.idx.msk [tilespmem:v13+s2+$0x0], $0xffff;
	_ =	sdelay $0x1  }
0x41: {  	v13 =	vadd.s32 $0x480, v12;
	_ =	sdelay $0x3  }
0x42: {  	[tilespmem:s4+$0xFFFFFFE0] =	vst v11  }
0x43: {  	v11 =	vld.idx.msk [tilespmem:v13+s2+$0x0], $0xffff;
	_ =	sdelay $0x1  }
0x44: {  	v13 =	vadd.s32 $0x600, v12;
	_ =	sdelay $0x3  }
0x45: {  	[tilespmem:s4+$0xFFFFFFF0] =	vst v11  }
0x46: {  	v11 =	vld.idx.msk [tilespmem:v13+s2+$0x0], $0xffff;
	_ =	sdelay $0x1  }
0x47: {  	v13 =	vadd.s32 $0x780, v12;
	_ =	sdelay $0x3  }
0x48: {  	[tilespmem:s4+$0x0] =	vst v11  }
0x49: {  	v11 =	vld.idx.msk [tilespmem:v13+s2+$0x0], $0xffff;
	_ =	sdelay $0x1  }
0x4a: {  	v13 =	vadd.s32 $0x900, v12;
	_ =	sdelay $0x3  }
0x4b: {  	[tilespmem:s4+$0x10] =	vst v11  }
0x4c: {  	v11 =	vld.idx.msk [tilespmem:v13+s2+$0x0], $0xffff;
	_ =	sdelay $0x1  }
0x4d: {  	v13 =	vadd.s32 $0xA80, v12  }
.Ltmp0:
0x4e: {  	(pc) =	sbr.rel @p0 .LBB2_2-.Ltmp0, $3  }
0x4f: {  	_ =	sdelay $0x1  }
0x50: {  	[tilespmem:s4+$0x20] =	vst v11  }
0x51: {  	v12 =	vmov s11;
	s11 =	sadd.s32 $0x1, s11;
	v11 =	vld.idx.msk [tilespmem:v13+s2+$0x0], $0xffff  }
0x52: {  	v12 =	vand.u32 $0x1F, v12  }
0x53: {  	v12 =	vadd.s32 v2, v12;
	_ =	sdelay $0x3  }
0x54: {  	[tilespmem:s4+$0x30] =	vst v11  }
0x55: {  	v11 =	vld.idx.msk [tilespmem:v12+s2+$0x0], $0xffff  }
0x56: {  	v13 =	vadd.s32 $0x180, v12;
	_ =	sdelay $0x2  }
0x57: {  	s1 =	sadd.s32 $0x80, s4  }
0x58: {  	[tilespmem:s1+$0xFFFFFFC0] =	vst v11  }
0x59: {  	v11 =	vld.idx.msk [tilespmem:v13+s2+$0x0], $0xffff  }
0x5a: {  	v59 =	vadd.s32 $0x300, v12;
	_ =	sdelay $0x3  }
0x5b: {  	[tilespmem:s1+$0xFFFFFFD0] =	vst v11  }
0x5c: {  	v11 =	vld.idx.msk [tilespmem:v59+s2+$0x0], $0xffff  }
0x5d: {  	v60 =	vadd.s32 $0x480, v12;
	_ =	sdelay $0x3  }
0x5e: {  	[tilespmem:s1+$0xFFFFFFE0] =	vst v11  }
0x5f: {  	v11 =	vld.idx.msk [tilespmem:v60+s2+$0x0], $0xffff  }
0x60: {  	v61 =	vadd.s32 $0x600, v12;
	_ =	sdelay $0x3  }
0x61: {  	[tilespmem:s1+$0xFFFFFFF0] =	vst v11  }
0x62: {  	v11 =	vld.idx.msk [tilespmem:v61+s2+$0x0], $0xffff  }
0x63: {  	v62 =	vadd.s32 $0x780, v12;
	_ =	sdelay $0x3  }
0x64: {  	[tilespmem:s1+$0x0] =	vst v11  }
0x65: {  	v11 =	vld.idx.msk [tilespmem:v62+s2+$0x0], $0xffff  }
0x66: {  	v63 =	vadd.s32 $0x900, v12;
	_ =	sdelay $0x3  }
0x67: {  	[tilespmem:s1+$0x10] =	vst v11  }
0x68: {  	v11 =	vld.idx.msk [tilespmem:v63+s2+$0x0], $0xffff  }
0x69: {  	v12 =	vadd.s32 $0xA80, v12;
	_ =	sdelay $0x3  }
0x6a: {  	[tilespmem:s1+$0x20] =	vst v11  }
0x6b: {  	v11 =	vld.idx.msk [tilespmem:v12+s2+$0x0], $0xffff;
	_ =	sdelay $0x4  }
0x6c: {  	s18 =	simm.s32 $0x2200;
	s4 =	simm.s32 $0x1E00;
	[tilespmem:s1+$0x30] =	vst v11  }
.LBB2_4:
0x6d: {  	_ =	swait.ge [sflag:s21], $0x400  }
0x6e: {  	[sflag:s21] =	ssyncset.done $0x0  }
0x6f: {  	s3 =	smov.u32 s4;
	s9 =	simm.s32 $0x0;
	[sflag:s21] =	ssyncadd.s32 $0xFFFFFC00  }
.LBB2_5:
0x70: {  	v11 =	vmov s9;
	s1 =	simm.s32 $0x0  }
0x71: {  	v11 =	vand.u32 $0x7, v11;
	v12 =	vmov s1  }
0x72: {  	v11 =	vbroadcast v11, $0x0;
	v12 =	vshll.u32 v12, $0x3  }
0x73: {  	v12 =	vor.u32 v3, v12  }
0x74: {  	v12 =	vor.u32 v11, v12;
	_ =	sdelay $0x3  }
0x75: {  	s10 =	simm.s32 $0x10  }
0x76: {  	v14 =	vld.idx.msk [tilespmem:v12+s19+$0x0], $0xffff;
	v12 =	vmov s10  }
0x77: {  	v12 =	vshll.u32 v12, $0x3  }
0x78: {  	v12 =	vor.u32 v3, v12  }
0x79: {  	v12 =	vor.u32 v11, v12;
	_ =	sdelay $0x2  }
0x7a: {  	s11 =	simm.s32 $0x20  }
0x7b: {  	v13 =	vmov s11;
	s11 =	smov.u32 s3;
	s10 =	simm.s32 $0x30;
	[tilespmem:s3+$0x0] =	vst v14  }
.LBB2_6:
0x7c: {  	p0 =	sne.s32 s10, $0x70;
	v13 =	vshll.u32 v13, $0x3;
	v14 =	vld.idx.msk [tilespmem:v12+s19+$0x0], $0xffff  }
0x7d: {  	v12 =	vor.u32 v3, v13  }
.Ltmp1:
0x7e: {  	v12 =	vor.u32 v11, v12;
	(pc) =	sbr.rel @p0 .LBB2_6-.Ltmp1, $3  }
0x7f: {  	_ =	sdelay $0x1  }
0x80: {  	s11 =	sadd.s32 $0x10, s11  }
0x81: {  	v13 =	vmov s10;
	s10 =	sadd.s32 $0x10, s10;
	[tilespmem:s11+$0x0] =	vst v14  }
0x82: {  	_ =	sdelay $0x2  }
0x83: {  	v13 =	vshll.u32 v13, $0x3  }
0x84: {  	v12 =	vld.idx.msk [tilespmem:v12+s19+$0x0], $0xffff;
	v13 =	vor.u32 v3, v13  }
0x85: {  	v11 =	vor.u32 v11, v13;
	_ =	sdelay $0x2  }
0x86: {  	s1 =	sadd.s32 $0x10, s11  }
0x87: {  	s9 =	sadd.s32 $0x1, s9;
	[tilespmem:s1+$0x0] =	vst v12  }
0x88: {  	p0 =	sne.s32 s9, $0x8;
	v11 =	vld.idx.msk [tilespmem:v11+s19+$0x0], $0xffff  }
.Ltmp2:
0x89: {  	_ = 	snop;
	(pc) =	sbr.rel @p0 .LBB2_5-.Ltmp2, $3  }
0x8a: {  	_ =	sdelay $0x1  }
0x8b: {  	s1 =	sadd.s32 $0x10, s1  }
0x8c: {  	s3 =	sadd.s32 $0x80, s3;
	[tilespmem:s1+$0x0] =	vst v11  }
0x8d: {  	s3 =	sshll.u32 s2, $0x1;
	s1 =	rddreg [dreg:$0x7]  }
0x8e: {  	s1 =	sadd.s32 s3, s1  }
0x8f: {  	[tilespmem:s19], [sflag:$0x9] =	stream.strided.gather [hbm4b:s1+s17], $0x400, s12, s17, $0x38;
	[tilespmem:$0x1E200] =	vst v63  }
0x90: {  	_ =	swait.ge [sflag:s22], $0x400  }
0x91: {  	s9 =	simm.s32 $0x0;
	[sflag:s22] =	ssyncset.done $0x0  }
0x92: {  	s10 =	smov.u32 s18;
	s12 =	simm.s32 $0x0;
	[sflag:s22] =	ssyncadd.s32 $0xFFFFFC00  }
.LBB2_9:
0x93: {  	v11 =	vmov s12  }
0x94: {  	v12 =	vmov s9;
	v11 =	vand.u32 $0x7, v11  }
0x95: {  	v12 =	vshll.u32 v12, $0x3;
	v11 =	vbroadcast v11, $0x0  }
0x96: {  	v12 =	vor.u32 v3, v12  }
0x97: {  	v12 =	vor.u32 v11, v12;
	_ =	sdelay $0x3  }
0x98: {  	s1 =	simm.s32 $0x10  }
0x99: {  	v14 =	vld.idx.msk [tilespmem:v12+s20+$0x0], $0xffff;
	v12 =	vmov s1  }
0x9a: {  	v12 =	vshll.u32 v12, $0x3  }
0x9b: {  	v12 =	vor.u32 v3, v12  }
0x9c: {  	v12 =	vor.u32 v11, v12;
	_ =	sdelay $0x2  }
0x9d: {  	s11 =	simm.s32 $0x20  }
0x9e: {  	v13 =	vmov s11;
	s11 =	smov.u32 s10;
	s1 =	simm.s32 $0x30;
	[tilespmem:s10+$0x0] =	vst v14  }
.LBB2_10:
0x9f: {  	p0 =	sne.s32 s1, $0x70;
	v13 =	vshll.u32 v13, $0x3;
	v14 =	vld.idx.msk [tilespmem:v12+s20+$0x0], $0xffff  }
0xa0: {  	v12 =	vor.u32 v3, v13  }
.Ltmp3:
0xa1: {  	v12 =	vor.u32 v11, v12;
	(pc) =	sbr.rel @p0 .LBB2_10-.Ltmp3, $3  }
0xa2: {  	_ =	sdelay $0x1  }
0xa3: {  	s11 =	sadd.s32 $0x10, s11  }
0xa4: {  	v13 =	vmov s1;
	s1 =	sadd.s32 $0x10, s1;
	[tilespmem:s11+$0x0] =	vst v14  }
0xa5: {  	_ =	sdelay $0x2  }
0xa6: {  	v13 =	vshll.u32 v13, $0x3  }
0xa7: {  	v12 =	vld.idx.msk [tilespmem:v12+s20+$0x0], $0xffff;
	v13 =	vor.u32 v3, v13  }
0xa8: {  	v11 =	vor.u32 v11, v13;
	_ =	sdelay $0x2  }
0xa9: {  	s1 =	sadd.s32 $0x10, s11  }
0xaa: {  	s12 =	sadd.s32 $0x1, s12;
	[tilespmem:s1+$0x0] =	vst v12  }
0xab: {  	p0 =	sne.s32 s12, $0x8;
	v11 =	vld.idx.msk [tilespmem:v11+s20+$0x0], $0xffff  }
.Ltmp4:
0xac: {  	_ = 	snop;
	(pc) =	sbr.rel @p0 .LBB2_9-.Ltmp4, $3  }
0xad: {  	_ =	sdelay $0x1  }
0xae: {  	s1 =	sadd.s32 $0x10, s1  }
0xaf: {  	s10 =	sadd.s32 $0x80, s10;
	[tilespmem:s1+$0x0] =	vst v11  }
0xb0: {  	p0 =	seq.s32 s2, $0xB  }
.Ltmp5:
0xb1: {  	_ = 	snop;
	(pc) =	sbr.rel @p0 .LBB2_14-.Ltmp5, $1  }
0xb2: {  	_ =	sdelay $0x3  }
.Ltmp6:
0xb3: {  	(pc) =	sbr.rel .LBB2_4-.Ltmp6, $4  }
0xb4: {  	_ = 	snop  }
0xb5: {  	s1 =	rddreg [dreg:$0x9];
	s12 =	simm.s32 $0xC8;
	s2 =	sadd.s32 $0x1, s2  }
0xb6: {  	s4 =	sadd.s32 $0x800, s4;
	s18 =	sadd.s32 $0x800, s18;
	s1 =	sadd.s32 s3, s1  }
0xb7: {  	[tilespmem:s20], [sflag:$0xA] =	stream.strided.gather [hbm4b:s1+s17], $0x400, s12, s17, $0x38;
	[tilespmem:$0x1E200] =	vst v63  }
.LBB2_14:
0xb8: {  	_ =	swait.ge [sflag:s21], $0x400  }
0xb9: {  	[sflag:s21] =	ssyncset.done $0x0  }
0xba: {  	s18 =	rddreg [dreg:$0x8];
	[sflag:s21] =	ssyncadd.s32 $0xFFFFFC00  }
0xbb: {  	s2 =	simm.s32 $0x0;
	s11 =	rddreg [dreg:$0x1]  }
0xbc: {  	s3 =	simm.s32 $0x7E00;
	s4 =	simm.s32 $0x0;
	s12 =	rddreg [dreg:$0x2]  }
.LBB2_15:
0xbd: {  	v11 =	vmov s4  }
0xbe: {  	v12 =	vmov s2;
	v11 =	vand.u32 $0x7, v11  }
0xbf: {  	v12 =	vshll.u32 v12, $0x3;
	v11 =	vbroadcast v11, $0x0  }
0xc0: {  	v12 =	vor.u32 v3, v12  }
0xc1: {  	v12 =	vor.u32 v11, v12;
	_ =	sdelay $0x3  }
0xc2: {  	s1 =	simm.s32 $0x10  }
0xc3: {  	v14 =	vld.idx.msk [tilespmem:v12+s19+$0x0], $0xffff;
	v12 =	vmov s1  }
0xc4: {  	v12 =	vshll.u32 v12, $0x3  }
0xc5: {  	v12 =	vor.u32 v3, v12  }
0xc6: {  	v12 =	vor.u32 v11, v12;
	_ =	sdelay $0x2  }
0xc7: {  	s10 =	simm.s32 $0x20  }
0xc8: {  	s9 =	smov.u32 s3;
	v13 =	vmov s10;
	s1 =	simm.s32 $0x30;
	[tilespmem:s3+$0x0] =	vst v14  }
.LBB2_16:
0xc9: {  	p0 =	sne.s32 s1, $0x70;
	v13 =	vshll.u32 v13, $0x3;
	v14 =	vld.idx.msk [tilespmem:v12+s19+$0x0], $0xffff  }
0xca: {  	v12 =	vor.u32 v3, v13  }
.Ltmp7:
0xcb: {  	v12 =	vor.u32 v11, v12;
	(pc) =	sbr.rel @p0 .LBB2_16-.Ltmp7, $3  }
0xcc: {  	_ =	sdelay $0x1  }
0xcd: {  	s9 =	sadd.s32 $0x10, s9  }
0xce: {  	v13 =	vmov s1;
	s1 =	sadd.s32 $0x10, s1;
	[tilespmem:s9+$0x0] =	vst v14  }
0xcf: {  	_ =	sdelay $0x2  }
0xd0: {  	v13 =	vshll.u32 v13, $0x3  }
0xd1: {  	v12 =	vld.idx.msk [tilespmem:v12+s19+$0x0], $0xffff;
	v13 =	vor.u32 v3, v13  }
0xd2: {  	v11 =	vor.u32 v11, v13;
	_ =	sdelay $0x2  }
0xd3: {  	s1 =	sadd.s32 $0x10, s9  }
0xd4: {  	s4 =	sadd.s32 $0x1, s4;
	[tilespmem:s1+$0x0] =	vst v12  }
0xd5: {  	p0 =	sne.s32 s4, $0x8;
	v11 =	vld.idx.msk [tilespmem:v11+s19+$0x0], $0xffff  }
.Ltmp8:
0xd6: {  	_ = 	snop;
	(pc) =	sbr.rel @p0 .LBB2_15-.Ltmp8, $3  }
0xd7: {  	_ =	sdelay $0x1  }
0xd8: {  	s1 =	sadd.s32 $0x10, s1  }
0xd9: {  	s3 =	sadd.s32 $0x80, s3;
	[tilespmem:s1+$0x0] =	vst v11  }
0xda: {  	s1 =	simm.s32 $0x1400  }
0xdb: {  	[tilespmem:s25], [sflag:$0x1] =	stream.indirect.gather [hbm4b:s5+s23], $0x20, s1, s23, $0xb8;
	[tilespmem:$0x1E200] =	vst v63  }
0xdc: {  	s10 =	simm.s32 $0x1480;
	s2 =	simm.s32 $0x0  }
0xdd: {  	[tilespmem:s28], [sflag:$0x2] =	stream.indirect.gather [hbm4b:s5+s23], $0x20, s10, s23, $0xb8;
	[tilespmem:$0x1E200] =	vst v63  }
.LBB2_19:
0xde: {  	_ =	swait.ge [sflag:s29], $0x1000  }
0xdf: {  	p0 =	seq.s32 s2, $0x0;
	[sflag:s29] =	ssyncset.done $0x0  }
0xe0: {  	s1 =	simm.s32 @!p0 $0x5;
	[sflag:s29] =	ssyncadd.s32 $0xFFFFF000  }
0xe1: {  	_ =	swait.ge @!p0 [sflag:s1], $0x1000  }
0xe2: {  	[sflag:s1] =	ssyncset.done @!p0 $0x0  }
0xe3: {  	s4 =	sshll.u32 s2, $0x1;
	s3 =	simm.s32 $0x0;
	[sflag:s1] =	ssyncadd.s32 @!p0 $0xFFFFF000  }
.LBB2_20:
0xe4: {  	s1 =	simm.s32 $0x0  }
0xe5: {  	v12 =	vadd.s32 s3, v0;
	v15 =	vor.u32 s1, v0  }
0xe6: {  	v11 =	vand.u32 $0x1F, v12;
	v13 =	vshll.u32 v15, $0x5  }
0xe7: {  	v14 =	vor.u32 v11, v13;
	_ =	sdelay $0x2  }
0xe8: {  	v12 =	vshll.u32 v12, $0x7  }
0xe9: {  	s10 =	simm.s32 $0x10;
	v12 =	vand.u32 $0xF80, v12  }
0xea: {  	s1 =	simm.s32 $0x20;
	v15 =	vand.u32 $0x78, v15;
	v12 =	vor.u32 v1, v12;
	v13 =	vor.u32 s10, v0;
	v14 =	vld.idx.msk [tilespmem:v14+s25+$0x0], $0xffff  }
.LBB2_21:
0xeb: {  	p1 =	sne.s32 s1, $0x70;
	v16 =	vshll.u32 v13, $0x5;
	v15 =	vor.u32 v15, v12  }
0xec: {  	v16 =	vor.u32 v11, v16  }
.Ltmp9:
0xed: {  	(pc) =	sbr.rel @p1 .LBB2_21-.Ltmp9, $3  }
0xee: {  	_ =	sdelay $0x1  }
0xef: {  	[tilespmem:v15+s30+$0x0] =	vst.idx.msk $0xffff, v14  }
0xf0: {  	v15 =	vand.u32 $0x78, v13;
	v13 =	vor.u32 s1, v0;
	s1 =	sadd.s32 $0x10, s1;
	v14 =	vld.idx.msk [tilespmem:v16+s25+$0x0], $0xffff  }
0xf1: {  	v16 =	vshll.u32 v13, $0x5;
	v15 =	vor.u32 v15, v12  }
0xf2: {  	v11 =	vor.u32 v11, v16;
	_ =	sdelay $0x3  }
0xf3: {  	v62 =	vand.u32 $0x78, v13;
	s3 =	sadd.s32 $0x1, s3;
	[tilespmem:v15+s30+$0x0] =	vst.idx.msk $0xffff, v14  }
0xf4: {  	v63 =	vor.u32 v62, v12;
	p1 =	sne.s32 s3, $0x20;
	v11 =	vld.idx.msk [tilespmem:v11+s25+$0x0], $0xffff  }
.Ltmp10:
0xf5: {  	_ = 	snop;
	(pc) =	sbr.rel @p1 .LBB2_20-.Ltmp10, $2  }
0xf6: {  	_ =	sdelay $0x2  }
0xf7: {  	[tilespmem:v63+s30+$0x0] =	vst.idx.msk $0xffff, v11  }
0xf8: {  	s1 =	smin.u32 s4, $0x11  }
0xf9: {  	s10 =	sshll.u32 s2, $0xF;
	s1 =	sshll.u32 s1, $0x7  }
0xfa: {  	s3 =	sor.u32 s18, s10;
	s1 =	sadd.s32 $0x1500, s1  }
0xfb: {  	[tilespmem:s25], [sflag:$0x1] =	stream.indirect.gather [hbm4b:s5+s23], $0x20, s1, s23, $0xb8;
	[tilespmem:$0x1E200] =	vst v63  }
0xfc: {  	s9 =	simm.s32 $0x8000;
	s1 =	sadd.s32 s11, s3  }
0xfd: {  	[hbm4b:s1+s31] =	stream.strided.scatter [tilespmem:s30], [sflag:$0x5], $0x1000, s9, s31, $0x38;
	[tilespmem:$0x1E200] =	vst v63  }
0xfe: {  	_ =	swait.ge [sflag:s0], $0x1000  }
0xff: {  	[sflag:s0] =	ssyncset.done $0x0  }
0x100: {  	s1 =	simm.s32 @!p0 $0x6;
	[sflag:s0] =	ssyncadd.s32 $0xFFFFF000  }
0x101: {  	_ =	swait.ge @!p0 [sflag:s1], $0x1000  }
0x102: {  	[sflag:s1] =	ssyncset.done @!p0 $0x0  }
0x103: {  	s10 =	simm.s32 $0x0;
	s9 =	simm.s32 $0x0;
	[sflag:s1] =	ssyncadd.s32 @!p0 $0xFFFFF000  }
.LBB2_24:
0x104: {  	v12 =	vadd.s32 s10, v0;
	v15 =	vor.u32 s9, v0  }
0x105: {  	v11 =	vand.u32 $0x1F, v12;
	v13 =	vshll.u32 v15, $0x5  }
0x106: {  	v14 =	vor.u32 v11, v13;
	_ =	sdelay $0x2  }
0x107: {  	v12 =	vshll.u32 v12, $0x7  }
0x108: {  	s1 =	simm.s32 $0x10;
	v12 =	vand.u32 $0xF80, v12  }
0x109: {  	v15 =	vand.u32 $0x78, v15;
	v13 =	vor.u32 s1, v0;
	s1 =	simm.s32 $0x20;
	v12 =	vor.u32 v1, v12;
	v14 =	vld.idx.msk [tilespmem:v14+s28+$0x0], $0xffff  }
.LBB2_25:
0x10a: {  	p0 =	sne.s32 s1, $0x70;
	v16 =	vshll.u32 v13, $0x5;
	v15 =	vor.u32 v15, v12  }
0x10b: {  	v16 =	vor.u32 v11, v16  }
.Ltmp11:
0x10c: {  	(pc) =	sbr.rel @p0 .LBB2_25-.Ltmp11, $3  }
0x10d: {  	_ =	sdelay $0x1  }
0x10e: {  	[tilespmem:v15+s24+$0x0] =	vst.idx.msk $0xffff, v14  }
0x10f: {  	v15 =	vand.u32 $0x78, v13;
	v13 =	vor.u32 s1, v0;
	s1 =	sadd.s32 $0x10, s1;
	v14 =	vld.idx.msk [tilespmem:v16+s28+$0x0], $0xffff  }
0x110: {  	v16 =	vshll.u32 v13, $0x5;
	v15 =	vor.u32 v15, v12  }
0x111: {  	v11 =	vor.u32 v11, v16;
	_ =	sdelay $0x3  }
0x112: {  	v62 =	vand.u32 $0x78, v13;
	s10 =	sadd.s32 $0x1, s10;
	[tilespmem:v15+s24+$0x0] =	vst.idx.msk $0xffff, v14  }
0x113: {  	v63 =	vor.u32 v62, v12;
	p0 =	sne.s32 s10, $0x20;
	v11 =	vld.idx.msk [tilespmem:v11+s28+$0x0], $0xffff  }
.Ltmp12:
0x114: {  	_ = 	snop;
	(pc) =	sbr.rel @p0 .LBB2_24-.Ltmp12, $2  }
0x115: {  	_ =	sdelay $0x2  }
0x116: {  	[tilespmem:v63+s24+$0x0] =	vst.idx.msk $0xffff, v11  }
0x117: {  	s2 =	sadd.s32 $0x1, s2  }
0x118: {  	s1 =	smin.u32 s4, $0x10;
	p0 =	sne.s32 s2, $0xA  }
.Ltmp13:
0x119: {  	s1 =	sshll.u32 s1, $0x7;
	(pc) =	sbr.rel @p0 .LBB2_19-.Ltmp13, $4  }
0x11a: {  	s9 =	rddreg [dreg:$0xa];
	s1 =	sadd.s32 $0x1580, s1  }
0x11b: {  	[tilespmem:s28], [sflag:$0x2] =	stream.indirect.gather [hbm4b:s5+s23], $0x20, s1, s23, $0xb8;
	[tilespmem:$0x1E200] =	vst v63  }
0x11c: {  	s10 =	simm.s32 $0x8000;
	s1 =	sadd.s32 s3, s9  }
0x11d: {  	[hbm4b:s1+s31] =	stream.strided.scatter [tilespmem:s24], [sflag:$0x6], $0x1000, s10, s31, $0x38;
	[tilespmem:$0x1E200] =	vst v63  }
0x11e: {  	_ =	swait.ge [sflag:s29], $0x1000  }
0x11f: {  	[sflag:s29] =	ssyncset.done $0x0  }
0x120: {  	s1 =	simm.s32 $0x5;
	[sflag:s29] =	ssyncadd.s32 $0xFFFFF000  }
0x121: {  	_ =	swait.ge [sflag:s1], $0x1000  }
0x122: {  	[sflag:s1] =	ssyncset.done $0x0  }
0x123: {  	[sflag:s1] =	ssyncadd.s32 $0xFFFFF000  }
0x124: {  	_ =	swait.ge [sflag:s0], $0x1000  }
0x125: {  	[sflag:s0] =	ssyncset.done $0x0  }
0x126: {  	s4 =	simm.s32 $0x6;
	[sflag:s0] =	ssyncadd.s32 $0xFFFFF000  }
0x127: {  	_ =	swait.ge [sflag:s4], $0x1000  }
0x128: {  	[sflag:s4] =	ssyncset.done $0x0  }
0x129: {  	s9 =	simm.s32 $0x1E00;
	[sflag:s4] =	ssyncadd.s32 $0xFFFFF000  }
0x12a: {  	[tilespmem:s25], [sflag:$0x1] =	stream.indirect.gather [hbm4b:s5+s23], $0x20, s9, s23, $0xb8;
	[tilespmem:$0x1E200] =	vst v63  }
0x12b: {  	s10 =	simm.s32 $0x1E80  }
0x12c: {  	[tilespmem:s28], [sflag:$0x2] =	stream.indirect.gather [hbm4b:s5+s23], $0x20, s10, s23, $0xb8;
	[tilespmem:$0x1E200] =	vst v63  }
0x12d: {  	s11 =	simm.s32 $0x1F00  }
0x12e: {  	[tilespmem:s7], [sflag:$0x3] =	stream.indirect.gather [hbm4b:s5+s23], $0x20, s11, s23, $0xb8;
	[tilespmem:$0x1E200] =	vst v63  }
0x12f: {  	s18 =	simm.s32 $0x1F80;
	s4 =	simm.s32 $0x0;
	s10 =	simm.s32 $0x8180  }
0x130: {  	[tilespmem:s8], [sflag:$0x4] =	stream.indirect.gather [hbm4b:s5+s23], $0x20, s18, s23, $0xb8;
	[tilespmem:$0x1E200] =	vst v63  }
.LBB2_29:
0x131: {  	p0 =	seq.s32 s4, $0x0  }
0x132: {  	s1 =	simm.s32 @!p0 $0x7  }
0x133: {  	_ =	swait.ge @!p0 [sflag:s1], $0x8000  }
0x134: {  	[sflag:s1] =	ssyncset.done @!p0 $0x0  }
0x135: {  	[sflag:s1] =	ssyncadd.s32 @!p0 $0xFFFF8000  }
0x136: {  	_ =	swait.ge [sflag:s29], $0x1000  }
0x137: {  	[sflag:s29] =	ssyncset.done $0x0  }
0x138: {  	s2 =	simm.s32 $0x0;
	[sflag:s29] =	ssyncadd.s32 $0xFFFFF000  }
.LBB2_30:
0x139: {  	s1 =	simm.s32 $0x0  }
0x13a: {  	v12 =	vadd.s32 s2, v0;
	v15 =	vor.u32 s1, v0  }
0x13b: {  	v11 =	vand.u32 $0x1F, v12;
	v13 =	vshll.u32 v15, $0x5  }
0x13c: {  	v14 =	vor.u32 v11, v13;
	_ =	sdelay $0x2  }
0x13d: {  	v12 =	vshll.u32 v12, $0xA  }
0x13e: {  	s18 =	simm.s32 $0x10;
	v12 =	vand.u32 $0x7C00, v12  }
0x13f: {  	s1 =	simm.s32 $0x20;
	v15 =	vand.u32 $0x78, v15;
	v12 =	vor.u32 v1, v12;
	v13 =	vor.u32 s18, v0;
	v14 =	vld.idx.msk [tilespmem:v14+s25+$0x0], $0xffff  }
.LBB2_31:
0x140: {  	p1 =	sne.s32 s1, $0x70;
	v16 =	vshll.u32 v13, $0x5;
	v15 =	vor.u32 v15, v12  }
0x141: {  	v16 =	vor.u32 v11, v16  }
.Ltmp14:
0x142: {  	(pc) =	sbr.rel @p1 .LBB2_31-.Ltmp14, $3  }
0x143: {  	_ =	sdelay $0x1  }
0x144: {  	[tilespmem:v15+s14+$0x0] =	vst.idx.msk $0xffff, v14  }
0x145: {  	v15 =	vand.u32 $0x78, v13;
	v13 =	vor.u32 s1, v0;
	s1 =	sadd.s32 $0x10, s1;
	v14 =	vld.idx.msk [tilespmem:v16+s25+$0x0], $0xffff  }
0x146: {  	v16 =	vshll.u32 v13, $0x5;
	v15 =	vor.u32 v15, v12  }
0x147: {  	v11 =	vor.u32 v11, v16;
	_ =	sdelay $0x3  }
0x148: {  	v62 =	vand.u32 $0x78, v13;
	s2 =	sadd.s32 $0x1, s2;
	[tilespmem:v15+s14+$0x0] =	vst.idx.msk $0xffff, v14  }
0x149: {  	v63 =	vor.u32 v62, v12;
	p1 =	sne.s32 s2, $0x20;
	v11 =	vld.idx.msk [tilespmem:v11+s25+$0x0], $0xffff  }
.Ltmp15:
0x14a: {  	_ = 	snop;
	(pc) =	sbr.rel @p1 .LBB2_30-.Ltmp15, $2  }
0x14b: {  	_ =	sdelay $0x2  }
0x14c: {  	[tilespmem:v63+s14+$0x0] =	vst.idx.msk $0xffff, v11  }
0x14d: {  	s1 =	sshll.u32 s4, $0xD  }
0x14e: {  	s2 =	sshra.s32 s1, $0x2  }
0x14f: {  	s1 =	sadd.s32 $0x2000, s2  }
0x150: {  	[tilespmem:s25], [sflag:$0x1] =	stream.indirect.gather [hbm4b:s5+s23], $0x20, s1, s23, $0xb8;
	[tilespmem:$0x1E200] =	vst v63  }
0x151: {  	_ =	swait.ge [sflag:s0], $0x1000  }
0x152: {  	[sflag:s0] =	ssyncset.done $0x0  }
0x153: {  	s3 =	simm.s32 $0x0;
	s9 =	simm.s32 $0x0;
	[sflag:s0] =	ssyncadd.s32 $0xFFFFF000  }
.LBB2_34:
0x154: {  	v12 =	vadd.s32 s9, v0;
	v15 =	vor.u32 s3, v0  }
0x155: {  	v11 =	vand.u32 $0x1F, v12;
	v13 =	vshll.u32 v15, $0x5  }
0x156: {  	v14 =	vor.u32 v11, v13;
	_ =	sdelay $0x2  }
0x157: {  	v12 =	vshll.u32 v12, $0xA  }
0x158: {  	s1 =	simm.s32 $0x10;
	v12 =	vand.u32 $0x7C00, v12  }
0x159: {  	v15 =	vand.u32 $0x78, v15;
	v13 =	vor.u32 s1, v0;
	s1 =	simm.s32 $0x20;
	v12 =	vor.u32 v4, v12;
	v14 =	vld.idx.msk [tilespmem:v14+s28+$0x0], $0xffff  }
.LBB2_35:
0x15a: {  	p1 =	sne.s32 s1, $0x70;
	v16 =	vshll.u32 v13, $0x5;
	v15 =	vor.u32 v15, v12  }
0x15b: {  	v16 =	vor.u32 v11, v16  }
.Ltmp16:
0x15c: {  	(pc) =	sbr.rel @p1 .LBB2_35-.Ltmp16, $3  }
0x15d: {  	_ =	sdelay $0x1  }
0x15e: {  	[tilespmem:v15+s14+$0x0] =	vst.idx.msk $0xffff, v14  }
0x15f: {  	v15 =	vand.u32 $0x78, v13;
	v13 =	vor.u32 s1, v0;
	s1 =	sadd.s32 $0x10, s1;
	v14 =	vld.idx.msk [tilespmem:v16+s28+$0x0], $0xffff  }
0x160: {  	v16 =	vshll.u32 v13, $0x5;
	v15 =	vor.u32 v15, v12  }
0x161: {  	v11 =	vor.u32 v11, v16;
	_ =	sdelay $0x3  }
0x162: {  	v62 =	vand.u32 $0x78, v13;
	s9 =	sadd.s32 $0x1, s9;
	[tilespmem:v15+s14+$0x0] =	vst.idx.msk $0xffff, v14  }
0x163: {  	v63 =	vor.u32 v62, v12;
	p1 =	sne.s32 s9, $0x20;
	v11 =	vld.idx.msk [tilespmem:v11+s28+$0x0], $0xffff  }
.Ltmp17:
0x164: {  	_ = 	snop;
	(pc) =	sbr.rel @p1 .LBB2_34-.Ltmp17, $2  }
0x165: {  	_ =	sdelay $0x2  }
0x166: {  	[tilespmem:v63+s14+$0x0] =	vst.idx.msk $0xffff, v11  }
0x167: {  	s1 =	sadd.s32 $0x2080, s2  }
0x168: {  	[tilespmem:s28], [sflag:$0x2] =	stream.indirect.gather [hbm4b:s5+s23], $0x20, s1, s23, $0xb8;
	[tilespmem:$0x1E200] =	vst v63  }
0x169: {  	_ =	swait.ge [sflag:s15], $0x1000  }
0x16a: {  	[sflag:s15] =	ssyncset.done $0x0  }
0x16b: {  	s3 =	simm.s32 $0x0;
	s9 =	simm.s32 $0x0;
	[sflag:s15] =	ssyncadd.s32 $0xFFFFF000  }
.LBB2_38:
0x16c: {  	v12 =	vadd.s32 s9, v0;
	v15 =	vor.u32 s3, v0  }
0x16d: {  	v11 =	vand.u32 $0x1F, v12;
	v13 =	vshll.u32 v15, $0x5  }
0x16e: {  	v14 =	vor.u32 v11, v13;
	_ =	sdelay $0x2  }
0x16f: {  	v12 =	vshll.u32 v12, $0xA  }
0x170: {  	s1 =	simm.s32 $0x10;
	v12 =	vand.u32 $0x7C00, v12  }
0x171: {  	v15 =	vand.u32 $0x78, v15;
	v13 =	vor.u32 s1, v0;
	s1 =	simm.s32 $0x20;
	v12 =	vor.u32 v5, v12;
	v14 =	vld.idx.msk [tilespmem:v14+s7+$0x0], $0xffff  }
.LBB2_39:
0x172: {  	p1 =	sne.s32 s1, $0x70;
	v16 =	vshll.u32 v13, $0x5;
	v15 =	vor.u32 v15, v12  }
0x173: {  	v16 =	vor.u32 v11, v16  }
.Ltmp18:
0x174: {  	(pc) =	sbr.rel @p1 .LBB2_39-.Ltmp18, $3  }
0x175: {  	_ =	sdelay $0x1  }
0x176: {  	[tilespmem:v15+s14+$0x0] =	vst.idx.msk $0xffff, v14  }
0x177: {  	v15 =	vand.u32 $0x78, v13;
	v13 =	vor.u32 s1, v0;
	s1 =	sadd.s32 $0x10, s1;
	v14 =	vld.idx.msk [tilespmem:v16+s7+$0x0], $0xffff  }
0x178: {  	v16 =	vshll.u32 v13, $0x5;
	v15 =	vor.u32 v15, v12  }
0x179: {  	v11 =	vor.u32 v11, v16;
	_ =	sdelay $0x3  }
0x17a: {  	v62 =	vand.u32 $0x78, v13;
	s9 =	sadd.s32 $0x1, s9;
	[tilespmem:v15+s14+$0x0] =	vst.idx.msk $0xffff, v14  }
0x17b: {  	v63 =	vor.u32 v62, v12;
	p1 =	sne.s32 s9, $0x20;
	v11 =	vld.idx.msk [tilespmem:v11+s7+$0x0], $0xffff  }
.Ltmp19:
0x17c: {  	_ = 	snop;
	(pc) =	sbr.rel @p1 .LBB2_38-.Ltmp19, $2  }
0x17d: {  	_ =	sdelay $0x2  }
0x17e: {  	[tilespmem:v63+s14+$0x0] =	vst.idx.msk $0xffff, v11  }
0x17f: {  	s1 =	sadd.s32 $0x2100, s2  }
0x180: {  	[tilespmem:s7], [sflag:$0x3] =	stream.indirect.gather [hbm4b:s5+s23], $0x20, s1, s23, $0xb8;
	[tilespmem:$0x1E200] =	vst v63  }
0x181: {  	_ =	swait.ge [sflag:s16], $0x1000  }
0x182: {  	[sflag:s16] =	ssyncset.done $0x0  }
0x183: {  	s3 =	simm.s32 $0x0;
	s9 =	simm.s32 $0x0;
	[sflag:s16] =	ssyncadd.s32 $0xFFFFF000  }
.LBB2_42:
0x184: {  	v12 =	vadd.s32 s9, v0;
	v15 =	vor.u32 s3, v0  }
0x185: {  	v11 =	vand.u32 $0x1F, v12;
	v13 =	vshll.u32 v15, $0x5  }
0x186: {  	v14 =	vor.u32 v11, v13;
	_ =	sdelay $0x2  }
0x187: {  	v12 =	vshll.u32 v12, $0xA  }
0x188: {  	s1 =	simm.s32 $0x10;
	v12 =	vand.u32 $0x7C00, v12  }
0x189: {  	v15 =	vand.u32 $0x78, v15;
	v13 =	vor.u32 s1, v0;
	s1 =	simm.s32 $0x20;
	v12 =	vor.u32 v6, v12;
	v14 =	vld.idx.msk [tilespmem:v14+s8+$0x0], $0xffff  }
.LBB2_43:
0x18a: {  	p1 =	sne.s32 s1, $0x70;
	v16 =	vshll.u32 v13, $0x5;
	v15 =	vor.u32 v15, v12  }
0x18b: {  	v16 =	vor.u32 v11, v16  }
.Ltmp20:
0x18c: {  	(pc) =	sbr.rel @p1 .LBB2_43-.Ltmp20, $3  }
0x18d: {  	_ =	sdelay $0x1  }
0x18e: {  	[tilespmem:v15+s14+$0x0] =	vst.idx.msk $0xffff, v14  }
0x18f: {  	v15 =	vand.u32 $0x78, v13;
	v13 =	vor.u32 s1, v0;
	s1 =	sadd.s32 $0x10, s1;
	v14 =	vld.idx.msk [tilespmem:v16+s8+$0x0], $0xffff  }
0x190: {  	v16 =	vshll.u32 v13, $0x5;
	v15 =	vor.u32 v15, v12  }
0x191: {  	v11 =	vor.u32 v11, v16;
	_ =	sdelay $0x3  }
0x192: {  	v62 =	vand.u32 $0x78, v13;
	s9 =	sadd.s32 $0x1, s9;
	[tilespmem:v15+s14+$0x0] =	vst.idx.msk $0xffff, v14  }
0x193: {  	v63 =	vor.u32 v62, v12;
	p1 =	sne.s32 s9, $0x20;
	v11 =	vld.idx.msk [tilespmem:v11+s8+$0x0], $0xffff  }
.Ltmp21:
0x194: {  	_ = 	snop;
	(pc) =	sbr.rel @p1 .LBB2_42-.Ltmp21, $2  }
0x195: {  	_ =	sdelay $0x2  }
0x196: {  	[tilespmem:v63+s14+$0x0] =	vst.idx.msk $0xffff, v11  }
0x197: {  	s1 =	sadd.s32 $0x2180, s2  }
0x198: {  	[tilespmem:s8], [sflag:$0x4] =	stream.indirect.gather [hbm4b:s5+s23], $0x20, s1, s23, $0xb8;
	[tilespmem:$0x1E200] =	vst v63  }
0x199: {  	_ =	swait.ge [sflag:s29], $0x1000  }
0x19a: {  	[sflag:s29] =	ssyncset.done $0x0  }
0x19b: {  	s3 =	simm.s32 $0x0;
	s9 =	simm.s32 $0x0;
	[sflag:s29] =	ssyncadd.s32 $0xFFFFF000  }
.LBB2_46:
0x19c: {  	v12 =	vadd.s32 s9, v0;
	v15 =	vor.u32 s3, v0  }
0x19d: {  	v11 =	vand.u32 $0x1F, v12;
	v13 =	vshll.u32 v15, $0x5  }
0x19e: {  	v14 =	vor.u32 v11, v13;
	_ =	sdelay $0x2  }
0x19f: {  	v12 =	vshll.u32 v12, $0xA  }
0x1a0: {  	s1 =	simm.s32 $0x10;
	v12 =	vand.u32 $0x7C00, v12  }
0x1a1: {  	v15 =	vand.u32 $0x78, v15;
	v13 =	vor.u32 s1, v0;
	s1 =	simm.s32 $0x20;
	v12 =	vor.u32 v7, v12;
	v14 =	vld.idx.msk [tilespmem:v14+s25+$0x0], $0xffff  }
.LBB2_47:
0x1a2: {  	p1 =	sne.s32 s1, $0x70;
	v16 =	vshll.u32 v13, $0x5;
	v15 =	vor.u32 v15, v12  }
0x1a3: {  	v16 =	vor.u32 v11, v16  }
.Ltmp22:
0x1a4: {  	(pc) =	sbr.rel @p1 .LBB2_47-.Ltmp22, $3  }
0x1a5: {  	_ =	sdelay $0x1  }
0x1a6: {  	[tilespmem:v15+s14+$0x0] =	vst.idx.msk $0xffff, v14  }
0x1a7: {  	v15 =	vand.u32 $0x78, v13;
	v13 =	vor.u32 s1, v0;
	s1 =	sadd.s32 $0x10, s1;
	v14 =	vld.idx.msk [tilespmem:v16+s25+$0x0], $0xffff  }
0x1a8: {  	v16 =	vshll.u32 v13, $0x5;
	v15 =	vor.u32 v15, v12  }
0x1a9: {  	v11 =	vor.u32 v11, v16;
	_ =	sdelay $0x3  }
0x1aa: {  	v62 =	vand.u32 $0x78, v13;
	s9 =	sadd.s32 $0x1, s9;
	[tilespmem:v15+s14+$0x0] =	vst.idx.msk $0xffff, v14  }
0x1ab: {  	v63 =	vor.u32 v62, v12;
	p1 =	sne.s32 s9, $0x20;
	v11 =	vld.idx.msk [tilespmem:v11+s25+$0x0], $0xffff  }
.Ltmp23:
0x1ac: {  	_ = 	snop;
	(pc) =	sbr.rel @p1 .LBB2_46-.Ltmp23, $2  }
0x1ad: {  	_ =	sdelay $0x2  }
0x1ae: {  	[tilespmem:v63+s14+$0x0] =	vst.idx.msk $0xffff, v11  }
0x1af: {  	s1 =	sadd.s32 $0x2200, s2  }
0x1b0: {  	[tilespmem:s25], [sflag:$0x1] =	stream.indirect.gather [hbm4b:s5+s23], $0x20, s1, s23, $0xb8;
	[tilespmem:$0x1E200] =	vst v63  }
0x1b1: {  	_ =	swait.ge [sflag:s0], $0x1000  }
0x1b2: {  	[sflag:s0] =	ssyncset.done $0x0  }
0x1b3: {  	s3 =	simm.s32 $0x0;
	s9 =	simm.s32 $0x0;
	[sflag:s0] =	ssyncadd.s32 $0xFFFFF000  }
.LBB2_50:
0x1b4: {  	v12 =	vadd.s32 s9, v0;
	v15 =	vor.u32 s3, v0  }
0x1b5: {  	v11 =	vand.u32 $0x1F, v12;
	v13 =	vshll.u32 v15, $0x5  }
0x1b6: {  	v14 =	vor.u32 v11, v13;
	_ =	sdelay $0x2  }
0x1b7: {  	v12 =	vshll.u32 v12, $0xA  }
0x1b8: {  	s1 =	simm.s32 $0x10;
	v12 =	vand.u32 $0x7C00, v12  }
0x1b9: {  	v15 =	vand.u32 $0x78, v15;
	v13 =	vor.u32 s1, v0;
	s1 =	simm.s32 $0x20;
	v12 =	vor.u32 v8, v12;
	v14 =	vld.idx.msk [tilespmem:v14+s28+$0x0], $0xffff  }
.LBB2_51:
0x1ba: {  	p1 =	sne.s32 s1, $0x70;
	v16 =	vshll.u32 v13, $0x5;
	v15 =	vor.u32 v15, v12  }
0x1bb: {  	v16 =	vor.u32 v11, v16  }
.Ltmp24:
0x1bc: {  	(pc) =	sbr.rel @p1 .LBB2_51-.Ltmp24, $3  }
0x1bd: {  	_ =	sdelay $0x1  }
0x1be: {  	[tilespmem:v15+s14+$0x0] =	vst.idx.msk $0xffff, v14  }
0x1bf: {  	v15 =	vand.u32 $0x78, v13;
	v13 =	vor.u32 s1, v0;
	s1 =	sadd.s32 $0x10, s1;
	v14 =	vld.idx.msk [tilespmem:v16+s28+$0x0], $0xffff  }
0x1c0: {  	v16 =	vshll.u32 v13, $0x5;
	v15 =	vor.u32 v15, v12  }
0x1c1: {  	v11 =	vor.u32 v11, v16;
	_ =	sdelay $0x3  }
0x1c2: {  	v62 =	vand.u32 $0x78, v13;
	s9 =	sadd.s32 $0x1, s9;
	[tilespmem:v15+s14+$0x0] =	vst.idx.msk $0xffff, v14  }
0x1c3: {  	v63 =	vor.u32 v62, v12;
	p1 =	sne.s32 s9, $0x20;
	v11 =	vld.idx.msk [tilespmem:v11+s28+$0x0], $0xffff  }
.Ltmp25:
0x1c4: {  	_ = 	snop;
	(pc) =	sbr.rel @p1 .LBB2_50-.Ltmp25, $2  }
0x1c5: {  	_ =	sdelay $0x2  }
0x1c6: {  	[tilespmem:v63+s14+$0x0] =	vst.idx.msk $0xffff, v11  }
0x1c7: {  	s1 =	sadd.s32 $0x2280, s2  }
0x1c8: {  	[tilespmem:s28], [sflag:$0x2] =	stream.indirect.gather [hbm4b:s5+s23], $0x20, s1, s23, $0xb8;
	[tilespmem:$0x1E200] =	vst v63  }
0x1c9: {  	_ =	swait.ge [sflag:s15], $0x1000  }
0x1ca: {  	[sflag:s15] =	ssyncset.done $0x0  }
0x1cb: {  	s3 =	simm.s32 $0x0;
	s9 =	simm.s32 $0x0;
	[sflag:s15] =	ssyncadd.s32 $0xFFFFF000  }
.LBB2_54:
0x1cc: {  	v12 =	vadd.s32 s9, v0;
	v15 =	vor.u32 s3, v0  }
0x1cd: {  	v11 =	vand.u32 $0x1F, v12;
	v13 =	vshll.u32 v15, $0x5  }
0x1ce: {  	v14 =	vor.u32 v11, v13;
	_ =	sdelay $0x2  }
0x1cf: {  	v12 =	vshll.u32 v12, $0xA  }
0x1d0: {  	s1 =	simm.s32 $0x10;
	v12 =	vand.u32 $0x7C00, v12  }
0x1d1: {  	v15 =	vand.u32 $0x78, v15;
	v13 =	vor.u32 s1, v0;
	s1 =	simm.s32 $0x20;
	v12 =	vor.u32 v9, v12;
	v14 =	vld.idx.msk [tilespmem:v14+s7+$0x0], $0xffff  }
.LBB2_55:
0x1d2: {  	p1 =	sne.s32 s1, $0x70;
	v16 =	vshll.u32 v13, $0x5;
	v15 =	vor.u32 v15, v12  }
0x1d3: {  	v16 =	vor.u32 v11, v16  }
.Ltmp26:
0x1d4: {  	(pc) =	sbr.rel @p1 .LBB2_55-.Ltmp26, $3  }
0x1d5: {  	_ =	sdelay $0x1  }
0x1d6: {  	[tilespmem:v15+s14+$0x0] =	vst.idx.msk $0xffff, v14  }
0x1d7: {  	v15 =	vand.u32 $0x78, v13;
	v13 =	vor.u32 s1, v0;
	s1 =	sadd.s32 $0x10, s1;
	v14 =	vld.idx.msk [tilespmem:v16+s7+$0x0], $0xffff  }
0x1d8: {  	v16 =	vshll.u32 v13, $0x5;
	v15 =	vor.u32 v15, v12  }
0x1d9: {  	v11 =	vor.u32 v11, v16;
	_ =	sdelay $0x3  }
0x1da: {  	v62 =	vand.u32 $0x78, v13;
	s9 =	sadd.s32 $0x1, s9;
	[tilespmem:v15+s14+$0x0] =	vst.idx.msk $0xffff, v14  }
0x1db: {  	v63 =	vor.u32 v62, v12;
	p1 =	sne.s32 s9, $0x20;
	v11 =	vld.idx.msk [tilespmem:v11+s7+$0x0], $0xffff  }
.Ltmp27:
0x1dc: {  	_ = 	snop;
	(pc) =	sbr.rel @p1 .LBB2_54-.Ltmp27, $2  }
0x1dd: {  	_ =	sdelay $0x2  }
0x1de: {  	[tilespmem:v63+s14+$0x0] =	vst.idx.msk $0xffff, v11  }
0x1df: {  	s1 =	sadd.s32 $0x2300, s2  }
0x1e0: {  	[tilespmem:s7], [sflag:$0x3] =	stream.indirect.gather [hbm4b:s5+s23], $0x20, s1, s23, $0xb8;
	[tilespmem:$0x1E200] =	vst v63  }
0x1e1: {  	_ =	swait.ge [sflag:s16], $0x1000  }
0x1e2: {  	[sflag:s16] =	ssyncset.done $0x0  }
0x1e3: {  	s3 =	simm.s32 $0x0;
	s9 =	simm.s32 $0x0;
	[sflag:s16] =	ssyncadd.s32 $0xFFFFF000  }
.LBB2_58:
0x1e4: {  	v12 =	vadd.s32 s9, v0;
	v15 =	vor.u32 s3, v0  }
0x1e5: {  	v11 =	vand.u32 $0x1F, v12;
	v13 =	vshll.u32 v15, $0x5  }
0x1e6: {  	v14 =	vor.u32 v11, v13;
	_ =	sdelay $0x2  }
0x1e7: {  	v12 =	vshll.u32 v12, $0xA  }
0x1e8: {  	s1 =	simm.s32 $0x10;
	v12 =	vand.u32 $0x7C00, v12  }
0x1e9: {  	v15 =	vand.u32 $0x78, v15;
	v13 =	vor.u32 s1, v0;
	s1 =	simm.s32 $0x20;
	v12 =	vor.u32 v10, v12;
	v14 =	vld.idx.msk [tilespmem:v14+s8+$0x0], $0xffff  }
.LBB2_59:
0x1ea: {  	p1 =	sne.s32 s1, $0x70;
	v16 =	vshll.u32 v13, $0x5;
	v15 =	vor.u32 v15, v12  }
0x1eb: {  	v16 =	vor.u32 v11, v16  }
.Ltmp28:
0x1ec: {  	(pc) =	sbr.rel @p1 .LBB2_59-.Ltmp28, $3  }
0x1ed: {  	_ =	sdelay $0x1  }
0x1ee: {  	[tilespmem:v15+s14+$0x0] =	vst.idx.msk $0xffff, v14  }
0x1ef: {  	v15 =	vand.u32 $0x78, v13;
	v13 =	vor.u32 s1, v0;
	s1 =	sadd.s32 $0x10, s1;
	v14 =	vld.idx.msk [tilespmem:v16+s8+$0x0], $0xffff  }
0x1f0: {  	v16 =	vshll.u32 v13, $0x5;
	v15 =	vor.u32 v15, v12  }
0x1f1: {  	v11 =	vor.u32 v11, v16;
	_ =	sdelay $0x3  }
0x1f2: {  	v62 =	vand.u32 $0x78, v13;
	s9 =	sadd.s32 $0x1, s9;
	[tilespmem:v15+s14+$0x0] =	vst.idx.msk $0xffff, v14  }
0x1f3: {  	v63 =	vor.u32 v62, v12;
	p1 =	sne.s32 s9, $0x20;
	v11 =	vld.idx.msk [tilespmem:v11+s8+$0x0], $0xffff  }
.Ltmp29:
0x1f4: {  	_ = 	snop;
	(pc) =	sbr.rel @p1 .LBB2_58-.Ltmp29, $2  }
0x1f5: {  	_ =	sdelay $0x2  }
0x1f6: {  	[tilespmem:v63+s14+$0x0] =	vst.idx.msk $0xffff, v11  }
0x1f7: {  	s1 =	sadd.s32 $0x2380, s2;
	s18 =	sshll.u32 s4, $0x10  }
0x1f8: {  	[tilespmem:s8], [sflag:$0x4] =	stream.indirect.gather [hbm4b:s5+s23], $0x20, s1, s23, $0xb8;
	[tilespmem:$0x1E200] =	vst v63  }
0x1f9: {  	s1 =	sor.u32 s13, s18  }
0x1fa: {  	s1 =	sshrl.u32 s1, $0x3  }
0x1fb: {  	s1 =	sadd.s32 s12, s1  }
0x1fc: {  	[hbm4b:s1+s31] =	stream.strided.scatter [tilespmem:s14], [sflag:$0x7], $0x8000, s26, s31, $0x38;
	[tilespmem:$0x1E200] =	vst v63  }
0x1fd: {  	s1 =	simm.s32 @!p0 $0x8  }
0x1fe: {  	_ =	swait.ge @!p0 [sflag:s1], $0x8000  }
0x1ff: {  	[sflag:s1] =	ssyncset.done @!p0 $0x0  }
0x200: {  	[sflag:s1] =	ssyncadd.s32 @!p0 $0xFFFF8000  }
0x201: {  	_ =	swait.ge [sflag:s29], $0x1000  }
0x202: {  	s2 =	sshll.u32 s4, $0x1;
	[sflag:s29] =	ssyncset.done $0x0  }
0x203: {  	s3 =	simm.s32 $0x0;
	s9 =	simm.s32 $0x0;
	[sflag:s29] =	ssyncadd.s32 $0xFFFFF000  }
.LBB2_62:
0x204: {  	v12 =	vadd.s32 s9, v0;
	v15 =	vor.u32 s3, v0  }
0x205: {  	v11 =	vand.u32 $0x1F, v12;
	v13 =	vshll.u32 v15, $0x5  }
0x206: {  	v14 =	vor.u32 v11, v13;
	_ =	sdelay $0x2  }
0x207: {  	v12 =	vshll.u32 v12, $0xA  }
0x208: {  	s1 =	simm.s32 $0x10;
	v12 =	vand.u32 $0x7C00, v12  }
0x209: {  	v15 =	vand.u32 $0x78, v15;
	v13 =	vor.u32 s1, v0;
	s1 =	simm.s32 $0x20;
	v12 =	vor.u32 v1, v12;
	v14 =	vld.idx.msk [tilespmem:v14+s25+$0x0], $0xffff  }
.LBB2_63:
0x20a: {  	p0 =	sne.s32 s1, $0x70;
	v16 =	vshll.u32 v13, $0x5;
	v15 =	vor.u32 v15, v12  }
0x20b: {  	v16 =	vor.u32 v11, v16  }
.Ltmp30:
0x20c: {  	(pc) =	sbr.rel @p0 .LBB2_63-.Ltmp30, $3  }
0x20d: {  	_ =	sdelay $0x1  }
0x20e: {  	[tilespmem:v15+s6+$0x0] =	vst.idx.msk $0xffff, v14  }
0x20f: {  	v15 =	vand.u32 $0x78, v13;
	v13 =	vor.u32 s1, v0;
	s1 =	sadd.s32 $0x10, s1;
	v14 =	vld.idx.msk [tilespmem:v16+s25+$0x0], $0xffff  }
0x210: {  	v16 =	vshll.u32 v13, $0x5;
	v15 =	vor.u32 v15, v12  }
0x211: {  	v11 =	vor.u32 v11, v16;
	_ =	sdelay $0x3  }
0x212: {  	v62 =	vand.u32 $0x78, v13;
	s9 =	sadd.s32 $0x1, s9;
	[tilespmem:v15+s6+$0x0] =	vst.idx.msk $0xffff, v14  }
0x213: {  	v63 =	vor.u32 v62, v12;
	p0 =	sne.s32 s9, $0x20;
	v11 =	vld.idx.msk [tilespmem:v11+s25+$0x0], $0xffff  }
.Ltmp31:
0x214: {  	_ = 	snop;
	(pc) =	sbr.rel @p0 .LBB2_62-.Ltmp31, $2  }
0x215: {  	_ =	sdelay $0x2  }
0x216: {  	[tilespmem:v63+s6+$0x0] =	vst.idx.msk $0xffff, v11  }
0x217: {  	s2 =	sor.u32 $0x1, s2  }
0x218: {  	s1 =	sshll.u32 s2, $0xC  }
0x219: {  	s11 =	sshra.s32 s1, $0x2  }
0x21a: {  	s1 =	sadd.s32 $0x2000, s11  }
0x21b: {  	[tilespmem:s25], [sflag:$0x1] =	stream.indirect.gather [hbm4b:s5+s23], $0x20, s1, s23, $0xb8;
	[tilespmem:$0x1E200] =	vst v63  }
0x21c: {  	_ =	swait.ge [sflag:s0], $0x1000  }
0x21d: {  	[sflag:s0] =	ssyncset.done $0x0  }
0x21e: {  	s3 =	simm.s32 $0x0;
	s9 =	simm.s32 $0x0;
	[sflag:s0] =	ssyncadd.s32 $0xFFFFF000  }
.LBB2_66:
0x21f: {  	v12 =	vadd.s32 s9, v0;
	v15 =	vor.u32 s3, v0  }
0x220: {  	v11 =	vand.u32 $0x1F, v12;
	v13 =	vshll.u32 v15, $0x5  }
0x221: {  	v14 =	vor.u32 v11, v13;
	_ =	sdelay $0x2  }
0x222: {  	v12 =	vshll.u32 v12, $0xA  }
0x223: {  	s1 =	simm.s32 $0x10;
	v12 =	vand.u32 $0x7C00, v12  }
0x224: {  	v15 =	vand.u32 $0x78, v15;
	v13 =	vor.u32 s1, v0;
	s1 =	simm.s32 $0x20;
	v12 =	vor.u32 v4, v12;
	v14 =	vld.idx.msk [tilespmem:v14+s28+$0x0], $0xffff  }
.LBB2_67:
0x225: {  	p0 =	sne.s32 s1, $0x70;
	v16 =	vshll.u32 v13, $0x5;
	v15 =	vor.u32 v15, v12  }
0x226: {  	v16 =	vor.u32 v11, v16  }
.Ltmp32:
0x227: {  	(pc) =	sbr.rel @p0 .LBB2_67-.Ltmp32, $3  }
0x228: {  	_ =	sdelay $0x1  }
0x229: {  	[tilespmem:v15+s6+$0x0] =	vst.idx.msk $0xffff, v14  }
0x22a: {  	v15 =	vand.u32 $0x78, v13;
	v13 =	vor.u32 s1, v0;
	s1 =	sadd.s32 $0x10, s1;
	v14 =	vld.idx.msk [tilespmem:v16+s28+$0x0], $0xffff  }
0x22b: {  	v16 =	vshll.u32 v13, $0x5;
	v15 =	vor.u32 v15, v12  }
0x22c: {  	v11 =	vor.u32 v11, v16;
	_ =	sdelay $0x3  }
0x22d: {  	v62 =	vand.u32 $0x78, v13;
	s9 =	sadd.s32 $0x1, s9;
	[tilespmem:v15+s6+$0x0] =	vst.idx.msk $0xffff, v14  }
0x22e: {  	v63 =	vor.u32 v62, v12;
	p0 =	sne.s32 s9, $0x20;
	v11 =	vld.idx.msk [tilespmem:v11+s28+$0x0], $0xffff  }
.Ltmp33:
0x22f: {  	_ = 	snop;
	(pc) =	sbr.rel @p0 .LBB2_66-.Ltmp33, $2  }
0x230: {  	_ =	sdelay $0x2  }
0x231: {  	[tilespmem:v63+s6+$0x0] =	vst.idx.msk $0xffff, v11  }
0x232: {  	s1 =	sadd.s32 $0x2080, s11  }
0x233: {  	[tilespmem:s28], [sflag:$0x2] =	stream.indirect.gather [hbm4b:s5+s23], $0x20, s1, s23, $0xb8;
	[tilespmem:$0x1E200] =	vst v63  }
0x234: {  	_ =	swait.ge [sflag:s15], $0x1000  }
0x235: {  	[sflag:s15] =	ssyncset.done $0x0  }
0x236: {  	s3 =	simm.s32 $0x0;
	s9 =	simm.s32 $0x0;
	[sflag:s15] =	ssyncadd.s32 $0xFFFFF000  }
.LBB2_70:
0x237: {  	v12 =	vadd.s32 s9, v0;
	v15 =	vor.u32 s3, v0  }
0x238: {  	v11 =	vand.u32 $0x1F, v12;
	v13 =	vshll.u32 v15, $0x5  }
0x239: {  	v14 =	vor.u32 v11, v13;
	_ =	sdelay $0x2  }
0x23a: {  	v12 =	vshll.u32 v12, $0xA  }
0x23b: {  	s1 =	simm.s32 $0x10;
	v12 =	vand.u32 $0x7C00, v12  }
0x23c: {  	v15 =	vand.u32 $0x78, v15;
	v13 =	vor.u32 s1, v0;
	s1 =	simm.s32 $0x20;
	v12 =	vor.u32 v5, v12;
	v14 =	vld.idx.msk [tilespmem:v14+s7+$0x0], $0xffff  }
.LBB2_71:
0x23d: {  	p0 =	sne.s32 s1, $0x70;
	v16 =	vshll.u32 v13, $0x5;
	v15 =	vor.u32 v15, v12  }
0x23e: {  	v16 =	vor.u32 v11, v16  }
.Ltmp34:
0x23f: {  	(pc) =	sbr.rel @p0 .LBB2_71-.Ltmp34, $3  }
0x240: {  	_ =	sdelay $0x1  }
0x241: {  	[tilespmem:v15+s6+$0x0] =	vst.idx.msk $0xffff, v14  }
0x242: {  	v15 =	vand.u32 $0x78, v13;
	v13 =	vor.u32 s1, v0;
	s1 =	sadd.s32 $0x10, s1;
	v14 =	vld.idx.msk [tilespmem:v16+s7+$0x0], $0xffff  }
0x243: {  	v16 =	vshll.u32 v13, $0x5;
	v15 =	vor.u32 v15, v12  }
0x244: {  	v11 =	vor.u32 v11, v16;
	_ =	sdelay $0x3  }
0x245: {  	v62 =	vand.u32 $0x78, v13;
	s9 =	sadd.s32 $0x1, s9;
	[tilespmem:v15+s6+$0x0] =	vst.idx.msk $0xffff, v14  }
0x246: {  	v63 =	vor.u32 v62, v12;
	p0 =	sne.s32 s9, $0x20;
	v11 =	vld.idx.msk [tilespmem:v11+s7+$0x0], $0xffff  }
.Ltmp35:
0x247: {  	_ = 	snop;
	(pc) =	sbr.rel @p0 .LBB2_70-.Ltmp35, $2  }
0x248: {  	_ =	sdelay $0x2  }
0x249: {  	[tilespmem:v63+s6+$0x0] =	vst.idx.msk $0xffff, v11  }
0x24a: {  	s1 =	sadd.s32 $0x2100, s11  }
0x24b: {  	[tilespmem:s7], [sflag:$0x3] =	stream.indirect.gather [hbm4b:s5+s23], $0x20, s1, s23, $0xb8;
	[tilespmem:$0x1E200] =	vst v63  }
0x24c: {  	_ =	swait.ge [sflag:s16], $0x1000  }
0x24d: {  	[sflag:s16] =	ssyncset.done $0x0  }
0x24e: {  	s3 =	simm.s32 $0x0;
	s9 =	simm.s32 $0x0;
	[sflag:s16] =	ssyncadd.s32 $0xFFFFF000  }
.LBB2_74:
0x24f: {  	v12 =	vadd.s32 s9, v0;
	v15 =	vor.u32 s3, v0  }
0x250: {  	v11 =	vand.u32 $0x1F, v12;
	v13 =	vshll.u32 v15, $0x5  }
0x251: {  	v14 =	vor.u32 v11, v13;
	_ =	sdelay $0x2  }
0x252: {  	v12 =	vshll.u32 v12, $0xA  }
0x253: {  	s1 =	simm.s32 $0x10;
	v12 =	vand.u32 $0x7C00, v12  }
0x254: {  	v15 =	vand.u32 $0x78, v15;
	v13 =	vor.u32 s1, v0;
	s1 =	simm.s32 $0x20;
	v12 =	vor.u32 v6, v12;
	v14 =	vld.idx.msk [tilespmem:v14+s8+$0x0], $0xffff  }
.LBB2_75:
0x255: {  	p0 =	sne.s32 s1, $0x70;
	v16 =	vshll.u32 v13, $0x5;
	v15 =	vor.u32 v15, v12  }
0x256: {  	v16 =	vor.u32 v11, v16  }
.Ltmp36:
0x257: {  	(pc) =	sbr.rel @p0 .LBB2_75-.Ltmp36, $3  }
0x258: {  	_ =	sdelay $0x1  }
0x259: {  	[tilespmem:v15+s6+$0x0] =	vst.idx.msk $0xffff, v14  }
0x25a: {  	v15 =	vand.u32 $0x78, v13;
	v13 =	vor.u32 s1, v0;
	s1 =	sadd.s32 $0x10, s1;
	v14 =	vld.idx.msk [tilespmem:v16+s8+$0x0], $0xffff  }
0x25b: {  	v16 =	vshll.u32 v13, $0x5;
	v15 =	vor.u32 v15, v12  }
0x25c: {  	v11 =	vor.u32 v11, v16;
	_ =	sdelay $0x3  }
0x25d: {  	v62 =	vand.u32 $0x78, v13;
	s9 =	sadd.s32 $0x1, s9;
	[tilespmem:v15+s6+$0x0] =	vst.idx.msk $0xffff, v14  }
0x25e: {  	v63 =	vor.u32 v62, v12;
	p0 =	sne.s32 s9, $0x20;
	v11 =	vld.idx.msk [tilespmem:v11+s8+$0x0], $0xffff  }
.Ltmp37:
0x25f: {  	_ = 	snop;
	(pc) =	sbr.rel @p0 .LBB2_74-.Ltmp37, $2  }
0x260: {  	_ =	sdelay $0x2  }
0x261: {  	[tilespmem:v63+s6+$0x0] =	vst.idx.msk $0xffff, v11  }
0x262: {  	s1 =	sadd.s32 $0x2180, s11  }
0x263: {  	[tilespmem:s8], [sflag:$0x4] =	stream.indirect.gather [hbm4b:s5+s23], $0x20, s1, s23, $0xb8;
	[tilespmem:$0x1E200] =	vst v63  }
0x264: {  	_ =	swait.ge [sflag:s29], $0x1000  }
0x265: {  	[sflag:s29] =	ssyncset.done $0x0  }
0x266: {  	s3 =	simm.s32 $0x0;
	s9 =	simm.s32 $0x0;
	[sflag:s29] =	ssyncadd.s32 $0xFFFFF000  }
.LBB2_78:
0x267: {  	v12 =	vadd.s32 s9, v0;
	v15 =	vor.u32 s3, v0  }
0x268: {  	v11 =	vand.u32 $0x1F, v12;
	v13 =	vshll.u32 v15, $0x5  }
0x269: {  	v14 =	vor.u32 v11, v13;
	_ =	sdelay $0x2  }
0x26a: {  	v12 =	vshll.u32 v12, $0xA  }
0x26b: {  	s1 =	simm.s32 $0x10;
	v12 =	vand.u32 $0x7C00, v12  }
0x26c: {  	v15 =	vand.u32 $0x78, v15;
	v13 =	vor.u32 s1, v0;
	s1 =	simm.s32 $0x20;
	v12 =	vor.u32 v7, v12;
	v14 =	vld.idx.msk [tilespmem:v14+s25+$0x0], $0xffff  }
.LBB2_79:
0x26d: {  	p0 =	sne.s32 s1, $0x70;
	v16 =	vshll.u32 v13, $0x5;
	v15 =	vor.u32 v15, v12  }
0x26e: {  	v16 =	vor.u32 v11, v16  }
.Ltmp38:
0x26f: {  	(pc) =	sbr.rel @p0 .LBB2_79-.Ltmp38, $3  }
0x270: {  	_ =	sdelay $0x1  }
0x271: {  	[tilespmem:v15+s6+$0x0] =	vst.idx.msk $0xffff, v14  }
0x272: {  	v15 =	vand.u32 $0x78, v13;
	v13 =	vor.u32 s1, v0;
	s1 =	sadd.s32 $0x10, s1;
	v14 =	vld.idx.msk [tilespmem:v16+s25+$0x0], $0xffff  }
0x273: {  	v16 =	vshll.u32 v13, $0x5;
	v15 =	vor.u32 v15, v12  }
0x274: {  	v11 =	vor.u32 v11, v16;
	_ =	sdelay $0x3  }
0x275: {  	v62 =	vand.u32 $0x78, v13;
	s9 =	sadd.s32 $0x1, s9;
	[tilespmem:v15+s6+$0x0] =	vst.idx.msk $0xffff, v14  }
0x276: {  	v63 =	vor.u32 v62, v12;
	p0 =	sne.s32 s9, $0x20;
	v11 =	vld.idx.msk [tilespmem:v11+s25+$0x0], $0xffff  }
.Ltmp39:
0x277: {  	_ = 	snop;
	(pc) =	sbr.rel @p0 .LBB2_78-.Ltmp39, $2  }
0x278: {  	_ =	sdelay $0x2  }
0x279: {  	[tilespmem:v63+s6+$0x0] =	vst.idx.msk $0xffff, v11  }
0x27a: {  	s1 =	sadd.s32 $0x2200, s11  }
0x27b: {  	[tilespmem:s25], [sflag:$0x1] =	stream.indirect.gather [hbm4b:s5+s23], $0x20, s1, s23, $0xb8;
	[tilespmem:$0x1E200] =	vst v63  }
0x27c: {  	_ =	swait.ge [sflag:s0], $0x1000  }
0x27d: {  	[sflag:s0] =	ssyncset.done $0x0  }
0x27e: {  	s3 =	simm.s32 $0x0;
	s9 =	simm.s32 $0x0;
	[sflag:s0] =	ssyncadd.s32 $0xFFFFF000  }
.LBB2_82:
0x27f: {  	v12 =	vadd.s32 s9, v0;
	v15 =	vor.u32 s3, v0  }
0x280: {  	v11 =	vand.u32 $0x1F, v12;
	v13 =	vshll.u32 v15, $0x5  }
0x281: {  	v14 =	vor.u32 v11, v13;
	_ =	sdelay $0x2  }
0x282: {  	v12 =	vshll.u32 v12, $0xA  }
0x283: {  	s1 =	simm.s32 $0x10;
	v12 =	vand.u32 $0x7C00, v12  }
0x284: {  	v15 =	vand.u32 $0x78, v15;
	v13 =	vor.u32 s1, v0;
	s1 =	simm.s32 $0x20;
	v12 =	vor.u32 v8, v12;
	v14 =	vld.idx.msk [tilespmem:v14+s28+$0x0], $0xffff  }
.LBB2_83:
0x285: {  	p0 =	sne.s32 s1, $0x70;
	v16 =	vshll.u32 v13, $0x5;
	v15 =	vor.u32 v15, v12  }
0x286: {  	v16 =	vor.u32 v11, v16  }
.Ltmp40:
0x287: {  	(pc) =	sbr.rel @p0 .LBB2_83-.Ltmp40, $3  }
0x288: {  	_ =	sdelay $0x1  }
0x289: {  	[tilespmem:v15+s6+$0x0] =	vst.idx.msk $0xffff, v14  }
0x28a: {  	v15 =	vand.u32 $0x78, v13;
	v13 =	vor.u32 s1, v0;
	s1 =	sadd.s32 $0x10, s1;
	v14 =	vld.idx.msk [tilespmem:v16+s28+$0x0], $0xffff  }
0x28b: {  	v16 =	vshll.u32 v13, $0x5;
	v15 =	vor.u32 v15, v12  }
0x28c: {  	v11 =	vor.u32 v11, v16;
	_ =	sdelay $0x3  }
0x28d: {  	v62 =	vand.u32 $0x78, v13;
	s9 =	sadd.s32 $0x1, s9;
	[tilespmem:v15+s6+$0x0] =	vst.idx.msk $0xffff, v14  }
0x28e: {  	v63 =	vor.u32 v62, v12;
	p0 =	sne.s32 s9, $0x20;
	v11 =	vld.idx.msk [tilespmem:v11+s28+$0x0], $0xffff  }
.Ltmp41:
0x28f: {  	_ = 	snop;
	(pc) =	sbr.rel @p0 .LBB2_82-.Ltmp41, $2  }
0x290: {  	_ =	sdelay $0x2  }
0x291: {  	[tilespmem:v63+s6+$0x0] =	vst.idx.msk $0xffff, v11  }
0x292: {  	s1 =	sadd.s32 $0x2280, s11  }
0x293: {  	[tilespmem:s28], [sflag:$0x2] =	stream.indirect.gather [hbm4b:s5+s23], $0x20, s1, s23, $0xb8;
	[tilespmem:$0x1E200] =	vst v63  }
0x294: {  	_ =	swait.ge [sflag:s15], $0x1000  }
0x295: {  	[sflag:s15] =	ssyncset.done $0x0  }
0x296: {  	s3 =	simm.s32 $0x0;
	s9 =	simm.s32 $0x0;
	[sflag:s15] =	ssyncadd.s32 $0xFFFFF000  }
.LBB2_86:
0x297: {  	v12 =	vadd.s32 s9, v0;
	v15 =	vor.u32 s3, v0  }
0x298: {  	v11 =	vand.u32 $0x1F, v12;
	v13 =	vshll.u32 v15, $0x5  }
0x299: {  	v14 =	vor.u32 v11, v13;
	_ =	sdelay $0x2  }
0x29a: {  	v12 =	vshll.u32 v12, $0xA  }
0x29b: {  	s1 =	simm.s32 $0x10;
	v12 =	vand.u32 $0x7C00, v12  }
0x29c: {  	v15 =	vand.u32 $0x78, v15;
	v13 =	vor.u32 s1, v0;
	s1 =	simm.s32 $0x20;
	v12 =	vor.u32 v9, v12;
	v14 =	vld.idx.msk [tilespmem:v14+s7+$0x0], $0xffff  }
.LBB2_87:
0x29d: {  	p0 =	sne.s32 s1, $0x70;
	v16 =	vshll.u32 v13, $0x5;
	v15 =	vor.u32 v15, v12  }
0x29e: {  	v16 =	vor.u32 v11, v16  }
.Ltmp42:
0x29f: {  	(pc) =	sbr.rel @p0 .LBB2_87-.Ltmp42, $3  }
0x2a0: {  	_ =	sdelay $0x1  }
0x2a1: {  	[tilespmem:v15+s6+$0x0] =	vst.idx.msk $0xffff, v14  }
0x2a2: {  	v15 =	vand.u32 $0x78, v13;
	v13 =	vor.u32 s1, v0;
	s1 =	sadd.s32 $0x10, s1;
	v14 =	vld.idx.msk [tilespmem:v16+s7+$0x0], $0xffff  }
0x2a3: {  	v16 =	vshll.u32 v13, $0x5;
	v15 =	vor.u32 v15, v12  }
0x2a4: {  	v11 =	vor.u32 v11, v16;
	_ =	sdelay $0x3  }
0x2a5: {  	v62 =	vand.u32 $0x78, v13;
	s9 =	sadd.s32 $0x1, s9;
	[tilespmem:v15+s6+$0x0] =	vst.idx.msk $0xffff, v14  }
0x2a6: {  	v63 =	vor.u32 v62, v12;
	p0 =	sne.s32 s9, $0x20;
	v11 =	vld.idx.msk [tilespmem:v11+s7+$0x0], $0xffff  }
.Ltmp43:
0x2a7: {  	_ = 	snop;
	(pc) =	sbr.rel @p0 .LBB2_86-.Ltmp43, $2  }
0x2a8: {  	_ =	sdelay $0x2  }
0x2a9: {  	[tilespmem:v63+s6+$0x0] =	vst.idx.msk $0xffff, v11  }
0x2aa: {  	s1 =	sadd.s32 $0x2300, s11  }
0x2ab: {  	[tilespmem:s7], [sflag:$0x3] =	stream.indirect.gather [hbm4b:s5+s23], $0x20, s1, s23, $0xb8;
	[tilespmem:$0x1E200] =	vst v63  }
0x2ac: {  	_ =	swait.ge [sflag:s16], $0x1000  }
0x2ad: {  	[sflag:s16] =	ssyncset.done $0x0  }
0x2ae: {  	s3 =	simm.s32 $0x0;
	s9 =	simm.s32 $0x0;
	[sflag:s16] =	ssyncadd.s32 $0xFFFFF000  }
.LBB2_90:
0x2af: {  	v12 =	vadd.s32 s9, v0;
	v15 =	vor.u32 s3, v0  }
0x2b0: {  	v11 =	vand.u32 $0x1F, v12;
	v13 =	vshll.u32 v15, $0x5  }
0x2b1: {  	v14 =	vor.u32 v11, v13;
	_ =	sdelay $0x2  }
0x2b2: {  	v12 =	vshll.u32 v12, $0xA  }
0x2b3: {  	s1 =	simm.s32 $0x10;
	v12 =	vand.u32 $0x7C00, v12  }
0x2b4: {  	v15 =	vand.u32 $0x78, v15;
	v13 =	vor.u32 s1, v0;
	s1 =	simm.s32 $0x20;
	v12 =	vor.u32 v10, v12;
	v14 =	vld.idx.msk [tilespmem:v14+s8+$0x0], $0xffff  }
.LBB2_91:
0x2b5: {  	p0 =	sne.s32 s1, $0x70;
	v16 =	vshll.u32 v13, $0x5;
	v15 =	vor.u32 v15, v12  }
0x2b6: {  	v16 =	vor.u32 v11, v16  }
.Ltmp44:
0x2b7: {  	(pc) =	sbr.rel @p0 .LBB2_91-.Ltmp44, $3  }
0x2b8: {  	_ =	sdelay $0x1  }
0x2b9: {  	[tilespmem:v15+s6+$0x0] =	vst.idx.msk $0xffff, v14  }
0x2ba: {  	v15 =	vand.u32 $0x78, v13;
	v13 =	vor.u32 s1, v0;
	s1 =	sadd.s32 $0x10, s1;
	v14 =	vld.idx.msk [tilespmem:v16+s8+$0x0], $0xffff  }
0x2bb: {  	v16 =	vshll.u32 v13, $0x5;
	v15 =	vor.u32 v15, v12  }
0x2bc: {  	v11 =	vor.u32 v11, v16;
	_ =	sdelay $0x3  }
0x2bd: {  	v62 =	vand.u32 $0x78, v13;
	s9 =	sadd.s32 $0x1, s9;
	[tilespmem:v15+s6+$0x0] =	vst.idx.msk $0xffff, v14  }
0x2be: {  	v63 =	vor.u32 v62, v12;
	p0 =	sne.s32 s9, $0x20;
	v11 =	vld.idx.msk [tilespmem:v11+s8+$0x0], $0xffff  }
.Ltmp45:
0x2bf: {  	_ = 	snop;
	(pc) =	sbr.rel @p0 .LBB2_90-.Ltmp45, $2  }
0x2c0: {  	_ =	sdelay $0x2  }
0x2c1: {  	[tilespmem:v63+s6+$0x0] =	vst.idx.msk $0xffff, v11  }
0x2c2: {  	s1 =	sadd.s32 $0x2380, s11;
	s4 =	sadd.s32 $0x1, s4  }
0x2c3: {  	[tilespmem:s8], [sflag:$0x4] =	stream.indirect.gather [hbm4b:s5+s23], $0x20, s1, s23, $0xb8;
	[tilespmem:$0x1E200] =	vst v63  }
0x2c4: {  	p0 =	sne.s32 s4, $0xC  }
.Ltmp46:
0x2c5: {  	s18 =	sshll.u32 s2, $0xF;
	(pc) =	sbr.rel @p0 .LBB2_29-.Ltmp46, $4  }
0x2c6: {  	s1 =	sor.u32 s13, s18  }
0x2c7: {  	s1 =	sshrl.u32 s1, $0x3  }
0x2c8: {  	s1 =	sadd.s32 s12, s1  }
0x2c9: {  	[hbm4b:s1+s31] =	stream.strided.scatter [tilespmem:s6], [sflag:$0x8], $0x8000, s26, s31, $0x38;
	[tilespmem:$0x1E200] =	vst v63  }
0x2ca: {  	s4 =	simm.s32 $0x7  }
0x2cb: {  	_ =	swait.ge [sflag:s4], $0x8000  }
0x2cc: {  	[sflag:s4] =	ssyncset.done $0x0  }
0x2cd: {  	[sflag:s4] =	ssyncadd.s32 $0xFFFF8000  }
0x2ce: {  	_ =	swait.ge [sflag:s29], $0x1000  }
0x2cf: {  	s2 =	simm.s32 $0x0;
	[sflag:s29] =	ssyncset.done $0x0  }
0x2d0: {  	s3 =	simm.s32 $0x0;
	s12 =	simm.s32 $0xC8;
	[sflag:s29] =	ssyncadd.s32 $0xFFFFF000  }
.LBB2_95:
0x2d1: {  	v12 =	vadd.s32 s3, v0;
	v15 =	vor.u32 s2, v0  }
0x2d2: {  	v11 =	vand.u32 $0x1F, v12;
	v13 =	vshll.u32 v15, $0x5  }
0x2d3: {  	v14 =	vor.u32 v11, v13;
	_ =	sdelay $0x2  }
0x2d4: {  	v12 =	vshll.u32 v12, $0xA  }
0x2d5: {  	s1 =	simm.s32 $0x10;
	v12 =	vand.u32 $0x7C00, v12  }
0x2d6: {  	v15 =	vand.u32 $0x78, v15;
	v13 =	vor.u32 s1, v0;
	s1 =	simm.s32 $0x20;
	v12 =	vor.u32 v1, v12;
	v14 =	vld.idx.msk [tilespmem:v14+s25+$0x0], $0xffff  }
.LBB2_96:
0x2d7: {  	p0 =	sne.s32 s1, $0x70;
	v16 =	vshll.u32 v13, $0x5;
	v15 =	vor.u32 v15, v12  }
0x2d8: {  	v16 =	vor.u32 v11, v16  }
.Ltmp47:
0x2d9: {  	(pc) =	sbr.rel @p0 .LBB2_96-.Ltmp47, $3  }
0x2da: {  	_ =	sdelay $0x1  }
0x2db: {  	[tilespmem:v15+s14+$0x0] =	vst.idx.msk $0xffff, v14  }
0x2dc: {  	v15 =	vand.u32 $0x78, v13;
	v13 =	vor.u32 s1, v0;
	s1 =	sadd.s32 $0x10, s1;
	v14 =	vld.idx.msk [tilespmem:v16+s25+$0x0], $0xffff  }
0x2dd: {  	v16 =	vshll.u32 v13, $0x5;
	v15 =	vor.u32 v15, v12  }
0x2de: {  	v11 =	vor.u32 v11, v16;
	_ =	sdelay $0x3  }
0x2df: {  	v62 =	vand.u32 $0x78, v13;
	s3 =	sadd.s32 $0x1, s3;
	[tilespmem:v15+s14+$0x0] =	vst.idx.msk $0xffff, v14  }
0x2e0: {  	v63 =	vor.u32 v62, v12;
	p0 =	sne.s32 s3, $0x20;
	v11 =	vld.idx.msk [tilespmem:v11+s25+$0x0], $0xffff  }
.Ltmp48:
0x2e1: {  	_ = 	snop;
	(pc) =	sbr.rel @p0 .LBB2_95-.Ltmp48, $2  }
0x2e2: {  	_ =	sdelay $0x2  }
0x2e3: {  	[tilespmem:v63+s14+$0x0] =	vst.idx.msk $0xffff, v11  }
0x2e4: {  	s1 =	simm.s32 $0x8000  }
0x2e5: {  	[tilespmem:s25], [sflag:$0x1] =	stream.indirect.gather [hbm4b:s5+s23], $0x20, s1, s23, $0xb8;
	[tilespmem:$0x1E200] =	vst v63  }
0x2e6: {  	_ =	swait.ge [sflag:s0], $0x1000  }
0x2e7: {  	[sflag:s0] =	ssyncset.done $0x0  }
0x2e8: {  	s2 =	simm.s32 $0x0;
	s3 =	simm.s32 $0x0;
	[sflag:s0] =	ssyncadd.s32 $0xFFFFF000  }
.LBB2_99:
0x2e9: {  	v12 =	vadd.s32 s3, v0;
	v15 =	vor.u32 s2, v0  }
0x2ea: {  	v11 =	vand.u32 $0x1F, v12;
	v13 =	vshll.u32 v15, $0x5  }
0x2eb: {  	v14 =	vor.u32 v11, v13;
	_ =	sdelay $0x2  }
0x2ec: {  	v12 =	vshll.u32 v12, $0xA  }
0x2ed: {  	s1 =	simm.s32 $0x10;
	v12 =	vand.u32 $0x7C00, v12  }
0x2ee: {  	v15 =	vand.u32 $0x78, v15;
	v13 =	vor.u32 s1, v0;
	s1 =	simm.s32 $0x20;
	v12 =	vor.u32 v4, v12;
	v14 =	vld.idx.msk [tilespmem:v14+s28+$0x0], $0xffff  }
.LBB2_100:
0x2ef: {  	p0 =	sne.s32 s1, $0x70;
	v16 =	vshll.u32 v13, $0x5;
	v15 =	vor.u32 v15, v12  }
0x2f0: {  	v16 =	vor.u32 v11, v16  }
.Ltmp49:
0x2f1: {  	(pc) =	sbr.rel @p0 .LBB2_100-.Ltmp49, $3  }
0x2f2: {  	_ =	sdelay $0x1  }
0x2f3: {  	[tilespmem:v15+s14+$0x0] =	vst.idx.msk $0xffff, v14  }
0x2f4: {  	v15 =	vand.u32 $0x78, v13;
	v13 =	vor.u32 s1, v0;
	s1 =	sadd.s32 $0x10, s1;
	v14 =	vld.idx.msk [tilespmem:v16+s28+$0x0], $0xffff  }
0x2f5: {  	v16 =	vshll.u32 v13, $0x5;
	v15 =	vor.u32 v15, v12  }
0x2f6: {  	v11 =	vor.u32 v11, v16;
	_ =	sdelay $0x3  }
0x2f7: {  	v62 =	vand.u32 $0x78, v13;
	s3 =	sadd.s32 $0x1, s3;
	[tilespmem:v15+s14+$0x0] =	vst.idx.msk $0xffff, v14  }
0x2f8: {  	v63 =	vor.u32 v62, v12;
	p0 =	sne.s32 s3, $0x20;
	v11 =	vld.idx.msk [tilespmem:v11+s28+$0x0], $0xffff  }
.Ltmp50:
0x2f9: {  	_ = 	snop;
	(pc) =	sbr.rel @p0 .LBB2_99-.Ltmp50, $2  }
0x2fa: {  	_ =	sdelay $0x2  }
0x2fb: {  	[tilespmem:v63+s14+$0x0] =	vst.idx.msk $0xffff, v11  }
0x2fc: {  	s1 =	simm.s32 $0x8080  }
0x2fd: {  	[tilespmem:s28], [sflag:$0x2] =	stream.indirect.gather [hbm4b:s5+s23], $0x20, s1, s23, $0xb8;
	[tilespmem:$0x1E200] =	vst v63  }
0x2fe: {  	_ =	swait.ge [sflag:s15], $0x1000  }
0x2ff: {  	[sflag:s15] =	ssyncset.done $0x0  }
0x300: {  	s2 =	simm.s32 $0x0;
	s3 =	simm.s32 $0x0;
	[sflag:s15] =	ssyncadd.s32 $0xFFFFF000  }
.LBB2_103:
0x301: {  	v12 =	vadd.s32 s3, v0;
	v15 =	vor.u32 s2, v0  }
0x302: {  	v11 =	vand.u32 $0x1F, v12;
	v13 =	vshll.u32 v15, $0x5  }
0x303: {  	v14 =	vor.u32 v11, v13;
	_ =	sdelay $0x2  }
0x304: {  	v12 =	vshll.u32 v12, $0xA  }
0x305: {  	s1 =	simm.s32 $0x10;
	v12 =	vand.u32 $0x7C00, v12  }
0x306: {  	v15 =	vand.u32 $0x78, v15;
	v13 =	vor.u32 s1, v0;
	s1 =	simm.s32 $0x20;
	v12 =	vor.u32 v5, v12;
	v14 =	vld.idx.msk [tilespmem:v14+s7+$0x0], $0xffff  }
.LBB2_104:
0x307: {  	p0 =	sne.s32 s1, $0x70;
	v16 =	vshll.u32 v13, $0x5;
	v15 =	vor.u32 v15, v12  }
0x308: {  	v16 =	vor.u32 v11, v16  }
.Ltmp51:
0x309: {  	(pc) =	sbr.rel @p0 .LBB2_104-.Ltmp51, $3  }
0x30a: {  	_ =	sdelay $0x1  }
0x30b: {  	[tilespmem:v15+s14+$0x0] =	vst.idx.msk $0xffff, v14  }
0x30c: {  	v15 =	vand.u32 $0x78, v13;
	v13 =	vor.u32 s1, v0;
	s1 =	sadd.s32 $0x10, s1;
	v14 =	vld.idx.msk [tilespmem:v16+s7+$0x0], $0xffff  }
0x30d: {  	v16 =	vshll.u32 v13, $0x5;
	v15 =	vor.u32 v15, v12  }
0x30e: {  	v11 =	vor.u32 v11, v16;
	_ =	sdelay $0x3  }
0x30f: {  	v62 =	vand.u32 $0x78, v13;
	s3 =	sadd.s32 $0x1, s3;
	[tilespmem:v15+s14+$0x0] =	vst.idx.msk $0xffff, v14  }
0x310: {  	v63 =	vor.u32 v62, v12;
	p0 =	sne.s32 s3, $0x20;
	v11 =	vld.idx.msk [tilespmem:v11+s7+$0x0], $0xffff  }
.Ltmp52:
0x311: {  	_ = 	snop;
	(pc) =	sbr.rel @p0 .LBB2_103-.Ltmp52, $2  }
0x312: {  	_ =	sdelay $0x2  }
0x313: {  	[tilespmem:v63+s14+$0x0] =	vst.idx.msk $0xffff, v11  }
0x314: {  	s1 =	simm.s32 $0x8100  }
0x315: {  	[tilespmem:s7], [sflag:$0x3] =	stream.indirect.gather [hbm4b:s5+s23], $0x20, s1, s23, $0xb8;
	[tilespmem:$0x1E200] =	vst v63  }
0x316: {  	_ =	swait.ge [sflag:s16], $0x1000  }
0x317: {  	[sflag:s16] =	ssyncset.done $0x0  }
0x318: {  	s2 =	simm.s32 $0x0;
	s3 =	simm.s32 $0x0;
	[sflag:s16] =	ssyncadd.s32 $0xFFFFF000  }
.LBB2_107:
0x319: {  	v12 =	vadd.s32 s3, v0;
	v15 =	vor.u32 s2, v0  }
0x31a: {  	v11 =	vand.u32 $0x1F, v12;
	v13 =	vshll.u32 v15, $0x5  }
0x31b: {  	v14 =	vor.u32 v11, v13;
	_ =	sdelay $0x2  }
0x31c: {  	v12 =	vshll.u32 v12, $0xA  }
0x31d: {  	s1 =	simm.s32 $0x10;
	v12 =	vand.u32 $0x7C00, v12  }
0x31e: {  	v15 =	vand.u32 $0x78, v15;
	v13 =	vor.u32 s1, v0;
	s1 =	simm.s32 $0x20;
	v12 =	vor.u32 v6, v12;
	v14 =	vld.idx.msk [tilespmem:v14+s8+$0x0], $0xffff  }
.LBB2_108:
0x31f: {  	p0 =	sne.s32 s1, $0x70;
	v16 =	vshll.u32 v13, $0x5;
	v15 =	vor.u32 v15, v12  }
0x320: {  	v16 =	vor.u32 v11, v16  }
.Ltmp53:
0x321: {  	(pc) =	sbr.rel @p0 .LBB2_108-.Ltmp53, $3  }
0x322: {  	_ =	sdelay $0x1  }
0x323: {  	[tilespmem:v15+s14+$0x0] =	vst.idx.msk $0xffff, v14  }
0x324: {  	v15 =	vand.u32 $0x78, v13;
	v13 =	vor.u32 s1, v0;
	s1 =	sadd.s32 $0x10, s1;
	v14 =	vld.idx.msk [tilespmem:v16+s8+$0x0], $0xffff  }
0x325: {  	v16 =	vshll.u32 v13, $0x5;
	v15 =	vor.u32 v15, v12  }
0x326: {  	v11 =	vor.u32 v11, v16;
	_ =	sdelay $0x3  }
0x327: {  	v62 =	vand.u32 $0x78, v13;
	s3 =	sadd.s32 $0x1, s3;
	[tilespmem:v15+s14+$0x0] =	vst.idx.msk $0xffff, v14  }
0x328: {  	v63 =	vor.u32 v62, v12;
	p0 =	sne.s32 s3, $0x20;
	v11 =	vld.idx.msk [tilespmem:v11+s8+$0x0], $0xffff  }
.Ltmp54:
0x329: {  	_ = 	snop;
	(pc) =	sbr.rel @p0 .LBB2_107-.Ltmp54, $2  }
0x32a: {  	_ =	sdelay $0x2  }
0x32b: {  	[tilespmem:v63+s14+$0x0] =	vst.idx.msk $0xffff, v11  }
0x32c: {  	[tilespmem:s8], [sflag:$0x4] =	stream.indirect.gather [hbm4b:s5+s23], $0x20, s10, s23, $0xb8;
	[tilespmem:$0x1E200] =	vst v63  }
0x32d: {  	_ =	swait.ge [sflag:s29], $0x1000  }
0x32e: {  	[sflag:s29] =	ssyncset.done $0x0  }
0x32f: {  	s2 =	simm.s32 $0x0;
	s3 =	simm.s32 $0x0;
	[sflag:s29] =	ssyncadd.s32 $0xFFFFF000  }
.LBB2_111:
0x330: {  	v12 =	vadd.s32 s3, v0;
	v15 =	vor.u32 s2, v0  }
0x331: {  	v11 =	vand.u32 $0x1F, v12;
	v13 =	vshll.u32 v15, $0x5  }
0x332: {  	v14 =	vor.u32 v11, v13;
	_ =	sdelay $0x2  }
0x333: {  	v12 =	vshll.u32 v12, $0xA  }
0x334: {  	s1 =	simm.s32 $0x10;
	v12 =	vand.u32 $0x7C00, v12  }
0x335: {  	v15 =	vand.u32 $0x78, v15;
	v13 =	vor.u32 s1, v0;
	s1 =	simm.s32 $0x20;
	v12 =	vor.u32 v7, v12;
	v14 =	vld.idx.msk [tilespmem:v14+s25+$0x0], $0xffff  }
.LBB2_112:
0x336: {  	p0 =	sne.s32 s1, $0x70;
	v16 =	vshll.u32 v13, $0x5;
	v15 =	vor.u32 v15, v12  }
0x337: {  	v16 =	vor.u32 v11, v16  }
.Ltmp55:
0x338: {  	(pc) =	sbr.rel @p0 .LBB2_112-.Ltmp55, $3  }
0x339: {  	_ =	sdelay $0x1  }
0x33a: {  	[tilespmem:v15+s14+$0x0] =	vst.idx.msk $0xffff, v14  }
0x33b: {  	v15 =	vand.u32 $0x78, v13;
	v13 =	vor.u32 s1, v0;
	s1 =	sadd.s32 $0x10, s1;
	v14 =	vld.idx.msk [tilespmem:v16+s25+$0x0], $0xffff  }
0x33c: {  	v16 =	vshll.u32 v13, $0x5;
	v15 =	vor.u32 v15, v12  }
0x33d: {  	v11 =	vor.u32 v11, v16;
	_ =	sdelay $0x3  }
0x33e: {  	v62 =	vand.u32 $0x78, v13;
	s3 =	sadd.s32 $0x1, s3;
	[tilespmem:v15+s14+$0x0] =	vst.idx.msk $0xffff, v14  }
0x33f: {  	v63 =	vor.u32 v62, v12;
	p0 =	sne.s32 s3, $0x20;
	v11 =	vld.idx.msk [tilespmem:v11+s25+$0x0], $0xffff  }
.Ltmp56:
0x340: {  	_ = 	snop;
	(pc) =	sbr.rel @p0 .LBB2_111-.Ltmp56, $2  }
0x341: {  	_ =	sdelay $0x2  }
0x342: {  	[tilespmem:v63+s14+$0x0] =	vst.idx.msk $0xffff, v11  }
0x343: {  	[tilespmem:s25], [sflag:$0x1] =	stream.indirect.gather [hbm4b:s5+s23], $0x20, s10, s23, $0xb8;
	[tilespmem:$0x1E200] =	vst v63  }
0x344: {  	_ =	swait.ge [sflag:s0], $0x1000  }
0x345: {  	[sflag:s0] =	ssyncset.done $0x0  }
0x346: {  	s2 =	simm.s32 $0x0;
	s3 =	simm.s32 $0x0;
	[sflag:s0] =	ssyncadd.s32 $0xFFFFF000  }
.LBB2_115:
0x347: {  	v12 =	vadd.s32 s3, v0;
	v15 =	vor.u32 s2, v0  }
0x348: {  	v11 =	vand.u32 $0x1F, v12;
	v13 =	vshll.u32 v15, $0x5  }
0x349: {  	v14 =	vor.u32 v11, v13;
	_ =	sdelay $0x2  }
0x34a: {  	v12 =	vshll.u32 v12, $0xA  }
0x34b: {  	s1 =	simm.s32 $0x10;
	v12 =	vand.u32 $0x7C00, v12  }
0x34c: {  	v15 =	vand.u32 $0x78, v15;
	v13 =	vor.u32 s1, v0;
	s1 =	simm.s32 $0x20;
	v12 =	vor.u32 v8, v12;
	v14 =	vld.idx.msk [tilespmem:v14+s28+$0x0], $0xffff  }
.LBB2_116:
0x34d: {  	p0 =	sne.s32 s1, $0x70;
	v16 =	vshll.u32 v13, $0x5;
	v15 =	vor.u32 v15, v12  }
0x34e: {  	v16 =	vor.u32 v11, v16  }
.Ltmp57:
0x34f: {  	(pc) =	sbr.rel @p0 .LBB2_116-.Ltmp57, $3  }
0x350: {  	_ =	sdelay $0x1  }
0x351: {  	[tilespmem:v15+s14+$0x0] =	vst.idx.msk $0xffff, v14  }
0x352: {  	v15 =	vand.u32 $0x78, v13;
	v13 =	vor.u32 s1, v0;
	s1 =	sadd.s32 $0x10, s1;
	v14 =	vld.idx.msk [tilespmem:v16+s28+$0x0], $0xffff  }
0x353: {  	v16 =	vshll.u32 v13, $0x5;
	v15 =	vor.u32 v15, v12  }
0x354: {  	v11 =	vor.u32 v11, v16;
	_ =	sdelay $0x3  }
0x355: {  	v62 =	vand.u32 $0x78, v13;
	s3 =	sadd.s32 $0x1, s3;
	[tilespmem:v15+s14+$0x0] =	vst.idx.msk $0xffff, v14  }
0x356: {  	v63 =	vor.u32 v62, v12;
	p0 =	sne.s32 s3, $0x20;
	v11 =	vld.idx.msk [tilespmem:v11+s28+$0x0], $0xffff  }
.Ltmp58:
0x357: {  	_ = 	snop;
	(pc) =	sbr.rel @p0 .LBB2_115-.Ltmp58, $2  }
0x358: {  	_ =	sdelay $0x2  }
0x359: {  	[tilespmem:v63+s14+$0x0] =	vst.idx.msk $0xffff, v11  }
0x35a: {  	[tilespmem:s28], [sflag:$0x2] =	stream.indirect.gather [hbm4b:s5+s23], $0x20, s10, s23, $0xb8;
	[tilespmem:$0x1E200] =	vst v63  }
0x35b: {  	_ =	swait.ge [sflag:s15], $0x1000  }
0x35c: {  	[sflag:s15] =	ssyncset.done $0x0  }
0x35d: {  	s2 =	simm.s32 $0x0;
	s3 =	simm.s32 $0x0;
	[sflag:s15] =	ssyncadd.s32 $0xFFFFF000  }
.LBB2_119:
0x35e: {  	v12 =	vadd.s32 s3, v0;
	v15 =	vor.u32 s2, v0  }
0x35f: {  	v11 =	vand.u32 $0x1F, v12;
	v13 =	vshll.u32 v15, $0x5  }
0x360: {  	v14 =	vor.u32 v11, v13;
	_ =	sdelay $0x2  }
0x361: {  	v12 =	vshll.u32 v12, $0xA  }
0x362: {  	s1 =	simm.s32 $0x10;
	v12 =	vand.u32 $0x7C00, v12  }
0x363: {  	v15 =	vand.u32 $0x78, v15;
	v13 =	vor.u32 s1, v0;
	s1 =	simm.s32 $0x20;
	v12 =	vor.u32 v9, v12;
	v14 =	vld.idx.msk [tilespmem:v14+s7+$0x0], $0xffff  }
.LBB2_120:
0x364: {  	p0 =	sne.s32 s1, $0x70;
	v16 =	vshll.u32 v13, $0x5;
	v15 =	vor.u32 v15, v12  }
0x365: {  	v16 =	vor.u32 v11, v16  }
.Ltmp59:
0x366: {  	(pc) =	sbr.rel @p0 .LBB2_120-.Ltmp59, $3  }
0x367: {  	_ =	sdelay $0x1  }
0x368: {  	[tilespmem:v15+s14+$0x0] =	vst.idx.msk $0xffff, v14  }
0x369: {  	v15 =	vand.u32 $0x78, v13;
	v13 =	vor.u32 s1, v0;
	s1 =	sadd.s32 $0x10, s1;
	v14 =	vld.idx.msk [tilespmem:v16+s7+$0x0], $0xffff  }
0x36a: {  	v16 =	vshll.u32 v13, $0x5;
	v15 =	vor.u32 v15, v12  }
0x36b: {  	v11 =	vor.u32 v11, v16;
	_ =	sdelay $0x3  }
0x36c: {  	v62 =	vand.u32 $0x78, v13;
	s3 =	sadd.s32 $0x1, s3;
	[tilespmem:v15+s14+$0x0] =	vst.idx.msk $0xffff, v14  }
0x36d: {  	v63 =	vor.u32 v62, v12;
	p0 =	sne.s32 s3, $0x20;
	v11 =	vld.idx.msk [tilespmem:v11+s7+$0x0], $0xffff  }
.Ltmp60:
0x36e: {  	_ = 	snop;
	(pc) =	sbr.rel @p0 .LBB2_119-.Ltmp60, $2  }
0x36f: {  	_ =	sdelay $0x2  }
0x370: {  	[tilespmem:v63+s14+$0x0] =	vst.idx.msk $0xffff, v11  }
0x371: {  	[tilespmem:s7], [sflag:$0x3] =	stream.indirect.gather [hbm4b:s5+s23], $0x20, s10, s23, $0xb8;
	[tilespmem:$0x1E200] =	vst v63  }
0x372: {  	_ =	swait.ge [sflag:s16], $0x1000  }
0x373: {  	[sflag:s16] =	ssyncset.done $0x0  }
0x374: {  	s2 =	simm.s32 $0x0;
	s3 =	simm.s32 $0x0;
	[sflag:s16] =	ssyncadd.s32 $0xFFFFF000  }
.LBB2_123:
0x375: {  	v12 =	vadd.s32 s3, v0;
	v15 =	vor.u32 s2, v0  }
0x376: {  	v11 =	vand.u32 $0x1F, v12;
	v13 =	vshll.u32 v15, $0x5  }
0x377: {  	v14 =	vor.u32 v11, v13;
	_ =	sdelay $0x2  }
0x378: {  	v12 =	vshll.u32 v12, $0xA  }
0x379: {  	s1 =	simm.s32 $0x10;
	v12 =	vand.u32 $0x7C00, v12  }
0x37a: {  	v15 =	vand.u32 $0x78, v15;
	v13 =	vor.u32 s1, v0;
	s1 =	simm.s32 $0x20;
	v12 =	vor.u32 v10, v12;
	v14 =	vld.idx.msk [tilespmem:v14+s8+$0x0], $0xffff  }
.LBB2_124:
0x37b: {  	p0 =	sne.s32 s1, $0x70;
	v16 =	vshll.u32 v13, $0x5;
	v15 =	vor.u32 v15, v12  }
0x37c: {  	v16 =	vor.u32 v11, v16  }
.Ltmp61:
0x37d: {  	(pc) =	sbr.rel @p0 .LBB2_124-.Ltmp61, $3  }
0x37e: {  	_ =	sdelay $0x1  }
0x37f: {  	[tilespmem:v15+s14+$0x0] =	vst.idx.msk $0xffff, v14  }
0x380: {  	v15 =	vand.u32 $0x78, v13;
	v13 =	vor.u32 s1, v0;
	s1 =	sadd.s32 $0x10, s1;
	v14 =	vld.idx.msk [tilespmem:v16+s8+$0x0], $0xffff  }
0x381: {  	v16 =	vshll.u32 v13, $0x5;
	v15 =	vor.u32 v15, v12  }
0x382: {  	v11 =	vor.u32 v11, v16;
	_ =	sdelay $0x3  }
0x383: {  	v62 =	vand.u32 $0x78, v13;
	s3 =	sadd.s32 $0x1, s3;
	[tilespmem:v15+s14+$0x0] =	vst.idx.msk $0xffff, v14  }
0x384: {  	v63 =	vor.u32 v62, v12;
	p0 =	sne.s32 s3, $0x20;
	v11 =	vld.idx.msk [tilespmem:v11+s8+$0x0], $0xffff  }
.Ltmp62:
0x385: {  	_ = 	snop;
	(pc) =	sbr.rel @p0 .LBB2_123-.Ltmp62, $2  }
0x386: {  	_ =	sdelay $0x2  }
0x387: {  	[tilespmem:v63+s14+$0x0] =	vst.idx.msk $0xffff, v11  }
0x388: {  	[tilespmem:s8], [sflag:$0x4] =	stream.indirect.gather [hbm4b:s5+s23], $0x20, s10, s23, $0xb8;
	[tilespmem:$0x1E200] =	vst v63  }
0x389: {  	s1 =	rddreg [dreg:$0xb]  }
0x38a: {  	[hbm4b:s1+s31] =	stream.strided.scatter [tilespmem:s14], [sflag:$0x7], $0x8000, s26, s31, $0x38;
	[tilespmem:$0x1E200] =	vst v63  }
0x38b: {  	_ =	swait.ge [sflag:s4], $0x8000  }
0x38c: {  	[sflag:s4] =	ssyncset.done $0x0  }
0x38d: {  	[sflag:s4] =	ssyncadd.s32 $0xFFFF8000  }
0x38e: {  	_ =	swait.ge [sflag:s17], $0x8000  }
0x38f: {  	[sflag:s17] =	ssyncset.done $0x0  }
0x390: {  	[sflag:s17] =	ssyncadd.s32 $0xFFFF8000  }
0x391: {  	_ =	swait.ge [sflag:s29], $0x1000  }
0x392: {  	[sflag:s29] =	ssyncset.done $0x0  }
0x393: {  	[sflag:s29] =	ssyncadd.s32 $0xFFFFF000  }
0x394: {  	_ =	swait.ge [sflag:s0], $0x1000  }
0x395: {  	[sflag:s0] =	ssyncset.done $0x0  }
0x396: {  	[sflag:s0] =	ssyncadd.s32 $0xFFFFF000  }
0x397: {  	_ =	swait.ge [sflag:s15], $0x1000  }
0x398: {  	[sflag:s15] =	ssyncset.done $0x0  }
0x399: {  	[sflag:s15] =	ssyncadd.s32 $0xFFFFF000  }
0x39a: {  	_ =	swait.ge [sflag:s16], $0x1000  }
0x39b: {  	s2 =	rddreg [dreg:$0xd]  }
0x39c: {  	s18 =	rddreg [dreg:$0xc];
	s2 =	sadd.s32 $0x1, s2  }
0x39d: {  	p0 =	sne.s32 s2, s18  }
.Ltmp63:
0x39e: {  	_ = 	snop;
	(pc) =	sbr.rel @p0 .LBB2_1-.Ltmp63, $3  }
0x39f: {  	_ =	sdelay $0x1  }
0x3a0: {  	[sflag:s16] =	ssyncset.done $0x0  }
0x3a1: {  	[sflag:s16] =	ssyncadd.s32 $0xFFFFF000  }
0x3a2: {  	_ =	sfence.sel $0x180000  }
0x3a3: {  	[bflag:$0x0] =	sbarrier.arrive $0xFFFF  }
0x3a4: {  	_ =	strace $0x90000047  }
0x3a5: {  	s0 =	stileid.u32;
	[bflag:$0x2] =	sbarrier.arrive $0xFFFF  }
0x3a6: {  	p0 =	sne.s32 s0, $0x0;
	s0 =	rddreg [dreg:$0x3]  }
0x3a7: {  	s0 =	sadd.s32 @!p0 $0x100000, s0  }
0x3a8: {  	[sflag:s0] =	ssyncadd.tile.s32 @!p0 $0x1;
	_ =	shalt  }
.Lfunc_end2:
_tile_overlayer_lowered:
.L_overlay_start_2:
0x3a9: {  	(tag) =	ssettag $0x2  }
0x3aa: {  	s0 =	rddreg [dreg:$0x0];
	s2 =	stileid.u32  }
0x3ab: {  	s1 =	rddreg [dreg:$0x1];
	p0 =	sne.s32 s2, $0x0  }
0x3ac: {  	s3 =	rddreg [dreg:$0x2];
	[bflag:$0x3] =	sbarrier.arrive $0xFFFF;
	s2 =	simm.s32 @!p0 $0x1C0B  }
0x3ad: {  	[timem:s3], [sflag:s2] =	dma.local @!p0 [hbm:s0], s1  }
0x3ae: {  	s0 =	simm.s32 @!p0 $0xB  }
0x3af: {  	_ =	swait.ge @!p0 [sflag:s0], s1  }
0x3b0: {  	s1 =	ssub.s32 @!p0 $0x0, s1;
	[sflag:s0] =	ssyncset.done @!p0 $0x0  }
0x3b1: {  	[sflag:s0] =	ssyncadd.s32 @!p0 s1  }
0x3b2: {  	[bflag:$0x3] =	sbarrier.arrive $0xFFFF  }
0x3b3: {  	_ =	shalt  }

</sc_bundles>
